<compile_context>
chip_gen: v7x
topology: tpu7x:2x2x1
jax: 0.10.2.dev20260603
libtpu: 0.0.44.dev20260713+nightly
codegen_flags: <defaults>
</compile_context>

<pallas_src>
import functools

import jax
import jax.numpy as jnp
from jax import lax
from jax.experimental import pallas as pl
from jax.experimental.pallas import tpu as pltpu
from jax.experimental.pallas import tpu_sc as plsc

NC = 2
NS = 16
NW = NC * NS
L = 16

CHUNK = 64
NBUF = 4
NIB = 8


CH_H = 128


def _hist_body(nh, rem_h, dpad, e3_hbm, degp_hbm, idx_v, idt_v, ones_v, zb_v,
               acc_sh):
    c = lax.axis_index("c")
    s = lax.axis_index("s")
    gid = c * NS + s
    seg = dpad // NS
    for i in range(CH_H // L):
        ones_v[pl.ds(i * L, L)] = jnp.ones((L,), jnp.float32)
    for i in range(seg // L):
        zb_v[pl.ds(i * L, L)] = jnp.zeros((L,), jnp.float32)
    pltpu.sync_copy(zb_v, acc_sh.at[pl.ds(s * seg, seg)])
    pltpu.sync_copy(e3_hbm.at[1, pl.ds(gid * nh, nh)], idx_v)

    @pl.when(gid < rem_h)
    def _():
        pltpu.sync_copy(e3_hbm.at[1, NW * nh + gid], idt_v)

    plsc.subcore_barrier()

    def step(j, carry):
        pltpu.sync_copy(ones_v, acc_sh.at[idx_v.at[j, 0]], add=True)
        return carry

    lax.fori_loop(0, nh, step, 0)

    @pl.when(gid < rem_h)
    def _():
        pltpu.sync_copy(ones_v, acc_sh.at[idt_v.at[0]], add=True)

    plsc.subcore_barrier()
    pltpu.sync_copy(acc_sh.at[pl.ds(s * seg, seg)],
                    degp_hbm.at[c, 0, pl.ds(s * seg, seg)])


def kernel(V, E, X, W, b):
    n, d = X.shape
    e_n = E.shape[1]

    assert e_n % CHUNK == 0 and e_n % CH_H == 0
    ncht = e_n // CHUNK
    nch = ncht // NW
    rem = ncht - nch * NW
    main = (nch // NIB) * NIB
    ntail = nch - main
    dpad = -(-n // (NS * CH_H)) * (NS * CH_H)
    apad = -(-n // (NS * 8)) * (NS * 8)

    e4 = E.reshape(2, ncht, 1, CHUNK)
    ncht_h = e_n // CH_H
    nh = ncht_h // NW
    rem_h = ncht_h - nh * NW
    e3 = E.reshape(2, ncht_h, 1, CH_H)

    mesh = plsc.VectorSubcoreMesh(core_axis_name="c", subcore_axis_name="s")
    hist = pl.kernel(
        functools.partial(_hist_body, nh, rem_h, dpad),
        out_type=jax.ShapeDtypeStruct((NC, 1, dpad), jnp.float32),
        mesh=mesh,
        scratch_types=[
            pltpu.VMEM((nh, 1, CH_H), jnp.int32),
            pltpu.VMEM((1, CH_H), jnp.int32),
            pltpu.VMEM((CH_H,), jnp.float32),
            pltpu.VMEM((dpad // NS,), jnp.float32),
            pltpu.VMEM_SHARED((dpad,), jnp.float32),
        ],
    )
    degp = hist(e3)

    def _inv_body(degp_ref, inv_ref):
        dsum = degp_ref[0, 0:1, :] + degp_ref[1, 0:1, :]
        inv_ref[...] = lax.rsqrt(jnp.maximum(dsum, 1.0))

    inv_row = pl.pallas_call(
        _inv_body,
        out_shape=jax.ShapeDtypeStruct((1, dpad), jnp.float32),
    )(degp)
    inv_col = inv_row.reshape(dpad, 1)[:n]

    rb = 1000
    grid = n // rb

    def _mm_body(x_ref, w_ref, y_ref):
        y_ref[...] = jnp.dot(x_ref[...], w_ref[...],
                             preferred_element_type=jnp.float32)

    y = pl.pallas_call(
        _mm_body,
        grid=(grid,),
        in_specs=[
            pl.BlockSpec((rb, d), lambda i: (i, 0)),
            pl.BlockSpec((d, d), lambda i: (0, 0)),
        ],
        out_specs=pl.BlockSpec((rb, d), lambda i: (i, 0)),
        out_shape=jax.ShapeDtypeStruct((n, d), jnp.float32),
    )(X, W)

    def _scale_body(y_ref, inv_ref, ys_ref):
        ys_ref[...] = y_ref[...] * inv_ref[...]

    ys = pl.pallas_call(
        _scale_body,
        out_shape=jax.ShapeDtypeStruct((n, d), jnp.float32),
    )(y, inv_col)

    def _agg(ys_hbm, e4_hbm, accp_hbm, iv, rows, acc_sh, isem, gsem, ssem):
        c = lax.axis_index("c")
        s = lax.axis_index("s")
        gid = c * NS + s
        z16 = jnp.zeros((L,), jnp.float32)
        r0 = rows[0]

        def zrow(r, carry):
            for cc in range(d // L):
                r0[r, pl.ds(cc * L, L)] = z16
            return carry

        lax.fori_loop(0, CHUNK, zrow, 0)

        zseg = apad // NS
        off = 0
        while off < zseg:
            sz = min(CHUNK, zseg - off)
            pltpu.sync_copy(r0.at[pl.ds(0, sz)],
                            acc_sh.at[pl.ds(s * zseg + off, sz)])
            off += sz

        def idx_start(jc, k):
            m = gid + jc * NW
            pltpu.async_copy(e4_hbm.at[0, m], iv[k].at[pl.ds(0, 1)], isem[k])
            pltpu.async_copy(e4_hbm.at[1, m], iv[k].at[pl.ds(1, 1)], isem[k])

        def idx_wait(k):
            pltpu.make_async_copy(e4_hbm.at[0, 0], iv[k].at[pl.ds(0, 1)],
                                  isem[k]).wait()
            pltpu.make_async_copy(e4_hbm.at[0, 0], iv[k].at[pl.ds(1, 1)],
                                  isem[k]).wait()

        def g_start(k, b):
            pltpu.async_copy(ys_hbm.at[iv[k].at[0]], rows[b], gsem[b])

        def g_wait(b):
            pltpu.make_async_copy(ys_hbm.at[iv[0].at[0]], rows[b],
                                  gsem[b]).wait()

        def s_start(k, b):
            pltpu.async_copy(rows[b], acc_sh.at[iv[k].at[1]], ssem[b],
                             add=True)

        def s_wait(b):
            pltpu.make_async_copy(rows[b], acc_sh.at[iv[0].at[1]],
                                  ssem[b]).wait()

        for k in range(NBUF):
            idx_start(k, k)
        for k in range(2):
            idx_wait(k)
            g_start(k, k)
        plsc.subcore_barrier()

        def step(jj, carry):
            j = jj * NIB
            for b8 in range(NIB):
                jc = j + b8
                b = b8 % NBUF
                g_wait(b)
                s_start(b8, b)

                @pl.when(jc + NBUF < main)
                def _():
                    idx_start(jc + NBUF, (b8 + NBUF) % NIB)

                @pl.when(jc + 2 < main)
                def _():
                    @pl.when(jc >= 2)
                    def _():
                        s_wait((b8 + 2) % NBUF)
                    idx_wait((b8 + 2) % NIB)
                    g_start((b8 + 2) % NIB, (b8 + 2) % NBUF)

            return carry

        lax.fori_loop(0, main // NIB, step, 0)

        for t in range(ntail):
            idx_start(main + t, t)
        for t in range(ntail):
            idx_wait(t)
            s_wait(t % NBUF)
            g_start(t, t % NBUF)

        @pl.when(gid < rem)
        def _():
            idx_start(main + ntail, ntail)

        for t in range(ntail):
            g_wait(t % NBUF)
            s_start(t, t % NBUF)

        @pl.when(gid < rem)
        def _():
            idx_wait(ntail)
            s_wait(0)
            g_start(ntail, 0)
            g_wait(0)
            s_start(ntail, 0)

        for b in range(NBUF):
            s_wait(b)
        plsc.subcore_barrier()

        wseg = apad // NS
        pltpu.sync_copy(acc_sh.at[pl.ds(s * wseg, wseg)],
                        accp_hbm.at[c, pl.ds(s * wseg, wseg)])

    agg = pl.kernel(
        _agg,
        out_type=jax.ShapeDtypeStruct((NC, apad, d), jnp.float32),
        mesh=mesh,
        scratch_types=[
            [pltpu.VMEM((2, CHUNK), jnp.int32) for _ in range(NIB)],
            [pltpu.VMEM((CHUNK, d), jnp.float32) for _ in range(NBUF)],
            pltpu.VMEM_SHARED((apad, d), jnp.float32),
            [pltpu.SemaphoreType.DMA for _ in range(NIB)],
            [pltpu.SemaphoreType.DMA for _ in range(NBUF)],
            [pltpu.SemaphoreType.DMA for _ in range(NBUF)],
        ],
    )
    accp = agg(ys, e4)

    def _fin_body(accp_ref, inv_ref, b_ref, out_ref):
        a = accp_ref[0] + accp_ref[1]
        out_ref[...] = a[:out_ref.shape[0]] * inv_ref[...] + b_ref[...]

    out = pl.pallas_call(
        _fin_body,
        out_shape=jax.ShapeDtypeStruct((n, d), jnp.float32),
    )(accp, inv_col, b.reshape(1, d))
    return out

# --- scband reference (transcript-rebuilt; emitter-appended) ---
"""Pipeline reference for scband-cat-gnn-gcn-2-forwards-5214090297729 (READ-ONLY COPY).

The authoritative reference and input builder live on the scoring server;
editing this copy changes nothing except your own understanding.
"""

import jax, jax.numpy as jnp
import numpy as np

N_NODES = 10000
N_EDGES = 320000
D_IN = 128
D_OUT = 128


def setup_inputs(seed: int = 0) -> dict:
    key = jax.random.key(seed)
    k1, k2, k3, k4 = jax.random.split(key, 4)
    V = jnp.arange(N_NODES, dtype=jnp.int64) if jax.config.jax_enable_x64 else jnp.arange(N_NODES, dtype=jnp.int32)
    E = jax.random.randint(k1, (2, N_EDGES), 0, N_NODES, dtype=jnp.int32)
    X = jax.random.normal(k2, (N_NODES, D_IN), dtype=jnp.float32)
    # learned parameters of the GCN layer (nn.Linear(input_dim, output_dim))
    W = jax.random.normal(k3, (D_IN, D_OUT), dtype=jnp.float32) * (1.0 / np.sqrt(D_IN))
    b = jax.random.normal(k4, (D_OUT,), dtype=jnp.float32) * 0.01
    return {"V": V, "E": E, "X": X, "W": W, "b": b}


def reference(V, E, X, W, b):
    # GCN message passing layer (MPNN formulation):
    #  1) symmetric degree normalization 1/sqrt(deg_src * deg_dst)
    #  2) gather source features, scale by norm (messages)
    #  3) scatter-add messages into destination nodes (aggregate)
    #  4) linear update
    N = X.shape[0]
    src = E[0]
    dst = E[1]
    ones = jnp.ones((E.shape[1],), dtype=X.dtype)
    deg = jax.ops.segment_sum(ones, dst, num_segments=N)
    deg = jnp.clip(deg, 1.0, None)
    inv_sqrt_deg = jax.lax.rsqrt(deg)
    norm = inv_sqrt_deg[src] * inv_sqrt_deg[dst]
    msg = X[src] * norm[:, None]
    agg = jax.ops.segment_sum(msg, dst, num_segments=N)
    out = agg @ W + b
    return out

if __name__ == "__main__":
    import jax
    _d = setup_inputs()
    print(jax.jit(kernel)(*tuple(_d.values())))

</pallas_src>

<mosaic_0001>
#map = affine_map<(d0, d1) -> (0, 0)>
#map1 = affine_map<(d0, d1) -> (0, 0, 0, 0)>
#map2 = affine_map<(d0, d1) -> (0, 0, 0)>
module attributes {stable_mosaic.version = 14 : i64} {
  func.func @_agg(%arg0: i32, %arg1: i32, %arg2: memref<10000x128xf32, #tpu.memory_space<hbm>>, %arg3: memref<2x5000x1x64xi32, #tpu.memory_space<hbm>>, %arg4: memref<2x10112x128xf32, #tpu.memory_space<hbm>>, %arg5: memref<2x64xi32, #tpu.memory_space<vmem>>, %arg6: memref<2x64xi32, #tpu.memory_space<vmem>>, %arg7: memref<2x64xi32, #tpu.memory_space<vmem>>, %arg8: memref<2x64xi32, #tpu.memory_space<vmem>>, %arg9: memref<2x64xi32, #tpu.memory_space<vmem>>, %arg10: memref<2x64xi32, #tpu.memory_space<vmem>>, %arg11: memref<2x64xi32, #tpu.memory_space<vmem>>, %arg12: memref<2x64xi32, #tpu.memory_space<vmem>>, %arg13: memref<64x128xf32, #tpu.memory_space<vmem>>, %arg14: memref<64x128xf32, #tpu.memory_space<vmem>>, %arg15: memref<64x128xf32, #tpu.memory_space<vmem>>, %arg16: memref<64x128xf32, #tpu.memory_space<vmem>>, %arg17: memref<10112x128xf32, #tpu.memory_space<vmem_shared>>, %arg18: memref<!tpu.dma_semaphore, #tpu.memory_space<semaphore_mem>>, %arg19: memref<!tpu.dma_semaphore, #tpu.memory_space<semaphore_mem>>, %arg20: memref<!tpu.dma_semaphore, #tpu.memory_space<semaphore_mem>>, %arg21: memref<!tpu.dma_semaphore, #tpu.memory_space<semaphore_mem>>, %arg22: memref<!tpu.dma_semaphore, #tpu.memory_space<semaphore_mem>>, %arg23: memref<!tpu.dma_semaphore, #tpu.memory_space<semaphore_mem>>, %arg24: memref<!tpu.dma_semaphore, #tpu.memory_space<semaphore_mem>>, %arg25: memref<!tpu.dma_semaphore, #tpu.memory_space<semaphore_mem>>, %arg26: memref<!tpu.dma_semaphore, #tpu.memory_space<semaphore_mem>>, %arg27: memref<!tpu.dma_semaphore, #tpu.memory_space<semaphore_mem>>, %arg28: memref<!tpu.dma_semaphore, #tpu.memory_space<semaphore_mem>>, %arg29: memref<!tpu.dma_semaphore, #tpu.memory_space<semaphore_mem>>, %arg30: memref<!tpu.dma_semaphore, #tpu.memory_space<semaphore_mem>>, %arg31: memref<!tpu.dma_semaphore, #tpu.memory_space<semaphore_mem>>, %arg32: memref<!tpu.dma_semaphore, #tpu.memory_space<semaphore_mem>>, %arg33: memref<!tpu.dma_semaphore, #tpu.memory_space<semaphore_mem>>) attributes {dimension_semantics = [#tpu.dimension_semantics<core_parallel>, #tpu.dimension_semantics<subcore_parallel>], iteration_bounds = array<i64: 2, 16>, scalar_prefetch = 0 : i64, scratch_operands = 29 : i64, tpu.core_type = #tpu.core_type<sc_vector_subcore>, window_params = [{transform_indices = #map}, {transform_indices = #map1}, {transform_indices = #map2}]} {
    %mul3A = arith.constant 16 : i32
    %mul3A_0 = arith.muli %arg0, %mul3A : i32
    %add3A = arith.addi %mul3A_0, %arg1 : i32
    %broadcast_in_dim3A = arith.constant 0.000000e+00 : f32
    %broadcast_in_dim3A_1 = vector.broadcast %broadcast_in_dim3A : f32 to vector<16xf32>
    %scan3A = arith.constant 0 : i32
    %scan3A_2 = arith.constant 0 : i32
    %scan3A_3 = arith.constant 64 : i32
    %scan3A_4 = arith.addi %scan3A_2, %scan3A_3 : i32
    %scan3A_5 = arith.constant 1 : i32
    scf.for %scan3A_665 = %scan3A_2 to %scan3A_4 step %scan3A_5  : i32 {
      %swap3A = arith.index_cast %scan3A_665 : i32 to index
      %swap3A_666 = arith.constant 0 : index
      %swap3A_667 = tpu.vector_load %arg13[%swap3A, %swap3A_666] {strides = array<i32>} : memref<64x128xf32, #tpu.memory_space<vmem>>, vector<1x16xf32>,
      %swap3A_668 = vector.shape_cast %swap3A_667 : vector<1x16xf32> to vector<16xf32>
      %swap3A_669 = vector.shape_cast %broadcast_in_dim3A_1 : vector<16xf32> to vector<1x16xf32>
      tpu.vector_store %arg13[%swap3A, %swap3A_666], %swap3A_669 {strides = array<i32>} : memref<64x128xf32, #tpu.memory_space<vmem>>, vector<1x16xf32>,
      %swap3A_670 = arith.index_cast %scan3A_665 : i32 to index
      %swap3A_671 = arith.constant 16 : index
      %swap3A_672 = tpu.vector_load %arg13[%swap3A_670, %swap3A_671] {strides = array<i32>} : memref<64x128xf32, #tpu.memory_space<vmem>>, vector<1x16xf32>,
      %swap3A_673 = vector.shape_cast %swap3A_672 : vector<1x16xf32> to vector<16xf32>
      %swap3A_674 = vector.shape_cast %broadcast_in_dim3A_1 : vector<16xf32> to vector<1x16xf32>
      tpu.vector_store %arg13[%swap3A_670, %swap3A_671], %swap3A_674 {strides = array<i32>} : memref<64x128xf32, #tpu.memory_space<vmem>>, vector<1x16xf32>,
      %swap3A_675 = arith.index_cast %scan3A_665 : i32 to index
      %swap3A_676 = arith.constant 32 : index
      %swap3A_677 = tpu.vector_load %arg13[%swap3A_675, %swap3A_676] {strides = array<i32>} : memref<64x128xf32, #tpu.memory_space<vmem>>, vector<1x16xf32>,
      %swap3A_678 = vector.shape_cast %swap3A_677 : vector<1x16xf32> to vector<16xf32>
      %swap3A_679 = vector.shape_cast %broadcast_in_dim3A_1 : vector<16xf32> to vector<1x16xf32>
      tpu.vector_store %arg13[%swap3A_675, %swap3A_676], %swap3A_679 {strides = array<i32>} : memref<64x128xf32, #tpu.memory_space<vmem>>, vector<1x16xf32>,
      %swap3A_680 = arith.index_cast %scan3A_665 : i32 to index
      %swap3A_681 = arith.constant 48 : index
      %swap3A_682 = tpu.vector_load %arg13[%swap3A_680, %swap3A_681] {strides = array<i32>} : memref<64x128xf32, #tpu.memory_space<vmem>>, vector<1x16xf32>,
      %swap3A_683 = vector.shape_cast %swap3A_682 : vector<1x16xf32> to vector<16xf32>
      %swap3A_684 = vector.shape_cast %broadcast_in_dim3A_1 : vector<16xf32> to vector<1x16xf32>
      tpu.vector_store %arg13[%swap3A_680, %swap3A_681], %swap3A_684 {strides = array<i32>} : memref<64x128xf32, #tpu.memory_space<vmem>>, vector<1x16xf32>,
      %swap3A_685 = arith.index_cast %scan3A_665 : i32 to index
      %swap3A_686 = arith.constant 64 : index
      %swap3A_687 = tpu.vector_load %arg13[%swap3A_685, %swap3A_686] {strides = array<i32>} : memref<64x128xf32, #tpu.memory_space<vmem>>, vector<1x16xf32>,
      %swap3A_688 = vector.shape_cast %swap3A_687 : vector<1x16xf32> to vector<16xf32>
      %swap3A_689 = vector.shape_cast %broadcast_in_dim3A_1 : vector<16xf32> to vector<1x16xf32>
      tpu.vector_store %arg13[%swap3A_685, %swap3A_686], %swap3A_689 {strides = array<i32>} : memref<64x128xf32, #tpu.memory_space<vmem>>, vector<1x16xf32>,
      %swap3A_690 = arith.index_cast %scan3A_665 : i32 to index
      %swap3A_691 = arith.constant 80 : index
      %swap3A_692 = tpu.vector_load %arg13[%swap3A_690, %swap3A_691] {strides = array<i32>} : memref<64x128xf32, #tpu.memory_space<vmem>>, vector<1x16xf32>,
      %swap3A_693 = vector.shape_cast %swap3A_692 : vector<1x16xf32> to vector<16xf32>
      %swap3A_694 = vector.shape_cast %broadcast_in_dim3A_1 : vector<16xf32> to vector<1x16xf32>
      tpu.vector_store %arg13[%swap3A_690, %swap3A_691], %swap3A_694 {strides = array<i32>} : memref<64x128xf32, #tpu.memory_space<vmem>>, vector<1x16xf32>,
      %swap3A_695 = arith.index_cast %scan3A_665 : i32 to index
      %swap3A_696 = arith.constant 96 : index
      %swap3A_697 = tpu.vector_load %arg13[%swap3A_695, %swap3A_696] {strides = array<i32>} : memref<64x128xf32, #tpu.memory_space<vmem>>, vector<1x16xf32>,
      %swap3A_698 = vector.shape_cast %swap3A_697 : vector<1x16xf32> to vector<16xf32>
      %swap3A_699 = vector.shape_cast %broadcast_in_dim3A_1 : vector<16xf32> to vector<1x16xf32>
      tpu.vector_store %arg13[%swap3A_695, %swap3A_696], %swap3A_699 {strides = array<i32>} : memref<64x128xf32, #tpu.memory_space<vmem>>, vector<1x16xf32>,
      %swap3A_700 = arith.index_cast %scan3A_665 : i32 to index
      %swap3A_701 = arith.constant 112 : index
      %swap3A_702 = tpu.vector_load %arg13[%swap3A_700, %swap3A_701] {strides = array<i32>} : memref<64x128xf32, #tpu.memory_space<vmem>>, vector<1x16xf32>,
      %swap3A_703 = vector.shape_cast %swap3A_702 : vector<1x16xf32> to vector<16xf32>
      %swap3A_704 = vector.shape_cast %broadcast_in_dim3A_1 : vector<16xf32> to vector<1x16xf32>
      tpu.vector_store %arg13[%swap3A_700, %swap3A_701], %swap3A_704 {strides = array<i32>} : memref<64x128xf32, #tpu.memory_space<vmem>>, vector<1x16xf32>,
    }
    %scan3A_6 = arith.constant 64 : i32
    %mul3A_7 = arith.constant 632 : i32
    %mul3A_8 = arith.muli %arg1, %mul3A_7 : i32
    %add3A_9 = arith.constant 0 : i32
    %add3A_10 = arith.addi %mul3A_8, %add3A_9 : i32
    "tpu.region"() ({
      %run_scoped3A = tpu.sem_alloc : memref<!tpu.dma_semaphore, #tpu.memory_space<semaphore_mem>>
      %dma_start3A_665 = arith.constant 0 : i32
      %dma_start3A_666 = arith.constant 0 : i32
      %dma_start3A_667 = tpu.memref_slice %arg13[%dma_start3A_665, %dma_start3A_666] : memref<64x128xf32, #tpu.memory_space<vmem>> -> memref<64x128xf32, #tpu.memory_space<vmem>>
      %dma_start3A_668 = arith.constant 0 : i32
      %dma_start3A_669 = tpu.memref_slice %arg17[%add3A_10, %dma_start3A_668] : memref<10112x128xf32, #tpu.memory_space<vmem_shared>> -> memref<64x128xf32, #tpu.memory_space<vmem_shared>>
      %dma_start3A_670 = arith.constant 0 : i32
      %dma_start3A_671 = tpu.memref_slice %arg17[%add3A_10, %dma_start3A_670] : memref<10112x128xf32, #tpu.memory_space<vmem_shared>> -> memref<64x128xf32, #tpu.memory_space<vmem_shared>>
      %dma_start3A_672 = arith.constant 0 : i32
      %dma_start3A_673 = arith.constant 0 : i32
      %dma_start3A_674 = tpu.memref_slice %arg13[%dma_start3A_672, %dma_start3A_673] : memref<64x128xf32, #tpu.memory_space<vmem>> -> memref<64x128xf32, #tpu.memory_space<vmem>>
      tpu.enqueue_dma source(%dma_start3A_674 : memref<64x128xf32, #tpu.memory_space<vmem>>) target(%dma_start3A_671 : memref<64x128xf32, #tpu.memory_space<vmem_shared>>) target_semaphore(%run_scoped3A : memref<!tpu.dma_semaphore, #tpu.memory_space<semaphore_mem>>)
      %dma_wait3A_675 = arith.constant 0 : i32
      %dma_wait3A_676 = arith.constant 0 : i32
      %dma_wait3A_677 = tpu.memref_slice %arg13[%dma_wait3A_675, %dma_wait3A_676] : memref<64x128xf32, #tpu.memory_space<vmem>> -> memref<64x128xf32, #tpu.memory_space<vmem>>
      %dma_wait3A_678 = arith.constant 0 : i32
      %dma_wait3A_679 = tpu.memref_slice %arg17[%add3A_10, %dma_wait3A_678] : memref<10112x128xf32, #tpu.memory_space<vmem_shared>> -> memref<64x128xf32, #tpu.memory_space<vmem_shared>>
      %dma_wait3A_680 = arith.constant 0 : i32
      %dma_wait3A_681 = tpu.memref_slice %arg17[%add3A_10, %dma_wait3A_680] : memref<10112x128xf32, #tpu.memory_space<vmem_shared>> -> memref<64x128xf32, #tpu.memory_space<vmem_shared>>
      %dma_wait3A_682 = arith.constant 0 : i32
      %dma_wait3A_683 = arith.constant 0 : i32
      %dma_wait3A_684 = tpu.memref_slice %arg13[%dma_wait3A_682, %dma_wait3A_683] : memref<64x128xf32, #tpu.memory_space<vmem>> -> memref<64x128xf32, #tpu.memory_space<vmem>>
      tpu.wait_dma2 semaphore(%run_scoped3A : memref<!tpu.dma_semaphore, #tpu.memory_space<semaphore_mem>>) src(%dma_wait3A_684 : memref<64x128xf32, #tpu.memory_space<vmem>>) dst(%dma_wait3A_681 : memref<64x128xf32, #tpu.memory_space<vmem_shared>>)
      tpu.yield
    }) : () -> ()
    %mul3A_11 = arith.constant 632 : i32
    %mul3A_12 = arith.muli %arg1, %mul3A_11 : i32
    %add3A_13 = arith.constant 64 : i32
    %add3A_14 = arith.addi %mul3A_12, %add3A_13 : i32
    "tpu.region"() ({
      %run_scoped3A = tpu.sem_alloc : memref<!tpu.dma_semaphore, #tpu.memory_space<semaphore_mem>>
      %dma_start3A_665 = arith.constant 0 : i32
      %dma_start3A_666 = arith.constant 0 : i32
      %dma_start3A_667 = tpu.memref_slice %arg13[%dma_start3A_665, %dma_start3A_666] : memref<64x128xf32, #tpu.memory_space<vmem>> -> memref<64x128xf32, #tpu.memory_space<vmem>>
      %dma_start3A_668 = arith.constant 0 : i32
      %dma_start3A_669 = tpu.memref_slice %arg17[%add3A_14, %dma_start3A_668] : memref<10112x128xf32, #tpu.memory_space<vmem_shared>> -> memref<64x128xf32, #tpu.memory_space<vmem_shared>>
      %dma_start3A_670 = arith.constant 0 : i32
      %dma_start3A_671 = tpu.memref_slice %arg17[%add3A_14, %dma_start3A_670] : memref<10112x128xf32, #tpu.memory_space<vmem_shared>> -> memref<64x128xf32, #tpu.memory_space<vmem_shared>>
      %dma_start3A_672 = arith.constant 0 : i32
      %dma_start3A_673 = arith.constant 0 : i32
      %dma_start3A_674 = tpu.memref_slice %arg13[%dma_start3A_672, %dma_start3A_673] : memref<64x128xf32, #tpu.memory_space<vmem>> -> memref<64x128xf32, #tpu.memory_space<vmem>>
      tpu.enqueue_dma source(%dma_start3A_674 : memref<64x128xf32, #tpu.memory_space<vmem>>) target(%dma_start3A_671 : memref<64x128xf32, #tpu.memory_space<vmem_shared>>) target_semaphore(%run_scoped3A : memref<!tpu.dma_semaphore, #tpu.memory_space<semaphore_mem>>)
      %dma_wait3A_675 = arith.constant 0 : i32
      %dma_wait3A_676 = arith.constant 0 : i32
      %dma_wait3A_677 = tpu.memref_slice %arg13[%dma_wait3A_675, %dma_wait3A_676] : memref<64x128xf32, #tpu.memory_space<vmem>> -> memref<64x128xf32, #tpu.memory_space<vmem>>
      %dma_wait3A_678 = arith.constant 0 : i32
      %dma_wait3A_679 = tpu.memref_slice %arg17[%add3A_14, %dma_wait3A_678] : memref<10112x128xf32, #tpu.memory_space<vmem_shared>> -> memref<64x128xf32, #tpu.memory_space<vmem_shared>>
      %dma_wait3A_680 = arith.constant 0 : i32
      %dma_wait3A_681 = tpu.memref_slice %arg17[%add3A_14, %dma_wait3A_680] : memref<10112x128xf32, #tpu.memory_space<vmem_shared>> -> memref<64x128xf32, #tpu.memory_space<vmem_shared>>
      %dma_wait3A_682 = arith.constant 0 : i32
      %dma_wait3A_683 = arith.constant 0 : i32
      %dma_wait3A_684 = tpu.memref_slice %arg13[%dma_wait3A_682, %dma_wait3A_683] : memref<64x128xf32, #tpu.memory_space<vmem>> -> memref<64x128xf32, #tpu.memory_space<vmem>>
      tpu.wait_dma2 semaphore(%run_scoped3A : memref<!tpu.dma_semaphore, #tpu.memory_space<semaphore_mem>>) src(%dma_wait3A_684 : memref<64x128xf32, #tpu.memory_space<vmem>>) dst(%dma_wait3A_681 : memref<64x128xf32, #tpu.memory_space<vmem_shared>>)
      tpu.yield
    }) : () -> ()
    %mul3A_15 = arith.constant 632 : i32
    %mul3A_16 = arith.muli %arg1, %mul3A_15 : i32
    %add3A_17 = arith.constant 128 : i32
    %add3A_18 = arith.addi %mul3A_16, %add3A_17 : i32
    "tpu.region"() ({
      %run_scoped3A = tpu.sem_alloc : memref<!tpu.dma_semaphore, #tpu.memory_space<semaphore_mem>>
      %dma_start3A_665 = arith.constant 0 : i32
      %dma_start3A_666 = arith.constant 0 : i32
      %dma_start3A_667 = tpu.memref_slice %arg13[%dma_start3A_665, %dma_start3A_666] : memref<64x128xf32, #tpu.memory_space<vmem>> -> memref<64x128xf32, #tpu.memory_space<vmem>>
      %dma_start3A_668 = arith.constant 0 : i32
      %dma_start3A_669 = tpu.memref_slice %arg17[%add3A_18, %dma_start3A_668] : memref<10112x128xf32, #tpu.memory_space<vmem_shared>> -> memref<64x128xf32, #tpu.memory_space<vmem_shared>>
      %dma_start3A_670 = arith.constant 0 : i32
      %dma_start3A_671 = tpu.memref_slice %arg17[%add3A_18, %dma_start3A_670] : memref<10112x128xf32, #tpu.memory_space<vmem_shared>> -> memref<64x128xf32, #tpu.memory_space<vmem_shared>>
      %dma_start3A_672 = arith.constant 0 : i32
      %dma_start3A_673 = arith.constant 0 : i32
      %dma_start3A_674 = tpu.memref_slice %arg13[%dma_start3A_672, %dma_start3A_673] : memref<64x128xf32, #tpu.memory_space<vmem>> -> memref<64x128xf32, #tpu.memory_space<vmem>>
      tpu.enqueue_dma source(%dma_start3A_674 : memref<64x128xf32, #tpu.memory_space<vmem>>) target(%dma_start3A_671 : memref<64x128xf32, #tpu.memory_space<vmem_shared>>) target_semaphore(%run_scoped3A : memref<!tpu.dma_semaphore, #tpu.memory_space<semaphore_mem>>)
      %dma_wait3A_675 = arith.constant 0 : i32
      %dma_wait3A_676 = arith.constant 0 : i32
      %dma_wait3A_677 = tpu.memref_slice %arg13[%dma_wait3A_675, %dma_wait3A_676] : memref<64x128xf32, #tpu.memory_space<vmem>> -> memref<64x128xf32, #tpu.memory_space<vmem>>
      %dma_wait3A_678 = arith.constant 0 : i32
      %dma_wait3A_679 = tpu.memref_slice %arg17[%add3A_18, %dma_wait3A_678] : memref<10112x128xf32, #tpu.memory_space<vmem_shared>> -> memref<64x128xf32, #tpu.memory_space<vmem_shared>>
      %dma_wait3A_680 = arith.constant 0 : i32
      %dma_wait3A_681 = tpu.memref_slice %arg17[%add3A_18, %dma_wait3A_680] : memref<10112x128xf32, #tpu.memory_space<vmem_shared>> -> memref<64x128xf32, #tpu.memory_space<vmem_shared>>
      %dma_wait3A_682 = arith.constant 0 : i32
      %dma_wait3A_683 = arith.constant 0 : i32
      %dma_wait3A_684 = tpu.memref_slice %arg13[%dma_wait3A_682, %dma_wait3A_683] : memref<64x128xf32, #tpu.memory_space<vmem>> -> memref<64x128xf32, #tpu.memory_space<vmem>>
      tpu.wait_dma2 semaphore(%run_scoped3A : memref<!tpu.dma_semaphore, #tpu.memory_space<semaphore_mem>>) src(%dma_wait3A_684 : memref<64x128xf32, #tpu.memory_space<vmem>>) dst(%dma_wait3A_681 : memref<64x128xf32, #tpu.memory_space<vmem_shared>>)
      tpu.yield
    }) : () -> ()
    %mul3A_19 = arith.constant 632 : i32
    %mul3A_20 = arith.muli %arg1, %mul3A_19 : i32
    %add3A_21 = arith.constant 192 : i32
    %add3A_22 = arith.addi %mul3A_20, %add3A_21 : i32
    "tpu.region"() ({
      %run_scoped3A = tpu.sem_alloc : memref<!tpu.dma_semaphore, #tpu.memory_space<semaphore_mem>>
      %dma_start3A_665 = arith.constant 0 : i32
      %dma_start3A_666 = arith.constant 0 : i32
      %dma_start3A_667 = tpu.memref_slice %arg13[%dma_start3A_665, %dma_start3A_666] : memref<64x128xf32, #tpu.memory_space<vmem>> -> memref<64x128xf32, #tpu.memory_space<vmem>>
      %dma_start3A_668 = arith.constant 0 : i32
      %dma_start3A_669 = tpu.memref_slice %arg17[%add3A_22, %dma_start3A_668] : memref<10112x128xf32, #tpu.memory_space<vmem_shared>> -> memref<64x128xf32, #tpu.memory_space<vmem_shared>>
      %dma_start3A_670 = arith.constant 0 : i32
      %dma_start3A_671 = tpu.memref_slice %arg17[%add3A_22, %dma_start3A_670] : memref<10112x128xf32, #tpu.memory_space<vmem_shared>> -> memref<64x128xf32, #tpu.memory_space<vmem_shared>>
      %dma_start3A_672 = arith.constant 0 : i32
      %dma_start3A_673 = arith.constant 0 : i32
      %dma_start3A_674 = tpu.memref_slice %arg13[%dma_start3A_672, %dma_start3A_673] : memref<64x128xf32, #tpu.memory_space<vmem>> -> memref<64x128xf32, #tpu.memory_space<vmem>>
      tpu.enqueue_dma source(%dma_start3A_674 : memref<64x128xf32, #tpu.memory_space<vmem>>) target(%dma_start3A_671 : memref<64x128xf32, #tpu.memory_space<vmem_shared>>) target_semaphore(%run_scoped3A : memref<!tpu.dma_semaphore, #tpu.memory_space<semaphore_mem>>)
      %dma_wait3A_675 = arith.constant 0 : i32
      %dma_wait3A_676 = arith.constant 0 : i32
      %dma_wait3A_677 = tpu.memref_slice %arg13[%dma_wait3A_675, %dma_wait3A_676] : memref<64x128xf32, #tpu.memory_space<vmem>> -> memref<64x128xf32, #tpu.memory_space<vmem>>
      %dma_wait3A_678 = arith.constant 0 : i32
      %dma_wait3A_679 = tpu.memref_slice %arg17[%add3A_22, %dma_wait3A_678] : memref<10112x128xf32, #tpu.memory_space<vmem_shared>> -> memref<64x128xf32, #tpu.memory_space<vmem_shared>>
      %dma_wait3A_680 = arith.constant 0 : i32
      %dma_wait3A_681 = tpu.memref_slice %arg17[%add3A_22, %dma_wait3A_680] : memref<10112x128xf32, #tpu.memory_space<vmem_shared>> -> memref<64x128xf32, #tpu.memory_space<vmem_shared>>
      %dma_wait3A_682 = arith.constant 0 : i32
      %dma_wait3A_683 = arith.constant 0 : i32
      %dma_wait3A_684 = tpu.memref_slice %arg13[%dma_wait3A_682, %dma_wait3A_683] : memref<64x128xf32, #tpu.memory_space<vmem>> -> memref<64x128xf32, #tpu.memory_space<vmem>>
      tpu.wait_dma2 semaphore(%run_scoped3A : memref<!tpu.dma_semaphore, #tpu.memory_space<semaphore_mem>>) src(%dma_wait3A_684 : memref<64x128xf32, #tpu.memory_space<vmem>>) dst(%dma_wait3A_681 : memref<64x128xf32, #tpu.memory_space<vmem_shared>>)
      tpu.yield
    }) : () -> ()
    %mul3A_23 = arith.constant 632 : i32
    %mul3A_24 = arith.muli %arg1, %mul3A_23 : i32
    %add3A_25 = arith.constant 256 : i32
    %add3A_26 = arith.addi %mul3A_24, %add3A_25 : i32
    "tpu.region"() ({
      %run_scoped3A = tpu.sem_alloc : memref<!tpu.dma_semaphore, #tpu.memory_space<semaphore_mem>>
      %dma_start3A_665 = arith.constant 0 : i32
      %dma_start3A_666 = arith.constant 0 : i32
      %dma_start3A_667 = tpu.memref_slice %arg13[%dma_start3A_665, %dma_start3A_666] : memref<64x128xf32, #tpu.memory_space<vmem>> -> memref<64x128xf32, #tpu.memory_space<vmem>>
      %dma_start3A_668 = arith.constant 0 : i32
      %dma_start3A_669 = tpu.memref_slice %arg17[%add3A_26, %dma_start3A_668] : memref<10112x128xf32, #tpu.memory_space<vmem_shared>> -> memref<64x128xf32, #tpu.memory_space<vmem_shared>>
      %dma_start3A_670 = arith.constant 0 : i32
      %dma_start3A_671 = tpu.memref_slice %arg17[%add3A_26, %dma_start3A_670] : memref<10112x128xf32, #tpu.memory_space<vmem_shared>> -> memref<64x128xf32, #tpu.memory_space<vmem_shared>>
      %dma_start3A_672 = arith.constant 0 : i32
      %dma_start3A_673 = arith.constant 0 : i32
      %dma_start3A_674 = tpu.memref_slice %arg13[%dma_start3A_672, %dma_start3A_673] : memref<64x128xf32, #tpu.memory_space<vmem>> -> memref<64x128xf32, #tpu.memory_space<vmem>>
      tpu.enqueue_dma source(%dma_start3A_674 : memref<64x128xf32, #tpu.memory_space<vmem>>) target(%dma_start3A_671 : memref<64x128xf32, #tpu.memory_space<vmem_shared>>) target_semaphore(%run_scoped3A : memref<!tpu.dma_semaphore, #tpu.memory_space<semaphore_mem>>)
      %dma_wait3A_675 = arith.constant 0 : i32
      %dma_wait3A_676 = arith.constant 0 : i32
      %dma_wait3A_677 = tpu.memref_slice %arg13[%dma_wait3A_675, %dma_wait3A_676] : memref<64x128xf32, #tpu.memory_space<vmem>> -> memref<64x128xf32, #tpu.memory_space<vmem>>
      %dma_wait3A_678 = arith.constant 0 : i32
      %dma_wait3A_679 = tpu.memref_slice %arg17[%add3A_26, %dma_wait3A_678] : memref<10112x128xf32, #tpu.memory_space<vmem_shared>> -> memref<64x128xf32, #tpu.memory_space<vmem_shared>>
      %dma_wait3A_680 = arith.constant 0 : i32
      %dma_wait3A_681 = tpu.memref_slice %arg17[%add3A_26, %dma_wait3A_680] : memref<10112x128xf32, #tpu.memory_space<vmem_shared>> -> memref<64x128xf32, #tpu.memory_space<vmem_shared>>
      %dma_wait3A_682 = arith.constant 0 : i32
      %dma_wait3A_683 = arith.constant 0 : i32
      %dma_wait3A_684 = tpu.memref_slice %arg13[%dma_wait3A_682, %dma_wait3A_683] : memref<64x128xf32, #tpu.memory_space<vmem>> -> memref<64x128xf32, #tpu.memory_space<vmem>>
      tpu.wait_dma2 semaphore(%run_scoped3A : memref<!tpu.dma_semaphore, #tpu.memory_space<semaphore_mem>>) src(%dma_wait3A_684 : memref<64x128xf32, #tpu.memory_space<vmem>>) dst(%dma_wait3A_681 : memref<64x128xf32, #tpu.memory_space<vmem_shared>>)
      tpu.yield
    }) : () -> ()
    %mul3A_27 = arith.constant 632 : i32
    %mul3A_28 = arith.muli %arg1, %mul3A_27 : i32
    %add3A_29 = arith.constant 320 : i32
    %add3A_30 = arith.addi %mul3A_28, %add3A_29 : i32
    "tpu.region"() ({
      %run_scoped3A = tpu.sem_alloc : memref<!tpu.dma_semaphore, #tpu.memory_space<semaphore_mem>>
      %dma_start3A_665 = arith.constant 0 : i32
      %dma_start3A_666 = arith.constant 0 : i32
      %dma_start3A_667 = tpu.memref_slice %arg13[%dma_start3A_665, %dma_start3A_666] : memref<64x128xf32, #tpu.memory_space<vmem>> -> memref<64x128xf32, #tpu.memory_space<vmem>>
      %dma_start3A_668 = arith.constant 0 : i32
      %dma_start3A_669 = tpu.memref_slice %arg17[%add3A_30, %dma_start3A_668] : memref<10112x128xf32, #tpu.memory_space<vmem_shared>> -> memref<64x128xf32, #tpu.memory_space<vmem_shared>>
      %dma_start3A_670 = arith.constant 0 : i32
      %dma_start3A_671 = tpu.memref_slice %arg17[%add3A_30, %dma_start3A_670] : memref<10112x128xf32, #tpu.memory_space<vmem_shared>> -> memref<64x128xf32, #tpu.memory_space<vmem_shared>>
      %dma_start3A_672 = arith.constant 0 : i32
      %dma_start3A_673 = arith.constant 0 : i32
      %dma_start3A_674 = tpu.memref_slice %arg13[%dma_start3A_672, %dma_start3A_673] : memref<64x128xf32, #tpu.memory_space<vmem>> -> memref<64x128xf32, #tpu.memory_space<vmem>>
      tpu.enqueue_dma source(%dma_start3A_674 : memref<64x128xf32, #tpu.memory_space<vmem>>) target(%dma_start3A_671 : memref<64x128xf32, #tpu.memory_space<vmem_shared>>) target_semaphore(%run_scoped3A : memref<!tpu.dma_semaphore, #tpu.memory_space<semaphore_mem>>)
      %dma_wait3A_675 = arith.constant 0 : i32
      %dma_wait3A_676 = arith.constant 0 : i32
      %dma_wait3A_677 = tpu.memref_slice %arg13[%dma_wait3A_675, %dma_wait3A_676] : memref<64x128xf32, #tpu.memory_space<vmem>> -> memref<64x128xf32, #tpu.memory_space<vmem>>
      %dma_wait3A_678 = arith.constant 0 : i32
      %dma_wait3A_679 = tpu.memref_slice %arg17[%add3A_30, %dma_wait3A_678] : memref<10112x128xf32, #tpu.memory_space<vmem_shared>> -> memref<64x128xf32, #tpu.memory_space<vmem_shared>>
      %dma_wait3A_680 = arith.constant 0 : i32
      %dma_wait3A_681 = tpu.memref_slice %arg17[%add3A_30, %dma_wait3A_680] : memref<10112x128xf32, #tpu.memory_space<vmem_shared>> -> memref<64x128xf32, #tpu.memory_space<vmem_shared>>
      %dma_wait3A_682 = arith.constant 0 : i32
      %dma_wait3A_683 = arith.constant 0 : i32
      %dma_wait3A_684 = tpu.memref_slice %arg13[%dma_wait3A_682, %dma_wait3A_683] : memref<64x128xf32, #tpu.memory_space<vmem>> -> memref<64x128xf32, #tpu.memory_space<vmem>>
      tpu.wait_dma2 semaphore(%run_scoped3A : memref<!tpu.dma_semaphore, #tpu.memory_space<semaphore_mem>>) src(%dma_wait3A_684 : memref<64x128xf32, #tpu.memory_space<vmem>>) dst(%dma_wait3A_681 : memref<64x128xf32, #tpu.memory_space<vmem_shared>>)
      tpu.yield
    }) : () -> ()
    %mul3A_31 = arith.constant 632 : i32
    %mul3A_32 = arith.muli %arg1, %mul3A_31 : i32
    %add3A_33 = arith.constant 384 : i32
    %add3A_34 = arith.addi %mul3A_32, %add3A_33 : i32
    "tpu.region"() ({
      %run_scoped3A = tpu.sem_alloc : memref<!tpu.dma_semaphore, #tpu.memory_space<semaphore_mem>>
      %dma_start3A_665 = arith.constant 0 : i32
      %dma_start3A_666 = arith.constant 0 : i32
      %dma_start3A_667 = tpu.memref_slice %arg13[%dma_start3A_665, %dma_start3A_666] : memref<64x128xf32, #tpu.memory_space<vmem>> -> memref<64x128xf32, #tpu.memory_space<vmem>>
      %dma_start3A_668 = arith.constant 0 : i32
      %dma_start3A_669 = tpu.memref_slice %arg17[%add3A_34, %dma_start3A_668] : memref<10112x128xf32, #tpu.memory_space<vmem_shared>> -> memref<64x128xf32, #tpu.memory_space<vmem_shared>>
      %dma_start3A_670 = arith.constant 0 : i32
      %dma_start3A_671 = tpu.memref_slice %arg17[%add3A_34, %dma_start3A_670] : memref<10112x128xf32, #tpu.memory_space<vmem_shared>> -> memref<64x128xf32, #tpu.memory_space<vmem_shared>>
      %dma_start3A_672 = arith.constant 0 : i32
      %dma_start3A_673 = arith.constant 0 : i32
      %dma_start3A_674 = tpu.memref_slice %arg13[%dma_start3A_672, %dma_start3A_673] : memref<64x128xf32, #tpu.memory_space<vmem>> -> memref<64x128xf32, #tpu.memory_space<vmem>>
      tpu.enqueue_dma source(%dma_start3A_674 : memref<64x128xf32, #tpu.memory_space<vmem>>) target(%dma_start3A_671 : memref<64x128xf32, #tpu.memory_space<vmem_shared>>) target_semaphore(%run_scoped3A : memref<!tpu.dma_semaphore, #tpu.memory_space<semaphore_mem>>)
      %dma_wait3A_675 = arith.constant 0 : i32
      %dma_wait3A_676 = arith.constant 0 : i32
      %dma_wait3A_677 = tpu.memref_slice %arg13[%dma_wait3A_675, %dma_wait3A_676] : memref<64x128xf32, #tpu.memory_space<vmem>> -> memref<64x128xf32, #tpu.memory_space<vmem>>
      %dma_wait3A_678 = arith.constant 0 : i32
      %dma_wait3A_679 = tpu.memref_slice %arg17[%add3A_34, %dma_wait3A_678] : memref<10112x128xf32, #tpu.memory_space<vmem_shared>> -> memref<64x128xf32, #tpu.memory_space<vmem_shared>>
      %dma_wait3A_680 = arith.constant 0 : i32
      %dma_wait3A_681 = tpu.memref_slice %arg17[%add3A_34, %dma_wait3A_680] : memref<10112x128xf32, #tpu.memory_space<vmem_shared>> -> memref<64x128xf32, #tpu.memory_space<vmem_shared>>
      %dma_wait3A_682 = arith.constant 0 : i32
      %dma_wait3A_683 = arith.constant 0 : i32
      %dma_wait3A_684 = tpu.memref_slice %arg13[%dma_wait3A_682, %dma_wait3A_683] : memref<64x128xf32, #tpu.memory_space<vmem>> -> memref<64x128xf32, #tpu.memory_space<vmem>>
      tpu.wait_dma2 semaphore(%run_scoped3A : memref<!tpu.dma_semaphore, #tpu.memory_space<semaphore_mem>>) src(%dma_wait3A_684 : memref<64x128xf32, #tpu.memory_space<vmem>>) dst(%dma_wait3A_681 : memref<64x128xf32, #tpu.memory_space<vmem_shared>>)
      tpu.yield
    }) : () -> ()
    %mul3A_35 = arith.constant 632 : i32
    %mul3A_36 = arith.muli %arg1, %mul3A_35 : i32
    %add3A_37 = arith.constant 448 : i32
    %add3A_38 = arith.addi %mul3A_36, %add3A_37 : i32
    "tpu.region"() ({
      %run_scoped3A = tpu.sem_alloc : memref<!tpu.dma_semaphore, #tpu.memory_space<semaphore_mem>>
      %dma_start3A_665 = arith.constant 0 : i32
      %dma_start3A_666 = arith.constant 0 : i32
      %dma_start3A_667 = tpu.memref_slice %arg13[%dma_start3A_665, %dma_start3A_666] : memref<64x128xf32, #tpu.memory_space<vmem>> -> memref<64x128xf32, #tpu.memory_space<vmem>>
      %dma_start3A_668 = arith.constant 0 : i32
      %dma_start3A_669 = tpu.memref_slice %arg17[%add3A_38, %dma_start3A_668] : memref<10112x128xf32, #tpu.memory_space<vmem_shared>> -> memref<64x128xf32, #tpu.memory_space<vmem_shared>>
      %dma_start3A_670 = arith.constant 0 : i32
      %dma_start3A_671 = tpu.memref_slice %arg17[%add3A_38, %dma_start3A_670] : memref<10112x128xf32, #tpu.memory_space<vmem_shared>> -> memref<64x128xf32, #tpu.memory_space<vmem_shared>>
      %dma_start3A_672 = arith.constant 0 : i32
      %dma_start3A_673 = arith.constant 0 : i32
      %dma_start3A_674 = tpu.memref_slice %arg13[%dma_start3A_672, %dma_start3A_673] : memref<64x128xf32, #tpu.memory_space<vmem>> -> memref<64x128xf32, #tpu.memory_space<vmem>>
      tpu.enqueue_dma source(%dma_start3A_674 : memref<64x128xf32, #tpu.memory_space<vmem>>) target(%dma_start3A_671 : memref<64x128xf32, #tpu.memory_space<vmem_shared>>) target_semaphore(%run_scoped3A : memref<!tpu.dma_semaphore, #tpu.memory_space<semaphore_mem>>)
      %dma_wait3A_675 = arith.constant 0 : i32
      %dma_wait3A_676 = arith.constant 0 : i32
      %dma_wait3A_677 = tpu.memref_slice %arg13[%dma_wait3A_675, %dma_wait3A_676] : memref<64x128xf32, #tpu.memory_space<vmem>> -> memref<64x128xf32, #tpu.memory_space<vmem>>
      %dma_wait3A_678 = arith.constant 0 : i32
      %dma_wait3A_679 = tpu.memref_slice %arg17[%add3A_38, %dma_wait3A_678] : memref<10112x128xf32, #tpu.memory_space<vmem_shared>> -> memref<64x128xf32, #tpu.memory_space<vmem_shared>>
      %dma_wait3A_680 = arith.constant 0 : i32
      %dma_wait3A_681 = tpu.memref_slice %arg17[%add3A_38, %dma_wait3A_680] : memref<10112x128xf32, #tpu.memory_space<vmem_shared>> -> memref<64x128xf32, #tpu.memory_space<vmem_shared>>
      %dma_wait3A_682 = arith.constant 0 : i32
      %dma_wait3A_683 = arith.constant 0 : i32
      %dma_wait3A_684 = tpu.memref_slice %arg13[%dma_wait3A_682, %dma_wait3A_683] : memref<64x128xf32, #tpu.memory_space<vmem>> -> memref<64x128xf32, #tpu.memory_space<vmem>>
      tpu.wait_dma2 semaphore(%run_scoped3A : memref<!tpu.dma_semaphore, #tpu.memory_space<semaphore_mem>>) src(%dma_wait3A_684 : memref<64x128xf32, #tpu.memory_space<vmem>>) dst(%dma_wait3A_681 : memref<64x128xf32, #tpu.memory_space<vmem_shared>>)
      tpu.yield
    }) : () -> ()
    %mul3A_39 = arith.constant 632 : i32
    %mul3A_40 = arith.muli %arg1, %mul3A_39 : i32
    %add3A_41 = arith.constant 512 : i32
    %add3A_42 = arith.addi %mul3A_40, %add3A_41 : i32
    "tpu.region"() ({
      %run_scoped3A = tpu.sem_alloc : memref<!tpu.dma_semaphore, #tpu.memory_space<semaphore_mem>>
      %dma_start3A_665 = arith.constant 0 : i32
      %dma_start3A_666 = arith.constant 0 : i32
      %dma_start3A_667 = tpu.memref_slice %arg13[%dma_start3A_665, %dma_start3A_666] : memref<64x128xf32, #tpu.memory_space<vmem>> -> memref<64x128xf32, #tpu.memory_space<vmem>>
      %dma_start3A_668 = arith.constant 0 : i32
      %dma_start3A_669 = tpu.memref_slice %arg17[%add3A_42, %dma_start3A_668] : memref<10112x128xf32, #tpu.memory_space<vmem_shared>> -> memref<64x128xf32, #tpu.memory_space<vmem_shared>>
      %dma_start3A_670 = arith.constant 0 : i32
      %dma_start3A_671 = tpu.memref_slice %arg17[%add3A_42, %dma_start3A_670] : memref<10112x128xf32, #tpu.memory_space<vmem_shared>> -> memref<64x128xf32, #tpu.memory_space<vmem_shared>>
      %dma_start3A_672 = arith.constant 0 : i32
      %dma_start3A_673 = arith.constant 0 : i32
      %dma_start3A_674 = tpu.memref_slice %arg13[%dma_start3A_672, %dma_start3A_673] : memref<64x128xf32, #tpu.memory_space<vmem>> -> memref<64x128xf32, #tpu.memory_space<vmem>>
      tpu.enqueue_dma source(%dma_start3A_674 : memref<64x128xf32, #tpu.memory_space<vmem>>) target(%dma_start3A_671 : memref<64x128xf32, #tpu.memory_space<vmem_shared>>) target_semaphore(%run_scoped3A : memref<!tpu.dma_semaphore, #tpu.memory_space<semaphore_mem>>)
      %dma_wait3A_675 = arith.constant 0 : i32
      %dma_wait3A_676 = arith.constant 0 : i32
      %dma_wait3A_677 = tpu.memref_slice %arg13[%dma_wait3A_675, %dma_wait3A_676] : memref<64x128xf32, #tpu.memory_space<vmem>> -> memref<64x128xf32, #tpu.memory_space<vmem>>
      %dma_wait3A_678 = arith.constant 0 : i32
      %dma_wait3A_679 = tpu.memref_slice %arg17[%add3A_42, %dma_wait3A_678] : memref<10112x128xf32, #tpu.memory_space<vmem_shared>> -> memref<64x128xf32, #tpu.memory_space<vmem_shared>>
      %dma_wait3A_680 = arith.constant 0 : i32
      %dma_wait3A_681 = tpu.memref_slice %arg17[%add3A_42, %dma_wait3A_680] : memref<10112x128xf32, #tpu.memory_space<vmem_shared>> -> memref<64x128xf32, #tpu.memory_space<vmem_shared>>
      %dma_wait3A_682 = arith.constant 0 : i32
      %dma_wait3A_683 = arith.constant 0 : i32
      %dma_wait3A_684 = tpu.memref_slice %arg13[%dma_wait3A_682, %dma_wait3A_683] : memref<64x128xf32, #tpu.memory_space<vmem>> -> memref<64x128xf32, #tpu.memory_space<vmem>>
      tpu.wait_dma2 semaphore(%run_scoped3A : memref<!tpu.dma_semaphore, #tpu.memory_space<semaphore_mem>>) src(%dma_wait3A_684 : memref<64x128xf32, #tpu.memory_space<vmem>>) dst(%dma_wait3A_681 : memref<64x128xf32, #tpu.memory_space<vmem_shared>>)
      tpu.yield
    }) : () -> ()
    %mul3A_43 = arith.constant 632 : i32
    %mul3A_44 = arith.muli %arg1, %mul3A_43 : i32
    %add3A_45 = arith.constant 576 : i32
    %add3A_46 = arith.addi %mul3A_44, %add3A_45 : i32
    "tpu.region"() ({
      %run_scoped3A = tpu.sem_alloc : memref<!tpu.dma_semaphore, #tpu.memory_space<semaphore_mem>>
      %dma_start3A_665 = arith.constant 0 : i32
      %dma_start3A_666 = arith.constant 0 : i32
      %dma_start3A_667 = tpu.memref_slice %arg13[%dma_start3A_665, %dma_start3A_666] : memref<64x128xf32, #tpu.memory_space<vmem>> -> memref<56x128xf32, #tpu.memory_space<vmem>>
      %dma_start3A_668 = arith.constant 0 : i32
      %dma_start3A_669 = tpu.memref_slice %arg17[%add3A_46, %dma_start3A_668] : memref<10112x128xf32, #tpu.memory_space<vmem_shared>> -> memref<56x128xf32, #tpu.memory_space<vmem_shared>>
      %dma_start3A_670 = arith.constant 0 : i32
      %dma_start3A_671 = tpu.memref_slice %arg17[%add3A_46, %dma_start3A_670] : memref<10112x128xf32, #tpu.memory_space<vmem_shared>> -> memref<56x128xf32, #tpu.memory_space<vmem_shared>>
      %dma_start3A_672 = arith.constant 0 : i32
      %dma_start3A_673 = arith.constant 0 : i32
      %dma_start3A_674 = tpu.memref_slice %arg13[%dma_start3A_672, %dma_start3A_673] : memref<64x128xf32, #tpu.memory_space<vmem>> -> memref<56x128xf32, #tpu.memory_space<vmem>>
      tpu.enqueue_dma source(%dma_start3A_674 : memref<56x128xf32, #tpu.memory_space<vmem>>) target(%dma_start3A_671 : memref<56x128xf32, #tpu.memory_space<vmem_shared>>) target_semaphore(%run_scoped3A : memref<!tpu.dma_semaphore, #tpu.memory_space<semaphore_mem>>)
      %dma_wait3A_675 = arith.constant 0 : i32
      %dma_wait3A_676 = arith.constant 0 : i32
      %dma_wait3A_677 = tpu.memref_slice %arg13[%dma_wait3A_675, %dma_wait3A_676] : memref<64x128xf32, #tpu.memory_space<vmem>> -> memref<56x128xf32, #tpu.memory_space<vmem>>
      %dma_wait3A_678 = arith.constant 0 : i32
      %dma_wait3A_679 = tpu.memref_slice %arg17[%add3A_46, %dma_wait3A_678] : memref<10112x128xf32, #tpu.memory_space<vmem_shared>> -> memref<56x128xf32, #tpu.memory_space<vmem_shared>>
      %dma_wait3A_680 = arith.constant 0 : i32
      %dma_wait3A_681 = tpu.memref_slice %arg17[%add3A_46, %dma_wait3A_680] : memref<10112x128xf32, #tpu.memory_space<vmem_shared>> -> memref<56x128xf32, #tpu.memory_space<vmem_shared>>
      %dma_wait3A_682 = arith.constant 0 : i32
      %dma_wait3A_683 = arith.constant 0 : i32
      %dma_wait3A_684 = tpu.memref_slice %arg13[%dma_wait3A_682, %dma_wait3A_683] : memref<64x128xf32, #tpu.memory_space<vmem>> -> memref<56x128xf32, #tpu.memory_space<vmem>>
      tpu.wait_dma2 semaphore(%run_scoped3A : memref<!tpu.dma_semaphore, #tpu.memory_space<semaphore_mem>>) src(%dma_wait3A_684 : memref<56x128xf32, #tpu.memory_space<vmem>>) dst(%dma_wait3A_681 : memref<56x128xf32, #tpu.memory_space<vmem_shared>>)
      tpu.yield
    }) : () -> ()
    %add3A_47 = arith.constant 0 : i32
    %add3A_48 = arith.addi %add3A, %add3A_47 : i32
    %dma_start3A = arith.constant 0 : i32
    %dma_start3A_49 = arith.constant 0 : i32
    %dma_start3A_50 = arith.constant 0 : i32
    %dma_start3A_51 = tpu.memref_slice %arg5[%dma_start3A_49, %dma_start3A_50] : memref<2x64xi32, #tpu.memory_space<vmem>> -> memref<1x64xi32, #tpu.memory_space<vmem>>
    %dma_start3A_52 = arith.constant 0 : i32
    %dma_start3A_53 = arith.constant 0 : i32
    %dma_start3A_54 = tpu.memref_slice %arg3[%dma_start3A, %add3A_48, %dma_start3A_52, %dma_start3A_53] : memref<2x5000x1x64xi32, #tpu.memory_space<hbm>> -> memref<1x1x1x64xi32, #tpu.memory_space<hbm>>
    %dma_start3A_55 = tpu.memref_squeeze %dma_start3A_54 : memref<1x1x1x64xi32, #tpu.memory_space<hbm>> -> memref<1x64xi32, #tpu.memory_space<hbm>>
    %dma_start3A_56 = arith.constant 0 : i32
    %dma_start3A_57 = arith.constant 0 : i32
    %dma_start3A_58 = tpu.memref_slice %arg5[%dma_start3A_56, %dma_start3A_57] : memref<2x64xi32, #tpu.memory_space<vmem>> -> memref<1x64xi32, #tpu.memory_space<vmem>>
    %dma_start3A_59 = arith.constant 0 : i32
    %dma_start3A_60 = arith.constant 0 : i32
    %dma_start3A_61 = tpu.memref_slice %arg3[%dma_start3A, %add3A_48, %dma_start3A_59, %dma_start3A_60] : memref<2x5000x1x64xi32, #tpu.memory_space<hbm>> -> memref<1x1x1x64xi32, #tpu.memory_space<hbm>>
    %dma_start3A_62 = tpu.memref_squeeze %dma_start3A_61 : memref<1x1x1x64xi32, #tpu.memory_space<hbm>> -> memref<1x64xi32, #tpu.memory_space<hbm>>
    tpu.enqueue_dma source(%dma_start3A_62 : memref<1x64xi32, #tpu.memory_space<hbm>>) target(%dma_start3A_58 : memref<1x64xi32, #tpu.memory_space<vmem>>) target_semaphore(%arg18 : memref<!tpu.dma_semaphore, #tpu.memory_space<semaphore_mem>>)
    %dma_start3A_63 = arith.constant 1 : i32
    %dma_start3A_64 = arith.constant 1 : i32
    %dma_start3A_65 = arith.constant 0 : i32
    %dma_start3A_66 = tpu.memref_slice %arg5[%dma_start3A_64, %dma_start3A_65] : memref<2x64xi32, #tpu.memory_space<vmem>> -> memref<1x64xi32, #tpu.memory_space<vmem>>
    %dma_start3A_67 = arith.constant 0 : i32
    %dma_start3A_68 = arith.constant 0 : i32
    %dma_start3A_69 = tpu.memref_slice %arg3[%dma_start3A_63, %add3A_48, %dma_start3A_67, %dma_start3A_68] : memref<2x5000x1x64xi32, #tpu.memory_space<hbm>> -> memref<1x1x1x64xi32, #tpu.memory_space<hbm>>
    %dma_start3A_70 = tpu.memref_squeeze %dma_start3A_69 : memref<1x1x1x64xi32, #tpu.memory_space<hbm>> -> memref<1x64xi32, #tpu.memory_space<hbm>>
    %dma_start3A_71 = arith.constant 1 : i32
    %dma_start3A_72 = arith.constant 0 : i32
    %dma_start3A_73 = tpu.memref_slice %arg5[%dma_start3A_71, %dma_start3A_72] : memref<2x64xi32, #tpu.memory_space<vmem>> -> memref<1x64xi32, #tpu.memory_space<vmem>>
    %dma_start3A_74 = arith.constant 0 : i32
    %dma_start3A_75 = arith.constant 0 : i32
    %dma_start3A_76 = tpu.memref_slice %arg3[%dma_start3A_63, %add3A_48, %dma_start3A_74, %dma_start3A_75] : memref<2x5000x1x64xi32, #tpu.memory_space<hbm>> -> memref<1x1x1x64xi32, #tpu.memory_space<hbm>>
    %dma_start3A_77 = tpu.memref_squeeze %dma_start3A_76 : memref<1x1x1x64xi32, #tpu.memory_space<hbm>> -> memref<1x64xi32, #tpu.memory_space<hbm>>
    tpu.enqueue_dma source(%dma_start3A_77 : memref<1x64xi32, #tpu.memory_space<hbm>>) target(%dma_start3A_73 : memref<1x64xi32, #tpu.memory_space<vmem>>) target_semaphore(%arg18 : memref<!tpu.dma_semaphore, #tpu.memory_space<semaphore_mem>>)
    %add3A_78 = arith.constant 32 : i32
    %add3A_79 = arith.addi %add3A, %add3A_78 : i32
    %dma_start3A_80 = arith.constant 0 : i32
    %dma_start3A_81 = arith.constant 0 : i32
    %dma_start3A_82 = arith.constant 0 : i32
    %dma_start3A_83 = tpu.memref_slice %arg6[%dma_start3A_81, %dma_start3A_82] : memref<2x64xi32, #tpu.memory_space<vmem>> -> memref<1x64xi32, #tpu.memory_space<vmem>>
    %dma_start3A_84 = arith.constant 0 : i32
    %dma_start3A_85 = arith.constant 0 : i32
    %dma_start3A_86 = tpu.memref_slice %arg3[%dma_start3A_80, %add3A_79, %dma_start3A_84, %dma_start3A_85] : memref<2x5000x1x64xi32, #tpu.memory_space<hbm>> -> memref<1x1x1x64xi32, #tpu.memory_space<hbm>>
    %dma_start3A_87 = tpu.memref_squeeze %dma_start3A_86 : memref<1x1x1x64xi32, #tpu.memory_space<hbm>> -> memref<1x64xi32, #tpu.memory_space<hbm>>
    %dma_start3A_88 = arith.constant 0 : i32
    %dma_start3A_89 = arith.constant 0 : i32
    %dma_start3A_90 = tpu.memref_slice %arg6[%dma_start3A_88, %dma_start3A_89] : memref<2x64xi32, #tpu.memory_space<vmem>> -> memref<1x64xi32, #tpu.memory_space<vmem>>
    %dma_start3A_91 = arith.constant 0 : i32
    %dma_start3A_92 = arith.constant 0 : i32
    %dma_start3A_93 = tpu.memref_slice %arg3[%dma_start3A_80, %add3A_79, %dma_start3A_91, %dma_start3A_92] : memref<2x5000x1x64xi32, #tpu.memory_space<hbm>> -> memref<1x1x1x64xi32, #tpu.memory_space<hbm>>
    %dma_start3A_94 = tpu.memref_squeeze %dma_start3A_93 : memref<1x1x1x64xi32, #tpu.memory_space<hbm>> -> memref<1x64xi32, #tpu.memory_space<hbm>>
    tpu.enqueue_dma source(%dma_start3A_94 : memref<1x64xi32, #tpu.memory_space<hbm>>) target(%dma_start3A_90 : memref<1x64xi32, #tpu.memory_space<vmem>>) target_semaphore(%arg19 : memref<!tpu.dma_semaphore, #tpu.memory_space<semaphore_mem>>)
    %dma_start3A_95 = arith.constant 1 : i32
    %dma_start3A_96 = arith.constant 1 : i32
    %dma_start3A_97 = arith.constant 0 : i32
    %dma_start3A_98 = tpu.memref_slice %arg6[%dma_start3A_96, %dma_start3A_97] : memref<2x64xi32, #tpu.memory_space<vmem>> -> memref<1x64xi32, #tpu.memory_space<vmem>>
    %dma_start3A_99 = arith.constant 0 : i32
    %dma_start3A_100 = arith.constant 0 : i32
    %dma_start3A_101 = tpu.memref_slice %arg3[%dma_start3A_95, %add3A_79, %dma_start3A_99, %dma_start3A_100] : memref<2x5000x1x64xi32, #tpu.memory_space<hbm>> -> memref<1x1x1x64xi32, #tpu.memory_space<hbm>>
    %dma_start3A_102 = tpu.memref_squeeze %dma_start3A_101 : memref<1x1x1x64xi32, #tpu.memory_space<hbm>> -> memref<1x64xi32, #tpu.memory_space<hbm>>
    %dma_start3A_103 = arith.constant 1 : i32
    %dma_start3A_104 = arith.constant 0 : i32
    %dma_start3A_105 = tpu.memref_slice %arg6[%dma_start3A_103, %dma_start3A_104] : memref<2x64xi32, #tpu.memory_space<vmem>> -> memref<1x64xi32, #tpu.memory_space<vmem>>
    %dma_start3A_106 = arith.constant 0 : i32
    %dma_start3A_107 = arith.constant 0 : i32
    %dma_start3A_108 = tpu.memref_slice %arg3[%dma_start3A_95, %add3A_79, %dma_start3A_106, %dma_start3A_107] : memref<2x5000x1x64xi32, #tpu.memory_space<hbm>> -> memref<1x1x1x64xi32, #tpu.memory_space<hbm>>
    %dma_start3A_109 = tpu.memref_squeeze %dma_start3A_108 : memref<1x1x1x64xi32, #tpu.memory_space<hbm>> -> memref<1x64xi32, #tpu.memory_space<hbm>>
    tpu.enqueue_dma source(%dma_start3A_109 : memref<1x64xi32, #tpu.memory_space<hbm>>) target(%dma_start3A_105 : memref<1x64xi32, #tpu.memory_space<vmem>>) target_semaphore(%arg19 : memref<!tpu.dma_semaphore, #tpu.memory_space<semaphore_mem>>)
    %add3A_110 = arith.constant 64 : i32
    %add3A_111 = arith.addi %add3A, %add3A_110 : i32
    %dma_start3A_112 = arith.constant 0 : i32
    %dma_start3A_113 = arith.constant 0 : i32
    %dma_start3A_114 = arith.constant 0 : i32
    %dma_start3A_115 = tpu.memref_slice %arg7[%dma_start3A_113, %dma_start3A_114] : memref<2x64xi32, #tpu.memory_space<vmem>> -> memref<1x64xi32, #tpu.memory_space<vmem>>
    %dma_start3A_116 = arith.constant 0 : i32
    %dma_start3A_117 = arith.constant 0 : i32
    %dma_start3A_118 = tpu.memref_slice %arg3[%dma_start3A_112, %add3A_111, %dma_start3A_116, %dma_start3A_117] : memref<2x5000x1x64xi32, #tpu.memory_space<hbm>> -> memref<1x1x1x64xi32, #tpu.memory_space<hbm>>
    %dma_start3A_119 = tpu.memref_squeeze %dma_start3A_118 : memref<1x1x1x64xi32, #tpu.memory_space<hbm>> -> memref<1x64xi32, #tpu.memory_space<hbm>>
    %dma_start3A_120 = arith.constant 0 : i32
    %dma_start3A_121 = arith.constant 0 : i32
    %dma_start3A_122 = tpu.memref_slice %arg7[%dma_start3A_120, %dma_start3A_121] : memref<2x64xi32, #tpu.memory_space<vmem>> -> memref<1x64xi32, #tpu.memory_space<vmem>>
    %dma_start3A_123 = arith.constant 0 : i32
    %dma_start3A_124 = arith.constant 0 : i32
    %dma_start3A_125 = tpu.memref_slice %arg3[%dma_start3A_112, %add3A_111, %dma_start3A_123, %dma_start3A_124] : memref<2x5000x1x64xi32, #tpu.memory_space<hbm>> -> memref<1x1x1x64xi32, #tpu.memory_space<hbm>>
    %dma_start3A_126 = tpu.memref_squeeze %dma_start3A_125 : memref<1x1x1x64xi32, #tpu.memory_space<hbm>> -> memref<1x64xi32, #tpu.memory_space<hbm>>
    tpu.enqueue_dma source(%dma_start3A_126 : memref<1x64xi32, #tpu.memory_space<hbm>>) target(%dma_start3A_122 : memref<1x64xi32, #tpu.memory_space<vmem>>) target_semaphore(%arg20 : memref<!tpu.dma_semaphore, #tpu.memory_space<semaphore_mem>>)
    %dma_start3A_127 = arith.constant 1 : i32
    %dma_start3A_128 = arith.constant 1 : i32
    %dma_start3A_129 = arith.constant 0 : i32
    %dma_start3A_130 = tpu.memref_slice %arg7[%dma_start3A_128, %dma_start3A_129] : memref<2x64xi32, #tpu.memory_space<vmem>> -> memref<1x64xi32, #tpu.memory_space<vmem>>
    %dma_start3A_131 = arith.constant 0 : i32
    %dma_start3A_132 = arith.constant 0 : i32
    %dma_start3A_133 = tpu.memref_slice %arg3[%dma_start3A_127, %add3A_111, %dma_start3A_131, %dma_start3A_132] : memref<2x5000x1x64xi32, #tpu.memory_space<hbm>> -> memref<1x1x1x64xi32, #tpu.memory_space<hbm>>
    %dma_start3A_134 = tpu.memref_squeeze %dma_start3A_133 : memref<1x1x1x64xi32, #tpu.memory_space<hbm>> -> memref<1x64xi32, #tpu.memory_space<hbm>>
    %dma_start3A_135 = arith.constant 1 : i32
    %dma_start3A_136 = arith.constant 0 : i32
    %dma_start3A_137 = tpu.memref_slice %arg7[%dma_start3A_135, %dma_start3A_136] : memref<2x64xi32, #tpu.memory_space<vmem>> -> memref<1x64xi32, #tpu.memory_space<vmem>>
    %dma_start3A_138 = arith.constant 0 : i32
    %dma_start3A_139 = arith.constant 0 : i32
    %dma_start3A_140 = tpu.memref_slice %arg3[%dma_start3A_127, %add3A_111, %dma_start3A_138, %dma_start3A_139] : memref<2x5000x1x64xi32, #tpu.memory_space<hbm>> -> memref<1x1x1x64xi32, #tpu.memory_space<hbm>>
    %dma_start3A_141 = tpu.memref_squeeze %dma_start3A_140 : memref<1x1x1x64xi32, #tpu.memory_space<hbm>> -> memref<1x64xi32, #tpu.memory_space<hbm>>
    tpu.enqueue_dma source(%dma_start3A_141 : memref<1x64xi32, #tpu.memory_space<hbm>>) target(%dma_start3A_137 : memref<1x64xi32, #tpu.memory_space<vmem>>) target_semaphore(%arg20 : memref<!tpu.dma_semaphore, #tpu.memory_space<semaphore_mem>>)
    %add3A_142 = arith.constant 96 : i32
    %add3A_143 = arith.addi %add3A, %add3A_142 : i32
    %dma_start3A_144 = arith.constant 0 : i32
    %dma_start3A_145 = arith.constant 0 : i32
    %dma_start3A_146 = arith.constant 0 : i32
    %dma_start3A_147 = tpu.memref_slice %arg8[%dma_start3A_145, %dma_start3A_146] : memref<2x64xi32, #tpu.memory_space<vmem>> -> memref<1x64xi32, #tpu.memory_space<vmem>>
    %dma_start3A_148 = arith.constant 0 : i32
    %dma_start3A_149 = arith.constant 0 : i32
    %dma_start3A_150 = tpu.memref_slice %arg3[%dma_start3A_144, %add3A_143, %dma_start3A_148, %dma_start3A_149] : memref<2x5000x1x64xi32, #tpu.memory_space<hbm>> -> memref<1x1x1x64xi32, #tpu.memory_space<hbm>>
    %dma_start3A_151 = tpu.memref_squeeze %dma_start3A_150 : memref<1x1x1x64xi32, #tpu.memory_space<hbm>> -> memref<1x64xi32, #tpu.memory_space<hbm>>
    %dma_start3A_152 = arith.constant 0 : i32
    %dma_start3A_153 = arith.constant 0 : i32
    %dma_start3A_154 = tpu.memref_slice %arg8[%dma_start3A_152, %dma_start3A_153] : memref<2x64xi32, #tpu.memory_space<vmem>> -> memref<1x64xi32, #tpu.memory_space<vmem>>
    %dma_start3A_155 = arith.constant 0 : i32
    %dma_start3A_156 = arith.constant 0 : i32
    %dma_start3A_157 = tpu.memref_slice %arg3[%dma_start3A_144, %add3A_143, %dma_start3A_155, %dma_start3A_156] : memref<2x5000x1x64xi32, #tpu.memory_space<hbm>> -> memref<1x1x1x64xi32, #tpu.memory_space<hbm>>
    %dma_start3A_158 = tpu.memref_squeeze %dma_start3A_157 : memref<1x1x1x64xi32, #tpu.memory_space<hbm>> -> memref<1x64xi32, #tpu.memory_space<hbm>>
    tpu.enqueue_dma source(%dma_start3A_158 : memref<1x64xi32, #tpu.memory_space<hbm>>) target(%dma_start3A_154 : memref<1x64xi32, #tpu.memory_space<vmem>>) target_semaphore(%arg21 : memref<!tpu.dma_semaphore, #tpu.memory_space<semaphore_mem>>)
    %dma_start3A_159 = arith.constant 1 : i32
    %dma_start3A_160 = arith.constant 1 : i32
    %dma_start3A_161 = arith.constant 0 : i32
    %dma_start3A_162 = tpu.memref_slice %arg8[%dma_start3A_160, %dma_start3A_161] : memref<2x64xi32, #tpu.memory_space<vmem>> -> memref<1x64xi32, #tpu.memory_space<vmem>>
    %dma_start3A_163 = arith.constant 0 : i32
    %dma_start3A_164 = arith.constant 0 : i32
    %dma_start3A_165 = tpu.memref_slice %arg3[%dma_start3A_159, %add3A_143, %dma_start3A_163, %dma_start3A_164] : memref<2x5000x1x64xi32, #tpu.memory_space<hbm>> -> memref<1x1x1x64xi32, #tpu.memory_space<hbm>>
    %dma_start3A_166 = tpu.memref_squeeze %dma_start3A_165 : memref<1x1x1x64xi32, #tpu.memory_space<hbm>> -> memref<1x64xi32, #tpu.memory_space<hbm>>
    %dma_start3A_167 = arith.constant 1 : i32
    %dma_start3A_168 = arith.constant 0 : i32
    %dma_start3A_169 = tpu.memref_slice %arg8[%dma_start3A_167, %dma_start3A_168] : memref<2x64xi32, #tpu.memory_space<vmem>> -> memref<1x64xi32, #tpu.memory_space<vmem>>
    %dma_start3A_170 = arith.constant 0 : i32
    %dma_start3A_171 = arith.constant 0 : i32
    %dma_start3A_172 = tpu.memref_slice %arg3[%dma_start3A_159, %add3A_143, %dma_start3A_170, %dma_start3A_171] : memref<2x5000x1x64xi32, #tpu.memory_space<hbm>> -> memref<1x1x1x64xi32, #tpu.memory_space<hbm>>
    %dma_start3A_173 = tpu.memref_squeeze %dma_start3A_172 : memref<1x1x1x64xi32, #tpu.memory_space<hbm>> -> memref<1x64xi32, #tpu.memory_space<hbm>>
    tpu.enqueue_dma source(%dma_start3A_173 : memref<1x64xi32, #tpu.memory_space<hbm>>) target(%dma_start3A_169 : memref<1x64xi32, #tpu.memory_space<vmem>>) target_semaphore(%arg21 : memref<!tpu.dma_semaphore, #tpu.memory_space<semaphore_mem>>)
    %dma_wait3A = arith.constant 0 : i32
    %dma_wait3A_174 = arith.constant 0 : i32
    %dma_wait3A_175 = arith.constant 0 : i32
    %dma_wait3A_176 = arith.constant 0 : i32
    %dma_wait3A_177 = tpu.memref_slice %arg5[%dma_wait3A_175, %dma_wait3A_176] : memref<2x64xi32, #tpu.memory_space<vmem>> -> memref<1x64xi32, #tpu.memory_space<vmem>>
    %dma_wait3A_178 = arith.constant 0 : i32
    %dma_wait3A_179 = arith.constant 0 : i32
    %dma_wait3A_180 = tpu.memref_slice %arg3[%dma_wait3A, %dma_wait3A_174, %dma_wait3A_178, %dma_wait3A_179] : memref<2x5000x1x64xi32, #tpu.memory_space<hbm>> -> memref<1x1x1x64xi32, #tpu.memory_space<hbm>>
    %dma_wait3A_181 = tpu.memref_squeeze %dma_wait3A_180 : memref<1x1x1x64xi32, #tpu.memory_space<hbm>> -> memref<1x64xi32, #tpu.memory_space<hbm>>
    %dma_wait3A_182 = arith.constant 0 : i32
    %dma_wait3A_183 = arith.constant 0 : i32
    %dma_wait3A_184 = tpu.memref_slice %arg5[%dma_wait3A_182, %dma_wait3A_183] : memref<2x64xi32, #tpu.memory_space<vmem>> -> memref<1x64xi32, #tpu.memory_space<vmem>>
    %dma_wait3A_185 = arith.constant 0 : i32
    %dma_wait3A_186 = arith.constant 0 : i32
    %dma_wait3A_187 = tpu.memref_slice %arg3[%dma_wait3A, %dma_wait3A_174, %dma_wait3A_185, %dma_wait3A_186] : memref<2x5000x1x64xi32, #tpu.memory_space<hbm>> -> memref<1x1x1x64xi32, #tpu.memory_space<hbm>>
    %dma_wait3A_188 = tpu.memref_squeeze %dma_wait3A_187 : memref<1x1x1x64xi32, #tpu.memory_space<hbm>> -> memref<1x64xi32, #tpu.memory_space<hbm>>
    tpu.wait_dma2 semaphore(%arg18 : memref<!tpu.dma_semaphore, #tpu.memory_space<semaphore_mem>>) src(%dma_wait3A_188 : memref<1x64xi32, #tpu.memory_space<hbm>>) dst(%dma_wait3A_184 : memref<1x64xi32, #tpu.memory_space<vmem>>)
    %dma_wait3A_189 = arith.constant 0 : i32
    %dma_wait3A_190 = arith.constant 0 : i32
    %dma_wait3A_191 = arith.constant 1 : i32
    %dma_wait3A_192 = arith.constant 0 : i32
    %dma_wait3A_193 = tpu.memref_slice %arg5[%dma_wait3A_191, %dma_wait3A_192] : memref<2x64xi32, #tpu.memory_space<vmem>> -> memref<1x64xi32, #tpu.memory_space<vmem>>
    %dma_wait3A_194 = arith.constant 0 : i32
    %dma_wait3A_195 = arith.constant 0 : i32
    %dma_wait3A_196 = tpu.memref_slice %arg3[%dma_wait3A_189, %dma_wait3A_190, %dma_wait3A_194, %dma_wait3A_195] : memref<2x5000x1x64xi32, #tpu.memory_space<hbm>> -> memref<1x1x1x64xi32, #tpu.memory_space<hbm>>
    %dma_wait3A_197 = tpu.memref_squeeze %dma_wait3A_196 : memref<1x1x1x64xi32, #tpu.memory_space<hbm>> -> memref<1x64xi32, #tpu.memory_space<hbm>>
    %dma_wait3A_198 = arith.constant 1 : i32
    %dma_wait3A_199 = arith.constant 0 : i32
    %dma_wait3A_200 = tpu.memref_slice %arg5[%dma_wait3A_198, %dma_wait3A_199] : memref<2x64xi32, #tpu.memory_space<vmem>> -> memref<1x64xi32, #tpu.memory_space<vmem>>
    %dma_wait3A_201 = arith.constant 0 : i32
    %dma_wait3A_202 = arith.constant 0 : i32
    %dma_wait3A_203 = tpu.memref_slice %arg3[%dma_wait3A_189, %dma_wait3A_190, %dma_wait3A_201, %dma_wait3A_202] : memref<2x5000x1x64xi32, #tpu.memory_space<hbm>> -> memref<1x1x1x64xi32, #tpu.memory_space<hbm>>
    %dma_wait3A_204 = tpu.memref_squeeze %dma_wait3A_203 : memref<1x1x1x64xi32, #tpu.memory_space<hbm>> -> memref<1x64xi32, #tpu.memory_space<hbm>>
    tpu.wait_dma2 semaphore(%arg18 : memref<!tpu.dma_semaphore, #tpu.memory_space<semaphore_mem>>) src(%dma_wait3A_204 : memref<1x64xi32, #tpu.memory_space<hbm>>) dst(%dma_wait3A_200 : memref<1x64xi32, #tpu.memory_space<vmem>>)
    %dma_start3A_205 = arith.constant 0 : i32
    %dma_start3A_206 = arith.constant 0 : i32
    %dma_start3A_207 = tpu.memref_slice %arg5[%dma_start3A_205, %dma_start3A_206] : memref<2x64xi32, #tpu.memory_space<vmem>> -> memref<1x64xi32, #tpu.memory_space<vmem>>
    %dma_start3A_208 = tpu.memref_squeeze %dma_start3A_207 : memref<1x64xi32, #tpu.memory_space<vmem>> -> memref<64xi32, #tpu.memory_space<vmem>>
    %dma_start3A_209 = arith.constant 0 : i32
    %dma_start3A_210 = arith.constant 0 : i32
    %dma_start3A_211 = tpu.memref_slice %arg2[%dma_start3A_209, %dma_start3A_210] : memref<10000x128xf32, #tpu.memory_space<hbm>> -> memref<10000x128xf32, #tpu.memory_space<hbm>>
    tpu.enqueue_indirect_dma source(%dma_start3A_211 : memref<10000x128xf32, #tpu.memory_space<hbm>>) target(%arg13 : memref<64x128xf32, #tpu.memory_space<vmem>>) offsets(%dma_start3A_208 : memref<64xi32, #tpu.memory_space<vmem>>) semaphore(%arg26 : memref<!tpu.dma_semaphore, #tpu.memory_space<semaphore_mem>>)
    %dma_wait3A_212 = arith.constant 0 : i32
    %dma_wait3A_213 = arith.constant 0 : i32
    %dma_wait3A_214 = arith.constant 0 : i32
    %dma_wait3A_215 = arith.constant 0 : i32
    %dma_wait3A_216 = tpu.memref_slice %arg6[%dma_wait3A_214, %dma_wait3A_215] : memref<2x64xi32, #tpu.memory_space<vmem>> -> memref<1x64xi32, #tpu.memory_space<vmem>>
    %dma_wait3A_217 = arith.constant 0 : i32
    %dma_wait3A_218 = arith.constant 0 : i32
    %dma_wait3A_219 = tpu.memref_slice %arg3[%dma_wait3A_212, %dma_wait3A_213, %dma_wait3A_217, %dma_wait3A_218] : memref<2x5000x1x64xi32, #tpu.memory_space<hbm>> -> memref<1x1x1x64xi32, #tpu.memory_space<hbm>>
    %dma_wait3A_220 = tpu.memref_squeeze %dma_wait3A_219 : memref<1x1x1x64xi32, #tpu.memory_space<hbm>> -> memref<1x64xi32, #tpu.memory_space<hbm>>
    %dma_wait3A_221 = arith.constant 0 : i32
    %dma_wait3A_222 = arith.constant 0 : i32
    %dma_wait3A_223 = tpu.memref_slice %arg6[%dma_wait3A_221, %dma_wait3A_222] : memref<2x64xi32, #tpu.memory_space<vmem>> -> memref<1x64xi32, #tpu.memory_space<vmem>>
    %dma_wait3A_224 = arith.constant 0 : i32
    %dma_wait3A_225 = arith.constant 0 : i32
    %dma_wait3A_226 = tpu.memref_slice %arg3[%dma_wait3A_212, %dma_wait3A_213, %dma_wait3A_224, %dma_wait3A_225] : memref<2x5000x1x64xi32, #tpu.memory_space<hbm>> -> memref<1x1x1x64xi32, #tpu.memory_space<hbm>>
    %dma_wait3A_227 = tpu.memref_squeeze %dma_wait3A_226 : memref<1x1x1x64xi32, #tpu.memory_space<hbm>> -> memref<1x64xi32, #tpu.memory_space<hbm>>
    tpu.wait_dma2 semaphore(%arg19 : memref<!tpu.dma_semaphore, #tpu.memory_space<semaphore_mem>>) src(%dma_wait3A_227 : memref<1x64xi32, #tpu.memory_space<hbm>>) dst(%dma_wait3A_223 : memref<1x64xi32, #tpu.memory_space<vmem>>)
    %dma_wait3A_228 = arith.constant 0 : i32
    %dma_wait3A_229 = arith.constant 0 : i32
    %dma_wait3A_230 = arith.constant 1 : i32
    %dma_wait3A_231 = arith.constant 0 : i32
    %dma_wait3A_232 = tpu.memref_slice %arg6[%dma_wait3A_230, %dma_wait3A_231] : memref<2x64xi32, #tpu.memory_space<vmem>> -> memref<1x64xi32, #tpu.memory_space<vmem>>
    %dma_wait3A_233 = arith.constant 0 : i32
    %dma_wait3A_234 = arith.constant 0 : i32
    %dma_wait3A_235 = tpu.memref_slice %arg3[%dma_wait3A_228, %dma_wait3A_229, %dma_wait3A_233, %dma_wait3A_234] : memref<2x5000x1x64xi32, #tpu.memory_space<hbm>> -> memref<1x1x1x64xi32, #tpu.memory_space<hbm>>
    %dma_wait3A_236 = tpu.memref_squeeze %dma_wait3A_235 : memref<1x1x1x64xi32, #tpu.memory_space<hbm>> -> memref<1x64xi32, #tpu.memory_space<hbm>>
    %dma_wait3A_237 = arith.constant 1 : i32
    %dma_wait3A_238 = arith.constant 0 : i32
    %dma_wait3A_239 = tpu.memref_slice %arg6[%dma_wait3A_237, %dma_wait3A_238] : memref<2x64xi32, #tpu.memory_space<vmem>> -> memref<1x64xi32, #tpu.memory_space<vmem>>
    %dma_wait3A_240 = arith.constant 0 : i32
    %dma_wait3A_241 = arith.constant 0 : i32
    %dma_wait3A_242 = tpu.memref_slice %arg3[%dma_wait3A_228, %dma_wait3A_229, %dma_wait3A_240, %dma_wait3A_241] : memref<2x5000x1x64xi32, #tpu.memory_space<hbm>> -> memref<1x1x1x64xi32, #tpu.memory_space<hbm>>
    %dma_wait3A_243 = tpu.memref_squeeze %dma_wait3A_242 : memref<1x1x1x64xi32, #tpu.memory_space<hbm>> -> memref<1x64xi32, #tpu.memory_space<hbm>>
    tpu.wait_dma2 semaphore(%arg19 : memref<!tpu.dma_semaphore, #tpu.memory_space<semaphore_mem>>) src(%dma_wait3A_243 : memref<1x64xi32, #tpu.memory_space<hbm>>) dst(%dma_wait3A_239 : memref<1x64xi32, #tpu.memory_space<vmem>>)
    %dma_start3A_244 = arith.constant 0 : i32
    %dma_start3A_245 = arith.constant 0 : i32
    %dma_start3A_246 = tpu.memref_slice %arg6[%dma_start3A_244, %dma_start3A_245] : memref<2x64xi32, #tpu.memory_space<vmem>> -> memref<1x64xi32, #tpu.memory_space<vmem>>
    %dma_start3A_247 = tpu.memref_squeeze %dma_start3A_246 : memref<1x64xi32, #tpu.memory_space<vmem>> -> memref<64xi32, #tpu.memory_space<vmem>>
    %dma_start3A_248 = arith.constant 0 : i32
    %dma_start3A_249 = arith.constant 0 : i32
    %dma_start3A_250 = tpu.memref_slice %arg2[%dma_start3A_248, %dma_start3A_249] : memref<10000x128xf32, #tpu.memory_space<hbm>> -> memref<10000x128xf32, #tpu.memory_space<hbm>>
    tpu.enqueue_indirect_dma source(%dma_start3A_250 : memref<10000x128xf32, #tpu.memory_space<hbm>>) target(%arg14 : memref<64x128xf32, #tpu.memory_space<vmem>>) offsets(%dma_start3A_247 : memref<64xi32, #tpu.memory_space<vmem>>) semaphore(%arg27 : memref<!tpu.dma_semaphore, #tpu.memory_space<semaphore_mem>>)
    %barrier3A = arith.constant 0 : index
    tpu.barrier barrier_id(%barrier3A)
    %scan3A_251 = arith.constant 0 : i32
    %scan3A_252 = arith.constant 0 : i32
    %scan3A_253 = arith.constant 19 : i32
    %scan3A_254 = arith.addi %scan3A_252, %scan3A_253 : i32
    %scan3A_255 = arith.constant 1 : i32
    scf.for %scan3A_665 = %scan3A_252 to %scan3A_254 step %scan3A_255  : i32 {
      %mul3A_666 = arith.constant 8 : i32
      %mul3A_667 = arith.muli %scan3A_665, %mul3A_666 : i32
      %add3A_668 = arith.constant 0 : i32
      %add3A_669 = arith.addi %mul3A_667, %add3A_668 : i32
      %dma_wait3A_670 = arith.constant 0 : i32
      %dma_wait3A_671 = arith.constant 0 : i32
      %dma_wait3A_672 = tpu.memref_slice %arg5[%dma_wait3A_670, %dma_wait3A_671] : memref<2x64xi32, #tpu.memory_space<vmem>> -> memref<1x64xi32, #tpu.memory_space<vmem>>
      %dma_wait3A_673 = tpu.memref_squeeze %dma_wait3A_672 : memref<1x64xi32, #tpu.memory_space<vmem>> -> memref<64xi32, #tpu.memory_space<vmem>>
      %dma_wait3A_674 = arith.constant 0 : i32
      %dma_wait3A_675 = arith.constant 0 : i32
      %dma_wait3A_676 = tpu.memref_slice %arg2[%dma_wait3A_674, %dma_wait3A_675] : memref<10000x128xf32, #tpu.memory_space<hbm>> -> memref<10000x128xf32, #tpu.memory_space<hbm>>
      tpu.wait_indirect_dma semaphore(%arg26 : memref<!tpu.dma_semaphore, #tpu.memory_space<semaphore_mem>>) src(%dma_wait3A_676 : memref<10000x128xf32, #tpu.memory_space<hbm>>) dst(%arg13 : memref<64x128xf32, #tpu.memory_space<vmem>>)
      %dma_start3A_677 = arith.constant 1 : i32
      %dma_start3A_678 = arith.constant 0 : i32
      %dma_start3A_679 = tpu.memref_slice %arg5[%dma_start3A_677, %dma_start3A_678] : memref<2x64xi32, #tpu.memory_space<vmem>> -> memref<1x64xi32, #tpu.memory_space<vmem>>
      %dma_start3A_680 = tpu.memref_squeeze %dma_start3A_679 : memref<1x64xi32, #tpu.memory_space<vmem>> -> memref<64xi32, #tpu.memory_space<vmem>>
      %dma_start3A_681 = arith.constant 0 : i32
      %dma_start3A_682 = arith.constant 0 : i32
      %dma_start3A_683 = tpu.memref_slice %arg17[%dma_start3A_681, %dma_start3A_682] : memref<10112x128xf32, #tpu.memory_space<vmem_shared>> -> memref<10112x128xf32, #tpu.memory_space<vmem_shared>>
      tpu.enqueue_indirect_dma source(%arg13 : memref<64x128xf32, #tpu.memory_space<vmem>>) target(%dma_start3A_683 : memref<10112x128xf32, #tpu.memory_space<vmem_shared>>) offsets(%dma_start3A_680 : memref<64xi32, #tpu.memory_space<vmem>>) semaphore(%arg30 : memref<!tpu.dma_semaphore, #tpu.memory_space<semaphore_mem>>) {add = true}
      %add3A_684 = arith.constant 4 : i32
      %add3A_685 = arith.addi %add3A_669, %add3A_684 : i32
      %lt3A_686 = arith.constant 152 : i32
      %lt3A_687 = arith.cmpi slt, %add3A_685, %lt3A_686 : i32
      %convert_element_type3A_688 = arith.extui %lt3A_687 : i1 to i32
      %cond3A_689 = arith.constant 0 : i32
      %cond3A_690 = arith.cmpi ne, %convert_element_type3A_688, %cond3A_689 : i32
      scf.if %cond3A_690 {
        %add3A_908 = arith.constant 4 : i32
        %add3A_909 = arith.addi %add3A_669, %add3A_908 : i32
        %mul3A_910 = arith.constant 32 : i32
        %mul3A_911 = arith.muli %add3A_909, %mul3A_910 : i32
        %add3A_912 = arith.addi %add3A, %mul3A_911 : i32
        %dma_start3A_913 = arith.constant 0 : i32
        %dma_start3A_914 = arith.constant 0 : i32
        %dma_start3A_915 = arith.constant 0 : i32
        %dma_start3A_916 = tpu.memref_slice %arg9[%dma_start3A_914, %dma_start3A_915] : memref<2x64xi32, #tpu.memory_space<vmem>> -> memref<1x64xi32, #tpu.memory_space<vmem>>
        %dma_start3A_917 = arith.constant 0 : i32
        %dma_start3A_918 = arith.constant 0 : i32
        %dma_start3A_919 = tpu.memref_slice %arg3[%dma_start3A_913, %add3A_912, %dma_start3A_917, %dma_start3A_918] : memref<2x5000x1x64xi32, #tpu.memory_space<hbm>> -> memref<1x1x1x64xi32, #tpu.memory_space<hbm>>
        %dma_start3A_920 = tpu.memref_squeeze %dma_start3A_919 : memref<1x1x1x64xi32, #tpu.memory_space<hbm>> -> memref<1x64xi32, #tpu.memory_space<hbm>>
        %dma_start3A_921 = arith.constant 0 : i32
        %dma_start3A_922 = arith.constant 0 : i32
        %dma_start3A_923 = tpu.memref_slice %arg9[%dma_start3A_921, %dma_start3A_922] : memref<2x64xi32, #tpu.memory_space<vmem>> -> memref<1x64xi32, #tpu.memory_space<vmem>>
        %dma_start3A_924 = arith.constant 0 : i32
        %dma_start3A_925 = arith.constant 0 : i32
        %dma_start3A_926 = tpu.memref_slice %arg3[%dma_start3A_913, %add3A_912, %dma_start3A_924, %dma_start3A_925] : memref<2x5000x1x64xi32, #tpu.memory_space<hbm>> -> memref<1x1x1x64xi32, #tpu.memory_space<hbm>>
        %dma_start3A_927 = tpu.memref_squeeze %dma_start3A_926 : memref<1x1x1x64xi32, #tpu.memory_space<hbm>> -> memref<1x64xi32, #tpu.memory_space<hbm>>
        tpu.enqueue_dma source(%dma_start3A_927 : memref<1x64xi32, #tpu.memory_space<hbm>>) target(%dma_start3A_923 : memref<1x64xi32, #tpu.memory_space<vmem>>) target_semaphore(%arg22 : memref<!tpu.dma_semaphore, #tpu.memory_space<semaphore_mem>>)
        %dma_start3A_928 = arith.constant 1 : i32
        %dma_start3A_929 = arith.constant 1 : i32
        %dma_start3A_930 = arith.constant 0 : i32
        %dma_start3A_931 = tpu.memref_slice %arg9[%dma_start3A_929, %dma_start3A_930] : memref<2x64xi32, #tpu.memory_space<vmem>> -> memref<1x64xi32, #tpu.memory_space<vmem>>
        %dma_start3A_932 = arith.constant 0 : i32
        %dma_start3A_933 = arith.constant 0 : i32
        %dma_start3A_934 = tpu.memref_slice %arg3[%dma_start3A_928, %add3A_912, %dma_start3A_932, %dma_start3A_933] : memref<2x5000x1x64xi32, #tpu.memory_space<hbm>> -> memref<1x1x1x64xi32, #tpu.memory_space<hbm>>
        %dma_start3A_935 = tpu.memref_squeeze %dma_start3A_934 : memref<1x1x1x64xi32, #tpu.memory_space<hbm>> -> memref<1x64xi32, #tpu.memory_space<hbm>>
        %dma_start3A_936 = arith.constant 1 : i32
        %dma_start3A_937 = arith.constant 0 : i32
        %dma_start3A_938 = tpu.memref_slice %arg9[%dma_start3A_936, %dma_start3A_937] : memref<2x64xi32, #tpu.memory_space<vmem>> -> memref<1x64xi32, #tpu.memory_space<vmem>>
        %dma_start3A_939 = arith.constant 0 : i32
        %dma_start3A_940 = arith.constant 0 : i32
        %dma_start3A_941 = tpu.memref_slice %arg3[%dma_start3A_928, %add3A_912, %dma_start3A_939, %dma_start3A_940] : memref<2x5000x1x64xi32, #tpu.memory_space<hbm>> -> memref<1x1x1x64xi32, #tpu.memory_space<hbm>>
        %dma_start3A_942 = tpu.memref_squeeze %dma_start3A_941 : memref<1x1x1x64xi32, #tpu.memory_space<hbm>> -> memref<1x64xi32, #tpu.memory_space<hbm>>
        tpu.enqueue_dma source(%dma_start3A_942 : memref<1x64xi32, #tpu.memory_space<hbm>>) target(%dma_start3A_938 : memref<1x64xi32, #tpu.memory_space<vmem>>) target_semaphore(%arg22 : memref<!tpu.dma_semaphore, #tpu.memory_space<semaphore_mem>>)
      } else {
      }
      %add3A_691 = arith.constant 2 : i32
      %add3A_692 = arith.addi %add3A_669, %add3A_691 : i32
      %lt3A_693 = arith.constant 152 : i32
      %lt3A_694 = arith.cmpi slt, %add3A_692, %lt3A_693 : i32
      %convert_element_type3A_695 = arith.extui %lt3A_694 : i1 to i32
      %cond3A_696 = arith.constant 0 : i32
      %cond3A_697 = arith.cmpi ne, %convert_element_type3A_695, %cond3A_696 : i32
      scf.if %cond3A_697 {
        %ge3A = arith.constant 2 : i32
        %ge3A_908 = arith.cmpi sge, %add3A_669, %ge3A : i32
        %convert_element_type3A_909 = arith.extui %ge3A_908 : i1 to i32
        %cond3A_910 = arith.constant 0 : i32
        %cond3A_911 = arith.cmpi ne, %convert_element_type3A_909, %cond3A_910 : i32
        scf.if %cond3A_911 {
          %dma_wait3A_951 = arith.constant 1 : i32
          %dma_wait3A_952 = arith.constant 0 : i32
          %dma_wait3A_953 = tpu.memref_slice %arg5[%dma_wait3A_951, %dma_wait3A_952] : memref<2x64xi32, #tpu.memory_space<vmem>> -> memref<1x64xi32, #tpu.memory_space<vmem>>
          %dma_wait3A_954 = tpu.memref_squeeze %dma_wait3A_953 : memref<1x64xi32, #tpu.memory_space<vmem>> -> memref<64xi32, #tpu.memory_space<vmem>>
          %dma_wait3A_955 = arith.constant 0 : i32
          %dma_wait3A_956 = arith.constant 0 : i32
          %dma_wait3A_957 = tpu.memref_slice %arg17[%dma_wait3A_955, %dma_wait3A_956] : memref<10112x128xf32, #tpu.memory_space<vmem_shared>> -> memref<10112x128xf32, #tpu.memory_space<vmem_shared>>
          tpu.wait_indirect_dma semaphore(%arg32 : memref<!tpu.dma_semaphore, #tpu.memory_space<semaphore_mem>>) src(%arg15 : memref<64x128xf32, #tpu.memory_space<vmem>>) dst(%dma_wait3A_957 : memref<10112x128xf32, #tpu.memory_space<vmem_shared>>)
        } else {
        }
        %dma_wait3A_912 = arith.constant 0 : i32
        %dma_wait3A_913 = arith.constant 0 : i32
        %dma_wait3A_914 = arith.constant 0 : i32
        %dma_wait3A_915 = arith.constant 0 : i32
        %dma_wait3A_916 = tpu.memref_slice %arg7[%dma_wait3A_914, %dma_wait3A_915] : memref<2x64xi32, #tpu.memory_space<vmem>> -> memref<1x64xi32, #tpu.memory_space<vmem>>
        %dma_wait3A_917 = arith.constant 0 : i32
        %dma_wait3A_918 = arith.constant 0 : i32
        %dma_wait3A_919 = tpu.memref_slice %arg3[%dma_wait3A_912, %dma_wait3A_913, %dma_wait3A_917, %dma_wait3A_918] : memref<2x5000x1x64xi32, #tpu.memory_space<hbm>> -> memref<1x1x1x64xi32, #tpu.memory_space<hbm>>
        %dma_wait3A_920 = tpu.memref_squeeze %dma_wait3A_919 : memref<1x1x1x64xi32, #tpu.memory_space<hbm>> -> memref<1x64xi32, #tpu.memory_space<hbm>>
        %dma_wait3A_921 = arith.constant 0 : i32
        %dma_wait3A_922 = arith.constant 0 : i32
        %dma_wait3A_923 = tpu.memref_slice %arg7[%dma_wait3A_921, %dma_wait3A_922] : memref<2x64xi32, #tpu.memory_space<vmem>> -> memref<1x64xi32, #tpu.memory_space<vmem>>
        %dma_wait3A_924 = arith.constant 0 : i32
        %dma_wait3A_925 = arith.constant 0 : i32
        %dma_wait3A_926 = tpu.memref_slice %arg3[%dma_wait3A_912, %dma_wait3A_913, %dma_wait3A_924, %dma_wait3A_925] : memref<2x5000x1x64xi32, #tpu.memory_space<hbm>> -> memref<1x1x1x64xi32, #tpu.memory_space<hbm>>
        %dma_wait3A_927 = tpu.memref_squeeze %dma_wait3A_926 : memref<1x1x1x64xi32, #tpu.memory_space<hbm>> -> memref<1x64xi32, #tpu.memory_space<hbm>>
        tpu.wait_dma2 semaphore(%arg20 : memref<!tpu.dma_semaphore, #tpu.memory_space<semaphore_mem>>) src(%dma_wait3A_927 : memref<1x64xi32, #tpu.memory_space<hbm>>) dst(%dma_wait3A_923 : memref<1x64xi32, #tpu.memory_space<vmem>>)
        %dma_wait3A_928 = arith.constant 0 : i32
        %dma_wait3A_929 = arith.constant 0 : i32
        %dma_wait3A_930 = arith.constant 1 : i32
        %dma_wait3A_931 = arith.constant 0 : i32
        %dma_wait3A_932 = tpu.memref_slice %arg7[%dma_wait3A_930, %dma_wait3A_931] : memref<2x64xi32, #tpu.memory_space<vmem>> -> memref<1x64xi32, #tpu.memory_space<vmem>>
        %dma_wait3A_933 = arith.constant 0 : i32
        %dma_wait3A_934 = arith.constant 0 : i32
        %dma_wait3A_935 = tpu.memref_slice %arg3[%dma_wait3A_928, %dma_wait3A_929, %dma_wait3A_933, %dma_wait3A_934] : memref<2x5000x1x64xi32, #tpu.memory_space<hbm>> -> memref<1x1x1x64xi32, #tpu.memory_space<hbm>>
        %dma_wait3A_936 = tpu.memref_squeeze %dma_wait3A_935 : memref<1x1x1x64xi32, #tpu.memory_space<hbm>> -> memref<1x64xi32, #tpu.memory_space<hbm>>
        %dma_wait3A_937 = arith.constant 1 : i32
        %dma_wait3A_938 = arith.constant 0 : i32
        %dma_wait3A_939 = tpu.memref_slice %arg7[%dma_wait3A_937, %dma_wait3A_938] : memref<2x64xi32, #tpu.memory_space<vmem>> -> memref<1x64xi32, #tpu.memory_space<vmem>>
        %dma_wait3A_940 = arith.constant 0 : i32
        %dma_wait3A_941 = arith.constant 0 : i32
        %dma_wait3A_942 = tpu.memref_slice %arg3[%dma_wait3A_928, %dma_wait3A_929, %dma_wait3A_940, %dma_wait3A_941] : memref<2x5000x1x64xi32, #tpu.memory_space<hbm>> -> memref<1x1x1x64xi32, #tpu.memory_space<hbm>>
        %dma_wait3A_943 = tpu.memref_squeeze %dma_wait3A_942 : memref<1x1x1x64xi32, #tpu.memory_space<hbm>> -> memref<1x64xi32, #tpu.memory_space<hbm>>
        tpu.wait_dma2 semaphore(%arg20 : memref<!tpu.dma_semaphore, #tpu.memory_space<semaphore_mem>>) src(%dma_wait3A_943 : memref<1x64xi32, #tpu.memory_space<hbm>>) dst(%dma_wait3A_939 : memref<1x64xi32, #tpu.memory_space<vmem>>)
        %dma_start3A_944 = arith.constant 0 : i32
        %dma_start3A_945 = arith.constant 0 : i32
        %dma_start3A_946 = tpu.memref_slice %arg7[%dma_start3A_944, %dma_start3A_945] : memref<2x64xi32, #tpu.memory_space<vmem>> -> memref<1x64xi32, #tpu.memory_space<vmem>>
        %dma_start3A_947 = tpu.memref_squeeze %dma_start3A_946 : memref<1x64xi32, #tpu.memory_space<vmem>> -> memref<64xi32, #tpu.memory_space<vmem>>
        %dma_start3A_948 = arith.constant 0 : i32
        %dma_start3A_949 = arith.constant 0 : i32
        %dma_start3A_950 = tpu.memref_slice %arg2[%dma_start3A_948, %dma_start3A_949] : memref<10000x128xf32, #tpu.memory_space<hbm>> -> memref<10000x128xf32, #tpu.memory_space<hbm>>
        tpu.enqueue_indirect_dma source(%dma_start3A_950 : memref<10000x128xf32, #tpu.memory_space<hbm>>) target(%arg15 : memref<64x128xf32, #tpu.memory_space<vmem>>) offsets(%dma_start3A_947 : memref<64xi32, #tpu.memory_space<vmem>>) semaphore(%arg28 : memref<!tpu.dma_semaphore, #tpu.memory_space<semaphore_mem>>)
      } else {
      }
      %add3A_698 = arith.constant 1 : i32
      %add3A_699 = arith.addi %mul3A_667, %add3A_698 : i32
      %dma_wait3A_700 = arith.constant 0 : i32
      %dma_wait3A_701 = arith.constant 0 : i32
      %dma_wait3A_702 = tpu.memref_slice %arg5[%dma_wait3A_700, %dma_wait3A_701] : memref<2x64xi32, #tpu.memory_space<vmem>> -> memref<1x64xi32, #tpu.memory_space<vmem>>
      %dma_wait3A_703 = tpu.memref_squeeze %dma_wait3A_702 : memref<1x64xi32, #tpu.memory_space<vmem>> -> memref<64xi32, #tpu.memory_space<vmem>>
      %dma_wait3A_704 = arith.constant 0 : i32
      %dma_wait3A_705 = arith.constant 0 : i32
      %dma_wait3A_706 = tpu.memref_slice %arg2[%dma_wait3A_704, %dma_wait3A_705] : memref<10000x128xf32, #tpu.memory_space<hbm>> -> memref<10000x128xf32, #tpu.memory_space<hbm>>
      tpu.wait_indirect_dma semaphore(%arg27 : memref<!tpu.dma_semaphore, #tpu.memory_space<semaphore_mem>>) src(%dma_wait3A_706 : memref<10000x128xf32, #tpu.memory_space<hbm>>) dst(%arg14 : memref<64x128xf32, #tpu.memory_space<vmem>>)
      %dma_start3A_707 = arith.constant 1 : i32
      %dma_start3A_708 = arith.constant 0 : i32
      %dma_start3A_709 = tpu.memref_slice %arg6[%dma_start3A_707, %dma_start3A_708] : memref<2x64xi32, #tpu.memory_space<vmem>> -> memref<1x64xi32, #tpu.memory_space<vmem>>
      %dma_start3A_710 = tpu.memref_squeeze %dma_start3A_709 : memref<1x64xi32, #tpu.memory_space<vmem>> -> memref<64xi32, #tpu.memory_space<vmem>>
      %dma_start3A_711 = arith.constant 0 : i32
      %dma_start3A_712 = arith.constant 0 : i32
      %dma_start3A_713 = tpu.memref_slice %arg17[%dma_start3A_711, %dma_start3A_712] : memref<10112x128xf32, #tpu.memory_space<vmem_shared>> -> memref<10112x128xf32, #tpu.memory_space<vmem_shared>>
      tpu.enqueue_indirect_dma source(%arg14 : memref<64x128xf32, #tpu.memory_space<vmem>>) target(%dma_start3A_713 : memref<10112x128xf32, #tpu.memory_space<vmem_shared>>) offsets(%dma_start3A_710 : memref<64xi32, #tpu.memory_space<vmem>>) semaphore(%arg31 : memref<!tpu.dma_semaphore, #tpu.memory_space<semaphore_mem>>) {add = true}
      %add3A_714 = arith.constant 4 : i32
      %add3A_715 = arith.addi %add3A_699, %add3A_714 : i32
      %lt3A_716 = arith.constant 152 : i32
      %lt3A_717 = arith.cmpi slt, %add3A_715, %lt3A_716 : i32
      %convert_element_type3A_718 = arith.extui %lt3A_717 : i1 to i32
      %cond3A_719 = arith.constant 0 : i32
      %cond3A_720 = arith.cmpi ne, %convert_element_type3A_718, %cond3A_719 : i32
      scf.if %cond3A_720 {
        %add3A_908 = arith.constant 4 : i32
        %add3A_909 = arith.addi %add3A_699, %add3A_908 : i32
        %mul3A_910 = arith.constant 32 : i32
        %mul3A_911 = arith.muli %add3A_909, %mul3A_910 : i32
        %add3A_912 = arith.addi %add3A, %mul3A_911 : i32
        %dma_start3A_913 = arith.constant 0 : i32
        %dma_start3A_914 = arith.constant 0 : i32
        %dma_start3A_915 = arith.constant 0 : i32
        %dma_start3A_916 = tpu.memref_slice %arg10[%dma_start3A_914, %dma_start3A_915] : memref<2x64xi32, #tpu.memory_space<vmem>> -> memref<1x64xi32, #tpu.memory_space<vmem>>
        %dma_start3A_917 = arith.constant 0 : i32
        %dma_start3A_918 = arith.constant 0 : i32
        %dma_start3A_919 = tpu.memref_slice %arg3[%dma_start3A_913, %add3A_912, %dma_start3A_917, %dma_start3A_918] : memref<2x5000x1x64xi32, #tpu.memory_space<hbm>> -> memref<1x1x1x64xi32, #tpu.memory_space<hbm>>
        %dma_start3A_920 = tpu.memref_squeeze %dma_start3A_919 : memref<1x1x1x64xi32, #tpu.memory_space<hbm>> -> memref<1x64xi32, #tpu.memory_space<hbm>>
        %dma_start3A_921 = arith.constant 0 : i32
        %dma_start3A_922 = arith.constant 0 : i32
        %dma_start3A_923 = tpu.memref_slice %arg10[%dma_start3A_921, %dma_start3A_922] : memref<2x64xi32, #tpu.memory_space<vmem>> -> memref<1x64xi32, #tpu.memory_space<vmem>>
        %dma_start3A_924 = arith.constant 0 : i32
        %dma_start3A_925 = arith.constant 0 : i32
        %dma_start3A_926 = tpu.memref_slice %arg3[%dma_start3A_913, %add3A_912, %dma_start3A_924, %dma_start3A_925] : memref<2x5000x1x64xi32, #tpu.memory_space<hbm>> -> memref<1x1x1x64xi32, #tpu.memory_space<hbm>>
        %dma_start3A_927 = tpu.memref_squeeze %dma_start3A_926 : memref<1x1x1x64xi32, #tpu.memory_space<hbm>> -> memref<1x64xi32, #tpu.memory_space<hbm>>
        tpu.enqueue_dma source(%dma_start3A_927 : memref<1x64xi32, #tpu.memory_space<hbm>>) target(%dma_start3A_923 : memref<1x64xi32, #tpu.memory_space<vmem>>) target_semaphore(%arg23 : memref<!tpu.dma_semaphore, #tpu.memory_space<semaphore_mem>>)
        %dma_start3A_928 = arith.constant 1 : i32
        %dma_start3A_929 = arith.constant 1 : i32
        %dma_start3A_930 = arith.constant 0 : i32
        %dma_start3A_931 = tpu.memref_slice %arg10[%dma_start3A_929, %dma_start3A_930] : memref<2x64xi32, #tpu.memory_space<vmem>> -> memref<1x64xi32, #tpu.memory_space<vmem>>
        %dma_start3A_932 = arith.constant 0 : i32
        %dma_start3A_933 = arith.constant 0 : i32
        %dma_start3A_934 = tpu.memref_slice %arg3[%dma_start3A_928, %add3A_912, %dma_start3A_932, %dma_start3A_933] : memref<2x5000x1x64xi32, #tpu.memory_space<hbm>> -> memref<1x1x1x64xi32, #tpu.memory_space<hbm>>
        %dma_start3A_935 = tpu.memref_squeeze %dma_start3A_934 : memref<1x1x1x64xi32, #tpu.memory_space<hbm>> -> memref<1x64xi32, #tpu.memory_space<hbm>>
        %dma_start3A_936 = arith.constant 1 : i32
        %dma_start3A_937 = arith.constant 0 : i32
        %dma_start3A_938 = tpu.memref_slice %arg10[%dma_start3A_936, %dma_start3A_937] : memref<2x64xi32, #tpu.memory_space<vmem>> -> memref<1x64xi32, #tpu.memory_space<vmem>>
        %dma_start3A_939 = arith.constant 0 : i32
        %dma_start3A_940 = arith.constant 0 : i32
        %dma_start3A_941 = tpu.memref_slice %arg3[%dma_start3A_928, %add3A_912, %dma_start3A_939, %dma_start3A_940] : memref<2x5000x1x64xi32, #tpu.memory_space<hbm>> -> memref<1x1x1x64xi32, #tpu.memory_space<hbm>>
        %dma_start3A_942 = tpu.memref_squeeze %dma_start3A_941 : memref<1x1x1x64xi32, #tpu.memory_space<hbm>> -> memref<1x64xi32, #tpu.memory_space<hbm>>
        tpu.enqueue_dma source(%dma_start3A_942 : memref<1x64xi32, #tpu.memory_space<hbm>>) target(%dma_start3A_938 : memref<1x64xi32, #tpu.memory_space<vmem>>) target_semaphore(%arg23 : memref<!tpu.dma_semaphore, #tpu.memory_space<semaphore_mem>>)
      } else {
      }
      %add3A_721 = arith.constant 2 : i32
      %add3A_722 = arith.addi %add3A_699, %add3A_721 : i32
      %lt3A_723 = arith.constant 152 : i32
      %lt3A_724 = arith.cmpi slt, %add3A_722, %lt3A_723 : i32
      %convert_element_type3A_725 = arith.extui %lt3A_724 : i1 to i32
      %cond3A_726 = arith.constant 0 : i32
      %cond3A_727 = arith.cmpi ne, %convert_element_type3A_725, %cond3A_726 : i32
      scf.if %cond3A_727 {
        %ge3A = arith.constant 2 : i32
        %ge3A_908 = arith.cmpi sge, %add3A_699, %ge3A : i32
        %convert_element_type3A_909 = arith.extui %ge3A_908 : i1 to i32
        %cond3A_910 = arith.constant 0 : i32
        %cond3A_911 = arith.cmpi ne, %convert_element_type3A_909, %cond3A_910 : i32
        scf.if %cond3A_911 {
          %dma_wait3A_951 = arith.constant 1 : i32
          %dma_wait3A_952 = arith.constant 0 : i32
          %dma_wait3A_953 = tpu.memref_slice %arg5[%dma_wait3A_951, %dma_wait3A_952] : memref<2x64xi32, #tpu.memory_space<vmem>> -> memref<1x64xi32, #tpu.memory_space<vmem>>
          %dma_wait3A_954 = tpu.memref_squeeze %dma_wait3A_953 : memref<1x64xi32, #tpu.memory_space<vmem>> -> memref<64xi32, #tpu.memory_space<vmem>>
          %dma_wait3A_955 = arith.constant 0 : i32
          %dma_wait3A_956 = arith.constant 0 : i32
          %dma_wait3A_957 = tpu.memref_slice %arg17[%dma_wait3A_955, %dma_wait3A_956] : memref<10112x128xf32, #tpu.memory_space<vmem_shared>> -> memref<10112x128xf32, #tpu.memory_space<vmem_shared>>
          tpu.wait_indirect_dma semaphore(%arg33 : memref<!tpu.dma_semaphore, #tpu.memory_space<semaphore_mem>>) src(%arg16 : memref<64x128xf32, #tpu.memory_space<vmem>>) dst(%dma_wait3A_957 : memref<10112x128xf32, #tpu.memory_space<vmem_shared>>)
        } else {
        }
        %dma_wait3A_912 = arith.constant 0 : i32
        %dma_wait3A_913 = arith.constant 0 : i32
        %dma_wait3A_914 = arith.constant 0 : i32
        %dma_wait3A_915 = arith.constant 0 : i32
        %dma_wait3A_916 = tpu.memref_slice %arg8[%dma_wait3A_914, %dma_wait3A_915] : memref<2x64xi32, #tpu.memory_space<vmem>> -> memref<1x64xi32, #tpu.memory_space<vmem>>
        %dma_wait3A_917 = arith.constant 0 : i32
        %dma_wait3A_918 = arith.constant 0 : i32
        %dma_wait3A_919 = tpu.memref_slice %arg3[%dma_wait3A_912, %dma_wait3A_913, %dma_wait3A_917, %dma_wait3A_918] : memref<2x5000x1x64xi32, #tpu.memory_space<hbm>> -> memref<1x1x1x64xi32, #tpu.memory_space<hbm>>
        %dma_wait3A_920 = tpu.memref_squeeze %dma_wait3A_919 : memref<1x1x1x64xi32, #tpu.memory_space<hbm>> -> memref<1x64xi32, #tpu.memory_space<hbm>>
        %dma_wait3A_921 = arith.constant 0 : i32
        %dma_wait3A_922 = arith.constant 0 : i32
        %dma_wait3A_923 = tpu.memref_slice %arg8[%dma_wait3A_921, %dma_wait3A_922] : memref<2x64xi32, #tpu.memory_space<vmem>> -> memref<1x64xi32, #tpu.memory_space<vmem>>
        %dma_wait3A_924 = arith.constant 0 : i32
        %dma_wait3A_925 = arith.constant 0 : i32
        %dma_wait3A_926 = tpu.memref_slice %arg3[%dma_wait3A_912, %dma_wait3A_913, %dma_wait3A_924, %dma_wait3A_925] : memref<2x5000x1x64xi32, #tpu.memory_space<hbm>> -> memref<1x1x1x64xi32, #tpu.memory_space<hbm>>
        %dma_wait3A_927 = tpu.memref_squeeze %dma_wait3A_926 : memref<1x1x1x64xi32, #tpu.memory_space<hbm>> -> memref<1x64xi32, #tpu.memory_space<hbm>>
        tpu.wait_dma2 semaphore(%arg21 : memref<!tpu.dma_semaphore, #tpu.memory_space<semaphore_mem>>) src(%dma_wait3A_927 : memref<1x64xi32, #tpu.memory_space<hbm>>) dst(%dma_wait3A_923 : memref<1x64xi32, #tpu.memory_space<vmem>>)
        %dma_wait3A_928 = arith.constant 0 : i32
        %dma_wait3A_929 = arith.constant 0 : i32
        %dma_wait3A_930 = arith.constant 1 : i32
        %dma_wait3A_931 = arith.constant 0 : i32
        %dma_wait3A_932 = tpu.memref_slice %arg8[%dma_wait3A_930, %dma_wait3A_931] : memref<2x64xi32, #tpu.memory_space<vmem>> -> memref<1x64xi32, #tpu.memory_space<vmem>>
        %dma_wait3A_933 = arith.constant 0 : i32
        %dma_wait3A_934 = arith.constant 0 : i32
        %dma_wait3A_935 = tpu.memref_slice %arg3[%dma_wait3A_928, %dma_wait3A_929, %dma_wait3A_933, %dma_wait3A_934] : memref<2x5000x1x64xi32, #tpu.memory_space<hbm>> -> memref<1x1x1x64xi32, #tpu.memory_space<hbm>>
        %dma_wait3A_936 = tpu.memref_squeeze %dma_wait3A_935 : memref<1x1x1x64xi32, #tpu.memory_space<hbm>> -> memref<1x64xi32, #tpu.memory_space<hbm>>
        %dma_wait3A_937 = arith.constant 1 : i32
        %dma_wait3A_938 = arith.constant 0 : i32
        %dma_wait3A_939 = tpu.memref_slice %arg8[%dma_wait3A_937, %dma_wait3A_938] : memref<2x64xi32, #tpu.memory_space<vmem>> -> memref<1x64xi32, #tpu.memory_space<vmem>>
        %dma_wait3A_940 = arith.constant 0 : i32
        %dma_wait3A_941 = arith.constant 0 : i32
        %dma_wait3A_942 = tpu.memref_slice %arg3[%dma_wait3A_928, %dma_wait3A_929, %dma_wait3A_940, %dma_wait3A_941] : memref<2x5000x1x64xi32, #tpu.memory_space<hbm>> -> memref<1x1x1x64xi32, #tpu.memory_space<hbm>>
        %dma_wait3A_943 = tpu.memref_squeeze %dma_wait3A_942 : memref<1x1x1x64xi32, #tpu.memory_space<hbm>> -> memref<1x64xi32, #tpu.memory_space<hbm>>
        tpu.wait_dma2 semaphore(%arg21 : memref<!tpu.dma_semaphore, #tpu.memory_space<semaphore_mem>>) src(%dma_wait3A_943 : memref<1x64xi32, #tpu.memory_space<hbm>>) dst(%dma_wait3A_939 : memref<1x64xi32, #tpu.memory_space<vmem>>)
        %dma_start3A_944 = arith.constant 0 : i32
        %dma_start3A_945 = arith.constant 0 : i32
        %dma_start3A_946 = tpu.memref_slice %arg8[%dma_start3A_944, %dma_start3A_945] : memref<2x64xi32, #tpu.memory_space<vmem>> -> memref<1x64xi32, #tpu.memory_space<vmem>>
        %dma_start3A_947 = tpu.memref_squeeze %dma_start3A_946 : memref<1x64xi32, #tpu.memory_space<vmem>> -> memref<64xi32, #tpu.memory_space<vmem>>
        %dma_start3A_948 = arith.constant 0 : i32
        %dma_start3A_949 = arith.constant 0 : i32
        %dma_start3A_950 = tpu.memref_slice %arg2[%dma_start3A_948, %dma_start3A_949] : memref<10000x128xf32, #tpu.memory_space<hbm>> -> memref<10000x128xf32, #tpu.memory_space<hbm>>
        tpu.enqueue_indirect_dma source(%dma_start3A_950 : memref<10000x128xf32, #tpu.memory_space<hbm>>) target(%arg16 : memref<64x128xf32, #tpu.memory_space<vmem>>) offsets(%dma_start3A_947 : memref<64xi32, #tpu.memory_space<vmem>>) semaphore(%arg29 : memref<!tpu.dma_semaphore, #tpu.memory_space<semaphore_mem>>)
      } else {
      }
      %add3A_728 = arith.constant 2 : i32
      %add3A_729 = arith.addi %mul3A_667, %add3A_728 : i32
      %dma_wait3A_730 = arith.constant 0 : i32
      %dma_wait3A_731 = arith.constant 0 : i32
      %dma_wait3A_732 = tpu.memref_slice %arg5[%dma_wait3A_730, %dma_wait3A_731] : memref<2x64xi32, #tpu.memory_space<vmem>> -> memref<1x64xi32, #tpu.memory_space<vmem>>
      %dma_wait3A_733 = tpu.memref_squeeze %dma_wait3A_732 : memref<1x64xi32, #tpu.memory_space<vmem>> -> memref<64xi32, #tpu.memory_space<vmem>>
      %dma_wait3A_734 = arith.constant 0 : i32
      %dma_wait3A_735 = arith.constant 0 : i32
      %dma_wait3A_736 = tpu.memref_slice %arg2[%dma_wait3A_734, %dma_wait3A_735] : memref<10000x128xf32, #tpu.memory_space<hbm>> -> memref<10000x128xf32, #tpu.memory_space<hbm>>
      tpu.wait_indirect_dma semaphore(%arg28 : memref<!tpu.dma_semaphore, #tpu.memory_space<semaphore_mem>>) src(%dma_wait3A_736 : memref<10000x128xf32, #tpu.memory_space<hbm>>) dst(%arg15 : memref<64x128xf32, #tpu.memory_space<vmem>>)
      %dma_start3A_737 = arith.constant 1 : i32
      %dma_start3A_738 = arith.constant 0 : i32
      %dma_start3A_739 = tpu.memref_slice %arg7[%dma_start3A_737, %dma_start3A_738] : memref<2x64xi32, #tpu.memory_space<vmem>> -> memref<1x64xi32, #tpu.memory_space<vmem>>
      %dma_start3A_740 = tpu.memref_squeeze %dma_start3A_739 : memref<1x64xi32, #tpu.memory_space<vmem>> -> memref<64xi32, #tpu.memory_space<vmem>>
      %dma_start3A_741 = arith.constant 0 : i32
      %dma_start3A_742 = arith.constant 0 : i32
      %dma_start3A_743 = tpu.memref_slice %arg17[%dma_start3A_741, %dma_start3A_742] : memref<10112x128xf32, #tpu.memory_space<vmem_shared>> -> memref<10112x128xf32, #tpu.memory_space<vmem_shared>>
      tpu.enqueue_indirect_dma source(%arg15 : memref<64x128xf32, #tpu.memory_space<vmem>>) target(%dma_start3A_743 : memref<10112x128xf32, #tpu.memory_space<vmem_shared>>) offsets(%dma_start3A_740 : memref<64xi32, #tpu.memory_space<vmem>>) semaphore(%arg32 : memref<!tpu.dma_semaphore, #tpu.memory_space<semaphore_mem>>) {add = true}
      %add3A_744 = arith.constant 4 : i32
      %add3A_745 = arith.addi %add3A_729, %add3A_744 : i32
      %lt3A_746 = arith.constant 152 : i32
      %lt3A_747 = arith.cmpi slt, %add3A_745, %lt3A_746 : i32
      %convert_element_type3A_748 = arith.extui %lt3A_747 : i1 to i32
      %cond3A_749 = arith.constant 0 : i32
      %cond3A_750 = arith.cmpi ne, %convert_element_type3A_748, %cond3A_749 : i32
      scf.if %cond3A_750 {
        %add3A_908 = arith.constant 4 : i32
        %add3A_909 = arith.addi %add3A_729, %add3A_908 : i32
        %mul3A_910 = arith.constant 32 : i32
        %mul3A_911 = arith.muli %add3A_909, %mul3A_910 : i32
        %add3A_912 = arith.addi %add3A, %mul3A_911 : i32
        %dma_start3A_913 = arith.constant 0 : i32
        %dma_start3A_914 = arith.constant 0 : i32
        %dma_start3A_915 = arith.constant 0 : i32
        %dma_start3A_916 = tpu.memref_slice %arg11[%dma_start3A_914, %dma_start3A_915] : memref<2x64xi32, #tpu.memory_space<vmem>> -> memref<1x64xi32, #tpu.memory_space<vmem>>
        %dma_start3A_917 = arith.constant 0 : i32
        %dma_start3A_918 = arith.constant 0 : i32
        %dma_start3A_919 = tpu.memref_slice %arg3[%dma_start3A_913, %add3A_912, %dma_start3A_917, %dma_start3A_918] : memref<2x5000x1x64xi32, #tpu.memory_space<hbm>> -> memref<1x1x1x64xi32, #tpu.memory_space<hbm>>
        %dma_start3A_920 = tpu.memref_squeeze %dma_start3A_919 : memref<1x1x1x64xi32, #tpu.memory_space<hbm>> -> memref<1x64xi32, #tpu.memory_space<hbm>>
        %dma_start3A_921 = arith.constant 0 : i32
        %dma_start3A_922 = arith.constant 0 : i32
        %dma_start3A_923 = tpu.memref_slice %arg11[%dma_start3A_921, %dma_start3A_922] : memref<2x64xi32, #tpu.memory_space<vmem>> -> memref<1x64xi32, #tpu.memory_space<vmem>>
        %dma_start3A_924 = arith.constant 0 : i32
        %dma_start3A_925 = arith.constant 0 : i32
        %dma_start3A_926 = tpu.memref_slice %arg3[%dma_start3A_913, %add3A_912, %dma_start3A_924, %dma_start3A_925] : memref<2x5000x1x64xi32, #tpu.memory_space<hbm>> -> memref<1x1x1x64xi32, #tpu.memory_space<hbm>>
        %dma_start3A_927 = tpu.memref_squeeze %dma_start3A_926 : memref<1x1x1x64xi32, #tpu.memory_space<hbm>> -> memref<1x64xi32, #tpu.memory_space<hbm>>
        tpu.enqueue_dma source(%dma_start3A_927 : memref<1x64xi32, #tpu.memory_space<hbm>>) target(%dma_start3A_923 : memref<1x64xi32, #tpu.memory_space<vmem>>) target_semaphore(%arg24 : memref<!tpu.dma_semaphore, #tpu.memory_space<semaphore_mem>>)
        %dma_start3A_928 = arith.constant 1 : i32
        %dma_start3A_929 = arith.constant 1 : i32
        %dma_start3A_930 = arith.constant 0 : i32
        %dma_start3A_931 = tpu.memref_slice %arg11[%dma_start3A_929, %dma_start3A_930] : memref<2x64xi32, #tpu.memory_space<vmem>> -> memref<1x64xi32, #tpu.memory_space<vmem>>
        %dma_start3A_932 = arith.constant 0 : i32
        %dma_start3A_933 = arith.constant 0 : i32
        %dma_start3A_934 = tpu.memref_slice %arg3[%dma_start3A_928, %add3A_912, %dma_start3A_932, %dma_start3A_933] : memref<2x5000x1x64xi32, #tpu.memory_space<hbm>> -> memref<1x1x1x64xi32, #tpu.memory_space<hbm>>
        %dma_start3A_935 = tpu.memref_squeeze %dma_start3A_934 : memref<1x1x1x64xi32, #tpu.memory_space<hbm>> -> memref<1x64xi32, #tpu.memory_space<hbm>>
        %dma_start3A_936 = arith.constant 1 : i32
        %dma_start3A_937 = arith.constant 0 : i32
        %dma_start3A_938 = tpu.memref_slice %arg11[%dma_start3A_936, %dma_start3A_937] : memref<2x64xi32, #tpu.memory_space<vmem>> -> memref<1x64xi32, #tpu.memory_space<vmem>>
        %dma_start3A_939 = arith.constant 0 : i32
        %dma_start3A_940 = arith.constant 0 : i32
        %dma_start3A_941 = tpu.memref_slice %arg3[%dma_start3A_928, %add3A_912, %dma_start3A_939, %dma_start3A_940] : memref<2x5000x1x64xi32, #tpu.memory_space<hbm>> -> memref<1x1x1x64xi32, #tpu.memory_space<hbm>>
        %dma_start3A_942 = tpu.memref_squeeze %dma_start3A_941 : memref<1x1x1x64xi32, #tpu.memory_space<hbm>> -> memref<1x64xi32, #tpu.memory_space<hbm>>
        tpu.enqueue_dma source(%dma_start3A_942 : memref<1x64xi32, #tpu.memory_space<hbm>>) target(%dma_start3A_938 : memref<1x64xi32, #tpu.memory_space<vmem>>) target_semaphore(%arg24 : memref<!tpu.dma_semaphore, #tpu.memory_space<semaphore_mem>>)
      } else {
      }
      %add3A_751 = arith.constant 2 : i32
      %add3A_752 = arith.addi %add3A_729, %add3A_751 : i32
      %lt3A_753 = arith.constant 152 : i32
      %lt3A_754 = arith.cmpi slt, %add3A_752, %lt3A_753 : i32
      %convert_element_type3A_755 = arith.extui %lt3A_754 : i1 to i32
      %cond3A_756 = arith.constant 0 : i32
      %cond3A_757 = arith.cmpi ne, %convert_element_type3A_755, %cond3A_756 : i32
      scf.if %cond3A_757 {
        %ge3A = arith.constant 2 : i32
        %ge3A_908 = arith.cmpi sge, %add3A_729, %ge3A : i32
        %convert_element_type3A_909 = arith.extui %ge3A_908 : i1 to i32
        %cond3A_910 = arith.constant 0 : i32
        %cond3A_911 = arith.cmpi ne, %convert_element_type3A_909, %cond3A_910 : i32
        scf.if %cond3A_911 {
          %dma_wait3A_951 = arith.constant 1 : i32
          %dma_wait3A_952 = arith.constant 0 : i32
          %dma_wait3A_953 = tpu.memref_slice %arg5[%dma_wait3A_951, %dma_wait3A_952] : memref<2x64xi32, #tpu.memory_space<vmem>> -> memref<1x64xi32, #tpu.memory_space<vmem>>
          %dma_wait3A_954 = tpu.memref_squeeze %dma_wait3A_953 : memref<1x64xi32, #tpu.memory_space<vmem>> -> memref<64xi32, #tpu.memory_space<vmem>>
          %dma_wait3A_955 = arith.constant 0 : i32
          %dma_wait3A_956 = arith.constant 0 : i32
          %dma_wait3A_957 = tpu.memref_slice %arg17[%dma_wait3A_955, %dma_wait3A_956] : memref<10112x128xf32, #tpu.memory_space<vmem_shared>> -> memref<10112x128xf32, #tpu.memory_space<vmem_shared>>
          tpu.wait_indirect_dma semaphore(%arg30 : memref<!tpu.dma_semaphore, #tpu.memory_space<semaphore_mem>>) src(%arg13 : memref<64x128xf32, #tpu.memory_space<vmem>>) dst(%dma_wait3A_957 : memref<10112x128xf32, #tpu.memory_space<vmem_shared>>)
        } else {
        }
        %dma_wait3A_912 = arith.constant 0 : i32
        %dma_wait3A_913 = arith.constant 0 : i32
        %dma_wait3A_914 = arith.constant 0 : i32
        %dma_wait3A_915 = arith.constant 0 : i32
        %dma_wait3A_916 = tpu.memref_slice %arg9[%dma_wait3A_914, %dma_wait3A_915] : memref<2x64xi32, #tpu.memory_space<vmem>> -> memref<1x64xi32, #tpu.memory_space<vmem>>
        %dma_wait3A_917 = arith.constant 0 : i32
        %dma_wait3A_918 = arith.constant 0 : i32
        %dma_wait3A_919 = tpu.memref_slice %arg3[%dma_wait3A_912, %dma_wait3A_913, %dma_wait3A_917, %dma_wait3A_918] : memref<2x5000x1x64xi32, #tpu.memory_space<hbm>> -> memref<1x1x1x64xi32, #tpu.memory_space<hbm>>
        %dma_wait3A_920 = tpu.memref_squeeze %dma_wait3A_919 : memref<1x1x1x64xi32, #tpu.memory_space<hbm>> -> memref<1x64xi32, #tpu.memory_space<hbm>>
        %dma_wait3A_921 = arith.constant 0 : i32
        %dma_wait3A_922 = arith.constant 0 : i32
        %dma_wait3A_923 = tpu.memref_slice %arg9[%dma_wait3A_921, %dma_wait3A_922] : memref<2x64xi32, #tpu.memory_space<vmem>> -> memref<1x64xi32, #tpu.memory_space<vmem>>
        %dma_wait3A_924 = arith.constant 0 : i32
        %dma_wait3A_925 = arith.constant 0 : i32
        %dma_wait3A_926 = tpu.memref_slice %arg3[%dma_wait3A_912, %dma_wait3A_913, %dma_wait3A_924, %dma_wait3A_925] : memref<2x5000x1x64xi32, #tpu.memory_space<hbm>> -> memref<1x1x1x64xi32, #tpu.memory_space<hbm>>
        %dma_wait3A_927 = tpu.memref_squeeze %dma_wait3A_926 : memref<1x1x1x64xi32, #tpu.memory_space<hbm>> -> memref<1x64xi32, #tpu.memory_space<hbm>>
        tpu.wait_dma2 semaphore(%arg22 : memref<!tpu.dma_semaphore, #tpu.memory_space<semaphore_mem>>) src(%dma_wait3A_927 : memref<1x64xi32, #tpu.memory_space<hbm>>) dst(%dma_wait3A_923 : memref<1x64xi32, #tpu.memory_space<vmem>>)
        %dma_wait3A_928 = arith.constant 0 : i32
        %dma_wait3A_929 = arith.constant 0 : i32
        %dma_wait3A_930 = arith.constant 1 : i32
        %dma_wait3A_931 = arith.constant 0 : i32
        %dma_wait3A_932 = tpu.memref_slice %arg9[%dma_wait3A_930, %dma_wait3A_931] : memref<2x64xi32, #tpu.memory_space<vmem>> -> memref<1x64xi32, #tpu.memory_space<vmem>>
        %dma_wait3A_933 = arith.constant 0 : i32
        %dma_wait3A_934 = arith.constant 0 : i32
        %dma_wait3A_935 = tpu.memref_slice %arg3[%dma_wait3A_928, %dma_wait3A_929, %dma_wait3A_933, %dma_wait3A_934] : memref<2x5000x1x64xi32, #tpu.memory_space<hbm>> -> memref<1x1x1x64xi32, #tpu.memory_space<hbm>>
        %dma_wait3A_936 = tpu.memref_squeeze %dma_wait3A_935 : memref<1x1x1x64xi32, #tpu.memory_space<hbm>> -> memref<1x64xi32, #tpu.memory_space<hbm>>
        %dma_wait3A_937 = arith.constant 1 : i32
        %dma_wait3A_938 = arith.constant 0 : i32
        %dma_wait3A_939 = tpu.memref_slice %arg9[%dma_wait3A_937, %dma_wait3A_938] : memref<2x64xi32, #tpu.memory_space<vmem>> -> memref<1x64xi32, #tpu.memory_space<vmem>>
        %dma_wait3A_940 = arith.constant 0 : i32
        %dma_wait3A_941 = arith.constant 0 : i32
        %dma_wait3A_942 = tpu.memref_slice %arg3[%dma_wait3A_928, %dma_wait3A_929, %dma_wait3A_940, %dma_wait3A_941] : memref<2x5000x1x64xi32, #tpu.memory_space<hbm>> -> memref<1x1x1x64xi32, #tpu.memory_space<hbm>>
        %dma_wait3A_943 = tpu.memref_squeeze %dma_wait3A_942 : memref<1x1x1x64xi32, #tpu.memory_space<hbm>> -> memref<1x64xi32, #tpu.memory_space<hbm>>
        tpu.wait_dma2 semaphore(%arg22 : memref<!tpu.dma_semaphore, #tpu.memory_space<semaphore_mem>>) src(%dma_wait3A_943 : memref<1x64xi32, #tpu.memory_space<hbm>>) dst(%dma_wait3A_939 : memref<1x64xi32, #tpu.memory_space<vmem>>)
        %dma_start3A_944 = arith.constant 0 : i32
        %dma_start3A_945 = arith.constant 0 : i32
        %dma_start3A_946 = tpu.memref_slice %arg9[%dma_start3A_944, %dma_start3A_945] : memref<2x64xi32, #tpu.memory_space<vmem>> -> memref<1x64xi32, #tpu.memory_space<vmem>>
        %dma_start3A_947 = tpu.memref_squeeze %dma_start3A_946 : memref<1x64xi32, #tpu.memory_space<vmem>> -> memref<64xi32, #tpu.memory_space<vmem>>
        %dma_start3A_948 = arith.constant 0 : i32
        %dma_start3A_949 = arith.constant 0 : i32
        %dma_start3A_950 = tpu.memref_slice %arg2[%dma_start3A_948, %dma_start3A_949] : memref<10000x128xf32, #tpu.memory_space<hbm>> -> memref<10000x128xf32, #tpu.memory_space<hbm>>
        tpu.enqueue_indirect_dma source(%dma_start3A_950 : memref<10000x128xf32, #tpu.memory_space<hbm>>) target(%arg13 : memref<64x128xf32, #tpu.memory_space<vmem>>) offsets(%dma_start3A_947 : memref<64xi32, #tpu.memory_space<vmem>>) semaphore(%arg26 : memref<!tpu.dma_semaphore, #tpu.memory_space<semaphore_mem>>)
      } else {
      }
      %add3A_758 = arith.constant 3 : i32
      %add3A_759 = arith.addi %mul3A_667, %add3A_758 : i32
      %dma_wait3A_760 = arith.constant 0 : i32
      %dma_wait3A_761 = arith.constant 0 : i32
      %dma_wait3A_762 = tpu.memref_slice %arg5[%dma_wait3A_760, %dma_wait3A_761] : memref<2x64xi32, #tpu.memory_space<vmem>> -> memref<1x64xi32, #tpu.memory_space<vmem>>
      %dma_wait3A_763 = tpu.memref_squeeze %dma_wait3A_762 : memref<1x64xi32, #tpu.memory_space<vmem>> -> memref<64xi32, #tpu.memory_space<vmem>>
      %dma_wait3A_764 = arith.constant 0 : i32
      %dma_wait3A_765 = arith.constant 0 : i32
      %dma_wait3A_766 = tpu.memref_slice %arg2[%dma_wait3A_764, %dma_wait3A_765] : memref<10000x128xf32, #tpu.memory_space<hbm>> -> memref<10000x128xf32, #tpu.memory_space<hbm>>
      tpu.wait_indirect_dma semaphore(%arg29 : memref<!tpu.dma_semaphore, #tpu.memory_space<semaphore_mem>>) src(%dma_wait3A_766 : memref<10000x128xf32, #tpu.memory_space<hbm>>) dst(%arg16 : memref<64x128xf32, #tpu.memory_space<vmem>>)
      %dma_start3A_767 = arith.constant 1 : i32
      %dma_start3A_768 = arith.constant 0 : i32
      %dma_start3A_769 = tpu.memref_slice %arg8[%dma_start3A_767, %dma_start3A_768] : memref<2x64xi32, #tpu.memory_space<vmem>> -> memref<1x64xi32, #tpu.memory_space<vmem>>
      %dma_start3A_770 = tpu.memref_squeeze %dma_start3A_769 : memref<1x64xi32, #tpu.memory_space<vmem>> -> memref<64xi32, #tpu.memory_space<vmem>>
      %dma_start3A_771 = arith.constant 0 : i32
      %dma_start3A_772 = arith.constant 0 : i32
      %dma_start3A_773 = tpu.memref_slice %arg17[%dma_start3A_771, %dma_start3A_772] : memref<10112x128xf32, #tpu.memory_space<vmem_shared>> -> memref<10112x128xf32, #tpu.memory_space<vmem_shared>>
      tpu.enqueue_indirect_dma source(%arg16 : memref<64x128xf32, #tpu.memory_space<vmem>>) target(%dma_start3A_773 : memref<10112x128xf32, #tpu.memory_space<vmem_shared>>) offsets(%dma_start3A_770 : memref<64xi32, #tpu.memory_space<vmem>>) semaphore(%arg33 : memref<!tpu.dma_semaphore, #tpu.memory_space<semaphore_mem>>) {add = true}
      %add3A_774 = arith.constant 4 : i32
      %add3A_775 = arith.addi %add3A_759, %add3A_774 : i32
      %lt3A_776 = arith.constant 152 : i32
      %lt3A_777 = arith.cmpi slt, %add3A_775, %lt3A_776 : i32
      %convert_element_type3A_778 = arith.extui %lt3A_777 : i1 to i32
      %cond3A_779 = arith.constant 0 : i32
      %cond3A_780 = arith.cmpi ne, %convert_element_type3A_778, %cond3A_779 : i32
      scf.if %cond3A_780 {
        %add3A_908 = arith.constant 4 : i32
        %add3A_909 = arith.addi %add3A_759, %add3A_908 : i32
        %mul3A_910 = arith.constant 32 : i32
        %mul3A_911 = arith.muli %add3A_909, %mul3A_910 : i32
        %add3A_912 = arith.addi %add3A, %mul3A_911 : i32
        %dma_start3A_913 = arith.constant 0 : i32
        %dma_start3A_914 = arith.constant 0 : i32
        %dma_start3A_915 = arith.constant 0 : i32
        %dma_start3A_916 = tpu.memref_slice %arg12[%dma_start3A_914, %dma_start3A_915] : memref<2x64xi32, #tpu.memory_space<vmem>> -> memref<1x64xi32, #tpu.memory_space<vmem>>
        %dma_start3A_917 = arith.constant 0 : i32
        %dma_start3A_918 = arith.constant 0 : i32
        %dma_start3A_919 = tpu.memref_slice %arg3[%dma_start3A_913, %add3A_912, %dma_start3A_917, %dma_start3A_918] : memref<2x5000x1x64xi32, #tpu.memory_space<hbm>> -> memref<1x1x1x64xi32, #tpu.memory_space<hbm>>
        %dma_start3A_920 = tpu.memref_squeeze %dma_start3A_919 : memref<1x1x1x64xi32, #tpu.memory_space<hbm>> -> memref<1x64xi32, #tpu.memory_space<hbm>>
        %dma_start3A_921 = arith.constant 0 : i32
        %dma_start3A_922 = arith.constant 0 : i32
        %dma_start3A_923 = tpu.memref_slice %arg12[%dma_start3A_921, %dma_start3A_922] : memref<2x64xi32, #tpu.memory_space<vmem>> -> memref<1x64xi32, #tpu.memory_space<vmem>>
        %dma_start3A_924 = arith.constant 0 : i32
        %dma_start3A_925 = arith.constant 0 : i32
        %dma_start3A_926 = tpu.memref_slice %arg3[%dma_start3A_913, %add3A_912, %dma_start3A_924, %dma_start3A_925] : memref<2x5000x1x64xi32, #tpu.memory_space<hbm>> -> memref<1x1x1x64xi32, #tpu.memory_space<hbm>>
        %dma_start3A_927 = tpu.memref_squeeze %dma_start3A_926 : memref<1x1x1x64xi32, #tpu.memory_space<hbm>> -> memref<1x64xi32, #tpu.memory_space<hbm>>
        tpu.enqueue_dma source(%dma_start3A_927 : memref<1x64xi32, #tpu.memory_space<hbm>>) target(%dma_start3A_923 : memref<1x64xi32, #tpu.memory_space<vmem>>) target_semaphore(%arg25 : memref<!tpu.dma_semaphore, #tpu.memory_space<semaphore_mem>>)
        %dma_start3A_928 = arith.constant 1 : i32
        %dma_start3A_929 = arith.constant 1 : i32
        %dma_start3A_930 = arith.constant 0 : i32
        %dma_start3A_931 = tpu.memref_slice %arg12[%dma_start3A_929, %dma_start3A_930] : memref<2x64xi32, #tpu.memory_space<vmem>> -> memref<1x64xi32, #tpu.memory_space<vmem>>
        %dma_start3A_932 = arith.constant 0 : i32
        %dma_start3A_933 = arith.constant 0 : i32
        %dma_start3A_934 = tpu.memref_slice %arg3[%dma_start3A_928, %add3A_912, %dma_start3A_932, %dma_start3A_933] : memref<2x5000x1x64xi32, #tpu.memory_space<hbm>> -> memref<1x1x1x64xi32, #tpu.memory_space<hbm>>
        %dma_start3A_935 = tpu.memref_squeeze %dma_start3A_934 : memref<1x1x1x64xi32, #tpu.memory_space<hbm>> -> memref<1x64xi32, #tpu.memory_space<hbm>>
        %dma_start3A_936 = arith.constant 1 : i32
        %dma_start3A_937 = arith.constant 0 : i32
        %dma_start3A_938 = tpu.memref_slice %arg12[%dma_start3A_936, %dma_start3A_937] : memref<2x64xi32, #tpu.memory_space<vmem>> -> memref<1x64xi32, #tpu.memory_space<vmem>>
        %dma_start3A_939 = arith.constant 0 : i32
        %dma_start3A_940 = arith.constant 0 : i32
        %dma_start3A_941 = tpu.memref_slice %arg3[%dma_start3A_928, %add3A_912, %dma_start3A_939, %dma_start3A_940] : memref<2x5000x1x64xi32, #tpu.memory_space<hbm>> -> memref<1x1x1x64xi32, #tpu.memory_space<hbm>>
        %dma_start3A_942 = tpu.memref_squeeze %dma_start3A_941 : memref<1x1x1x64xi32, #tpu.memory_space<hbm>> -> memref<1x64xi32, #tpu.memory_space<hbm>>
        tpu.enqueue_dma source(%dma_start3A_942 : memref<1x64xi32, #tpu.memory_space<hbm>>) target(%dma_start3A_938 : memref<1x64xi32, #tpu.memory_space<vmem>>) target_semaphore(%arg25 : memref<!tpu.dma_semaphore, #tpu.memory_space<semaphore_mem>>)
      } else {
      }
      %add3A_781 = arith.constant 2 : i32
      %add3A_782 = arith.addi %add3A_759, %add3A_781 : i32
      %lt3A_783 = arith.constant 152 : i32
      %lt3A_784 = arith.cmpi slt, %add3A_782, %lt3A_783 : i32
      %convert_element_type3A_785 = arith.extui %lt3A_784 : i1 to i32
      %cond3A_786 = arith.constant 0 : i32
      %cond3A_787 = arith.cmpi ne, %convert_element_type3A_785, %cond3A_786 : i32
      scf.if %cond3A_787 {
        %ge3A = arith.constant 2 : i32
        %ge3A_908 = arith.cmpi sge, %add3A_759, %ge3A : i32
        %convert_element_type3A_909 = arith.extui %ge3A_908 : i1 to i32
        %cond3A_910 = arith.constant 0 : i32
        %cond3A_911 = arith.cmpi ne, %convert_element_type3A_909, %cond3A_910 : i32
        scf.if %cond3A_911 {
          %dma_wait3A_951 = arith.constant 1 : i32
          %dma_wait3A_952 = arith.constant 0 : i32
          %dma_wait3A_953 = tpu.memref_slice %arg5[%dma_wait3A_951, %dma_wait3A_952] : memref<2x64xi32, #tpu.memory_space<vmem>> -> memref<1x64xi32, #tpu.memory_space<vmem>>
          %dma_wait3A_954 = tpu.memref_squeeze %dma_wait3A_953 : memref<1x64xi32, #tpu.memory_space<vmem>> -> memref<64xi32, #tpu.memory_space<vmem>>
          %dma_wait3A_955 = arith.constant 0 : i32
          %dma_wait3A_956 = arith.constant 0 : i32
          %dma_wait3A_957 = tpu.memref_slice %arg17[%dma_wait3A_955, %dma_wait3A_956] : memref<10112x128xf32, #tpu.memory_space<vmem_shared>> -> memref<10112x128xf32, #tpu.memory_space<vmem_shared>>
          tpu.wait_indirect_dma semaphore(%arg31 : memref<!tpu.dma_semaphore, #tpu.memory_space<semaphore_mem>>) src(%arg14 : memref<64x128xf32, #tpu.memory_space<vmem>>) dst(%dma_wait3A_957 : memref<10112x128xf32, #tpu.memory_space<vmem_shared>>)
        } else {
        }
        %dma_wait3A_912 = arith.constant 0 : i32
        %dma_wait3A_913 = arith.constant 0 : i32
        %dma_wait3A_914 = arith.constant 0 : i32
        %dma_wait3A_915 = arith.constant 0 : i32
        %dma_wait3A_916 = tpu.memref_slice %arg10[%dma_wait3A_914, %dma_wait3A_915] : memref<2x64xi32, #tpu.memory_space<vmem>> -> memref<1x64xi32, #tpu.memory_space<vmem>>
        %dma_wait3A_917 = arith.constant 0 : i32
        %dma_wait3A_918 = arith.constant 0 : i32
        %dma_wait3A_919 = tpu.memref_slice %arg3[%dma_wait3A_912, %dma_wait3A_913, %dma_wait3A_917, %dma_wait3A_918] : memref<2x5000x1x64xi32, #tpu.memory_space<hbm>> -> memref<1x1x1x64xi32, #tpu.memory_space<hbm>>
        %dma_wait3A_920 = tpu.memref_squeeze %dma_wait3A_919 : memref<1x1x1x64xi32, #tpu.memory_space<hbm>> -> memref<1x64xi32, #tpu.memory_space<hbm>>
        %dma_wait3A_921 = arith.constant 0 : i32
        %dma_wait3A_922 = arith.constant 0 : i32
        %dma_wait3A_923 = tpu.memref_slice %arg10[%dma_wait3A_921, %dma_wait3A_922] : memref<2x64xi32, #tpu.memory_space<vmem>> -> memref<1x64xi32, #tpu.memory_space<vmem>>
        %dma_wait3A_924 = arith.constant 0 : i32
        %dma_wait3A_925 = arith.constant 0 : i32
        %dma_wait3A_926 = tpu.memref_slice %arg3[%dma_wait3A_912, %dma_wait3A_913, %dma_wait3A_924, %dma_wait3A_925] : memref<2x5000x1x64xi32, #tpu.memory_space<hbm>> -> memref<1x1x1x64xi32, #tpu.memory_space<hbm>>
        %dma_wait3A_927 = tpu.memref_squeeze %dma_wait3A_926 : memref<1x1x1x64xi32, #tpu.memory_space<hbm>> -> memref<1x64xi32, #tpu.memory_space<hbm>>
        tpu.wait_dma2 semaphore(%arg23 : memref<!tpu.dma_semaphore, #tpu.memory_space<semaphore_mem>>) src(%dma_wait3A_927 : memref<1x64xi32, #tpu.memory_space<hbm>>) dst(%dma_wait3A_923 : memref<1x64xi32, #tpu.memory_space<vmem>>)
        %dma_wait3A_928 = arith.constant 0 : i32
        %dma_wait3A_929 = arith.constant 0 : i32
        %dma_wait3A_930 = arith.constant 1 : i32
        %dma_wait3A_931 = arith.constant 0 : i32
        %dma_wait3A_932 = tpu.memref_slice %arg10[%dma_wait3A_930, %dma_wait3A_931] : memref<2x64xi32, #tpu.memory_space<vmem>> -> memref<1x64xi32, #tpu.memory_space<vmem>>
        %dma_wait3A_933 = arith.constant 0 : i32
        %dma_wait3A_934 = arith.constant 0 : i32
        %dma_wait3A_935 = tpu.memref_slice %arg3[%dma_wait3A_928, %dma_wait3A_929, %dma_wait3A_933, %dma_wait3A_934] : memref<2x5000x1x64xi32, #tpu.memory_space<hbm>> -> memref<1x1x1x64xi32, #tpu.memory_space<hbm>>
        %dma_wait3A_936 = tpu.memref_squeeze %dma_wait3A_935 : memref<1x1x1x64xi32, #tpu.memory_space<hbm>> -> memref<1x64xi32, #tpu.memory_space<hbm>>
        %dma_wait3A_937 = arith.constant 1 : i32
        %dma_wait3A_938 = arith.constant 0 : i32
        %dma_wait3A_939 = tpu.memref_slice %arg10[%dma_wait3A_937, %dma_wait3A_938] : memref<2x64xi32, #tpu.memory_space<vmem>> -> memref<1x64xi32, #tpu.memory_space<vmem>>
        %dma_wait3A_940 = arith.constant 0 : i32
        %dma_wait3A_941 = arith.constant 0 : i32
        %dma_wait3A_942 = tpu.memref_slice %arg3[%dma_wait3A_928, %dma_wait3A_929, %dma_wait3A_940, %dma_wait3A_941] : memref<2x5000x1x64xi32, #tpu.memory_space<hbm>> -> memref<1x1x1x64xi32, #tpu.memory_space<hbm>>
        %dma_wait3A_943 = tpu.memref_squeeze %dma_wait3A_942 : memref<1x1x1x64xi32, #tpu.memory_space<hbm>> -> memref<1x64xi32, #tpu.memory_space<hbm>>
        tpu.wait_dma2 semaphore(%arg23 : memref<!tpu.dma_semaphore, #tpu.memory_space<semaphore_mem>>) src(%dma_wait3A_943 : memref<1x64xi32, #tpu.memory_space<hbm>>) dst(%dma_wait3A_939 : memref<1x64xi32, #tpu.memory_space<vmem>>)
        %dma_start3A_944 = arith.constant 0 : i32
        %dma_start3A_945 = arith.constant 0 : i32
        %dma_start3A_946 = tpu.memref_slice %arg10[%dma_start3A_944, %dma_start3A_945] : memref<2x64xi32, #tpu.memory_space<vmem>> -> memref<1x64xi32, #tpu.memory_space<vmem>>
        %dma_start3A_947 = tpu.memref_squeeze %dma_start3A_946 : memref<1x64xi32, #tpu.memory_space<vmem>> -> memref<64xi32, #tpu.memory_space<vmem>>
        %dma_start3A_948 = arith.constant 0 : i32
        %dma_start3A_949 = arith.constant 0 : i32
        %dma_start3A_950 = tpu.memref_slice %arg2[%dma_start3A_948, %dma_start3A_949] : memref<10000x128xf32, #tpu.memory_space<hbm>> -> memref<10000x128xf32, #tpu.memory_space<hbm>>
        tpu.enqueue_indirect_dma source(%dma_start3A_950 : memref<10000x128xf32, #tpu.memory_space<hbm>>) target(%arg14 : memref<64x128xf32, #tpu.memory_space<vmem>>) offsets(%dma_start3A_947 : memref<64xi32, #tpu.memory_space<vmem>>) semaphore(%arg27 : memref<!tpu.dma_semaphore, #tpu.memory_space<semaphore_mem>>)
      } else {
      }
      %add3A_788 = arith.constant 4 : i32
      %add3A_789 = arith.addi %mul3A_667, %add3A_788 : i32
      %dma_wait3A_790 = arith.constant 0 : i32
      %dma_wait3A_791 = arith.constant 0 : i32
      %dma_wait3A_792 = tpu.memref_slice %arg5[%dma_wait3A_790, %dma_wait3A_791] : memref<2x64xi32, #tpu.memory_space<vmem>> -> memref<1x64xi32, #tpu.memory_space<vmem>>
      %dma_wait3A_793 = tpu.memref_squeeze %dma_wait3A_792 : memref<1x64xi32, #tpu.memory_space<vmem>> -> memref<64xi32, #tpu.memory_space<vmem>>
      %dma_wait3A_794 = arith.constant 0 : i32
      %dma_wait3A_795 = arith.constant 0 : i32
      %dma_wait3A_796 = tpu.memref_slice %arg2[%dma_wait3A_794, %dma_wait3A_795] : memref<10000x128xf32, #tpu.memory_space<hbm>> -> memref<10000x128xf32, #tpu.memory_space<hbm>>
      tpu.wait_indirect_dma semaphore(%arg26 : memref<!tpu.dma_semaphore, #tpu.memory_space<semaphore_mem>>) src(%dma_wait3A_796 : memref<10000x128xf32, #tpu.memory_space<hbm>>) dst(%arg13 : memref<64x128xf32, #tpu.memory_space<vmem>>)
      %dma_start3A_797 = arith.constant 1 : i32
      %dma_start3A_798 = arith.constant 0 : i32
      %dma_start3A_799 = tpu.memref_slice %arg9[%dma_start3A_797, %dma_start3A_798] : memref<2x64xi32, #tpu.memory_space<vmem>> -> memref<1x64xi32, #tpu.memory_space<vmem>>
      %dma_start3A_800 = tpu.memref_squeeze %dma_start3A_799 : memref<1x64xi32, #tpu.memory_space<vmem>> -> memref<64xi32, #tpu.memory_space<vmem>>
      %dma_start3A_801 = arith.constant 0 : i32
      %dma_start3A_802 = arith.constant 0 : i32
      %dma_start3A_803 = tpu.memref_slice %arg17[%dma_start3A_801, %dma_start3A_802] : memref<10112x128xf32, #tpu.memory_space<vmem_shared>> -> memref<10112x128xf32, #tpu.memory_space<vmem_shared>>
      tpu.enqueue_indirect_dma source(%arg13 : memref<64x128xf32, #tpu.memory_space<vmem>>) target(%dma_start3A_803 : memref<10112x128xf32, #tpu.memory_space<vmem_shared>>) offsets(%dma_start3A_800 : memref<64xi32, #tpu.memory_space<vmem>>) semaphore(%arg30 : memref<!tpu.dma_semaphore, #tpu.memory_space<semaphore_mem>>) {add = true}
      %add3A_804 = arith.constant 4 : i32
      %add3A_805 = arith.addi %add3A_789, %add3A_804 : i32
      %lt3A_806 = arith.constant 152 : i32
      %lt3A_807 = arith.cmpi slt, %add3A_805, %lt3A_806 : i32
      %convert_element_type3A_808 = arith.extui %lt3A_807 : i1 to i32
      %cond3A_809 = arith.constant 0 : i32
      %cond3A_810 = arith.cmpi ne, %convert_element_type3A_808, %cond3A_809 : i32
      scf.if %cond3A_810 {
        %add3A_908 = arith.constant 4 : i32
        %add3A_909 = arith.addi %add3A_789, %add3A_908 : i32
        %mul3A_910 = arith.constant 32 : i32
        %mul3A_911 = arith.muli %add3A_909, %mul3A_910 : i32
        %add3A_912 = arith.addi %add3A, %mul3A_911 : i32
        %dma_start3A_913 = arith.constant 0 : i32
        %dma_start3A_914 = arith.constant 0 : i32
        %dma_start3A_915 = arith.constant 0 : i32
        %dma_start3A_916 = tpu.memref_slice %arg5[%dma_start3A_914, %dma_start3A_915] : memref<2x64xi32, #tpu.memory_space<vmem>> -> memref<1x64xi32, #tpu.memory_space<vmem>>
        %dma_start3A_917 = arith.constant 0 : i32
        %dma_start3A_918 = arith.constant 0 : i32
        %dma_start3A_919 = tpu.memref_slice %arg3[%dma_start3A_913, %add3A_912, %dma_start3A_917, %dma_start3A_918] : memref<2x5000x1x64xi32, #tpu.memory_space<hbm>> -> memref<1x1x1x64xi32, #tpu.memory_space<hbm>>
        %dma_start3A_920 = tpu.memref_squeeze %dma_start3A_919 : memref<1x1x1x64xi32, #tpu.memory_space<hbm>> -> memref<1x64xi32, #tpu.memory_space<hbm>>
        %dma_start3A_921 = arith.constant 0 : i32
        %dma_start3A_922 = arith.constant 0 : i32
        %dma_start3A_923 = tpu.memref_slice %arg5[%dma_start3A_921, %dma_start3A_922] : memref<2x64xi32, #tpu.memory_space<vmem>> -> memref<1x64xi32, #tpu.memory_space<vmem>>
        %dma_start3A_924 = arith.constant 0 : i32
        %dma_start3A_925 = arith.constant 0 : i32
        %dma_start3A_926 = tpu.memref_slice %arg3[%dma_start3A_913, %add3A_912, %dma_start3A_924, %dma_start3A_925] : memref<2x5000x1x64xi32, #tpu.memory_space<hbm>> -> memref<1x1x1x64xi32, #tpu.memory_space<hbm>>
        %dma_start3A_927 = tpu.memref_squeeze %dma_start3A_926 : memref<1x1x1x64xi32, #tpu.memory_space<hbm>> -> memref<1x64xi32, #tpu.memory_space<hbm>>
        tpu.enqueue_dma source(%dma_start3A_927 : memref<1x64xi32, #tpu.memory_space<hbm>>) target(%dma_start3A_923 : memref<1x64xi32, #tpu.memory_space<vmem>>) target_semaphore(%arg18 : memref<!tpu.dma_semaphore, #tpu.memory_space<semaphore_mem>>)
        %dma_start3A_928 = arith.constant 1 : i32
        %dma_start3A_929 = arith.constant 1 : i32
        %dma_start3A_930 = arith.constant 0 : i32
        %dma_start3A_931 = tpu.memref_slice %arg5[%dma_start3A_929, %dma_start3A_930] : memref<2x64xi32, #tpu.memory_space<vmem>> -> memref<1x64xi32, #tpu.memory_space<vmem>>
        %dma_start3A_932 = arith.constant 0 : i32
        %dma_start3A_933 = arith.constant 0 : i32
        %dma_start3A_934 = tpu.memref_slice %arg3[%dma_start3A_928, %add3A_912, %dma_start3A_932, %dma_start3A_933] : memref<2x5000x1x64xi32, #tpu.memory_space<hbm>> -> memref<1x1x1x64xi32, #tpu.memory_space<hbm>>
        %dma_start3A_935 = tpu.memref_squeeze %dma_start3A_934 : memref<1x1x1x64xi32, #tpu.memory_space<hbm>> -> memref<1x64xi32, #tpu.memory_space<hbm>>
        %dma_start3A_936 = arith.constant 1 : i32
        %dma_start3A_937 = arith.constant 0 : i32
        %dma_start3A_938 = tpu.memref_slice %arg5[%dma_start3A_936, %dma_start3A_937] : memref<2x64xi32, #tpu.memory_space<vmem>> -> memref<1x64xi32, #tpu.memory_space<vmem>>
        %dma_start3A_939 = arith.constant 0 : i32
        %dma_start3A_940 = arith.constant 0 : i32
        %dma_start3A_941 = tpu.memref_slice %arg3[%dma_start3A_928, %add3A_912, %dma_start3A_939, %dma_start3A_940] : memref<2x5000x1x64xi32, #tpu.memory_space<hbm>> -> memref<1x1x1x64xi32, #tpu.memory_space<hbm>>
        %dma_start3A_942 = tpu.memref_squeeze %dma_start3A_941 : memref<1x1x1x64xi32, #tpu.memory_space<hbm>> -> memref<1x64xi32, #tpu.memory_space<hbm>>
        tpu.enqueue_dma source(%dma_start3A_942 : memref<1x64xi32, #tpu.memory_space<hbm>>) target(%dma_start3A_938 : memref<1x64xi32, #tpu.memory_space<vmem>>) target_semaphore(%arg18 : memref<!tpu.dma_semaphore, #tpu.memory_space<semaphore_mem>>)
      } else {
      }
      %add3A_811 = arith.constant 2 : i32
      %add3A_812 = arith.addi %add3A_789, %add3A_811 : i32
      %lt3A_813 = arith.constant 152 : i32
      %lt3A_814 = arith.cmpi slt, %add3A_812, %lt3A_813 : i32
      %convert_element_type3A_815 = arith.extui %lt3A_814 : i1 to i32
      %cond3A_816 = arith.constant 0 : i32
      %cond3A_817 = arith.cmpi ne, %convert_element_type3A_815, %cond3A_816 : i32
      scf.if %cond3A_817 {
        %ge3A = arith.constant 2 : i32
        %ge3A_908 = arith.cmpi sge, %add3A_789, %ge3A : i32
        %convert_element_type3A_909 = arith.extui %ge3A_908 : i1 to i32
        %cond3A_910 = arith.constant 0 : i32
        %cond3A_911 = arith.cmpi ne, %convert_element_type3A_909, %cond3A_910 : i32
        scf.if %cond3A_911 {
          %dma_wait3A_951 = arith.constant 1 : i32
          %dma_wait3A_952 = arith.constant 0 : i32
          %dma_wait3A_953 = tpu.memref_slice %arg5[%dma_wait3A_951, %dma_wait3A_952] : memref<2x64xi32, #tpu.memory_space<vmem>> -> memref<1x64xi32, #tpu.memory_space<vmem>>
          %dma_wait3A_954 = tpu.memref_squeeze %dma_wait3A_953 : memref<1x64xi32, #tpu.memory_space<vmem>> -> memref<64xi32, #tpu.memory_space<vmem>>
          %dma_wait3A_955 = arith.constant 0 : i32
          %dma_wait3A_956 = arith.constant 0 : i32
          %dma_wait3A_957 = tpu.memref_slice %arg17[%dma_wait3A_955, %dma_wait3A_956] : memref<10112x128xf32, #tpu.memory_space<vmem_shared>> -> memref<10112x128xf32, #tpu.memory_space<vmem_shared>>
          tpu.wait_indirect_dma semaphore(%arg32 : memref<!tpu.dma_semaphore, #tpu.memory_space<semaphore_mem>>) src(%arg15 : memref<64x128xf32, #tpu.memory_space<vmem>>) dst(%dma_wait3A_957 : memref<10112x128xf32, #tpu.memory_space<vmem_shared>>)
        } else {
        }
        %dma_wait3A_912 = arith.constant 0 : i32
        %dma_wait3A_913 = arith.constant 0 : i32
        %dma_wait3A_914 = arith.constant 0 : i32
        %dma_wait3A_915 = arith.constant 0 : i32
        %dma_wait3A_916 = tpu.memref_slice %arg11[%dma_wait3A_914, %dma_wait3A_915] : memref<2x64xi32, #tpu.memory_space<vmem>> -> memref<1x64xi32, #tpu.memory_space<vmem>>
        %dma_wait3A_917 = arith.constant 0 : i32
        %dma_wait3A_918 = arith.constant 0 : i32
        %dma_wait3A_919 = tpu.memref_slice %arg3[%dma_wait3A_912, %dma_wait3A_913, %dma_wait3A_917, %dma_wait3A_918] : memref<2x5000x1x64xi32, #tpu.memory_space<hbm>> -> memref<1x1x1x64xi32, #tpu.memory_space<hbm>>
        %dma_wait3A_920 = tpu.memref_squeeze %dma_wait3A_919 : memref<1x1x1x64xi32, #tpu.memory_space<hbm>> -> memref<1x64xi32, #tpu.memory_space<hbm>>
        %dma_wait3A_921 = arith.constant 0 : i32
        %dma_wait3A_922 = arith.constant 0 : i32
        %dma_wait3A_923 = tpu.memref_slice %arg11[%dma_wait3A_921, %dma_wait3A_922] : memref<2x64xi32, #tpu.memory_space<vmem>> -> memref<1x64xi32, #tpu.memory_space<vmem>>
        %dma_wait3A_924 = arith.constant 0 : i32
        %dma_wait3A_925 = arith.constant 0 : i32
        %dma_wait3A_926 = tpu.memref_slice %arg3[%dma_wait3A_912, %dma_wait3A_913, %dma_wait3A_924, %dma_wait3A_925] : memref<2x5000x1x64xi32, #tpu.memory_space<hbm>> -> memref<1x1x1x64xi32, #tpu.memory_space<hbm>>
        %dma_wait3A_927 = tpu.memref_squeeze %dma_wait3A_926 : memref<1x1x1x64xi32, #tpu.memory_space<hbm>> -> memref<1x64xi32, #tpu.memory_space<hbm>>
        tpu.wait_dma2 semaphore(%arg24 : memref<!tpu.dma_semaphore, #tpu.memory_space<semaphore_mem>>) src(%dma_wait3A_927 : memref<1x64xi32, #tpu.memory_space<hbm>>) dst(%dma_wait3A_923 : memref<1x64xi32, #tpu.memory_space<vmem>>)
        %dma_wait3A_928 = arith.constant 0 : i32
        %dma_wait3A_929 = arith.constant 0 : i32
        %dma_wait3A_930 = arith.constant 1 : i32
        %dma_wait3A_931 = arith.constant 0 : i32
        %dma_wait3A_932 = tpu.memref_slice %arg11[%dma_wait3A_930, %dma_wait3A_931] : memref<2x64xi32, #tpu.memory_space<vmem>> -> memref<1x64xi32, #tpu.memory_space<vmem>>
        %dma_wait3A_933 = arith.constant 0 : i32
        %dma_wait3A_934 = arith.constant 0 : i32
        %dma_wait3A_935 = tpu.memref_slice %arg3[%dma_wait3A_928, %dma_wait3A_929, %dma_wait3A_933, %dma_wait3A_934] : memref<2x5000x1x64xi32, #tpu.memory_space<hbm>> -> memref<1x1x1x64xi32, #tpu.memory_space<hbm>>
        %dma_wait3A_936 = tpu.memref_squeeze %dma_wait3A_935 : memref<1x1x1x64xi32, #tpu.memory_space<hbm>> -> memref<1x64xi32, #tpu.memory_space<hbm>>
        %dma_wait3A_937 = arith.constant 1 : i32
        %dma_wait3A_938 = arith.constant 0 : i32
        %dma_wait3A_939 = tpu.memref_slice %arg11[%dma_wait3A_937, %dma_wait3A_938] : memref<2x64xi32, #tpu.memory_space<vmem>> -> memref<1x64xi32, #tpu.memory_space<vmem>>
        %dma_wait3A_940 = arith.constant 0 : i32
        %dma_wait3A_941 = arith.constant 0 : i32
        %dma_wait3A_942 = tpu.memref_slice %arg3[%dma_wait3A_928, %dma_wait3A_929, %dma_wait3A_940, %dma_wait3A_941] : memref<2x5000x1x64xi32, #tpu.memory_space<hbm>> -> memref<1x1x1x64xi32, #tpu.memory_space<hbm>>
        %dma_wait3A_943 = tpu.memref_squeeze %dma_wait3A_942 : memref<1x1x1x64xi32, #tpu.memory_space<hbm>> -> memref<1x64xi32, #tpu.memory_space<hbm>>
        tpu.wait_dma2 semaphore(%arg24 : memref<!tpu.dma_semaphore, #tpu.memory_space<semaphore_mem>>) src(%dma_wait3A_943 : memref<1x64xi32, #tpu.memory_space<hbm>>) dst(%dma_wait3A_939 : memref<1x64xi32, #tpu.memory_space<vmem>>)
        %dma_start3A_944 = arith.constant 0 : i32
        %dma_start3A_945 = arith.constant 0 : i32
        %dma_start3A_946 = tpu.memref_slice %arg11[%dma_start3A_944, %dma_start3A_945] : memref<2x64xi32, #tpu.memory_space<vmem>> -> memref<1x64xi32, #tpu.memory_space<vmem>>
        %dma_start3A_947 = tpu.memref_squeeze %dma_start3A_946 : memref<1x64xi32, #tpu.memory_space<vmem>> -> memref<64xi32, #tpu.memory_space<vmem>>
        %dma_start3A_948 = arith.constant 0 : i32
        %dma_start3A_949 = arith.constant 0 : i32
        %dma_start3A_950 = tpu.memref_slice %arg2[%dma_start3A_948, %dma_start3A_949] : memref<10000x128xf32, #tpu.memory_space<hbm>> -> memref<10000x128xf32, #tpu.memory_space<hbm>>
        tpu.enqueue_indirect_dma source(%dma_start3A_950 : memref<10000x128xf32, #tpu.memory_space<hbm>>) target(%arg15 : memref<64x128xf32, #tpu.memory_space<vmem>>) offsets(%dma_start3A_947 : memref<64xi32, #tpu.memory_space<vmem>>) semaphore(%arg28 : memref<!tpu.dma_semaphore, #tpu.memory_space<semaphore_mem>>)
      } else {
      }
      %add3A_818 = arith.constant 5 : i32
      %add3A_819 = arith.addi %mul3A_667, %add3A_818 : i32
      %dma_wait3A_820 = arith.constant 0 : i32
      %dma_wait3A_821 = arith.constant 0 : i32
      %dma_wait3A_822 = tpu.memref_slice %arg5[%dma_wait3A_820, %dma_wait3A_821] : memref<2x64xi32, #tpu.memory_space<vmem>> -> memref<1x64xi32, #tpu.memory_space<vmem>>
      %dma_wait3A_823 = tpu.memref_squeeze %dma_wait3A_822 : memref<1x64xi32, #tpu.memory_space<vmem>> -> memref<64xi32, #tpu.memory_space<vmem>>
      %dma_wait3A_824 = arith.constant 0 : i32
      %dma_wait3A_825 = arith.constant 0 : i32
      %dma_wait3A_826 = tpu.memref_slice %arg2[%dma_wait3A_824, %dma_wait3A_825] : memref<10000x128xf32, #tpu.memory_space<hbm>> -> memref<10000x128xf32, #tpu.memory_space<hbm>>
      tpu.wait_indirect_dma semaphore(%arg27 : memref<!tpu.dma_semaphore, #tpu.memory_space<semaphore_mem>>) src(%dma_wait3A_826 : memref<10000x128xf32, #tpu.memory_space<hbm>>) dst(%arg14 : memref<64x128xf32, #tpu.memory_space<vmem>>)
      %dma_start3A_827 = arith.constant 1 : i32
      %dma_start3A_828 = arith.constant 0 : i32
      %dma_start3A_829 = tpu.memref_slice %arg10[%dma_start3A_827, %dma_start3A_828] : memref<2x64xi32, #tpu.memory_space<vmem>> -> memref<1x64xi32, #tpu.memory_space<vmem>>
      %dma_start3A_830 = tpu.memref_squeeze %dma_start3A_829 : memref<1x64xi32, #tpu.memory_space<vmem>> -> memref<64xi32, #tpu.memory_space<vmem>>
      %dma_start3A_831 = arith.constant 0 : i32
      %dma_start3A_832 = arith.constant 0 : i32
      %dma_start3A_833 = tpu.memref_slice %arg17[%dma_start3A_831, %dma_start3A_832] : memref<10112x128xf32, #tpu.memory_space<vmem_shared>> -> memref<10112x128xf32, #tpu.memory_space<vmem_shared>>
      tpu.enqueue_indirect_dma source(%arg14 : memref<64x128xf32, #tpu.memory_space<vmem>>) target(%dma_start3A_833 : memref<10112x128xf32, #tpu.memory_space<vmem_shared>>) offsets(%dma_start3A_830 : memref<64xi32, #tpu.memory_space<vmem>>) semaphore(%arg31 : memref<!tpu.dma_semaphore, #tpu.memory_space<semaphore_mem>>) {add = true}
      %add3A_834 = arith.constant 4 : i32
      %add3A_835 = arith.addi %add3A_819, %add3A_834 : i32
      %lt3A_836 = arith.constant 152 : i32
      %lt3A_837 = arith.cmpi slt, %add3A_835, %lt3A_836 : i32
      %convert_element_type3A_838 = arith.extui %lt3A_837 : i1 to i32
      %cond3A_839 = arith.constant 0 : i32
      %cond3A_840 = arith.cmpi ne, %convert_element_type3A_838, %cond3A_839 : i32
      scf.if %cond3A_840 {
        %add3A_908 = arith.constant 4 : i32
        %add3A_909 = arith.addi %add3A_819, %add3A_908 : i32
        %mul3A_910 = arith.constant 32 : i32
        %mul3A_911 = arith.muli %add3A_909, %mul3A_910 : i32
        %add3A_912 = arith.addi %add3A, %mul3A_911 : i32
        %dma_start3A_913 = arith.constant 0 : i32
        %dma_start3A_914 = arith.constant 0 : i32
        %dma_start3A_915 = arith.constant 0 : i32
        %dma_start3A_916 = tpu.memref_slice %arg6[%dma_start3A_914, %dma_start3A_915] : memref<2x64xi32, #tpu.memory_space<vmem>> -> memref<1x64xi32, #tpu.memory_space<vmem>>
        %dma_start3A_917 = arith.constant 0 : i32
        %dma_start3A_918 = arith.constant 0 : i32
        %dma_start3A_919 = tpu.memref_slice %arg3[%dma_start3A_913, %add3A_912, %dma_start3A_917, %dma_start3A_918] : memref<2x5000x1x64xi32, #tpu.memory_space<hbm>> -> memref<1x1x1x64xi32, #tpu.memory_space<hbm>>
        %dma_start3A_920 = tpu.memref_squeeze %dma_start3A_919 : memref<1x1x1x64xi32, #tpu.memory_space<hbm>> -> memref<1x64xi32, #tpu.memory_space<hbm>>
        %dma_start3A_921 = arith.constant 0 : i32
        %dma_start3A_922 = arith.constant 0 : i32
        %dma_start3A_923 = tpu.memref_slice %arg6[%dma_start3A_921, %dma_start3A_922] : memref<2x64xi32, #tpu.memory_space<vmem>> -> memref<1x64xi32, #tpu.memory_space<vmem>>
        %dma_start3A_924 = arith.constant 0 : i32
        %dma_start3A_925 = arith.constant 0 : i32
        %dma_start3A_926 = tpu.memref_slice %arg3[%dma_start3A_913, %add3A_912, %dma_start3A_924, %dma_start3A_925] : memref<2x5000x1x64xi32, #tpu.memory_space<hbm>> -> memref<1x1x1x64xi32, #tpu.memory_space<hbm>>
        %dma_start3A_927 = tpu.memref_squeeze %dma_start3A_926 : memref<1x1x1x64xi32, #tpu.memory_space<hbm>> -> memref<1x64xi32, #tpu.memory_space<hbm>>
        tpu.enqueue_dma source(%dma_start3A_927 : memref<1x64xi32, #tpu.memory_space<hbm>>) target(%dma_start3A_923 : memref<1x64xi32, #tpu.memory_space<vmem>>) target_semaphore(%arg19 : memref<!tpu.dma_semaphore, #tpu.memory_space<semaphore_mem>>)
        %dma_start3A_928 = arith.constant 1 : i32
        %dma_start3A_929 = arith.constant 1 : i32
        %dma_start3A_930 = arith.constant 0 : i32
        %dma_start3A_931 = tpu.memref_slice %arg6[%dma_start3A_929, %dma_start3A_930] : memref<2x64xi32, #tpu.memory_space<vmem>> -> memref<1x64xi32, #tpu.memory_space<vmem>>
        %dma_start3A_932 = arith.constant 0 : i32
        %dma_start3A_933 = arith.constant 0 : i32
        %dma_start3A_934 = tpu.memref_slice %arg3[%dma_start3A_928, %add3A_912, %dma_start3A_932, %dma_start3A_933] : memref<2x5000x1x64xi32, #tpu.memory_space<hbm>> -> memref<1x1x1x64xi32, #tpu.memory_space<hbm>>
        %dma_start3A_935 = tpu.memref_squeeze %dma_start3A_934 : memref<1x1x1x64xi32, #tpu.memory_space<hbm>> -> memref<1x64xi32, #tpu.memory_space<hbm>>
        %dma_start3A_936 = arith.constant 1 : i32
        %dma_start3A_937 = arith.constant 0 : i32
        %dma_start3A_938 = tpu.memref_slice %arg6[%dma_start3A_936, %dma_start3A_937] : memref<2x64xi32, #tpu.memory_space<vmem>> -> memref<1x64xi32, #tpu.memory_space<vmem>>
        %dma_start3A_939 = arith.constant 0 : i32
        %dma_start3A_940 = arith.constant 0 : i32
        %dma_start3A_941 = tpu.memref_slice %arg3[%dma_start3A_928, %add3A_912, %dma_start3A_939, %dma_start3A_940] : memref<2x5000x1x64xi32, #tpu.memory_space<hbm>> -> memref<1x1x1x64xi32, #tpu.memory_space<hbm>>
        %dma_start3A_942 = tpu.memref_squeeze %dma_start3A_941 : memref<1x1x1x64xi32, #tpu.memory_space<hbm>> -> memref<1x64xi32, #tpu.memory_space<hbm>>
        tpu.enqueue_dma source(%dma_start3A_942 : memref<1x64xi32, #tpu.memory_space<hbm>>) target(%dma_start3A_938 : memref<1x64xi32, #tpu.memory_space<vmem>>) target_semaphore(%arg19 : memref<!tpu.dma_semaphore, #tpu.memory_space<semaphore_mem>>)
      } else {
      }
      %add3A_841 = arith.constant 2 : i32
      %add3A_842 = arith.addi %add3A_819, %add3A_841 : i32
      %lt3A_843 = arith.constant 152 : i32
      %lt3A_844 = arith.cmpi slt, %add3A_842, %lt3A_843 : i32
      %convert_element_type3A_845 = arith.extui %lt3A_844 : i1 to i32
      %cond3A_846 = arith.constant 0 : i32
      %cond3A_847 = arith.cmpi ne, %convert_element_type3A_845, %cond3A_846 : i32
      scf.if %cond3A_847 {
        %ge3A = arith.constant 2 : i32
        %ge3A_908 = arith.cmpi sge, %add3A_819, %ge3A : i32
        %convert_element_type3A_909 = arith.extui %ge3A_908 : i1 to i32
        %cond3A_910 = arith.constant 0 : i32
        %cond3A_911 = arith.cmpi ne, %convert_element_type3A_909, %cond3A_910 : i32
        scf.if %cond3A_911 {
          %dma_wait3A_951 = arith.constant 1 : i32
          %dma_wait3A_952 = arith.constant 0 : i32
          %dma_wait3A_953 = tpu.memref_slice %arg5[%dma_wait3A_951, %dma_wait3A_952] : memref<2x64xi32, #tpu.memory_space<vmem>> -> memref<1x64xi32, #tpu.memory_space<vmem>>
          %dma_wait3A_954 = tpu.memref_squeeze %dma_wait3A_953 : memref<1x64xi32, #tpu.memory_space<vmem>> -> memref<64xi32, #tpu.memory_space<vmem>>
          %dma_wait3A_955 = arith.constant 0 : i32
          %dma_wait3A_956 = arith.constant 0 : i32
          %dma_wait3A_957 = tpu.memref_slice %arg17[%dma_wait3A_955, %dma_wait3A_956] : memref<10112x128xf32, #tpu.memory_space<vmem_shared>> -> memref<10112x128xf32, #tpu.memory_space<vmem_shared>>
          tpu.wait_indirect_dma semaphore(%arg33 : memref<!tpu.dma_semaphore, #tpu.memory_space<semaphore_mem>>) src(%arg16 : memref<64x128xf32, #tpu.memory_space<vmem>>) dst(%dma_wait3A_957 : memref<10112x128xf32, #tpu.memory_space<vmem_shared>>)
        } else {
        }
        %dma_wait3A_912 = arith.constant 0 : i32
        %dma_wait3A_913 = arith.constant 0 : i32
        %dma_wait3A_914 = arith.constant 0 : i32
        %dma_wait3A_915 = arith.constant 0 : i32
        %dma_wait3A_916 = tpu.memref_slice %arg12[%dma_wait3A_914, %dma_wait3A_915] : memref<2x64xi32, #tpu.memory_space<vmem>> -> memref<1x64xi32, #tpu.memory_space<vmem>>
        %dma_wait3A_917 = arith.constant 0 : i32
        %dma_wait3A_918 = arith.constant 0 : i32
        %dma_wait3A_919 = tpu.memref_slice %arg3[%dma_wait3A_912, %dma_wait3A_913, %dma_wait3A_917, %dma_wait3A_918] : memref<2x5000x1x64xi32, #tpu.memory_space<hbm>> -> memref<1x1x1x64xi32, #tpu.memory_space<hbm>>
        %dma_wait3A_920 = tpu.memref_squeeze %dma_wait3A_919 : memref<1x1x1x64xi32, #tpu.memory_space<hbm>> -> memref<1x64xi32, #tpu.memory_space<hbm>>
        %dma_wait3A_921 = arith.constant 0 : i32
        %dma_wait3A_922 = arith.constant 0 : i32
        %dma_wait3A_923 = tpu.memref_slice %arg12[%dma_wait3A_921, %dma_wait3A_922] : memref<2x64xi32, #tpu.memory_space<vmem>> -> memref<1x64xi32, #tpu.memory_space<vmem>>
        %dma_wait3A_924 = arith.constant 0 : i32
        %dma_wait3A_925 = arith.constant 0 : i32
        %dma_wait3A_926 = tpu.memref_slice %arg3[%dma_wait3A_912, %dma_wait3A_913, %dma_wait3A_924, %dma_wait3A_925] : memref<2x5000x1x64xi32, #tpu.memory_space<hbm>> -> memref<1x1x1x64xi32, #tpu.memory_space<hbm>>
        %dma_wait3A_927 = tpu.memref_squeeze %dma_wait3A_926 : memref<1x1x1x64xi32, #tpu.memory_space<hbm>> -> memref<1x64xi32, #tpu.memory_space<hbm>>
        tpu.wait_dma2 semaphore(%arg25 : memref<!tpu.dma_semaphore, #tpu.memory_space<semaphore_mem>>) src(%dma_wait3A_927 : memref<1x64xi32, #tpu.memory_space<hbm>>) dst(%dma_wait3A_923 : memref<1x64xi32, #tpu.memory_space<vmem>>)
        %dma_wait3A_928 = arith.constant 0 : i32
        %dma_wait3A_929 = arith.constant 0 : i32
        %dma_wait3A_930 = arith.constant 1 : i32
        %dma_wait3A_931 = arith.constant 0 : i32
        %dma_wait3A_932 = tpu.memref_slice %arg12[%dma_wait3A_930, %dma_wait3A_931] : memref<2x64xi32, #tpu.memory_space<vmem>> -> memref<1x64xi32, #tpu.memory_space<vmem>>
        %dma_wait3A_933 = arith.constant 0 : i32
        %dma_wait3A_934 = arith.constant 0 : i32
        %dma_wait3A_935 = tpu.memref_slice %arg3[%dma_wait3A_928, %dma_wait3A_929, %dma_wait3A_933, %dma_wait3A_934] : memref<2x5000x1x64xi32, #tpu.memory_space<hbm>> -> memref<1x1x1x64xi32, #tpu.memory_space<hbm>>
        %dma_wait3A_936 = tpu.memref_squeeze %dma_wait3A_935 : memref<1x1x1x64xi32, #tpu.memory_space<hbm>> -> memref<1x64xi32, #tpu.memory_space<hbm>>
        %dma_wait3A_937 = arith.constant 1 : i32
        %dma_wait3A_938 = arith.constant 0 : i32
        %dma_wait3A_939 = tpu.memref_slice %arg12[%dma_wait3A_937, %dma_wait3A_938] : memref<2x64xi32, #tpu.memory_space<vmem>> -> memref<1x64xi32, #tpu.memory_space<vmem>>
        %dma_wait3A_940 = arith.constant 0 : i32
        %dma_wait3A_941 = arith.constant 0 : i32
        %dma_wait3A_942 = tpu.memref_slice %arg3[%dma_wait3A_928, %dma_wait3A_929, %dma_wait3A_940, %dma_wait3A_941] : memref<2x5000x1x64xi32, #tpu.memory_space<hbm>> -> memref<1x1x1x64xi32, #tpu.memory_space<hbm>>
        %dma_wait3A_943 = tpu.memref_squeeze %dma_wait3A_942 : memref<1x1x1x64xi32, #tpu.memory_space<hbm>> -> memref<1x64xi32, #tpu.memory_space<hbm>>
        tpu.wait_dma2 semaphore(%arg25 : memref<!tpu.dma_semaphore, #tpu.memory_space<semaphore_mem>>) src(%dma_wait3A_943 : memref<1x64xi32, #tpu.memory_space<hbm>>) dst(%dma_wait3A_939 : memref<1x64xi32, #tpu.memory_space<vmem>>)
        %dma_start3A_944 = arith.constant 0 : i32
        %dma_start3A_945 = arith.constant 0 : i32
        %dma_start3A_946 = tpu.memref_slice %arg12[%dma_start3A_944, %dma_start3A_945] : memref<2x64xi32, #tpu.memory_space<vmem>> -> memref<1x64xi32, #tpu.memory_space<vmem>>
        %dma_start3A_947 = tpu.memref_squeeze %dma_start3A_946 : memref<1x64xi32, #tpu.memory_space<vmem>> -> memref<64xi32, #tpu.memory_space<vmem>>
        %dma_start3A_948 = arith.constant 0 : i32
        %dma_start3A_949 = arith.constant 0 : i32
        %dma_start3A_950 = tpu.memref_slice %arg2[%dma_start3A_948, %dma_start3A_949] : memref<10000x128xf32, #tpu.memory_space<hbm>> -> memref<10000x128xf32, #tpu.memory_space<hbm>>
        tpu.enqueue_indirect_dma source(%dma_start3A_950 : memref<10000x128xf32, #tpu.memory_space<hbm>>) target(%arg16 : memref<64x128xf32, #tpu.memory_space<vmem>>) offsets(%dma_start3A_947 : memref<64xi32, #tpu.memory_space<vmem>>) semaphore(%arg29 : memref<!tpu.dma_semaphore, #tpu.memory_space<semaphore_mem>>)
      } else {
      }
      %add3A_848 = arith.constant 6 : i32
      %add3A_849 = arith.addi %mul3A_667, %add3A_848 : i32
      %dma_wait3A_850 = arith.constant 0 : i32
      %dma_wait3A_851 = arith.constant 0 : i32
      %dma_wait3A_852 = tpu.memref_slice %arg5[%dma_wait3A_850, %dma_wait3A_851] : memref<2x64xi32, #tpu.memory_space<vmem>> -> memref<1x64xi32, #tpu.memory_space<vmem>>
      %dma_wait3A_853 = tpu.memref_squeeze %dma_wait3A_852 : memref<1x64xi32, #tpu.memory_space<vmem>> -> memref<64xi32, #tpu.memory_space<vmem>>
      %dma_wait3A_854 = arith.constant 0 : i32
      %dma_wait3A_855 = arith.constant 0 : i32
      %dma_wait3A_856 = tpu.memref_slice %arg2[%dma_wait3A_854, %dma_wait3A_855] : memref<10000x128xf32, #tpu.memory_space<hbm>> -> memref<10000x128xf32, #tpu.memory_space<hbm>>
      tpu.wait_indirect_dma semaphore(%arg28 : memref<!tpu.dma_semaphore, #tpu.memory_space<semaphore_mem>>) src(%dma_wait3A_856 : memref<10000x128xf32, #tpu.memory_space<hbm>>) dst(%arg15 : memref<64x128xf32, #tpu.memory_space<vmem>>)
      %dma_start3A_857 = arith.constant 1 : i32
      %dma_start3A_858 = arith.constant 0 : i32
      %dma_start3A_859 = tpu.memref_slice %arg11[%dma_start3A_857, %dma_start3A_858] : memref<2x64xi32, #tpu.memory_space<vmem>> -> memref<1x64xi32, #tpu.memory_space<vmem>>
      %dma_start3A_860 = tpu.memref_squeeze %dma_start3A_859 : memref<1x64xi32, #tpu.memory_space<vmem>> -> memref<64xi32, #tpu.memory_space<vmem>>
      %dma_start3A_861 = arith.constant 0 : i32
      %dma_start3A_862 = arith.constant 0 : i32
      %dma_start3A_863 = tpu.memref_slice %arg17[%dma_start3A_861, %dma_start3A_862] : memref<10112x128xf32, #tpu.memory_space<vmem_shared>> -> memref<10112x128xf32, #tpu.memory_space<vmem_shared>>
      tpu.enqueue_indirect_dma source(%arg15 : memref<64x128xf32, #tpu.memory_space<vmem>>) target(%dma_start3A_863 : memref<10112x128xf32, #tpu.memory_space<vmem_shared>>) offsets(%dma_start3A_860 : memref<64xi32, #tpu.memory_space<vmem>>) semaphore(%arg32 : memref<!tpu.dma_semaphore, #tpu.memory_space<semaphore_mem>>) {add = true}
      %add3A_864 = arith.constant 4 : i32
      %add3A_865 = arith.addi %add3A_849, %add3A_864 : i32
      %lt3A_866 = arith.constant 152 : i32
      %lt3A_867 = arith.cmpi slt, %add3A_865, %lt3A_866 : i32
      %convert_element_type3A_868 = arith.extui %lt3A_867 : i1 to i32
      %cond3A_869 = arith.constant 0 : i32
      %cond3A_870 = arith.cmpi ne, %convert_element_type3A_868, %cond3A_869 : i32
      scf.if %cond3A_870 {
        %add3A_908 = arith.constant 4 : i32
        %add3A_909 = arith.addi %add3A_849, %add3A_908 : i32
        %mul3A_910 = arith.constant 32 : i32
        %mul3A_911 = arith.muli %add3A_909, %mul3A_910 : i32
        %add3A_912 = arith.addi %add3A, %mul3A_911 : i32
        %dma_start3A_913 = arith.constant 0 : i32
        %dma_start3A_914 = arith.constant 0 : i32
        %dma_start3A_915 = arith.constant 0 : i32
        %dma_start3A_916 = tpu.memref_slice %arg7[%dma_start3A_914, %dma_start3A_915] : memref<2x64xi32, #tpu.memory_space<vmem>> -> memref<1x64xi32, #tpu.memory_space<vmem>>
        %dma_start3A_917 = arith.constant 0 : i32
        %dma_start3A_918 = arith.constant 0 : i32
        %dma_start3A_919 = tpu.memref_slice %arg3[%dma_start3A_913, %add3A_912, %dma_start3A_917, %dma_start3A_918] : memref<2x5000x1x64xi32, #tpu.memory_space<hbm>> -> memref<1x1x1x64xi32, #tpu.memory_space<hbm>>
        %dma_start3A_920 = tpu.memref_squeeze %dma_start3A_919 : memref<1x1x1x64xi32, #tpu.memory_space<hbm>> -> memref<1x64xi32, #tpu.memory_space<hbm>>
        %dma_start3A_921 = arith.constant 0 : i32
        %dma_start3A_922 = arith.constant 0 : i32
        %dma_start3A_923 = tpu.memref_slice %arg7[%dma_start3A_921, %dma_start3A_922] : memref<2x64xi32, #tpu.memory_space<vmem>> -> memref<1x64xi32, #tpu.memory_space<vmem>>
        %dma_start3A_924 = arith.constant 0 : i32
        %dma_start3A_925 = arith.constant 0 : i32
        %dma_start3A_926 = tpu.memref_slice %arg3[%dma_start3A_913, %add3A_912, %dma_start3A_924, %dma_start3A_925] : memref<2x5000x1x64xi32, #tpu.memory_space<hbm>> -> memref<1x1x1x64xi32, #tpu.memory_space<hbm>>
        %dma_start3A_927 = tpu.memref_squeeze %dma_start3A_926 : memref<1x1x1x64xi32, #tpu.memory_space<hbm>> -> memref<1x64xi32, #tpu.memory_space<hbm>>
        tpu.enqueue_dma source(%dma_start3A_927 : memref<1x64xi32, #tpu.memory_space<hbm>>) target(%dma_start3A_923 : memref<1x64xi32, #tpu.memory_space<vmem>>) target_semaphore(%arg20 : memref<!tpu.dma_semaphore, #tpu.memory_space<semaphore_mem>>)
        %dma_start3A_928 = arith.constant 1 : i32
        %dma_start3A_929 = arith.constant 1 : i32
        %dma_start3A_930 = arith.constant 0 : i32
        %dma_start3A_931 = tpu.memref_slice %arg7[%dma_start3A_929, %dma_start3A_930] : memref<2x64xi32, #tpu.memory_space<vmem>> -> memref<1x64xi32, #tpu.memory_space<vmem>>
        %dma_start3A_932 = arith.constant 0 : i32
        %dma_start3A_933 = arith.constant 0 : i32
        %dma_start3A_934 = tpu.memref_slice %arg3[%dma_start3A_928, %add3A_912, %dma_start3A_932, %dma_start3A_933] : memref<2x5000x1x64xi32, #tpu.memory_space<hbm>> -> memref<1x1x1x64xi32, #tpu.memory_space<hbm>>
        %dma_start3A_935 = tpu.memref_squeeze %dma_start3A_934 : memref<1x1x1x64xi32, #tpu.memory_space<hbm>> -> memref<1x64xi32, #tpu.memory_space<hbm>>
        %dma_start3A_936 = arith.constant 1 : i32
        %dma_start3A_937 = arith.constant 0 : i32
        %dma_start3A_938 = tpu.memref_slice %arg7[%dma_start3A_936, %dma_start3A_937] : memref<2x64xi32, #tpu.memory_space<vmem>> -> memref<1x64xi32, #tpu.memory_space<vmem>>
        %dma_start3A_939 = arith.constant 0 : i32
        %dma_start3A_940 = arith.constant 0 : i32
        %dma_start3A_941 = tpu.memref_slice %arg3[%dma_start3A_928, %add3A_912, %dma_start3A_939, %dma_start3A_940] : memref<2x5000x1x64xi32, #tpu.memory_space<hbm>> -> memref<1x1x1x64xi32, #tpu.memory_space<hbm>>
        %dma_start3A_942 = tpu.memref_squeeze %dma_start3A_941 : memref<1x1x1x64xi32, #tpu.memory_space<hbm>> -> memref<1x64xi32, #tpu.memory_space<hbm>>
        tpu.enqueue_dma source(%dma_start3A_942 : memref<1x64xi32, #tpu.memory_space<hbm>>) target(%dma_start3A_938 : memref<1x64xi32, #tpu.memory_space<vmem>>) target_semaphore(%arg20 : memref<!tpu.dma_semaphore, #tpu.memory_space<semaphore_mem>>)
      } else {
      }
      %add3A_871 = arith.constant 2 : i32
      %add3A_872 = arith.addi %add3A_849, %add3A_871 : i32
      %lt3A_873 = arith.constant 152 : i32
      %lt3A_874 = arith.cmpi slt, %add3A_872, %lt3A_873 : i32
      %convert_element_type3A_875 = arith.extui %lt3A_874 : i1 to i32
      %cond3A_876 = arith.constant 0 : i32
      %cond3A_877 = arith.cmpi ne, %convert_element_type3A_875, %cond3A_876 : i32
      scf.if %cond3A_877 {
        %ge3A = arith.constant 2 : i32
        %ge3A_908 = arith.cmpi sge, %add3A_849, %ge3A : i32
        %convert_element_type3A_909 = arith.extui %ge3A_908 : i1 to i32
        %cond3A_910 = arith.constant 0 : i32
        %cond3A_911 = arith.cmpi ne, %convert_element_type3A_909, %cond3A_910 : i32
        scf.if %cond3A_911 {
          %dma_wait3A_951 = arith.constant 1 : i32
          %dma_wait3A_952 = arith.constant 0 : i32
          %dma_wait3A_953 = tpu.memref_slice %arg5[%dma_wait3A_951, %dma_wait3A_952] : memref<2x64xi32, #tpu.memory_space<vmem>> -> memref<1x64xi32, #tpu.memory_space<vmem>>
          %dma_wait3A_954 = tpu.memref_squeeze %dma_wait3A_953 : memref<1x64xi32, #tpu.memory_space<vmem>> -> memref<64xi32, #tpu.memory_space<vmem>>
          %dma_wait3A_955 = arith.constant 0 : i32
          %dma_wait3A_956 = arith.constant 0 : i32
          %dma_wait3A_957 = tpu.memref_slice %arg17[%dma_wait3A_955, %dma_wait3A_956] : memref<10112x128xf32, #tpu.memory_space<vmem_shared>> -> memref<10112x128xf32, #tpu.memory_space<vmem_shared>>
          tpu.wait_indirect_dma semaphore(%arg30 : memref<!tpu.dma_semaphore, #tpu.memory_space<semaphore_mem>>) src(%arg13 : memref<64x128xf32, #tpu.memory_space<vmem>>) dst(%dma_wait3A_957 : memref<10112x128xf32, #tpu.memory_space<vmem_shared>>)
        } else {
        }
        %dma_wait3A_912 = arith.constant 0 : i32
        %dma_wait3A_913 = arith.constant 0 : i32
        %dma_wait3A_914 = arith.constant 0 : i32
        %dma_wait3A_915 = arith.constant 0 : i32
        %dma_wait3A_916 = tpu.memref_slice %arg5[%dma_wait3A_914, %dma_wait3A_915] : memref<2x64xi32, #tpu.memory_space<vmem>> -> memref<1x64xi32, #tpu.memory_space<vmem>>
        %dma_wait3A_917 = arith.constant 0 : i32
        %dma_wait3A_918 = arith.constant 0 : i32
        %dma_wait3A_919 = tpu.memref_slice %arg3[%dma_wait3A_912, %dma_wait3A_913, %dma_wait3A_917, %dma_wait3A_918] : memref<2x5000x1x64xi32, #tpu.memory_space<hbm>> -> memref<1x1x1x64xi32, #tpu.memory_space<hbm>>
        %dma_wait3A_920 = tpu.memref_squeeze %dma_wait3A_919 : memref<1x1x1x64xi32, #tpu.memory_space<hbm>> -> memref<1x64xi32, #tpu.memory_space<hbm>>
        %dma_wait3A_921 = arith.constant 0 : i32
        %dma_wait3A_922 = arith.constant 0 : i32
        %dma_wait3A_923 = tpu.memref_slice %arg5[%dma_wait3A_921, %dma_wait3A_922] : memref<2x64xi32, #tpu.memory_space<vmem>> -> memref<1x64xi32, #tpu.memory_space<vmem>>
        %dma_wait3A_924 = arith.constant 0 : i32
        %dma_wait3A_925 = arith.constant 0 : i32
        %dma_wait3A_926 = tpu.memref_slice %arg3[%dma_wait3A_912, %dma_wait3A_913, %dma_wait3A_924, %dma_wait3A_925] : memref<2x5000x1x64xi32, #tpu.memory_space<hbm>> -> memref<1x1x1x64xi32, #tpu.memory_space<hbm>>
        %dma_wait3A_927 = tpu.memref_squeeze %dma_wait3A_926 : memref<1x1x1x64xi32, #tpu.memory_space<hbm>> -> memref<1x64xi32, #tpu.memory_space<hbm>>
        tpu.wait_dma2 semaphore(%arg18 : memref<!tpu.dma_semaphore, #tpu.memory_space<semaphore_mem>>) src(%dma_wait3A_927 : memref<1x64xi32, #tpu.memory_space<hbm>>) dst(%dma_wait3A_923 : memref<1x64xi32, #tpu.memory_space<vmem>>)
        %dma_wait3A_928 = arith.constant 0 : i32
        %dma_wait3A_929 = arith.constant 0 : i32
        %dma_wait3A_930 = arith.constant 1 : i32
        %dma_wait3A_931 = arith.constant 0 : i32
        %dma_wait3A_932 = tpu.memref_slice %arg5[%dma_wait3A_930, %dma_wait3A_931] : memref<2x64xi32, #tpu.memory_space<vmem>> -> memref<1x64xi32, #tpu.memory_space<vmem>>
        %dma_wait3A_933 = arith.constant 0 : i32
        %dma_wait3A_934 = arith.constant 0 : i32
        %dma_wait3A_935 = tpu.memref_slice %arg3[%dma_wait3A_928, %dma_wait3A_929, %dma_wait3A_933, %dma_wait3A_934] : memref<2x5000x1x64xi32, #tpu.memory_space<hbm>> -> memref<1x1x1x64xi32, #tpu.memory_space<hbm>>
        %dma_wait3A_936 = tpu.memref_squeeze %dma_wait3A_935 : memref<1x1x1x64xi32, #tpu.memory_space<hbm>> -> memref<1x64xi32, #tpu.memory_space<hbm>>
        %dma_wait3A_937 = arith.constant 1 : i32
        %dma_wait3A_938 = arith.constant 0 : i32
        %dma_wait3A_939 = tpu.memref_slice %arg5[%dma_wait3A_937, %dma_wait3A_938] : memref<2x64xi32, #tpu.memory_space<vmem>> -> memref<1x64xi32, #tpu.memory_space<vmem>>
        %dma_wait3A_940 = arith.constant 0 : i32
        %dma_wait3A_941 = arith.constant 0 : i32
        %dma_wait3A_942 = tpu.memref_slice %arg3[%dma_wait3A_928, %dma_wait3A_929, %dma_wait3A_940, %dma_wait3A_941] : memref<2x5000x1x64xi32, #tpu.memory_space<hbm>> -> memref<1x1x1x64xi32, #tpu.memory_space<hbm>>
        %dma_wait3A_943 = tpu.memref_squeeze %dma_wait3A_942 : memref<1x1x1x64xi32, #tpu.memory_space<hbm>> -> memref<1x64xi32, #tpu.memory_space<hbm>>
        tpu.wait_dma2 semaphore(%arg18 : memref<!tpu.dma_semaphore, #tpu.memory_space<semaphore_mem>>) src(%dma_wait3A_943 : memref<1x64xi32, #tpu.memory_space<hbm>>) dst(%dma_wait3A_939 : memref<1x64xi32, #tpu.memory_space<vmem>>)
        %dma_start3A_944 = arith.constant 0 : i32
        %dma_start3A_945 = arith.constant 0 : i32
        %dma_start3A_946 = tpu.memref_slice %arg5[%dma_start3A_944, %dma_start3A_945] : memref<2x64xi32, #tpu.memory_space<vmem>> -> memref<1x64xi32, #tpu.memory_space<vmem>>
        %dma_start3A_947 = tpu.memref_squeeze %dma_start3A_946 : memref<1x64xi32, #tpu.memory_space<vmem>> -> memref<64xi32, #tpu.memory_space<vmem>>
        %dma_start3A_948 = arith.constant 0 : i32
        %dma_start3A_949 = arith.constant 0 : i32
        %dma_start3A_950 = tpu.memref_slice %arg2[%dma_start3A_948, %dma_start3A_949] : memref<10000x128xf32, #tpu.memory_space<hbm>> -> memref<10000x128xf32, #tpu.memory_space<hbm>>
        tpu.enqueue_indirect_dma source(%dma_start3A_950 : memref<10000x128xf32, #tpu.memory_space<hbm>>) target(%arg13 : memref<64x128xf32, #tpu.memory_space<vmem>>) offsets(%dma_start3A_947 : memref<64xi32, #tpu.memory_space<vmem>>) semaphore(%arg26 : memref<!tpu.dma_semaphore, #tpu.memory_space<semaphore_mem>>)
      } else {
      }
      %add3A_878 = arith.constant 7 : i32
      %add3A_879 = arith.addi %mul3A_667, %add3A_878 : i32
      %dma_wait3A_880 = arith.constant 0 : i32
      %dma_wait3A_881 = arith.constant 0 : i32
      %dma_wait3A_882 = tpu.memref_slice %arg5[%dma_wait3A_880, %dma_wait3A_881] : memref<2x64xi32, #tpu.memory_space<vmem>> -> memref<1x64xi32, #tpu.memory_space<vmem>>
      %dma_wait3A_883 = tpu.memref_squeeze %dma_wait3A_882 : memref<1x64xi32, #tpu.memory_space<vmem>> -> memref<64xi32, #tpu.memory_space<vmem>>
      %dma_wait3A_884 = arith.constant 0 : i32
      %dma_wait3A_885 = arith.constant 0 : i32
      %dma_wait3A_886 = tpu.memref_slice %arg2[%dma_wait3A_884, %dma_wait3A_885] : memref<10000x128xf32, #tpu.memory_space<hbm>> -> memref<10000x128xf32, #tpu.memory_space<hbm>>
      tpu.wait_indirect_dma semaphore(%arg29 : memref<!tpu.dma_semaphore, #tpu.memory_space<semaphore_mem>>) src(%dma_wait3A_886 : memref<10000x128xf32, #tpu.memory_space<hbm>>) dst(%arg16 : memref<64x128xf32, #tpu.memory_space<vmem>>)
      %dma_start3A_887 = arith.constant 1 : i32
      %dma_start3A_888 = arith.constant 0 : i32
      %dma_start3A_889 = tpu.memref_slice %arg12[%dma_start3A_887, %dma_start3A_888] : memref<2x64xi32, #tpu.memory_space<vmem>> -> memref<1x64xi32, #tpu.memory_space<vmem>>
      %dma_start3A_890 = tpu.memref_squeeze %dma_start3A_889 : memref<1x64xi32, #tpu.memory_space<vmem>> -> memref<64xi32, #tpu.memory_space<vmem>>
      %dma_start3A_891 = arith.constant 0 : i32
      %dma_start3A_892 = arith.constant 0 : i32
      %dma_start3A_893 = tpu.memref_slice %arg17[%dma_start3A_891, %dma_start3A_892] : memref<10112x128xf32, #tpu.memory_space<vmem_shared>> -> memref<10112x128xf32, #tpu.memory_space<vmem_shared>>
      tpu.enqueue_indirect_dma source(%arg16 : memref<64x128xf32, #tpu.memory_space<vmem>>) target(%dma_start3A_893 : memref<10112x128xf32, #tpu.memory_space<vmem_shared>>) offsets(%dma_start3A_890 : memref<64xi32, #tpu.memory_space<vmem>>) semaphore(%arg33 : memref<!tpu.dma_semaphore, #tpu.memory_space<semaphore_mem>>) {add = true}
      %add3A_894 = arith.constant 4 : i32
      %add3A_895 = arith.addi %add3A_879, %add3A_894 : i32
      %lt3A_896 = arith.constant 152 : i32
      %lt3A_897 = arith.cmpi slt, %add3A_895, %lt3A_896 : i32
      %convert_element_type3A_898 = arith.extui %lt3A_897 : i1 to i32
      %cond3A_899 = arith.constant 0 : i32
      %cond3A_900 = arith.cmpi ne, %convert_element_type3A_898, %cond3A_899 : i32
      scf.if %cond3A_900 {
        %add3A_908 = arith.constant 4 : i32
        %add3A_909 = arith.addi %add3A_879, %add3A_908 : i32
        %mul3A_910 = arith.constant 32 : i32
        %mul3A_911 = arith.muli %add3A_909, %mul3A_910 : i32
        %add3A_912 = arith.addi %add3A, %mul3A_911 : i32
        %dma_start3A_913 = arith.constant 0 : i32
        %dma_start3A_914 = arith.constant 0 : i32
        %dma_start3A_915 = arith.constant 0 : i32
        %dma_start3A_916 = tpu.memref_slice %arg8[%dma_start3A_914, %dma_start3A_915] : memref<2x64xi32, #tpu.memory_space<vmem>> -> memref<1x64xi32, #tpu.memory_space<vmem>>
        %dma_start3A_917 = arith.constant 0 : i32
        %dma_start3A_918 = arith.constant 0 : i32
        %dma_start3A_919 = tpu.memref_slice %arg3[%dma_start3A_913, %add3A_912, %dma_start3A_917, %dma_start3A_918] : memref<2x5000x1x64xi32, #tpu.memory_space<hbm>> -> memref<1x1x1x64xi32, #tpu.memory_space<hbm>>
        %dma_start3A_920 = tpu.memref_squeeze %dma_start3A_919 : memref<1x1x1x64xi32, #tpu.memory_space<hbm>> -> memref<1x64xi32, #tpu.memory_space<hbm>>
        %dma_start3A_921 = arith.constant 0 : i32
        %dma_start3A_922 = arith.constant 0 : i32
        %dma_start3A_923 = tpu.memref_slice %arg8[%dma_start3A_921, %dma_start3A_922] : memref<2x64xi32, #tpu.memory_space<vmem>> -> memref<1x64xi32, #tpu.memory_space<vmem>>
        %dma_start3A_924 = arith.constant 0 : i32
        %dma_start3A_925 = arith.constant 0 : i32
        %dma_start3A_926 = tpu.memref_slice %arg3[%dma_start3A_913, %add3A_912, %dma_start3A_924, %dma_start3A_925] : memref<2x5000x1x64xi32, #tpu.memory_space<hbm>> -> memref<1x1x1x64xi32, #tpu.memory_space<hbm>>
        %dma_start3A_927 = tpu.memref_squeeze %dma_start3A_926 : memref<1x1x1x64xi32, #tpu.memory_space<hbm>> -> memref<1x64xi32, #tpu.memory_space<hbm>>
        tpu.enqueue_dma source(%dma_start3A_927 : memref<1x64xi32, #tpu.memory_space<hbm>>) target(%dma_start3A_923 : memref<1x64xi32, #tpu.memory_space<vmem>>) target_semaphore(%arg21 : memref<!tpu.dma_semaphore, #tpu.memory_space<semaphore_mem>>)
        %dma_start3A_928 = arith.constant 1 : i32
        %dma_start3A_929 = arith.constant 1 : i32
        %dma_start3A_930 = arith.constant 0 : i32
        %dma_start3A_931 = tpu.memref_slice %arg8[%dma_start3A_929, %dma_start3A_930] : memref<2x64xi32, #tpu.memory_space<vmem>> -> memref<1x64xi32, #tpu.memory_space<vmem>>
        %dma_start3A_932 = arith.constant 0 : i32
        %dma_start3A_933 = arith.constant 0 : i32
        %dma_start3A_934 = tpu.memref_slice %arg3[%dma_start3A_928, %add3A_912, %dma_start3A_932, %dma_start3A_933] : memref<2x5000x1x64xi32, #tpu.memory_space<hbm>> -> memref<1x1x1x64xi32, #tpu.memory_space<hbm>>
        %dma_start3A_935 = tpu.memref_squeeze %dma_start3A_934 : memref<1x1x1x64xi32, #tpu.memory_space<hbm>> -> memref<1x64xi32, #tpu.memory_space<hbm>>
        %dma_start3A_936 = arith.constant 1 : i32
        %dma_start3A_937 = arith.constant 0 : i32
        %dma_start3A_938 = tpu.memref_slice %arg8[%dma_start3A_936, %dma_start3A_937] : memref<2x64xi32, #tpu.memory_space<vmem>> -> memref<1x64xi32, #tpu.memory_space<vmem>>
        %dma_start3A_939 = arith.constant 0 : i32
        %dma_start3A_940 = arith.constant 0 : i32
        %dma_start3A_941 = tpu.memref_slice %arg3[%dma_start3A_928, %add3A_912, %dma_start3A_939, %dma_start3A_940] : memref<2x5000x1x64xi32, #tpu.memory_space<hbm>> -> memref<1x1x1x64xi32, #tpu.memory_space<hbm>>
        %dma_start3A_942 = tpu.memref_squeeze %dma_start3A_941 : memref<1x1x1x64xi32, #tpu.memory_space<hbm>> -> memref<1x64xi32, #tpu.memory_space<hbm>>
        tpu.enqueue_dma source(%dma_start3A_942 : memref<1x64xi32, #tpu.memory_space<hbm>>) target(%dma_start3A_938 : memref<1x64xi32, #tpu.memory_space<vmem>>) target_semaphore(%arg21 : memref<!tpu.dma_semaphore, #tpu.memory_space<semaphore_mem>>)
      } else {
      }
      %add3A_901 = arith.constant 2 : i32
      %add3A_902 = arith.addi %add3A_879, %add3A_901 : i32
      %lt3A_903 = arith.constant 152 : i32
      %lt3A_904 = arith.cmpi slt, %add3A_902, %lt3A_903 : i32
      %convert_element_type3A_905 = arith.extui %lt3A_904 : i1 to i32
      %cond3A_906 = arith.constant 0 : i32
      %cond3A_907 = arith.cmpi ne, %convert_element_type3A_905, %cond3A_906 : i32
      scf.if %cond3A_907 {
        %ge3A = arith.constant 2 : i32
        %ge3A_908 = arith.cmpi sge, %add3A_879, %ge3A : i32
        %convert_element_type3A_909 = arith.extui %ge3A_908 : i1 to i32
        %cond3A_910 = arith.constant 0 : i32
        %cond3A_911 = arith.cmpi ne, %convert_element_type3A_909, %cond3A_910 : i32
        scf.if %cond3A_911 {
          %dma_wait3A_951 = arith.constant 1 : i32
          %dma_wait3A_952 = arith.constant 0 : i32
          %dma_wait3A_953 = tpu.memref_slice %arg5[%dma_wait3A_951, %dma_wait3A_952] : memref<2x64xi32, #tpu.memory_space<vmem>> -> memref<1x64xi32, #tpu.memory_space<vmem>>
          %dma_wait3A_954 = tpu.memref_squeeze %dma_wait3A_953 : memref<1x64xi32, #tpu.memory_space<vmem>> -> memref<64xi32, #tpu.memory_space<vmem>>
          %dma_wait3A_955 = arith.constant 0 : i32
          %dma_wait3A_956 = arith.constant 0 : i32
          %dma_wait3A_957 = tpu.memref_slice %arg17[%dma_wait3A_955, %dma_wait3A_956] : memref<10112x128xf32, #tpu.memory_space<vmem_shared>> -> memref<10112x128xf32, #tpu.memory_space<vmem_shared>>
          tpu.wait_indirect_dma semaphore(%arg31 : memref<!tpu.dma_semaphore, #tpu.memory_space<semaphore_mem>>) src(%arg14 : memref<64x128xf32, #tpu.memory_space<vmem>>) dst(%dma_wait3A_957 : memref<10112x128xf32, #tpu.memory_space<vmem_shared>>)
        } else {
        }
        %dma_wait3A_912 = arith.constant 0 : i32
        %dma_wait3A_913 = arith.constant 0 : i32
        %dma_wait3A_914 = arith.constant 0 : i32
        %dma_wait3A_915 = arith.constant 0 : i32
        %dma_wait3A_916 = tpu.memref_slice %arg6[%dma_wait3A_914, %dma_wait3A_915] : memref<2x64xi32, #tpu.memory_space<vmem>> -> memref<1x64xi32, #tpu.memory_space<vmem>>
        %dma_wait3A_917 = arith.constant 0 : i32
        %dma_wait3A_918 = arith.constant 0 : i32
        %dma_wait3A_919 = tpu.memref_slice %arg3[%dma_wait3A_912, %dma_wait3A_913, %dma_wait3A_917, %dma_wait3A_918] : memref<2x5000x1x64xi32, #tpu.memory_space<hbm>> -> memref<1x1x1x64xi32, #tpu.memory_space<hbm>>
        %dma_wait3A_920 = tpu.memref_squeeze %dma_wait3A_919 : memref<1x1x1x64xi32, #tpu.memory_space<hbm>> -> memref<1x64xi32, #tpu.memory_space<hbm>>
        %dma_wait3A_921 = arith.constant 0 : i32
        %dma_wait3A_922 = arith.constant 0 : i32
        %dma_wait3A_923 = tpu.memref_slice %arg6[%dma_wait3A_921, %dma_wait3A_922] : memref<2x64xi32, #tpu.memory_space<vmem>> -> memref<1x64xi32, #tpu.memory_space<vmem>>
        %dma_wait3A_924 = arith.constant 0 : i32
        %dma_wait3A_925 = arith.constant 0 : i32
        %dma_wait3A_926 = tpu.memref_slice %arg3[%dma_wait3A_912, %dma_wait3A_913, %dma_wait3A_924, %dma_wait3A_925] : memref<2x5000x1x64xi32, #tpu.memory_space<hbm>> -> memref<1x1x1x64xi32, #tpu.memory_space<hbm>>
        %dma_wait3A_927 = tpu.memref_squeeze %dma_wait3A_926 : memref<1x1x1x64xi32, #tpu.memory_space<hbm>> -> memref<1x64xi32, #tpu.memory_space<hbm>>
        tpu.wait_dma2 semaphore(%arg19 : memref<!tpu.dma_semaphore, #tpu.memory_space<semaphore_mem>>) src(%dma_wait3A_927 : memref<1x64xi32, #tpu.memory_space<hbm>>) dst(%dma_wait3A_923 : memref<1x64xi32, #tpu.memory_space<vmem>>)
        %dma_wait3A_928 = arith.constant 0 : i32
        %dma_wait3A_929 = arith.constant 0 : i32
        %dma_wait3A_930 = arith.constant 1 : i32
        %dma_wait3A_931 = arith.constant 0 : i32
        %dma_wait3A_932 = tpu.memref_slice %arg6[%dma_wait3A_930, %dma_wait3A_931] : memref<2x64xi32, #tpu.memory_space<vmem>> -> memref<1x64xi32, #tpu.memory_space<vmem>>
        %dma_wait3A_933 = arith.constant 0 : i32
        %dma_wait3A_934 = arith.constant 0 : i32
        %dma_wait3A_935 = tpu.memref_slice %arg3[%dma_wait3A_928, %dma_wait3A_929, %dma_wait3A_933, %dma_wait3A_934] : memref<2x5000x1x64xi32, #tpu.memory_space<hbm>> -> memref<1x1x1x64xi32, #tpu.memory_space<hbm>>
        %dma_wait3A_936 = tpu.memref_squeeze %dma_wait3A_935 : memref<1x1x1x64xi32, #tpu.memory_space<hbm>> -> memref<1x64xi32, #tpu.memory_space<hbm>>
        %dma_wait3A_937 = arith.constant 1 : i32
        %dma_wait3A_938 = arith.constant 0 : i32
        %dma_wait3A_939 = tpu.memref_slice %arg6[%dma_wait3A_937, %dma_wait3A_938] : memref<2x64xi32, #tpu.memory_space<vmem>> -> memref<1x64xi32, #tpu.memory_space<vmem>>
        %dma_wait3A_940 = arith.constant 0 : i32
        %dma_wait3A_941 = arith.constant 0 : i32
        %dma_wait3A_942 = tpu.memref_slice %arg3[%dma_wait3A_928, %dma_wait3A_929, %dma_wait3A_940, %dma_wait3A_941] : memref<2x5000x1x64xi32, #tpu.memory_space<hbm>> -> memref<1x1x1x64xi32, #tpu.memory_space<hbm>>
        %dma_wait3A_943 = tpu.memref_squeeze %dma_wait3A_942 : memref<1x1x1x64xi32, #tpu.memory_space<hbm>> -> memref<1x64xi32, #tpu.memory_space<hbm>>
        tpu.wait_dma2 semaphore(%arg19 : memref<!tpu.dma_semaphore, #tpu.memory_space<semaphore_mem>>) src(%dma_wait3A_943 : memref<1x64xi32, #tpu.memory_space<hbm>>) dst(%dma_wait3A_939 : memref<1x64xi32, #tpu.memory_space<vmem>>)
        %dma_start3A_944 = arith.constant 0 : i32
        %dma_start3A_945 = arith.constant 0 : i32
        %dma_start3A_946 = tpu.memref_slice %arg6[%dma_start3A_944, %dma_start3A_945] : memref<2x64xi32, #tpu.memory_space<vmem>> -> memref<1x64xi32, #tpu.memory_space<vmem>>
        %dma_start3A_947 = tpu.memref_squeeze %dma_start3A_946 : memref<1x64xi32, #tpu.memory_space<vmem>> -> memref<64xi32, #tpu.memory_space<vmem>>
        %dma_start3A_948 = arith.constant 0 : i32
        %dma_start3A_949 = arith.constant 0 : i32
        %dma_start3A_950 = tpu.memref_slice %arg2[%dma_start3A_948, %dma_start3A_949] : memref<10000x128xf32, #tpu.memory_space<hbm>> -> memref<10000x128xf32, #tpu.memory_space<hbm>>
        tpu.enqueue_indirect_dma source(%dma_start3A_950 : memref<10000x128xf32, #tpu.memory_space<hbm>>) target(%arg14 : memref<64x128xf32, #tpu.memory_space<vmem>>) offsets(%dma_start3A_947 : memref<64xi32, #tpu.memory_space<vmem>>) semaphore(%arg27 : memref<!tpu.dma_semaphore, #tpu.memory_space<semaphore_mem>>)
      } else {
      }
    }
    %scan3A_256 = arith.constant 19 : i32
    %add3A_257 = arith.constant 4864 : i32
    %add3A_258 = arith.addi %add3A, %add3A_257 : i32
    %dma_start3A_259 = arith.constant 0 : i32
    %dma_start3A_260 = arith.constant 0 : i32
    %dma_start3A_261 = arith.constant 0 : i32
    %dma_start3A_262 = tpu.memref_slice %arg5[%dma_start3A_260, %dma_start3A_261] : memref<2x64xi32, #tpu.memory_space<vmem>> -> memref<1x64xi32, #tpu.memory_space<vmem>>
    %dma_start3A_263 = arith.constant 0 : i32
    %dma_start3A_264 = arith.constant 0 : i32
    %dma_start3A_265 = tpu.memref_slice %arg3[%dma_start3A_259, %add3A_258, %dma_start3A_263, %dma_start3A_264] : memref<2x5000x1x64xi32, #tpu.memory_space<hbm>> -> memref<1x1x1x64xi32, #tpu.memory_space<hbm>>
    %dma_start3A_266 = tpu.memref_squeeze %dma_start3A_265 : memref<1x1x1x64xi32, #tpu.memory_space<hbm>> -> memref<1x64xi32, #tpu.memory_space<hbm>>
    %dma_start3A_267 = arith.constant 0 : i32
    %dma_start3A_268 = arith.constant 0 : i32
    %dma_start3A_269 = tpu.memref_slice %arg5[%dma_start3A_267, %dma_start3A_268] : memref<2x64xi32, #tpu.memory_space<vmem>> -> memref<1x64xi32, #tpu.memory_space<vmem>>
    %dma_start3A_270 = arith.constant 0 : i32
    %dma_start3A_271 = arith.constant 0 : i32
    %dma_start3A_272 = tpu.memref_slice %arg3[%dma_start3A_259, %add3A_258, %dma_start3A_270, %dma_start3A_271] : memref<2x5000x1x64xi32, #tpu.memory_space<hbm>> -> memref<1x1x1x64xi32, #tpu.memory_space<hbm>>
    %dma_start3A_273 = tpu.memref_squeeze %dma_start3A_272 : memref<1x1x1x64xi32, #tpu.memory_space<hbm>> -> memref<1x64xi32, #tpu.memory_space<hbm>>
    tpu.enqueue_dma source(%dma_start3A_273 : memref<1x64xi32, #tpu.memory_space<hbm>>) target(%dma_start3A_269 : memref<1x64xi32, #tpu.memory_space<vmem>>) target_semaphore(%arg18 : memref<!tpu.dma_semaphore, #tpu.memory_space<semaphore_mem>>)
    %dma_start3A_274 = arith.constant 1 : i32
    %dma_start3A_275 = arith.constant 1 : i32
    %dma_start3A_276 = arith.constant 0 : i32
    %dma_start3A_277 = tpu.memref_slice %arg5[%dma_start3A_275, %dma_start3A_276] : memref<2x64xi32, #tpu.memory_space<vmem>> -> memref<1x64xi32, #tpu.memory_space<vmem>>
    %dma_start3A_278 = arith.constant 0 : i32
    %dma_start3A_279 = arith.constant 0 : i32
    %dma_start3A_280 = tpu.memref_slice %arg3[%dma_start3A_274, %add3A_258, %dma_start3A_278, %dma_start3A_279] : memref<2x5000x1x64xi32, #tpu.memory_space<hbm>> -> memref<1x1x1x64xi32, #tpu.memory_space<hbm>>
    %dma_start3A_281 = tpu.memref_squeeze %dma_start3A_280 : memref<1x1x1x64xi32, #tpu.memory_space<hbm>> -> memref<1x64xi32, #tpu.memory_space<hbm>>
    %dma_start3A_282 = arith.constant 1 : i32
    %dma_start3A_283 = arith.constant 0 : i32
    %dma_start3A_284 = tpu.memref_slice %arg5[%dma_start3A_282, %dma_start3A_283] : memref<2x64xi32, #tpu.memory_space<vmem>> -> memref<1x64xi32, #tpu.memory_space<vmem>>
    %dma_start3A_285 = arith.constant 0 : i32
    %dma_start3A_286 = arith.constant 0 : i32
    %dma_start3A_287 = tpu.memref_slice %arg3[%dma_start3A_274, %add3A_258, %dma_start3A_285, %dma_start3A_286] : memref<2x5000x1x64xi32, #tpu.memory_space<hbm>> -> memref<1x1x1x64xi32, #tpu.memory_space<hbm>>
    %dma_start3A_288 = tpu.memref_squeeze %dma_start3A_287 : memref<1x1x1x64xi32, #tpu.memory_space<hbm>> -> memref<1x64xi32, #tpu.memory_space<hbm>>
    tpu.enqueue_dma source(%dma_start3A_288 : memref<1x64xi32, #tpu.memory_space<hbm>>) target(%dma_start3A_284 : memref<1x64xi32, #tpu.memory_space<vmem>>) target_semaphore(%arg18 : memref<!tpu.dma_semaphore, #tpu.memory_space<semaphore_mem>>)
    %add3A_289 = arith.constant 4896 : i32
    %add3A_290 = arith.addi %add3A, %add3A_289 : i32
    %dma_start3A_291 = arith.constant 0 : i32
    %dma_start3A_292 = arith.constant 0 : i32
    %dma_start3A_293 = arith.constant 0 : i32
    %dma_start3A_294 = tpu.memref_slice %arg6[%dma_start3A_292, %dma_start3A_293] : memref<2x64xi32, #tpu.memory_space<vmem>> -> memref<1x64xi32, #tpu.memory_space<vmem>>
    %dma_start3A_295 = arith.constant 0 : i32
    %dma_start3A_296 = arith.constant 0 : i32
    %dma_start3A_297 = tpu.memref_slice %arg3[%dma_start3A_291, %add3A_290, %dma_start3A_295, %dma_start3A_296] : memref<2x5000x1x64xi32, #tpu.memory_space<hbm>> -> memref<1x1x1x64xi32, #tpu.memory_space<hbm>>
    %dma_start3A_298 = tpu.memref_squeeze %dma_start3A_297 : memref<1x1x1x64xi32, #tpu.memory_space<hbm>> -> memref<1x64xi32, #tpu.memory_space<hbm>>
    %dma_start3A_299 = arith.constant 0 : i32
    %dma_start3A_300 = arith.constant 0 : i32
    %dma_start3A_301 = tpu.memref_slice %arg6[%dma_start3A_299, %dma_start3A_300] : memref<2x64xi32, #tpu.memory_space<vmem>> -> memref<1x64xi32, #tpu.memory_space<vmem>>
    %dma_start3A_302 = arith.constant 0 : i32
    %dma_start3A_303 = arith.constant 0 : i32
    %dma_start3A_304 = tpu.memref_slice %arg3[%dma_start3A_291, %add3A_290, %dma_start3A_302, %dma_start3A_303] : memref<2x5000x1x64xi32, #tpu.memory_space<hbm>> -> memref<1x1x1x64xi32, #tpu.memory_space<hbm>>
    %dma_start3A_305 = tpu.memref_squeeze %dma_start3A_304 : memref<1x1x1x64xi32, #tpu.memory_space<hbm>> -> memref<1x64xi32, #tpu.memory_space<hbm>>
    tpu.enqueue_dma source(%dma_start3A_305 : memref<1x64xi32, #tpu.memory_space<hbm>>) target(%dma_start3A_301 : memref<1x64xi32, #tpu.memory_space<vmem>>) target_semaphore(%arg19 : memref<!tpu.dma_semaphore, #tpu.memory_space<semaphore_mem>>)
    %dma_start3A_306 = arith.constant 1 : i32
    %dma_start3A_307 = arith.constant 1 : i32
    %dma_start3A_308 = arith.constant 0 : i32
    %dma_start3A_309 = tpu.memref_slice %arg6[%dma_start3A_307, %dma_start3A_308] : memref<2x64xi32, #tpu.memory_space<vmem>> -> memref<1x64xi32, #tpu.memory_space<vmem>>
    %dma_start3A_310 = arith.constant 0 : i32
    %dma_start3A_311 = arith.constant 0 : i32
    %dma_start3A_312 = tpu.memref_slice %arg3[%dma_start3A_306, %add3A_290, %dma_start3A_310, %dma_start3A_311] : memref<2x5000x1x64xi32, #tpu.memory_space<hbm>> -> memref<1x1x1x64xi32, #tpu.memory_space<hbm>>
    %dma_start3A_313 = tpu.memref_squeeze %dma_start3A_312 : memref<1x1x1x64xi32, #tpu.memory_space<hbm>> -> memref<1x64xi32, #tpu.memory_space<hbm>>
    %dma_start3A_314 = arith.constant 1 : i32
    %dma_start3A_315 = arith.constant 0 : i32
    %dma_start3A_316 = tpu.memref_slice %arg6[%dma_start3A_314, %dma_start3A_315] : memref<2x64xi32, #tpu.memory_space<vmem>> -> memref<1x64xi32, #tpu.memory_space<vmem>>
    %dma_start3A_317 = arith.constant 0 : i32
    %dma_start3A_318 = arith.constant 0 : i32
    %dma_start3A_319 = tpu.memref_slice %arg3[%dma_start3A_306, %add3A_290, %dma_start3A_317, %dma_start3A_318] : memref<2x5000x1x64xi32, #tpu.memory_space<hbm>> -> memref<1x1x1x64xi32, #tpu.memory_space<hbm>>
    %dma_start3A_320 = tpu.memref_squeeze %dma_start3A_319 : memref<1x1x1x64xi32, #tpu.memory_space<hbm>> -> memref<1x64xi32, #tpu.memory_space<hbm>>
    tpu.enqueue_dma source(%dma_start3A_320 : memref<1x64xi32, #tpu.memory_space<hbm>>) target(%dma_start3A_316 : memref<1x64xi32, #tpu.memory_space<vmem>>) target_semaphore(%arg19 : memref<!tpu.dma_semaphore, #tpu.memory_space<semaphore_mem>>)
    %add3A_321 = arith.constant 4928 : i32
    %add3A_322 = arith.addi %add3A, %add3A_321 : i32
    %dma_start3A_323 = arith.constant 0 : i32
    %dma_start3A_324 = arith.constant 0 : i32
    %dma_start3A_325 = arith.constant 0 : i32
    %dma_start3A_326 = tpu.memref_slice %arg7[%dma_start3A_324, %dma_start3A_325] : memref<2x64xi32, #tpu.memory_space<vmem>> -> memref<1x64xi32, #tpu.memory_space<vmem>>
    %dma_start3A_327 = arith.constant 0 : i32
    %dma_start3A_328 = arith.constant 0 : i32
    %dma_start3A_329 = tpu.memref_slice %arg3[%dma_start3A_323, %add3A_322, %dma_start3A_327, %dma_start3A_328] : memref<2x5000x1x64xi32, #tpu.memory_space<hbm>> -> memref<1x1x1x64xi32, #tpu.memory_space<hbm>>
    %dma_start3A_330 = tpu.memref_squeeze %dma_start3A_329 : memref<1x1x1x64xi32, #tpu.memory_space<hbm>> -> memref<1x64xi32, #tpu.memory_space<hbm>>
    %dma_start3A_331 = arith.constant 0 : i32
    %dma_start3A_332 = arith.constant 0 : i32
    %dma_start3A_333 = tpu.memref_slice %arg7[%dma_start3A_331, %dma_start3A_332] : memref<2x64xi32, #tpu.memory_space<vmem>> -> memref<1x64xi32, #tpu.memory_space<vmem>>
    %dma_start3A_334 = arith.constant 0 : i32
    %dma_start3A_335 = arith.constant 0 : i32
    %dma_start3A_336 = tpu.memref_slice %arg3[%dma_start3A_323, %add3A_322, %dma_start3A_334, %dma_start3A_335] : memref<2x5000x1x64xi32, #tpu.memory_space<hbm>> -> memref<1x1x1x64xi32, #tpu.memory_space<hbm>>
    %dma_start3A_337 = tpu.memref_squeeze %dma_start3A_336 : memref<1x1x1x64xi32, #tpu.memory_space<hbm>> -> memref<1x64xi32, #tpu.memory_space<hbm>>
    tpu.enqueue_dma source(%dma_start3A_337 : memref<1x64xi32, #tpu.memory_space<hbm>>) target(%dma_start3A_333 : memref<1x64xi32, #tpu.memory_space<vmem>>) target_semaphore(%arg20 : memref<!tpu.dma_semaphore, #tpu.memory_space<semaphore_mem>>)
    %dma_start3A_338 = arith.constant 1 : i32
    %dma_start3A_339 = arith.constant 1 : i32
    %dma_start3A_340 = arith.constant 0 : i32
    %dma_start3A_341 = tpu.memref_slice %arg7[%dma_start3A_339, %dma_start3A_340] : memref<2x64xi32, #tpu.memory_space<vmem>> -> memref<1x64xi32, #tpu.memory_space<vmem>>
    %dma_start3A_342 = arith.constant 0 : i32
    %dma_start3A_343 = arith.constant 0 : i32
    %dma_start3A_344 = tpu.memref_slice %arg3[%dma_start3A_338, %add3A_322, %dma_start3A_342, %dma_start3A_343] : memref<2x5000x1x64xi32, #tpu.memory_space<hbm>> -> memref<1x1x1x64xi32, #tpu.memory_space<hbm>>
    %dma_start3A_345 = tpu.memref_squeeze %dma_start3A_344 : memref<1x1x1x64xi32, #tpu.memory_space<hbm>> -> memref<1x64xi32, #tpu.memory_space<hbm>>
    %dma_start3A_346 = arith.constant 1 : i32
    %dma_start3A_347 = arith.constant 0 : i32
    %dma_start3A_348 = tpu.memref_slice %arg7[%dma_start3A_346, %dma_start3A_347] : memref<2x64xi32, #tpu.memory_space<vmem>> -> memref<1x64xi32, #tpu.memory_space<vmem>>
    %dma_start3A_349 = arith.constant 0 : i32
    %dma_start3A_350 = arith.constant 0 : i32
    %dma_start3A_351 = tpu.memref_slice %arg3[%dma_start3A_338, %add3A_322, %dma_start3A_349, %dma_start3A_350] : memref<2x5000x1x64xi32, #tpu.memory_space<hbm>> -> memref<1x1x1x64xi32, #tpu.memory_space<hbm>>
    %dma_start3A_352 = tpu.memref_squeeze %dma_start3A_351 : memref<1x1x1x64xi32, #tpu.memory_space<hbm>> -> memref<1x64xi32, #tpu.memory_space<hbm>>
    tpu.enqueue_dma source(%dma_start3A_352 : memref<1x64xi32, #tpu.memory_space<hbm>>) target(%dma_start3A_348 : memref<1x64xi32, #tpu.memory_space<vmem>>) target_semaphore(%arg20 : memref<!tpu.dma_semaphore, #tpu.memory_space<semaphore_mem>>)
    %add3A_353 = arith.constant 4960 : i32
    %add3A_354 = arith.addi %add3A, %add3A_353 : i32
    %dma_start3A_355 = arith.constant 0 : i32
    %dma_start3A_356 = arith.constant 0 : i32
    %dma_start3A_357 = arith.constant 0 : i32
    %dma_start3A_358 = tpu.memref_slice %arg8[%dma_start3A_356, %dma_start3A_357] : memref<2x64xi32, #tpu.memory_space<vmem>> -> memref<1x64xi32, #tpu.memory_space<vmem>>
    %dma_start3A_359 = arith.constant 0 : i32
    %dma_start3A_360 = arith.constant 0 : i32
    %dma_start3A_361 = tpu.memref_slice %arg3[%dma_start3A_355, %add3A_354, %dma_start3A_359, %dma_start3A_360] : memref<2x5000x1x64xi32, #tpu.memory_space<hbm>> -> memref<1x1x1x64xi32, #tpu.memory_space<hbm>>
    %dma_start3A_362 = tpu.memref_squeeze %dma_start3A_361 : memref<1x1x1x64xi32, #tpu.memory_space<hbm>> -> memref<1x64xi32, #tpu.memory_space<hbm>>
    %dma_start3A_363 = arith.constant 0 : i32
    %dma_start3A_364 = arith.constant 0 : i32
    %dma_start3A_365 = tpu.memref_slice %arg8[%dma_start3A_363, %dma_start3A_364] : memref<2x64xi32, #tpu.memory_space<vmem>> -> memref<1x64xi32, #tpu.memory_space<vmem>>
    %dma_start3A_366 = arith.constant 0 : i32
    %dma_start3A_367 = arith.constant 0 : i32
    %dma_start3A_368 = tpu.memref_slice %arg3[%dma_start3A_355, %add3A_354, %dma_start3A_366, %dma_start3A_367] : memref<2x5000x1x64xi32, #tpu.memory_space<hbm>> -> memref<1x1x1x64xi32, #tpu.memory_space<hbm>>
    %dma_start3A_369 = tpu.memref_squeeze %dma_start3A_368 : memref<1x1x1x64xi32, #tpu.memory_space<hbm>> -> memref<1x64xi32, #tpu.memory_space<hbm>>
    tpu.enqueue_dma source(%dma_start3A_369 : memref<1x64xi32, #tpu.memory_space<hbm>>) target(%dma_start3A_365 : memref<1x64xi32, #tpu.memory_space<vmem>>) target_semaphore(%arg21 : memref<!tpu.dma_semaphore, #tpu.memory_space<semaphore_mem>>)
    %dma_start3A_370 = arith.constant 1 : i32
    %dma_start3A_371 = arith.constant 1 : i32
    %dma_start3A_372 = arith.constant 0 : i32
    %dma_start3A_373 = tpu.memref_slice %arg8[%dma_start3A_371, %dma_start3A_372] : memref<2x64xi32, #tpu.memory_space<vmem>> -> memref<1x64xi32, #tpu.memory_space<vmem>>
    %dma_start3A_374 = arith.constant 0 : i32
    %dma_start3A_375 = arith.constant 0 : i32
    %dma_start3A_376 = tpu.memref_slice %arg3[%dma_start3A_370, %add3A_354, %dma_start3A_374, %dma_start3A_375] : memref<2x5000x1x64xi32, #tpu.memory_space<hbm>> -> memref<1x1x1x64xi32, #tpu.memory_space<hbm>>
    %dma_start3A_377 = tpu.memref_squeeze %dma_start3A_376 : memref<1x1x1x64xi32, #tpu.memory_space<hbm>> -> memref<1x64xi32, #tpu.memory_space<hbm>>
    %dma_start3A_378 = arith.constant 1 : i32
    %dma_start3A_379 = arith.constant 0 : i32
    %dma_start3A_380 = tpu.memref_slice %arg8[%dma_start3A_378, %dma_start3A_379] : memref<2x64xi32, #tpu.memory_space<vmem>> -> memref<1x64xi32, #tpu.memory_space<vmem>>
    %dma_start3A_381 = arith.constant 0 : i32
    %dma_start3A_382 = arith.constant 0 : i32
    %dma_start3A_383 = tpu.memref_slice %arg3[%dma_start3A_370, %add3A_354, %dma_start3A_381, %dma_start3A_382] : memref<2x5000x1x64xi32, #tpu.memory_space<hbm>> -> memref<1x1x1x64xi32, #tpu.memory_space<hbm>>
    %dma_start3A_384 = tpu.memref_squeeze %dma_start3A_383 : memref<1x1x1x64xi32, #tpu.memory_space<hbm>> -> memref<1x64xi32, #tpu.memory_space<hbm>>
    tpu.enqueue_dma source(%dma_start3A_384 : memref<1x64xi32, #tpu.memory_space<hbm>>) target(%dma_start3A_380 : memref<1x64xi32, #tpu.memory_space<vmem>>) target_semaphore(%arg21 : memref<!tpu.dma_semaphore, #tpu.memory_space<semaphore_mem>>)
    %dma_wait3A_385 = arith.constant 0 : i32
    %dma_wait3A_386 = arith.constant 0 : i32
    %dma_wait3A_387 = arith.constant 0 : i32
    %dma_wait3A_388 = arith.constant 0 : i32
    %dma_wait3A_389 = tpu.memref_slice %arg5[%dma_wait3A_387, %dma_wait3A_388] : memref<2x64xi32, #tpu.memory_space<vmem>> -> memref<1x64xi32, #tpu.memory_space<vmem>>
    %dma_wait3A_390 = arith.constant 0 : i32
    %dma_wait3A_391 = arith.constant 0 : i32
    %dma_wait3A_392 = tpu.memref_slice %arg3[%dma_wait3A_385, %dma_wait3A_386, %dma_wait3A_390, %dma_wait3A_391] : memref<2x5000x1x64xi32, #tpu.memory_space<hbm>> -> memref<1x1x1x64xi32, #tpu.memory_space<hbm>>
    %dma_wait3A_393 = tpu.memref_squeeze %dma_wait3A_392 : memref<1x1x1x64xi32, #tpu.memory_space<hbm>> -> memref<1x64xi32, #tpu.memory_space<hbm>>
    %dma_wait3A_394 = arith.constant 0 : i32
    %dma_wait3A_395 = arith.constant 0 : i32
    %dma_wait3A_396 = tpu.memref_slice %arg5[%dma_wait3A_394, %dma_wait3A_395] : memref<2x64xi32, #tpu.memory_space<vmem>> -> memref<1x64xi32, #tpu.memory_space<vmem>>
    %dma_wait3A_397 = arith.constant 0 : i32
    %dma_wait3A_398 = arith.constant 0 : i32
    %dma_wait3A_399 = tpu.memref_slice %arg3[%dma_wait3A_385, %dma_wait3A_386, %dma_wait3A_397, %dma_wait3A_398] : memref<2x5000x1x64xi32, #tpu.memory_space<hbm>> -> memref<1x1x1x64xi32, #tpu.memory_space<hbm>>
    %dma_wait3A_400 = tpu.memref_squeeze %dma_wait3A_399 : memref<1x1x1x64xi32, #tpu.memory_space<hbm>> -> memref<1x64xi32, #tpu.memory_space<hbm>>
    tpu.wait_dma2 semaphore(%arg18 : memref<!tpu.dma_semaphore, #tpu.memory_space<semaphore_mem>>) src(%dma_wait3A_400 : memref<1x64xi32, #tpu.memory_space<hbm>>) dst(%dma_wait3A_396 : memref<1x64xi32, #tpu.memory_space<vmem>>)
    %dma_wait3A_401 = arith.constant 0 : i32
    %dma_wait3A_402 = arith.constant 0 : i32
    %dma_wait3A_403 = arith.constant 1 : i32
    %dma_wait3A_404 = arith.constant 0 : i32
    %dma_wait3A_405 = tpu.memref_slice %arg5[%dma_wait3A_403, %dma_wait3A_404] : memref<2x64xi32, #tpu.memory_space<vmem>> -> memref<1x64xi32, #tpu.memory_space<vmem>>
    %dma_wait3A_406 = arith.constant 0 : i32
    %dma_wait3A_407 = arith.constant 0 : i32
    %dma_wait3A_408 = tpu.memref_slice %arg3[%dma_wait3A_401, %dma_wait3A_402, %dma_wait3A_406, %dma_wait3A_407] : memref<2x5000x1x64xi32, #tpu.memory_space<hbm>> -> memref<1x1x1x64xi32, #tpu.memory_space<hbm>>
    %dma_wait3A_409 = tpu.memref_squeeze %dma_wait3A_408 : memref<1x1x1x64xi32, #tpu.memory_space<hbm>> -> memref<1x64xi32, #tpu.memory_space<hbm>>
    %dma_wait3A_410 = arith.constant 1 : i32
    %dma_wait3A_411 = arith.constant 0 : i32
    %dma_wait3A_412 = tpu.memref_slice %arg5[%dma_wait3A_410, %dma_wait3A_411] : memref<2x64xi32, #tpu.memory_space<vmem>> -> memref<1x64xi32, #tpu.memory_space<vmem>>
    %dma_wait3A_413 = arith.constant 0 : i32
    %dma_wait3A_414 = arith.constant 0 : i32
    %dma_wait3A_415 = tpu.memref_slice %arg3[%dma_wait3A_401, %dma_wait3A_402, %dma_wait3A_413, %dma_wait3A_414] : memref<2x5000x1x64xi32, #tpu.memory_space<hbm>> -> memref<1x1x1x64xi32, #tpu.memory_space<hbm>>
    %dma_wait3A_416 = tpu.memref_squeeze %dma_wait3A_415 : memref<1x1x1x64xi32, #tpu.memory_space<hbm>> -> memref<1x64xi32, #tpu.memory_space<hbm>>
    tpu.wait_dma2 semaphore(%arg18 : memref<!tpu.dma_semaphore, #tpu.memory_space<semaphore_mem>>) src(%dma_wait3A_416 : memref<1x64xi32, #tpu.memory_space<hbm>>) dst(%dma_wait3A_412 : memref<1x64xi32, #tpu.memory_space<vmem>>)
    %dma_wait3A_417 = arith.constant 1 : i32
    %dma_wait3A_418 = arith.constant 0 : i32
    %dma_wait3A_419 = tpu.memref_slice %arg5[%dma_wait3A_417, %dma_wait3A_418] : memref<2x64xi32, #tpu.memory_space<vmem>> -> memref<1x64xi32, #tpu.memory_space<vmem>>
    %dma_wait3A_420 = tpu.memref_squeeze %dma_wait3A_419 : memref<1x64xi32, #tpu.memory_space<vmem>> -> memref<64xi32, #tpu.memory_space<vmem>>
    %dma_wait3A_421 = arith.constant 0 : i32
    %dma_wait3A_422 = arith.constant 0 : i32
    %dma_wait3A_423 = tpu.memref_slice %arg17[%dma_wait3A_421, %dma_wait3A_422] : memref<10112x128xf32, #tpu.memory_space<vmem_shared>> -> memref<10112x128xf32, #tpu.memory_space<vmem_shared>>
    tpu.wait_indirect_dma semaphore(%arg30 : memref<!tpu.dma_semaphore, #tpu.memory_space<semaphore_mem>>) src(%arg13 : memref<64x128xf32, #tpu.memory_space<vmem>>) dst(%dma_wait3A_423 : memref<10112x128xf32, #tpu.memory_space<vmem_shared>>)
    %dma_start3A_424 = arith.constant 0 : i32
    %dma_start3A_425 = arith.constant 0 : i32
    %dma_start3A_426 = tpu.memref_slice %arg5[%dma_start3A_424, %dma_start3A_425] : memref<2x64xi32, #tpu.memory_space<vmem>> -> memref<1x64xi32, #tpu.memory_space<vmem>>
    %dma_start3A_427 = tpu.memref_squeeze %dma_start3A_426 : memref<1x64xi32, #tpu.memory_space<vmem>> -> memref<64xi32, #tpu.memory_space<vmem>>
    %dma_start3A_428 = arith.constant 0 : i32
    %dma_start3A_429 = arith.constant 0 : i32
    %dma_start3A_430 = tpu.memref_slice %arg2[%dma_start3A_428, %dma_start3A_429] : memref<10000x128xf32, #tpu.memory_space<hbm>> -> memref<10000x128xf32, #tpu.memory_space<hbm>>
    tpu.enqueue_indirect_dma source(%dma_start3A_430 : memref<10000x128xf32, #tpu.memory_space<hbm>>) target(%arg13 : memref<64x128xf32, #tpu.memory_space<vmem>>) offsets(%dma_start3A_427 : memref<64xi32, #tpu.memory_space<vmem>>) semaphore(%arg26 : memref<!tpu.dma_semaphore, #tpu.memory_space<semaphore_mem>>)
    %dma_wait3A_431 = arith.constant 0 : i32
    %dma_wait3A_432 = arith.constant 0 : i32
    %dma_wait3A_433 = arith.constant 0 : i32
    %dma_wait3A_434 = arith.constant 0 : i32
    %dma_wait3A_435 = tpu.memref_slice %arg6[%dma_wait3A_433, %dma_wait3A_434] : memref<2x64xi32, #tpu.memory_space<vmem>> -> memref<1x64xi32, #tpu.memory_space<vmem>>
    %dma_wait3A_436 = arith.constant 0 : i32
    %dma_wait3A_437 = arith.constant 0 : i32
    %dma_wait3A_438 = tpu.memref_slice %arg3[%dma_wait3A_431, %dma_wait3A_432, %dma_wait3A_436, %dma_wait3A_437] : memref<2x5000x1x64xi32, #tpu.memory_space<hbm>> -> memref<1x1x1x64xi32, #tpu.memory_space<hbm>>
    %dma_wait3A_439 = tpu.memref_squeeze %dma_wait3A_438 : memref<1x1x1x64xi32, #tpu.memory_space<hbm>> -> memref<1x64xi32, #tpu.memory_space<hbm>>
    %dma_wait3A_440 = arith.constant 0 : i32
    %dma_wait3A_441 = arith.constant 0 : i32
    %dma_wait3A_442 = tpu.memref_slice %arg6[%dma_wait3A_440, %dma_wait3A_441] : memref<2x64xi32, #tpu.memory_space<vmem>> -> memref<1x64xi32, #tpu.memory_space<vmem>>
    %dma_wait3A_443 = arith.constant 0 : i32
    %dma_wait3A_444 = arith.constant 0 : i32
    %dma_wait3A_445 = tpu.memref_slice %arg3[%dma_wait3A_431, %dma_wait3A_432, %dma_wait3A_443, %dma_wait3A_444] : memref<2x5000x1x64xi32, #tpu.memory_space<hbm>> -> memref<1x1x1x64xi32, #tpu.memory_space<hbm>>
    %dma_wait3A_446 = tpu.memref_squeeze %dma_wait3A_445 : memref<1x1x1x64xi32, #tpu.memory_space<hbm>> -> memref<1x64xi32, #tpu.memory_space<hbm>>
    tpu.wait_dma2 semaphore(%arg19 : memref<!tpu.dma_semaphore, #tpu.memory_space<semaphore_mem>>) src(%dma_wait3A_446 : memref<1x64xi32, #tpu.memory_space<hbm>>) dst(%dma_wait3A_442 : memref<1x64xi32, #tpu.memory_space<vmem>>)
    %dma_wait3A_447 = arith.constant 0 : i32
    %dma_wait3A_448 = arith.constant 0 : i32
    %dma_wait3A_449 = arith.constant 1 : i32
    %dma_wait3A_450 = arith.constant 0 : i32
    %dma_wait3A_451 = tpu.memref_slice %arg6[%dma_wait3A_449, %dma_wait3A_450] : memref<2x64xi32, #tpu.memory_space<vmem>> -> memref<1x64xi32, #tpu.memory_space<vmem>>
    %dma_wait3A_452 = arith.constant 0 : i32
    %dma_wait3A_453 = arith.constant 0 : i32
    %dma_wait3A_454 = tpu.memref_slice %arg3[%dma_wait3A_447, %dma_wait3A_448, %dma_wait3A_452, %dma_wait3A_453] : memref<2x5000x1x64xi32, #tpu.memory_space<hbm>> -> memref<1x1x1x64xi32, #tpu.memory_space<hbm>>
    %dma_wait3A_455 = tpu.memref_squeeze %dma_wait3A_454 : memref<1x1x1x64xi32, #tpu.memory_space<hbm>> -> memref<1x64xi32, #tpu.memory_space<hbm>>
    %dma_wait3A_456 = arith.constant 1 : i32
    %dma_wait3A_457 = arith.constant 0 : i32
    %dma_wait3A_458 = tpu.memref_slice %arg6[%dma_wait3A_456, %dma_wait3A_457] : memref<2x64xi32, #tpu.memory_space<vmem>> -> memref<1x64xi32, #tpu.memory_space<vmem>>
    %dma_wait3A_459 = arith.constant 0 : i32
    %dma_wait3A_460 = arith.constant 0 : i32
    %dma_wait3A_461 = tpu.memref_slice %arg3[%dma_wait3A_447, %dma_wait3A_448, %dma_wait3A_459, %dma_wait3A_460] : memref<2x5000x1x64xi32, #tpu.memory_space<hbm>> -> memref<1x1x1x64xi32, #tpu.memory_space<hbm>>
    %dma_wait3A_462 = tpu.memref_squeeze %dma_wait3A_461 : memref<1x1x1x64xi32, #tpu.memory_space<hbm>> -> memref<1x64xi32, #tpu.memory_space<hbm>>
    tpu.wait_dma2 semaphore(%arg19 : memref<!tpu.dma_semaphore, #tpu.memory_space<semaphore_mem>>) src(%dma_wait3A_462 : memref<1x64xi32, #tpu.memory_space<hbm>>) dst(%dma_wait3A_458 : memref<1x64xi32, #tpu.memory_space<vmem>>)
    %dma_wait3A_463 = arith.constant 1 : i32
    %dma_wait3A_464 = arith.constant 0 : i32
    %dma_wait3A_465 = tpu.memref_slice %arg5[%dma_wait3A_463, %dma_wait3A_464] : memref<2x64xi32, #tpu.memory_space<vmem>> -> memref<1x64xi32, #tpu.memory_space<vmem>>
    %dma_wait3A_466 = tpu.memref_squeeze %dma_wait3A_465 : memref<1x64xi32, #tpu.memory_space<vmem>> -> memref<64xi32, #tpu.memory_space<vmem>>
    %dma_wait3A_467 = arith.constant 0 : i32
    %dma_wait3A_468 = arith.constant 0 : i32
    %dma_wait3A_469 = tpu.memref_slice %arg17[%dma_wait3A_467, %dma_wait3A_468] : memref<10112x128xf32, #tpu.memory_space<vmem_shared>> -> memref<10112x128xf32, #tpu.memory_space<vmem_shared>>
    tpu.wait_indirect_dma semaphore(%arg31 : memref<!tpu.dma_semaphore, #tpu.memory_space<semaphore_mem>>) src(%arg14 : memref<64x128xf32, #tpu.memory_space<vmem>>) dst(%dma_wait3A_469 : memref<10112x128xf32, #tpu.memory_space<vmem_shared>>)
    %dma_start3A_470 = arith.constant 0 : i32
    %dma_start3A_471 = arith.constant 0 : i32
    %dma_start3A_472 = tpu.memref_slice %arg6[%dma_start3A_470, %dma_start3A_471] : memref<2x64xi32, #tpu.memory_space<vmem>> -> memref<1x64xi32, #tpu.memory_space<vmem>>
    %dma_start3A_473 = tpu.memref_squeeze %dma_start3A_472 : memref<1x64xi32, #tpu.memory_space<vmem>> -> memref<64xi32, #tpu.memory_space<vmem>>
    %dma_start3A_474 = arith.constant 0 : i32
    %dma_start3A_475 = arith.constant 0 : i32
    %dma_start3A_476 = tpu.memref_slice %arg2[%dma_start3A_474, %dma_start3A_475] : memref<10000x128xf32, #tpu.memory_space<hbm>> -> memref<10000x128xf32, #tpu.memory_space<hbm>>
    tpu.enqueue_indirect_dma source(%dma_start3A_476 : memref<10000x128xf32, #tpu.memory_space<hbm>>) target(%arg14 : memref<64x128xf32, #tpu.memory_space<vmem>>) offsets(%dma_start3A_473 : memref<64xi32, #tpu.memory_space<vmem>>) semaphore(%arg27 : memref<!tpu.dma_semaphore, #tpu.memory_space<semaphore_mem>>)
    %dma_wait3A_477 = arith.constant 0 : i32
    %dma_wait3A_478 = arith.constant 0 : i32
    %dma_wait3A_479 = arith.constant 0 : i32
    %dma_wait3A_480 = arith.constant 0 : i32
    %dma_wait3A_481 = tpu.memref_slice %arg7[%dma_wait3A_479, %dma_wait3A_480] : memref<2x64xi32, #tpu.memory_space<vmem>> -> memref<1x64xi32, #tpu.memory_space<vmem>>
    %dma_wait3A_482 = arith.constant 0 : i32
    %dma_wait3A_483 = arith.constant 0 : i32
    %dma_wait3A_484 = tpu.memref_slice %arg3[%dma_wait3A_477, %dma_wait3A_478, %dma_wait3A_482, %dma_wait3A_483] : memref<2x5000x1x64xi32, #tpu.memory_space<hbm>> -> memref<1x1x1x64xi32, #tpu.memory_space<hbm>>
    %dma_wait3A_485 = tpu.memref_squeeze %dma_wait3A_484 : memref<1x1x1x64xi32, #tpu.memory_space<hbm>> -> memref<1x64xi32, #tpu.memory_space<hbm>>
    %dma_wait3A_486 = arith.constant 0 : i32
    %dma_wait3A_487 = arith.constant 0 : i32
    %dma_wait3A_488 = tpu.memref_slice %arg7[%dma_wait3A_486, %dma_wait3A_487] : memref<2x64xi32, #tpu.memory_space<vmem>> -> memref<1x64xi32, #tpu.memory_space<vmem>>
    %dma_wait3A_489 = arith.constant 0 : i32
    %dma_wait3A_490 = arith.constant 0 : i32
    %dma_wait3A_491 = tpu.memref_slice %arg3[%dma_wait3A_477, %dma_wait3A_478, %dma_wait3A_489, %dma_wait3A_490] : memref<2x5000x1x64xi32, #tpu.memory_space<hbm>> -> memref<1x1x1x64xi32, #tpu.memory_space<hbm>>
    %dma_wait3A_492 = tpu.memref_squeeze %dma_wait3A_491 : memref<1x1x1x64xi32, #tpu.memory_space<hbm>> -> memref<1x64xi32, #tpu.memory_space<hbm>>
    tpu.wait_dma2 semaphore(%arg20 : memref<!tpu.dma_semaphore, #tpu.memory_space<semaphore_mem>>) src(%dma_wait3A_492 : memref<1x64xi32, #tpu.memory_space<hbm>>) dst(%dma_wait3A_488 : memref<1x64xi32, #tpu.memory_space<vmem>>)
    %dma_wait3A_493 = arith.constant 0 : i32
    %dma_wait3A_494 = arith.constant 0 : i32
    %dma_wait3A_495 = arith.constant 1 : i32
    %dma_wait3A_496 = arith.constant 0 : i32
    %dma_wait3A_497 = tpu.memref_slice %arg7[%dma_wait3A_495, %dma_wait3A_496] : memref<2x64xi32, #tpu.memory_space<vmem>> -> memref<1x64xi32, #tpu.memory_space<vmem>>
    %dma_wait3A_498 = arith.constant 0 : i32
    %dma_wait3A_499 = arith.constant 0 : i32
    %dma_wait3A_500 = tpu.memref_slice %arg3[%dma_wait3A_493, %dma_wait3A_494, %dma_wait3A_498, %dma_wait3A_499] : memref<2x5000x1x64xi32, #tpu.memory_space<hbm>> -> memref<1x1x1x64xi32, #tpu.memory_space<hbm>>
    %dma_wait3A_501 = tpu.memref_squeeze %dma_wait3A_500 : memref<1x1x1x64xi32, #tpu.memory_space<hbm>> -> memref<1x64xi32, #tpu.memory_space<hbm>>
    %dma_wait3A_502 = arith.constant 1 : i32
    %dma_wait3A_503 = arith.constant 0 : i32
    %dma_wait3A_504 = tpu.memref_slice %arg7[%dma_wait3A_502, %dma_wait3A_503] : memref<2x64xi32, #tpu.memory_space<vmem>> -> memref<1x64xi32, #tpu.memory_space<vmem>>
    %dma_wait3A_505 = arith.constant 0 : i32
    %dma_wait3A_506 = arith.constant 0 : i32
    %dma_wait3A_507 = tpu.memref_slice %arg3[%dma_wait3A_493, %dma_wait3A_494, %dma_wait3A_505, %dma_wait3A_506] : memref<2x5000x1x64xi32, #tpu.memory_space<hbm>> -> memref<1x1x1x64xi32, #tpu.memory_space<hbm>>
    %dma_wait3A_508 = tpu.memref_squeeze %dma_wait3A_507 : memref<1x1x1x64xi32, #tpu.memory_space<hbm>> -> memref<1x64xi32, #tpu.memory_space<hbm>>
    tpu.wait_dma2 semaphore(%arg20 : memref<!tpu.dma_semaphore, #tpu.memory_space<semaphore_mem>>) src(%dma_wait3A_508 : memref<1x64xi32, #tpu.memory_space<hbm>>) dst(%dma_wait3A_504 : memref<1x64xi32, #tpu.memory_space<vmem>>)
    %dma_wait3A_509 = arith.constant 1 : i32
    %dma_wait3A_510 = arith.constant 0 : i32
    %dma_wait3A_511 = tpu.memref_slice %arg5[%dma_wait3A_509, %dma_wait3A_510] : memref<2x64xi32, #tpu.memory_space<vmem>> -> memref<1x64xi32, #tpu.memory_space<vmem>>
    %dma_wait3A_512 = tpu.memref_squeeze %dma_wait3A_511 : memref<1x64xi32, #tpu.memory_space<vmem>> -> memref<64xi32, #tpu.memory_space<vmem>>
    %dma_wait3A_513 = arith.constant 0 : i32
    %dma_wait3A_514 = arith.constant 0 : i32
    %dma_wait3A_515 = tpu.memref_slice %arg17[%dma_wait3A_513, %dma_wait3A_514] : memref<10112x128xf32, #tpu.memory_space<vmem_shared>> -> memref<10112x128xf32, #tpu.memory_space<vmem_shared>>
    tpu.wait_indirect_dma semaphore(%arg32 : memref<!tpu.dma_semaphore, #tpu.memory_space<semaphore_mem>>) src(%arg15 : memref<64x128xf32, #tpu.memory_space<vmem>>) dst(%dma_wait3A_515 : memref<10112x128xf32, #tpu.memory_space<vmem_shared>>)
    %dma_start3A_516 = arith.constant 0 : i32
    %dma_start3A_517 = arith.constant 0 : i32
    %dma_start3A_518 = tpu.memref_slice %arg7[%dma_start3A_516, %dma_start3A_517] : memref<2x64xi32, #tpu.memory_space<vmem>> -> memref<1x64xi32, #tpu.memory_space<vmem>>
    %dma_start3A_519 = tpu.memref_squeeze %dma_start3A_518 : memref<1x64xi32, #tpu.memory_space<vmem>> -> memref<64xi32, #tpu.memory_space<vmem>>
    %dma_start3A_520 = arith.constant 0 : i32
    %dma_start3A_521 = arith.constant 0 : i32
    %dma_start3A_522 = tpu.memref_slice %arg2[%dma_start3A_520, %dma_start3A_521] : memref<10000x128xf32, #tpu.memory_space<hbm>> -> memref<10000x128xf32, #tpu.memory_space<hbm>>
    tpu.enqueue_indirect_dma source(%dma_start3A_522 : memref<10000x128xf32, #tpu.memory_space<hbm>>) target(%arg15 : memref<64x128xf32, #tpu.memory_space<vmem>>) offsets(%dma_start3A_519 : memref<64xi32, #tpu.memory_space<vmem>>) semaphore(%arg28 : memref<!tpu.dma_semaphore, #tpu.memory_space<semaphore_mem>>)
    %dma_wait3A_523 = arith.constant 0 : i32
    %dma_wait3A_524 = arith.constant 0 : i32
    %dma_wait3A_525 = arith.constant 0 : i32
    %dma_wait3A_526 = arith.constant 0 : i32
    %dma_wait3A_527 = tpu.memref_slice %arg8[%dma_wait3A_525, %dma_wait3A_526] : memref<2x64xi32, #tpu.memory_space<vmem>> -> memref<1x64xi32, #tpu.memory_space<vmem>>
    %dma_wait3A_528 = arith.constant 0 : i32
    %dma_wait3A_529 = arith.constant 0 : i32
    %dma_wait3A_530 = tpu.memref_slice %arg3[%dma_wait3A_523, %dma_wait3A_524, %dma_wait3A_528, %dma_wait3A_529] : memref<2x5000x1x64xi32, #tpu.memory_space<hbm>> -> memref<1x1x1x64xi32, #tpu.memory_space<hbm>>
    %dma_wait3A_531 = tpu.memref_squeeze %dma_wait3A_530 : memref<1x1x1x64xi32, #tpu.memory_space<hbm>> -> memref<1x64xi32, #tpu.memory_space<hbm>>
    %dma_wait3A_532 = arith.constant 0 : i32
    %dma_wait3A_533 = arith.constant 0 : i32
    %dma_wait3A_534 = tpu.memref_slice %arg8[%dma_wait3A_532, %dma_wait3A_533] : memref<2x64xi32, #tpu.memory_space<vmem>> -> memref<1x64xi32, #tpu.memory_space<vmem>>
    %dma_wait3A_535 = arith.constant 0 : i32
    %dma_wait3A_536 = arith.constant 0 : i32
    %dma_wait3A_537 = tpu.memref_slice %arg3[%dma_wait3A_523, %dma_wait3A_524, %dma_wait3A_535, %dma_wait3A_536] : memref<2x5000x1x64xi32, #tpu.memory_space<hbm>> -> memref<1x1x1x64xi32, #tpu.memory_space<hbm>>
    %dma_wait3A_538 = tpu.memref_squeeze %dma_wait3A_537 : memref<1x1x1x64xi32, #tpu.memory_space<hbm>> -> memref<1x64xi32, #tpu.memory_space<hbm>>
    tpu.wait_dma2 semaphore(%arg21 : memref<!tpu.dma_semaphore, #tpu.memory_space<semaphore_mem>>) src(%dma_wait3A_538 : memref<1x64xi32, #tpu.memory_space<hbm>>) dst(%dma_wait3A_534 : memref<1x64xi32, #tpu.memory_space<vmem>>)
    %dma_wait3A_539 = arith.constant 0 : i32
    %dma_wait3A_540 = arith.constant 0 : i32
    %dma_wait3A_541 = arith.constant 1 : i32
    %dma_wait3A_542 = arith.constant 0 : i32
    %dma_wait3A_543 = tpu.memref_slice %arg8[%dma_wait3A_541, %dma_wait3A_542] : memref<2x64xi32, #tpu.memory_space<vmem>> -> memref<1x64xi32, #tpu.memory_space<vmem>>
    %dma_wait3A_544 = arith.constant 0 : i32
    %dma_wait3A_545 = arith.constant 0 : i32
    %dma_wait3A_546 = tpu.memref_slice %arg3[%dma_wait3A_539, %dma_wait3A_540, %dma_wait3A_544, %dma_wait3A_545] : memref<2x5000x1x64xi32, #tpu.memory_space<hbm>> -> memref<1x1x1x64xi32, #tpu.memory_space<hbm>>
    %dma_wait3A_547 = tpu.memref_squeeze %dma_wait3A_546 : memref<1x1x1x64xi32, #tpu.memory_space<hbm>> -> memref<1x64xi32, #tpu.memory_space<hbm>>
    %dma_wait3A_548 = arith.constant 1 : i32
    %dma_wait3A_549 = arith.constant 0 : i32
    %dma_wait3A_550 = tpu.memref_slice %arg8[%dma_wait3A_548, %dma_wait3A_549] : memref<2x64xi32, #tpu.memory_space<vmem>> -> memref<1x64xi32, #tpu.memory_space<vmem>>
    %dma_wait3A_551 = arith.constant 0 : i32
    %dma_wait3A_552 = arith.constant 0 : i32
    %dma_wait3A_553 = tpu.memref_slice %arg3[%dma_wait3A_539, %dma_wait3A_540, %dma_wait3A_551, %dma_wait3A_552] : memref<2x5000x1x64xi32, #tpu.memory_space<hbm>> -> memref<1x1x1x64xi32, #tpu.memory_space<hbm>>
    %dma_wait3A_554 = tpu.memref_squeeze %dma_wait3A_553 : memref<1x1x1x64xi32, #tpu.memory_space<hbm>> -> memref<1x64xi32, #tpu.memory_space<hbm>>
    tpu.wait_dma2 semaphore(%arg21 : memref<!tpu.dma_semaphore, #tpu.memory_space<semaphore_mem>>) src(%dma_wait3A_554 : memref<1x64xi32, #tpu.memory_space<hbm>>) dst(%dma_wait3A_550 : memref<1x64xi32, #tpu.memory_space<vmem>>)
    %dma_wait3A_555 = arith.constant 1 : i32
    %dma_wait3A_556 = arith.constant 0 : i32
    %dma_wait3A_557 = tpu.memref_slice %arg5[%dma_wait3A_555, %dma_wait3A_556] : memref<2x64xi32, #tpu.memory_space<vmem>> -> memref<1x64xi32, #tpu.memory_space<vmem>>
    %dma_wait3A_558 = tpu.memref_squeeze %dma_wait3A_557 : memref<1x64xi32, #tpu.memory_space<vmem>> -> memref<64xi32, #tpu.memory_space<vmem>>
    %dma_wait3A_559 = arith.constant 0 : i32
    %dma_wait3A_560 = arith.constant 0 : i32
    %dma_wait3A_561 = tpu.memref_slice %arg17[%dma_wait3A_559, %dma_wait3A_560] : memref<10112x128xf32, #tpu.memory_space<vmem_shared>> -> memref<10112x128xf32, #tpu.memory_space<vmem_shared>>
    tpu.wait_indirect_dma semaphore(%arg33 : memref<!tpu.dma_semaphore, #tpu.memory_space<semaphore_mem>>) src(%arg16 : memref<64x128xf32, #tpu.memory_space<vmem>>) dst(%dma_wait3A_561 : memref<10112x128xf32, #tpu.memory_space<vmem_shared>>)
    %dma_start3A_562 = arith.constant 0 : i32
    %dma_start3A_563 = arith.constant 0 : i32
    %dma_start3A_564 = tpu.memref_slice %arg8[%dma_start3A_562, %dma_start3A_563] : memref<2x64xi32, #tpu.memory_space<vmem>> -> memref<1x64xi32, #tpu.memory_space<vmem>>
    %dma_start3A_565 = tpu.memref_squeeze %dma_start3A_564 : memref<1x64xi32, #tpu.memory_space<vmem>> -> memref<64xi32, #tpu.memory_space<vmem>>
    %dma_start3A_566 = arith.constant 0 : i32
    %dma_start3A_567 = arith.constant 0 : i32
    %dma_start3A_568 = tpu.memref_slice %arg2[%dma_start3A_566, %dma_start3A_567] : memref<10000x128xf32, #tpu.memory_space<hbm>> -> memref<10000x128xf32, #tpu.memory_space<hbm>>
    tpu.enqueue_indirect_dma source(%dma_start3A_568 : memref<10000x128xf32, #tpu.memory_space<hbm>>) target(%arg16 : memref<64x128xf32, #tpu.memory_space<vmem>>) offsets(%dma_start3A_565 : memref<64xi32, #tpu.memory_space<vmem>>) semaphore(%arg29 : memref<!tpu.dma_semaphore, #tpu.memory_space<semaphore_mem>>)
    %lt3A = arith.constant 8 : i32
    %lt3A_569 = arith.cmpi slt, %add3A, %lt3A : i32
    %convert_element_type3A = arith.extui %lt3A_569 : i1 to i32
    %cond3A = arith.constant 0 : i32
    %cond3A_570 = arith.cmpi ne, %convert_element_type3A, %cond3A : i32
    scf.if %cond3A_570 {
      %add3A_665 = arith.constant 4992 : i32
      %add3A_666 = arith.addi %add3A, %add3A_665 : i32
      %dma_start3A_667 = arith.constant 0 : i32
      %dma_start3A_668 = arith.constant 0 : i32
      %dma_start3A_669 = arith.constant 0 : i32
      %dma_start3A_670 = tpu.memref_slice %arg9[%dma_start3A_668, %dma_start3A_669] : memref<2x64xi32, #tpu.memory_space<vmem>> -> memref<1x64xi32, #tpu.memory_space<vmem>>
      %dma_start3A_671 = arith.constant 0 : i32
      %dma_start3A_672 = arith.constant 0 : i32
      %dma_start3A_673 = tpu.memref_slice %arg3[%dma_start3A_667, %add3A_666, %dma_start3A_671, %dma_start3A_672] : memref<2x5000x1x64xi32, #tpu.memory_space<hbm>> -> memref<1x1x1x64xi32, #tpu.memory_space<hbm>>
      %dma_start3A_674 = tpu.memref_squeeze %dma_start3A_673 : memref<1x1x1x64xi32, #tpu.memory_space<hbm>> -> memref<1x64xi32, #tpu.memory_space<hbm>>
      %dma_start3A_675 = arith.constant 0 : i32
      %dma_start3A_676 = arith.constant 0 : i32
      %dma_start3A_677 = tpu.memref_slice %arg9[%dma_start3A_675, %dma_start3A_676] : memref<2x64xi32, #tpu.memory_space<vmem>> -> memref<1x64xi32, #tpu.memory_space<vmem>>
      %dma_start3A_678 = arith.constant 0 : i32
      %dma_start3A_679 = arith.constant 0 : i32
      %dma_start3A_680 = tpu.memref_slice %arg3[%dma_start3A_667, %add3A_666, %dma_start3A_678, %dma_start3A_679] : memref<2x5000x1x64xi32, #tpu.memory_space<hbm>> -> memref<1x1x1x64xi32, #tpu.memory_space<hbm>>
      %dma_start3A_681 = tpu.memref_squeeze %dma_start3A_680 : memref<1x1x1x64xi32, #tpu.memory_space<hbm>> -> memref<1x64xi32, #tpu.memory_space<hbm>>
      tpu.enqueue_dma source(%dma_start3A_681 : memref<1x64xi32, #tpu.memory_space<hbm>>) target(%dma_start3A_677 : memref<1x64xi32, #tpu.memory_space<vmem>>) target_semaphore(%arg22 : memref<!tpu.dma_semaphore, #tpu.memory_space<semaphore_mem>>)
      %dma_start3A_682 = arith.constant 1 : i32
      %dma_start3A_683 = arith.constant 1 : i32
      %dma_start3A_684 = arith.constant 0 : i32
      %dma_start3A_685 = tpu.memref_slice %arg9[%dma_start3A_683, %dma_start3A_684] : memref<2x64xi32, #tpu.memory_space<vmem>> -> memref<1x64xi32, #tpu.memory_space<vmem>>
      %dma_start3A_686 = arith.constant 0 : i32
      %dma_start3A_687 = arith.constant 0 : i32
      %dma_start3A_688 = tpu.memref_slice %arg3[%dma_start3A_682, %add3A_666, %dma_start3A_686, %dma_start3A_687] : memref<2x5000x1x64xi32, #tpu.memory_space<hbm>> -> memref<1x1x1x64xi32, #tpu.memory_space<hbm>>
      %dma_start3A_689 = tpu.memref_squeeze %dma_start3A_688 : memref<1x1x1x64xi32, #tpu.memory_space<hbm>> -> memref<1x64xi32, #tpu.memory_space<hbm>>
      %dma_start3A_690 = arith.constant 1 : i32
      %dma_start3A_691 = arith.constant 0 : i32
      %dma_start3A_692 = tpu.memref_slice %arg9[%dma_start3A_690, %dma_start3A_691] : memref<2x64xi32, #tpu.memory_space<vmem>> -> memref<1x64xi32, #tpu.memory_space<vmem>>
      %dma_start3A_693 = arith.constant 0 : i32
      %dma_start3A_694 = arith.constant 0 : i32
      %dma_start3A_695 = tpu.memref_slice %arg3[%dma_start3A_682, %add3A_666, %dma_start3A_693, %dma_start3A_694] : memref<2x5000x1x64xi32, #tpu.memory_space<hbm>> -> memref<1x1x1x64xi32, #tpu.memory_space<hbm>>
      %dma_start3A_696 = tpu.memref_squeeze %dma_start3A_695 : memref<1x1x1x64xi32, #tpu.memory_space<hbm>> -> memref<1x64xi32, #tpu.memory_space<hbm>>
      tpu.enqueue_dma source(%dma_start3A_696 : memref<1x64xi32, #tpu.memory_space<hbm>>) target(%dma_start3A_692 : memref<1x64xi32, #tpu.memory_space<vmem>>) target_semaphore(%arg22 : memref<!tpu.dma_semaphore, #tpu.memory_space<semaphore_mem>>)
    } else {
    }
    %dma_wait3A_571 = arith.constant 0 : i32
    %dma_wait3A_572 = arith.constant 0 : i32
    %dma_wait3A_573 = tpu.memref_slice %arg5[%dma_wait3A_571, %dma_wait3A_572] : memref<2x64xi32, #tpu.memory_space<vmem>> -> memref<1x64xi32, #tpu.memory_space<vmem>>
    %dma_wait3A_574 = tpu.memref_squeeze %dma_wait3A_573 : memref<1x64xi32, #tpu.memory_space<vmem>> -> memref<64xi32, #tpu.memory_space<vmem>>
    %dma_wait3A_575 = arith.constant 0 : i32
    %dma_wait3A_576 = arith.constant 0 : i32
    %dma_wait3A_577 = tpu.memref_slice %arg2[%dma_wait3A_575, %dma_wait3A_576] : memref<10000x128xf32, #tpu.memory_space<hbm>> -> memref<10000x128xf32, #tpu.memory_space<hbm>>
    tpu.wait_indirect_dma semaphore(%arg26 : memref<!tpu.dma_semaphore, #tpu.memory_space<semaphore_mem>>) src(%dma_wait3A_577 : memref<10000x128xf32, #tpu.memory_space<hbm>>) dst(%arg13 : memref<64x128xf32, #tpu.memory_space<vmem>>)
    %dma_start3A_578 = arith.constant 1 : i32
    %dma_start3A_579 = arith.constant 0 : i32
    %dma_start3A_580 = tpu.memref_slice %arg5[%dma_start3A_578, %dma_start3A_579] : memref<2x64xi32, #tpu.memory_space<vmem>> -> memref<1x64xi32, #tpu.memory_space<vmem>>
    %dma_start3A_581 = tpu.memref_squeeze %dma_start3A_580 : memref<1x64xi32, #tpu.memory_space<vmem>> -> memref<64xi32, #tpu.memory_space<vmem>>
    %dma_start3A_582 = arith.constant 0 : i32
    %dma_start3A_583 = arith.constant 0 : i32
    %dma_start3A_584 = tpu.memref_slice %arg17[%dma_start3A_582, %dma_start3A_583] : memref<10112x128xf32, #tpu.memory_space<vmem_shared>> -> memref<10112x128xf32, #tpu.memory_space<vmem_shared>>
    tpu.enqueue_indirect_dma source(%arg13 : memref<64x128xf32, #tpu.memory_space<vmem>>) target(%dma_start3A_584 : memref<10112x128xf32, #tpu.memory_space<vmem_shared>>) offsets(%dma_start3A_581 : memref<64xi32, #tpu.memory_space<vmem>>) semaphore(%arg30 : memref<!tpu.dma_semaphore, #tpu.memory_space<semaphore_mem>>) {add = true}
    %dma_wait3A_585 = arith.constant 0 : i32
    %dma_wait3A_586 = arith.constant 0 : i32
    %dma_wait3A_587 = tpu.memref_slice %arg5[%dma_wait3A_585, %dma_wait3A_586] : memref<2x64xi32, #tpu.memory_space<vmem>> -> memref<1x64xi32, #tpu.memory_space<vmem>>
    %dma_wait3A_588 = tpu.memref_squeeze %dma_wait3A_587 : memref<1x64xi32, #tpu.memory_space<vmem>> -> memref<64xi32, #tpu.memory_space<vmem>>
    %dma_wait3A_589 = arith.constant 0 : i32
    %dma_wait3A_590 = arith.constant 0 : i32
    %dma_wait3A_591 = tpu.memref_slice %arg2[%dma_wait3A_589, %dma_wait3A_590] : memref<10000x128xf32, #tpu.memory_space<hbm>> -> memref<10000x128xf32, #tpu.memory_space<hbm>>
    tpu.wait_indirect_dma semaphore(%arg27 : memref<!tpu.dma_semaphore, #tpu.memory_space<semaphore_mem>>) src(%dma_wait3A_591 : memref<10000x128xf32, #tpu.memory_space<hbm>>) dst(%arg14 : memref<64x128xf32, #tpu.memory_space<vmem>>)
    %dma_start3A_592 = arith.constant 1 : i32
    %dma_start3A_593 = arith.constant 0 : i32
    %dma_start3A_594 = tpu.memref_slice %arg6[%dma_start3A_592, %dma_start3A_593] : memref<2x64xi32, #tpu.memory_space<vmem>> -> memref<1x64xi32, #tpu.memory_space<vmem>>
    %dma_start3A_595 = tpu.memref_squeeze %dma_start3A_594 : memref<1x64xi32, #tpu.memory_space<vmem>> -> memref<64xi32, #tpu.memory_space<vmem>>
    %dma_start3A_596 = arith.constant 0 : i32
    %dma_start3A_597 = arith.constant 0 : i32
    %dma_start3A_598 = tpu.memref_slice %arg17[%dma_start3A_596, %dma_start3A_597] : memref<10112x128xf32, #tpu.memory_space<vmem_shared>> -> memref<10112x128xf32, #tpu.memory_space<vmem_shared>>
    tpu.enqueue_indirect_dma source(%arg14 : memref<64x128xf32, #tpu.memory_space<vmem>>) target(%dma_start3A_598 : memref<10112x128xf32, #tpu.memory_space<vmem_shared>>) offsets(%dma_start3A_595 : memref<64xi32, #tpu.memory_space<vmem>>) semaphore(%arg31 : memref<!tpu.dma_semaphore, #tpu.memory_space<semaphore_mem>>) {add = true}
    %dma_wait3A_599 = arith.constant 0 : i32
    %dma_wait3A_600 = arith.constant 0 : i32
    %dma_wait3A_601 = tpu.memref_slice %arg5[%dma_wait3A_599, %dma_wait3A_600] : memref<2x64xi32, #tpu.memory_space<vmem>> -> memref<1x64xi32, #tpu.memory_space<vmem>>
    %dma_wait3A_602 = tpu.memref_squeeze %dma_wait3A_601 : memref<1x64xi32, #tpu.memory_space<vmem>> -> memref<64xi32, #tpu.memory_space<vmem>>
    %dma_wait3A_603 = arith.constant 0 : i32
    %dma_wait3A_604 = arith.constant 0 : i32
    %dma_wait3A_605 = tpu.memref_slice %arg2[%dma_wait3A_603, %dma_wait3A_604] : memref<10000x128xf32, #tpu.memory_space<hbm>> -> memref<10000x128xf32, #tpu.memory_space<hbm>>
    tpu.wait_indirect_dma semaphore(%arg28 : memref<!tpu.dma_semaphore, #tpu.memory_space<semaphore_mem>>) src(%dma_wait3A_605 : memref<10000x128xf32, #tpu.memory_space<hbm>>) dst(%arg15 : memref<64x128xf32, #tpu.memory_space<vmem>>)
    %dma_start3A_606 = arith.constant 1 : i32
    %dma_start3A_607 = arith.constant 0 : i32
    %dma_start3A_608 = tpu.memref_slice %arg7[%dma_start3A_606, %dma_start3A_607] : memref<2x64xi32, #tpu.memory_space<vmem>> -> memref<1x64xi32, #tpu.memory_space<vmem>>
    %dma_start3A_609 = tpu.memref_squeeze %dma_start3A_608 : memref<1x64xi32, #tpu.memory_space<vmem>> -> memref<64xi32, #tpu.memory_space<vmem>>
    %dma_start3A_610 = arith.constant 0 : i32
    %dma_start3A_611 = arith.constant 0 : i32
    %dma_start3A_612 = tpu.memref_slice %arg17[%dma_start3A_610, %dma_start3A_611] : memref<10112x128xf32, #tpu.memory_space<vmem_shared>> -> memref<10112x128xf32, #tpu.memory_space<vmem_shared>>
    tpu.enqueue_indirect_dma source(%arg15 : memref<64x128xf32, #tpu.memory_space<vmem>>) target(%dma_start3A_612 : memref<10112x128xf32, #tpu.memory_space<vmem_shared>>) offsets(%dma_start3A_609 : memref<64xi32, #tpu.memory_space<vmem>>) semaphore(%arg32 : memref<!tpu.dma_semaphore, #tpu.memory_space<semaphore_mem>>) {add = true}
    %dma_wait3A_613 = arith.constant 0 : i32
    %dma_wait3A_614 = arith.constant 0 : i32
    %dma_wait3A_615 = tpu.memref_slice %arg5[%dma_wait3A_613, %dma_wait3A_614] : memref<2x64xi32, #tpu.memory_space<vmem>> -> memref<1x64xi32, #tpu.memory_space<vmem>>
    %dma_wait3A_616 = tpu.memref_squeeze %dma_wait3A_615 : memref<1x64xi32, #tpu.memory_space<vmem>> -> memref<64xi32, #tpu.memory_space<vmem>>
    %dma_wait3A_617 = arith.constant 0 : i32
    %dma_wait3A_618 = arith.constant 0 : i32
    %dma_wait3A_619 = tpu.memref_slice %arg2[%dma_wait3A_617, %dma_wait3A_618] : memref<10000x128xf32, #tpu.memory_space<hbm>> -> memref<10000x128xf32, #tpu.memory_space<hbm>>
    tpu.wait_indirect_dma semaphore(%arg29 : memref<!tpu.dma_semaphore, #tpu.memory_space<semaphore_mem>>) src(%dma_wait3A_619 : memref<10000x128xf32, #tpu.memory_space<hbm>>) dst(%arg16 : memref<64x128xf32, #tpu.memory_space<vmem>>)
    %dma_start3A_620 = arith.constant 1 : i32
    %dma_start3A_621 = arith.constant 0 : i32
    %dma_start3A_622 = tpu.memref_slice %arg8[%dma_start3A_620, %dma_start3A_621] : memref<2x64xi32, #tpu.memory_space<vmem>> -> memref<1x64xi32, #tpu.memory_space<vmem>>
    %dma_start3A_623 = tpu.memref_squeeze %dma_start3A_622 : memref<1x64xi32, #tpu.memory_space<vmem>> -> memref<64xi32, #tpu.memory_space<vmem>>
    %dma_start3A_624 = arith.constant 0 : i32
    %dma_start3A_625 = arith.constant 0 : i32
    %dma_start3A_626 = tpu.memref_slice %arg17[%dma_start3A_624, %dma_start3A_625] : memref<10112x128xf32, #tpu.memory_space<vmem_shared>> -> memref<10112x128xf32, #tpu.memory_space<vmem_shared>>
    tpu.enqueue_indirect_dma source(%arg16 : memref<64x128xf32, #tpu.memory_space<vmem>>) target(%dma_start3A_626 : memref<10112x128xf32, #tpu.memory_space<vmem_shared>>) offsets(%dma_start3A_623 : memref<64xi32, #tpu.memory_space<vmem>>) semaphore(%arg33 : memref<!tpu.dma_semaphore, #tpu.memory_space<semaphore_mem>>) {add = true}
    %lt3A_627 = arith.constant 8 : i32
    %lt3A_628 = arith.cmpi slt, %add3A, %lt3A_627 : i32
    %convert_element_type3A_629 = arith.extui %lt3A_628 : i1 to i32
    %cond3A_630 = arith.constant 0 : i32
    %cond3A_631 = arith.cmpi ne, %convert_element_type3A_629, %cond3A_630 : i32
    scf.if %cond3A_631 {
      %dma_wait3A_665 = arith.constant 0 : i32
      %dma_wait3A_666 = arith.constant 0 : i32
      %dma_wait3A_667 = arith.constant 0 : i32
      %dma_wait3A_668 = arith.constant 0 : i32
      %dma_wait3A_669 = tpu.memref_slice %arg9[%dma_wait3A_667, %dma_wait3A_668] : memref<2x64xi32, #tpu.memory_space<vmem>> -> memref<1x64xi32, #tpu.memory_space<vmem>>
      %dma_wait3A_670 = arith.constant 0 : i32
      %dma_wait3A_671 = arith.constant 0 : i32
      %dma_wait3A_672 = tpu.memref_slice %arg3[%dma_wait3A_665, %dma_wait3A_666, %dma_wait3A_670, %dma_wait3A_671] : memref<2x5000x1x64xi32, #tpu.memory_space<hbm>> -> memref<1x1x1x64xi32, #tpu.memory_space<hbm>>
      %dma_wait3A_673 = tpu.memref_squeeze %dma_wait3A_672 : memref<1x1x1x64xi32, #tpu.memory_space<hbm>> -> memref<1x64xi32, #tpu.memory_space<hbm>>
      %dma_wait3A_674 = arith.constant 0 : i32
      %dma_wait3A_675 = arith.constant 0 : i32
      %dma_wait3A_676 = tpu.memref_slice %arg9[%dma_wait3A_674, %dma_wait3A_675] : memref<2x64xi32, #tpu.memory_space<vmem>> -> memref<1x64xi32, #tpu.memory_space<vmem>>
      %dma_wait3A_677 = arith.constant 0 : i32
      %dma_wait3A_678 = arith.constant 0 : i32
      %dma_wait3A_679 = tpu.memref_slice %arg3[%dma_wait3A_665, %dma_wait3A_666, %dma_wait3A_677, %dma_wait3A_678] : memref<2x5000x1x64xi32, #tpu.memory_space<hbm>> -> memref<1x1x1x64xi32, #tpu.memory_space<hbm>>
      %dma_wait3A_680 = tpu.memref_squeeze %dma_wait3A_679 : memref<1x1x1x64xi32, #tpu.memory_space<hbm>> -> memref<1x64xi32, #tpu.memory_space<hbm>>
      tpu.wait_dma2 semaphore(%arg22 : memref<!tpu.dma_semaphore, #tpu.memory_space<semaphore_mem>>) src(%dma_wait3A_680 : memref<1x64xi32, #tpu.memory_space<hbm>>) dst(%dma_wait3A_676 : memref<1x64xi32, #tpu.memory_space<vmem>>)
      %dma_wait3A_681 = arith.constant 0 : i32
      %dma_wait3A_682 = arith.constant 0 : i32
      %dma_wait3A_683 = arith.constant 1 : i32
      %dma_wait3A_684 = arith.constant 0 : i32
      %dma_wait3A_685 = tpu.memref_slice %arg9[%dma_wait3A_683, %dma_wait3A_684] : memref<2x64xi32, #tpu.memory_space<vmem>> -> memref<1x64xi32, #tpu.memory_space<vmem>>
      %dma_wait3A_686 = arith.constant 0 : i32
      %dma_wait3A_687 = arith.constant 0 : i32
      %dma_wait3A_688 = tpu.memref_slice %arg3[%dma_wait3A_681, %dma_wait3A_682, %dma_wait3A_686, %dma_wait3A_687] : memref<2x5000x1x64xi32, #tpu.memory_space<hbm>> -> memref<1x1x1x64xi32, #tpu.memory_space<hbm>>
      %dma_wait3A_689 = tpu.memref_squeeze %dma_wait3A_688 : memref<1x1x1x64xi32, #tpu.memory_space<hbm>> -> memref<1x64xi32, #tpu.memory_space<hbm>>
      %dma_wait3A_690 = arith.constant 1 : i32
      %dma_wait3A_691 = arith.constant 0 : i32
      %dma_wait3A_692 = tpu.memref_slice %arg9[%dma_wait3A_690, %dma_wait3A_691] : memref<2x64xi32, #tpu.memory_space<vmem>> -> memref<1x64xi32, #tpu.memory_space<vmem>>
      %dma_wait3A_693 = arith.constant 0 : i32
      %dma_wait3A_694 = arith.constant 0 : i32
      %dma_wait3A_695 = tpu.memref_slice %arg3[%dma_wait3A_681, %dma_wait3A_682, %dma_wait3A_693, %dma_wait3A_694] : memref<2x5000x1x64xi32, #tpu.memory_space<hbm>> -> memref<1x1x1x64xi32, #tpu.memory_space<hbm>>
      %dma_wait3A_696 = tpu.memref_squeeze %dma_wait3A_695 : memref<1x1x1x64xi32, #tpu.memory_space<hbm>> -> memref<1x64xi32, #tpu.memory_space<hbm>>
      tpu.wait_dma2 semaphore(%arg22 : memref<!tpu.dma_semaphore, #tpu.memory_space<semaphore_mem>>) src(%dma_wait3A_696 : memref<1x64xi32, #tpu.memory_space<hbm>>) dst(%dma_wait3A_692 : memref<1x64xi32, #tpu.memory_space<vmem>>)
      %dma_wait3A_697 = arith.constant 1 : i32
      %dma_wait3A_698 = arith.constant 0 : i32
      %dma_wait3A_699 = tpu.memref_slice %arg5[%dma_wait3A_697, %dma_wait3A_698] : memref<2x64xi32, #tpu.memory_space<vmem>> -> memref<1x64xi32, #tpu.memory_space<vmem>>
      %dma_wait3A_700 = tpu.memref_squeeze %dma_wait3A_699 : memref<1x64xi32, #tpu.memory_space<vmem>> -> memref<64xi32, #tpu.memory_space<vmem>>
      %dma_wait3A_701 = arith.constant 0 : i32
      %dma_wait3A_702 = arith.constant 0 : i32
      %dma_wait3A_703 = tpu.memref_slice %arg17[%dma_wait3A_701, %dma_wait3A_702] : memref<10112x128xf32, #tpu.memory_space<vmem_shared>> -> memref<10112x128xf32, #tpu.memory_space<vmem_shared>>
      tpu.wait_indirect_dma semaphore(%arg30 : memref<!tpu.dma_semaphore, #tpu.memory_space<semaphore_mem>>) src(%arg13 : memref<64x128xf32, #tpu.memory_space<vmem>>) dst(%dma_wait3A_703 : memref<10112x128xf32, #tpu.memory_space<vmem_shared>>)
      %dma_start3A_704 = arith.constant 0 : i32
      %dma_start3A_705 = arith.constant 0 : i32
      %dma_start3A_706 = tpu.memref_slice %arg9[%dma_start3A_704, %dma_start3A_705] : memref<2x64xi32, #tpu.memory_space<vmem>> -> memref<1x64xi32, #tpu.memory_space<vmem>>
      %dma_start3A_707 = tpu.memref_squeeze %dma_start3A_706 : memref<1x64xi32, #tpu.memory_space<vmem>> -> memref<64xi32, #tpu.memory_space<vmem>>
      %dma_start3A_708 = arith.constant 0 : i32
      %dma_start3A_709 = arith.constant 0 : i32
      %dma_start3A_710 = tpu.memref_slice %arg2[%dma_start3A_708, %dma_start3A_709] : memref<10000x128xf32, #tpu.memory_space<hbm>> -> memref<10000x128xf32, #tpu.memory_space<hbm>>
      tpu.enqueue_indirect_dma source(%dma_start3A_710 : memref<10000x128xf32, #tpu.memory_space<hbm>>) target(%arg13 : memref<64x128xf32, #tpu.memory_space<vmem>>) offsets(%dma_start3A_707 : memref<64xi32, #tpu.memory_space<vmem>>) semaphore(%arg26 : memref<!tpu.dma_semaphore, #tpu.memory_space<semaphore_mem>>)
      %dma_wait3A_711 = arith.constant 0 : i32
      %dma_wait3A_712 = arith.constant 0 : i32
      %dma_wait3A_713 = tpu.memref_slice %arg5[%dma_wait3A_711, %dma_wait3A_712] : memref<2x64xi32, #tpu.memory_space<vmem>> -> memref<1x64xi32, #tpu.memory_space<vmem>>
      %dma_wait3A_714 = tpu.memref_squeeze %dma_wait3A_713 : memref<1x64xi32, #tpu.memory_space<vmem>> -> memref<64xi32, #tpu.memory_space<vmem>>
      %dma_wait3A_715 = arith.constant 0 : i32
      %dma_wait3A_716 = arith.constant 0 : i32
      %dma_wait3A_717 = tpu.memref_slice %arg2[%dma_wait3A_715, %dma_wait3A_716] : memref<10000x128xf32, #tpu.memory_space<hbm>> -> memref<10000x128xf32, #tpu.memory_space<hbm>>
      tpu.wait_indirect_dma semaphore(%arg26 : memref<!tpu.dma_semaphore, #tpu.memory_space<semaphore_mem>>) src(%dma_wait3A_717 : memref<10000x128xf32, #tpu.memory_space<hbm>>) dst(%arg13 : memref<64x128xf32, #tpu.memory_space<vmem>>)
      %dma_start3A_718 = arith.constant 1 : i32
      %dma_start3A_719 = arith.constant 0 : i32
      %dma_start3A_720 = tpu.memref_slice %arg9[%dma_start3A_718, %dma_start3A_719] : memref<2x64xi32, #tpu.memory_space<vmem>> -> memref<1x64xi32, #tpu.memory_space<vmem>>
      %dma_start3A_721 = tpu.memref_squeeze %dma_start3A_720 : memref<1x64xi32, #tpu.memory_space<vmem>> -> memref<64xi32, #tpu.memory_space<vmem>>
      %dma_start3A_722 = arith.constant 0 : i32
      %dma_start3A_723 = arith.constant 0 : i32
      %dma_start3A_724 = tpu.memref_slice %arg17[%dma_start3A_722, %dma_start3A_723] : memref<10112x128xf32, #tpu.memory_space<vmem_shared>> -> memref<10112x128xf32, #tpu.memory_space<vmem_shared>>
      tpu.enqueue_indirect_dma source(%arg13 : memref<64x128xf32, #tpu.memory_space<vmem>>) target(%dma_start3A_724 : memref<10112x128xf32, #tpu.memory_space<vmem_shared>>) offsets(%dma_start3A_721 : memref<64xi32, #tpu.memory_space<vmem>>) semaphore(%arg30 : memref<!tpu.dma_semaphore, #tpu.memory_space<semaphore_mem>>) {add = true}
    } else {
    }
    %dma_wait3A_632 = arith.constant 1 : i32
    %dma_wait3A_633 = arith.constant 0 : i32
    %dma_wait3A_634 = tpu.memref_slice %arg5[%dma_wait3A_632, %dma_wait3A_633] : memref<2x64xi32, #tpu.memory_space<vmem>> -> memref<1x64xi32, #tpu.memory_space<vmem>>
    %dma_wait3A_635 = tpu.memref_squeeze %dma_wait3A_634 : memref<1x64xi32, #tpu.memory_space<vmem>> -> memref<64xi32, #tpu.memory_space<vmem>>
    %dma_wait3A_636 = arith.constant 0 : i32
    %dma_wait3A_637 = arith.constant 0 : i32
    %dma_wait3A_638 = tpu.memref_slice %arg17[%dma_wait3A_636, %dma_wait3A_637] : memref<10112x128xf32, #tpu.memory_space<vmem_shared>> -> memref<10112x128xf32, #tpu.memory_space<vmem_shared>>
    tpu.wait_indirect_dma semaphore(%arg30 : memref<!tpu.dma_semaphore, #tpu.memory_space<semaphore_mem>>) src(%arg13 : memref<64x128xf32, #tpu.memory_space<vmem>>) dst(%dma_wait3A_638 : memref<10112x128xf32, #tpu.memory_space<vmem_shared>>)
    %dma_wait3A_639 = arith.constant 1 : i32
    %dma_wait3A_640 = arith.constant 0 : i32
    %dma_wait3A_641 = tpu.memref_slice %arg5[%dma_wait3A_639, %dma_wait3A_640] : memref<2x64xi32, #tpu.memory_space<vmem>> -> memref<1x64xi32, #tpu.memory_space<vmem>>
    %dma_wait3A_642 = tpu.memref_squeeze %dma_wait3A_641 : memref<1x64xi32, #tpu.memory_space<vmem>> -> memref<64xi32, #tpu.memory_space<vmem>>
    %dma_wait3A_643 = arith.constant 0 : i32
    %dma_wait3A_644 = arith.constant 0 : i32
    %dma_wait3A_645 = tpu.memref_slice %arg17[%dma_wait3A_643, %dma_wait3A_644] : memref<10112x128xf32, #tpu.memory_space<vmem_shared>> -> memref<10112x128xf32, #tpu.memory_space<vmem_shared>>
    tpu.wait_indirect_dma semaphore(%arg31 : memref<!tpu.dma_semaphore, #tpu.memory_space<semaphore_mem>>) src(%arg14 : memref<64x128xf32, #tpu.memory_space<vmem>>) dst(%dma_wait3A_645 : memref<10112x128xf32, #tpu.memory_space<vmem_shared>>)
    %dma_wait3A_646 = arith.constant 1 : i32
    %dma_wait3A_647 = arith.constant 0 : i32
    %dma_wait3A_648 = tpu.memref_slice %arg5[%dma_wait3A_646, %dma_wait3A_647] : memref<2x64xi32, #tpu.memory_space<vmem>> -> memref<1x64xi32, #tpu.memory_space<vmem>>
    %dma_wait3A_649 = tpu.memref_squeeze %dma_wait3A_648 : memref<1x64xi32, #tpu.memory_space<vmem>> -> memref<64xi32, #tpu.memory_space<vmem>>
    %dma_wait3A_650 = arith.constant 0 : i32
    %dma_wait3A_651 = arith.constant 0 : i32
    %dma_wait3A_652 = tpu.memref_slice %arg17[%dma_wait3A_650, %dma_wait3A_651] : memref<10112x128xf32, #tpu.memory_space<vmem_shared>> -> memref<10112x128xf32, #tpu.memory_space<vmem_shared>>
    tpu.wait_indirect_dma semaphore(%arg32 : memref<!tpu.dma_semaphore, #tpu.memory_space<semaphore_mem>>) src(%arg15 : memref<64x128xf32, #tpu.memory_space<vmem>>) dst(%dma_wait3A_652 : memref<10112x128xf32, #tpu.memory_space<vmem_shared>>)
    %dma_wait3A_653 = arith.constant 1 : i32
    %dma_wait3A_654 = arith.constant 0 : i32
    %dma_wait3A_655 = tpu.memref_slice %arg5[%dma_wait3A_653, %dma_wait3A_654] : memref<2x64xi32, #tpu.memory_space<vmem>> -> memref<1x64xi32, #tpu.memory_space<vmem>>
    %dma_wait3A_656 = tpu.memref_squeeze %dma_wait3A_655 : memref<1x64xi32, #tpu.memory_space<vmem>> -> memref<64xi32, #tpu.memory_space<vmem>>
    %dma_wait3A_657 = arith.constant 0 : i32
    %dma_wait3A_658 = arith.constant 0 : i32
    %dma_wait3A_659 = tpu.memref_slice %arg17[%dma_wait3A_657, %dma_wait3A_658] : memref<10112x128xf32, #tpu.memory_space<vmem_shared>> -> memref<10112x128xf32, #tpu.memory_space<vmem_shared>>
    tpu.wait_indirect_dma semaphore(%arg33 : memref<!tpu.dma_semaphore, #tpu.memory_space<semaphore_mem>>) src(%arg16 : memref<64x128xf32, #tpu.memory_space<vmem>>) dst(%dma_wait3A_659 : memref<10112x128xf32, #tpu.memory_space<vmem_shared>>)
    %barrier3A_660 = arith.constant 0 : index
    tpu.barrier barrier_id(%barrier3A_660)
    %mul3A_661 = arith.constant 632 : i32
    %mul3A_662 = arith.muli %arg1, %mul3A_661 : i32
    %mul3A_663 = arith.constant 632 : i32
    %mul3A_664 = arith.muli %arg1, %mul3A_663 : i32
    "tpu.region"() ({
      %run_scoped3A = tpu.sem_alloc : memref<!tpu.dma_semaphore, #tpu.memory_space<semaphore_mem>>
      %dma_start3A_665 = arith.constant 0 : i32
      %dma_start3A_666 = tpu.memref_slice %arg4[%arg0, %mul3A_664, %dma_start3A_665] : memref<2x10112x128xf32, #tpu.memory_space<hbm>> -> memref<1x632x128xf32, #tpu.memory_space<hbm>>
      %dma_start3A_667 = tpu.memref_squeeze %dma_start3A_666 : memref<1x632x128xf32, #tpu.memory_space<hbm>> -> memref<632x128xf32, #tpu.memory_space<hbm>>
      %dma_start3A_668 = arith.constant 0 : i32
      %dma_start3A_669 = tpu.memref_slice %arg17[%mul3A_662, %dma_start3A_668] : memref<10112x128xf32, #tpu.memory_space<vmem_shared>> -> memref<632x128xf32, #tpu.memory_space<vmem_shared>>
      tpu.enqueue_dma source(%dma_start3A_669 : memref<632x128xf32, #tpu.memory_space<vmem_shared>>) target(%dma_start3A_667 : memref<632x128xf32, #tpu.memory_space<hbm>>) target_semaphore(%run_scoped3A : memref<!tpu.dma_semaphore, #tpu.memory_space<semaphore_mem>>)
      %dma_wait3A_670 = arith.constant 0 : i32
      %dma_wait3A_671 = tpu.memref_slice %arg4[%arg0, %mul3A_664, %dma_wait3A_670] : memref<2x10112x128xf32, #tpu.memory_space<hbm>> -> memref<1x632x128xf32, #tpu.memory_space<hbm>>
      %dma_wait3A_672 = tpu.memref_squeeze %dma_wait3A_671 : memref<1x632x128xf32, #tpu.memory_space<hbm>> -> memref<632x128xf32, #tpu.memory_space<hbm>>
      %dma_wait3A_673 = arith.constant 0 : i32
      %dma_wait3A_674 = tpu.memref_slice %arg17[%mul3A_662, %dma_wait3A_673] : memref<10112x128xf32, #tpu.memory_space<vmem_shared>> -> memref<632x128xf32, #tpu.memory_space<vmem_shared>>
      tpu.wait_dma2 semaphore(%run_scoped3A : memref<!tpu.dma_semaphore, #tpu.memory_space<semaphore_mem>>) src(%dma_wait3A_674 : memref<632x128xf32, #tpu.memory_space<vmem_shared>>) dst(%dma_wait3A_672 : memref<632x128xf32, #tpu.memory_space<hbm>>)
      tpu.yield
    }) : () -> ()
    return
  }
}

#map = affine_map<(d0, d1) -> (0, 0, 0, 0)>
#map1 = affine_map<(d0, d1) -> (0, 0, 0)>
module attributes {stable_mosaic.version = 14 : i64} {
  func.func @_hist_body(%arg0: i32, %arg1: i32, %arg2: memref<2x2500x1x128xi32, #tpu.memory_space<hbm>>, %arg3: memref<2x1x10240xf32, #tpu.memory_space<hbm>>, %arg4: memref<78x1x128xi32, #tpu.memory_space<vmem>>, %arg5: memref<1x128xi32, #tpu.memory_space<vmem>>, %arg6: memref<128xf32, #tpu.memory_space<vmem>>, %arg7: memref<640xf32, #tpu.memory_space<vmem>>, %arg8: memref<10240xf32, #tpu.memory_space<vmem_shared>>) attributes {dimension_semantics = [#tpu.dimension_semantics<core_parallel>, #tpu.dimension_semantics<subcore_parallel>], iteration_bounds = array<i64: 2, 16>, scalar_prefetch = 0 : i64, scratch_operands = 5 : i64, tpu.core_type = #tpu.core_type<sc_vector_subcore>, window_params = [{transform_indices = #map}, {transform_indices = #map1}]} {
    %mul3A = arith.constant 16 : i32
    %mul3A_0 = arith.muli %arg0, %mul3A : i32
    %add3A = arith.addi %mul3A_0, %arg1 : i32
    %broadcast_in_dim3A = arith.constant 1.000000e+00 : f32
    %broadcast_in_dim3A_1 = vector.broadcast %broadcast_in_dim3A : f32 to vector<16xf32>
    %swap3A = arith.constant 0 : index
    %swap3A_2 = tpu.vector_load %arg6[%swap3A] {strides = array<i32>} : memref<128xf32, #tpu.memory_space<vmem>>, vector<16xf32>,
    %swap3A_3 = vector.shape_cast %swap3A_2 : vector<16xf32> to vector<16xf32>
    %swap3A_4 = vector.shape_cast %broadcast_in_dim3A_1 : vector<16xf32> to vector<16xf32>
    tpu.vector_store %arg6[%swap3A], %swap3A_4 {strides = array<i32>} : memref<128xf32, #tpu.memory_space<vmem>>, vector<16xf32>,
    %broadcast_in_dim3A_5 = arith.constant 1.000000e+00 : f32
    %broadcast_in_dim3A_6 = vector.broadcast %broadcast_in_dim3A_5 : f32 to vector<16xf32>
    %swap3A_7 = arith.constant 16 : index
    %swap3A_8 = tpu.vector_load %arg6[%swap3A_7] {strides = array<i32>} : memref<128xf32, #tpu.memory_space<vmem>>, vector<16xf32>,
    %swap3A_9 = vector.shape_cast %swap3A_8 : vector<16xf32> to vector<16xf32>
    %swap3A_10 = vector.shape_cast %broadcast_in_dim3A_6 : vector<16xf32> to vector<16xf32>
    tpu.vector_store %arg6[%swap3A_7], %swap3A_10 {strides = array<i32>} : memref<128xf32, #tpu.memory_space<vmem>>, vector<16xf32>,
    %broadcast_in_dim3A_11 = arith.constant 1.000000e+00 : f32
    %broadcast_in_dim3A_12 = vector.broadcast %broadcast_in_dim3A_11 : f32 to vector<16xf32>
    %swap3A_13 = arith.constant 32 : index
    %swap3A_14 = tpu.vector_load %arg6[%swap3A_13] {strides = array<i32>} : memref<128xf32, #tpu.memory_space<vmem>>, vector<16xf32>,
    %swap3A_15 = vector.shape_cast %swap3A_14 : vector<16xf32> to vector<16xf32>
    %swap3A_16 = vector.shape_cast %broadcast_in_dim3A_12 : vector<16xf32> to vector<16xf32>
    tpu.vector_store %arg6[%swap3A_13], %swap3A_16 {strides = array<i32>} : memref<128xf32, #tpu.memory_space<vmem>>, vector<16xf32>,
    %broadcast_in_dim3A_17 = arith.constant 1.000000e+00 : f32
    %broadcast_in_dim3A_18 = vector.broadcast %broadcast_in_dim3A_17 : f32 to vector<16xf32>
    %swap3A_19 = arith.constant 48 : index
    %swap3A_20 = tpu.vector_load %arg6[%swap3A_19] {strides = array<i32>} : memref<128xf32, #tpu.memory_space<vmem>>, vector<16xf32>,
    %swap3A_21 = vector.shape_cast %swap3A_20 : vector<16xf32> to vector<16xf32>
    %swap3A_22 = vector.shape_cast %broadcast_in_dim3A_18 : vector<16xf32> to vector<16xf32>
    tpu.vector_store %arg6[%swap3A_19], %swap3A_22 {strides = array<i32>} : memref<128xf32, #tpu.memory_space<vmem>>, vector<16xf32>,
    %broadcast_in_dim3A_23 = arith.constant 1.000000e+00 : f32
    %broadcast_in_dim3A_24 = vector.broadcast %broadcast_in_dim3A_23 : f32 to vector<16xf32>
    %swap3A_25 = arith.constant 64 : index
    %swap3A_26 = tpu.vector_load %arg6[%swap3A_25] {strides = array<i32>} : memref<128xf32, #tpu.memory_space<vmem>>, vector<16xf32>,
    %swap3A_27 = vector.shape_cast %swap3A_26 : vector<16xf32> to vector<16xf32>
    %swap3A_28 = vector.shape_cast %broadcast_in_dim3A_24 : vector<16xf32> to vector<16xf32>
    tpu.vector_store %arg6[%swap3A_25], %swap3A_28 {strides = array<i32>} : memref<128xf32, #tpu.memory_space<vmem>>, vector<16xf32>,
    %broadcast_in_dim3A_29 = arith.constant 1.000000e+00 : f32
    %broadcast_in_dim3A_30 = vector.broadcast %broadcast_in_dim3A_29 : f32 to vector<16xf32>
    %swap3A_31 = arith.constant 80 : index
    %swap3A_32 = tpu.vector_load %arg6[%swap3A_31] {strides = array<i32>} : memref<128xf32, #tpu.memory_space<vmem>>, vector<16xf32>,
    %swap3A_33 = vector.shape_cast %swap3A_32 : vector<16xf32> to vector<16xf32>
    %swap3A_34 = vector.shape_cast %broadcast_in_dim3A_30 : vector<16xf32> to vector<16xf32>
    tpu.vector_store %arg6[%swap3A_31], %swap3A_34 {strides = array<i32>} : memref<128xf32, #tpu.memory_space<vmem>>, vector<16xf32>,
    %broadcast_in_dim3A_35 = arith.constant 1.000000e+00 : f32
    %broadcast_in_dim3A_36 = vector.broadcast %broadcast_in_dim3A_35 : f32 to vector<16xf32>
    %swap3A_37 = arith.constant 96 : index
    %swap3A_38 = tpu.vector_load %arg6[%swap3A_37] {strides = array<i32>} : memref<128xf32, #tpu.memory_space<vmem>>, vector<16xf32>,
    %swap3A_39 = vector.shape_cast %swap3A_38 : vector<16xf32> to vector<16xf32>
    %swap3A_40 = vector.shape_cast %broadcast_in_dim3A_36 : vector<16xf32> to vector<16xf32>
    tpu.vector_store %arg6[%swap3A_37], %swap3A_40 {strides = array<i32>} : memref<128xf32, #tpu.memory_space<vmem>>, vector<16xf32>,
    %broadcast_in_dim3A_41 = arith.constant 1.000000e+00 : f32
    %broadcast_in_dim3A_42 = vector.broadcast %broadcast_in_dim3A_41 : f32 to vector<16xf32>
    %swap3A_43 = arith.constant 112 : index
    %swap3A_44 = tpu.vector_load %arg6[%swap3A_43] {strides = array<i32>} : memref<128xf32, #tpu.memory_space<vmem>>, vector<16xf32>,
    %swap3A_45 = vector.shape_cast %swap3A_44 : vector<16xf32> to vector<16xf32>
    %swap3A_46 = vector.shape_cast %broadcast_in_dim3A_42 : vector<16xf32> to vector<16xf32>
    tpu.vector_store %arg6[%swap3A_43], %swap3A_46 {strides = array<i32>} : memref<128xf32, #tpu.memory_space<vmem>>, vector<16xf32>,
    %broadcast_in_dim3A_47 = arith.constant 0.000000e+00 : f32
    %broadcast_in_dim3A_48 = vector.broadcast %broadcast_in_dim3A_47 : f32 to vector<16xf32>
    %swap3A_49 = arith.constant 0 : index
    %swap3A_50 = tpu.vector_load %arg7[%swap3A_49] {strides = array<i32>} : memref<640xf32, #tpu.memory_space<vmem>>, vector<16xf32>,
    %swap3A_51 = vector.shape_cast %swap3A_50 : vector<16xf32> to vector<16xf32>
    %swap3A_52 = vector.shape_cast %broadcast_in_dim3A_48 : vector<16xf32> to vector<16xf32>
    tpu.vector_store %arg7[%swap3A_49], %swap3A_52 {strides = array<i32>} : memref<640xf32, #tpu.memory_space<vmem>>, vector<16xf32>,
    %broadcast_in_dim3A_53 = arith.constant 0.000000e+00 : f32
    %broadcast_in_dim3A_54 = vector.broadcast %broadcast_in_dim3A_53 : f32 to vector<16xf32>
    %swap3A_55 = arith.constant 16 : index
    %swap3A_56 = tpu.vector_load %arg7[%swap3A_55] {strides = array<i32>} : memref<640xf32, #tpu.memory_space<vmem>>, vector<16xf32>,
    %swap3A_57 = vector.shape_cast %swap3A_56 : vector<16xf32> to vector<16xf32>
    %swap3A_58 = vector.shape_cast %broadcast_in_dim3A_54 : vector<16xf32> to vector<16xf32>
    tpu.vector_store %arg7[%swap3A_55], %swap3A_58 {strides = array<i32>} : memref<640xf32, #tpu.memory_space<vmem>>, vector<16xf32>,
    %broadcast_in_dim3A_59 = arith.constant 0.000000e+00 : f32
    %broadcast_in_dim3A_60 = vector.broadcast %broadcast_in_dim3A_59 : f32 to vector<16xf32>
    %swap3A_61 = arith.constant 32 : index
    %swap3A_62 = tpu.vector_load %arg7[%swap3A_61] {strides = array<i32>} : memref<640xf32, #tpu.memory_space<vmem>>, vector<16xf32>,
    %swap3A_63 = vector.shape_cast %swap3A_62 : vector<16xf32> to vector<16xf32>
    %swap3A_64 = vector.shape_cast %broadcast_in_dim3A_60 : vector<16xf32> to vector<16xf32>
    tpu.vector_store %arg7[%swap3A_61], %swap3A_64 {strides = array<i32>} : memref<640xf32, #tpu.memory_space<vmem>>, vector<16xf32>,
    %broadcast_in_dim3A_65 = arith.constant 0.000000e+00 : f32
    %broadcast_in_dim3A_66 = vector.broadcast %broadcast_in_dim3A_65 : f32 to vector<16xf32>
    %swap3A_67 = arith.constant 48 : index
    %swap3A_68 = tpu.vector_load %arg7[%swap3A_67] {strides = array<i32>} : memref<640xf32, #tpu.memory_space<vmem>>, vector<16xf32>,
    %swap3A_69 = vector.shape_cast %swap3A_68 : vector<16xf32> to vector<16xf32>
    %swap3A_70 = vector.shape_cast %broadcast_in_dim3A_66 : vector<16xf32> to vector<16xf32>
    tpu.vector_store %arg7[%swap3A_67], %swap3A_70 {strides = array<i32>} : memref<640xf32, #tpu.memory_space<vmem>>, vector<16xf32>,
    %broadcast_in_dim3A_71 = arith.constant 0.000000e+00 : f32
    %broadcast_in_dim3A_72 = vector.broadcast %broadcast_in_dim3A_71 : f32 to vector<16xf32>
    %swap3A_73 = arith.constant 64 : index
    %swap3A_74 = tpu.vector_load %arg7[%swap3A_73] {strides = array<i32>} : memref<640xf32, #tpu.memory_space<vmem>>, vector<16xf32>,
    %swap3A_75 = vector.shape_cast %swap3A_74 : vector<16xf32> to vector<16xf32>
    %swap3A_76 = vector.shape_cast %broadcast_in_dim3A_72 : vector<16xf32> to vector<16xf32>
    tpu.vector_store %arg7[%swap3A_73], %swap3A_76 {strides = array<i32>} : memref<640xf32, #tpu.memory_space<vmem>>, vector<16xf32>,
    %broadcast_in_dim3A_77 = arith.constant 0.000000e+00 : f32
    %broadcast_in_dim3A_78 = vector.broadcast %broadcast_in_dim3A_77 : f32 to vector<16xf32>
    %swap3A_79 = arith.constant 80 : index
    %swap3A_80 = tpu.vector_load %arg7[%swap3A_79] {strides = array<i32>} : memref<640xf32, #tpu.memory_space<vmem>>, vector<16xf32>,
    %swap3A_81 = vector.shape_cast %swap3A_80 : vector<16xf32> to vector<16xf32>
    %swap3A_82 = vector.shape_cast %broadcast_in_dim3A_78 : vector<16xf32> to vector<16xf32>
    tpu.vector_store %arg7[%swap3A_79], %swap3A_82 {strides = array<i32>} : memref<640xf32, #tpu.memory_space<vmem>>, vector<16xf32>,
    %broadcast_in_dim3A_83 = arith.constant 0.000000e+00 : f32
    %broadcast_in_dim3A_84 = vector.broadcast %broadcast_in_dim3A_83 : f32 to vector<16xf32>
    %swap3A_85 = arith.constant 96 : index
    %swap3A_86 = tpu.vector_load %arg7[%swap3A_85] {strides = array<i32>} : memref<640xf32, #tpu.memory_space<vmem>>, vector<16xf32>,
    %swap3A_87 = vector.shape_cast %swap3A_86 : vector<16xf32> to vector<16xf32>
    %swap3A_88 = vector.shape_cast %broadcast_in_dim3A_84 : vector<16xf32> to vector<16xf32>
    tpu.vector_store %arg7[%swap3A_85], %swap3A_88 {strides = array<i32>} : memref<640xf32, #tpu.memory_space<vmem>>, vector<16xf32>,
    %broadcast_in_dim3A_89 = arith.constant 0.000000e+00 : f32
    %broadcast_in_dim3A_90 = vector.broadcast %broadcast_in_dim3A_89 : f32 to vector<16xf32>
    %swap3A_91 = arith.constant 112 : index
    %swap3A_92 = tpu.vector_load %arg7[%swap3A_91] {strides = array<i32>} : memref<640xf32, #tpu.memory_space<vmem>>, vector<16xf32>,
    %swap3A_93 = vector.shape_cast %swap3A_92 : vector<16xf32> to vector<16xf32>
    %swap3A_94 = vector.shape_cast %broadcast_in_dim3A_90 : vector<16xf32> to vector<16xf32>
    tpu.vector_store %arg7[%swap3A_91], %swap3A_94 {strides = array<i32>} : memref<640xf32, #tpu.memory_space<vmem>>, vector<16xf32>,
    %broadcast_in_dim3A_95 = arith.constant 0.000000e+00 : f32
    %broadcast_in_dim3A_96 = vector.broadcast %broadcast_in_dim3A_95 : f32 to vector<16xf32>
    %swap3A_97 = arith.constant 128 : index
    %swap3A_98 = tpu.vector_load %arg7[%swap3A_97] {strides = array<i32>} : memref<640xf32, #tpu.memory_space<vmem>>, vector<16xf32>,
    %swap3A_99 = vector.shape_cast %swap3A_98 : vector<16xf32> to vector<16xf32>
    %swap3A_100 = vector.shape_cast %broadcast_in_dim3A_96 : vector<16xf32> to vector<16xf32>
    tpu.vector_store %arg7[%swap3A_97], %swap3A_100 {strides = array<i32>} : memref<640xf32, #tpu.memory_space<vmem>>, vector<16xf32>,
    %broadcast_in_dim3A_101 = arith.constant 0.000000e+00 : f32
    %broadcast_in_dim3A_102 = vector.broadcast %broadcast_in_dim3A_101 : f32 to vector<16xf32>
    %swap3A_103 = arith.constant 144 : index
    %swap3A_104 = tpu.vector_load %arg7[%swap3A_103] {strides = array<i32>} : memref<640xf32, #tpu.memory_space<vmem>>, vector<16xf32>,
    %swap3A_105 = vector.shape_cast %swap3A_104 : vector<16xf32> to vector<16xf32>
    %swap3A_106 = vector.shape_cast %broadcast_in_dim3A_102 : vector<16xf32> to vector<16xf32>
    tpu.vector_store %arg7[%swap3A_103], %swap3A_106 {strides = array<i32>} : memref<640xf32, #tpu.memory_space<vmem>>, vector<16xf32>,
    %broadcast_in_dim3A_107 = arith.constant 0.000000e+00 : f32
    %broadcast_in_dim3A_108 = vector.broadcast %broadcast_in_dim3A_107 : f32 to vector<16xf32>
    %swap3A_109 = arith.constant 160 : index
    %swap3A_110 = tpu.vector_load %arg7[%swap3A_109] {strides = array<i32>} : memref<640xf32, #tpu.memory_space<vmem>>, vector<16xf32>,
    %swap3A_111 = vector.shape_cast %swap3A_110 : vector<16xf32> to vector<16xf32>
    %swap3A_112 = vector.shape_cast %broadcast_in_dim3A_108 : vector<16xf32> to vector<16xf32>
    tpu.vector_store %arg7[%swap3A_109], %swap3A_112 {strides = array<i32>} : memref<640xf32, #tpu.memory_space<vmem>>, vector<16xf32>,
    %broadcast_in_dim3A_113 = arith.constant 0.000000e+00 : f32
    %broadcast_in_dim3A_114 = vector.broadcast %broadcast_in_dim3A_113 : f32 to vector<16xf32>
    %swap3A_115 = arith.constant 176 : index
    %swap3A_116 = tpu.vector_load %arg7[%swap3A_115] {strides = array<i32>} : memref<640xf32, #tpu.memory_space<vmem>>, vector<16xf32>,
    %swap3A_117 = vector.shape_cast %swap3A_116 : vector<16xf32> to vector<16xf32>
    %swap3A_118 = vector.shape_cast %broadcast_in_dim3A_114 : vector<16xf32> to vector<16xf32>
    tpu.vector_store %arg7[%swap3A_115], %swap3A_118 {strides = array<i32>} : memref<640xf32, #tpu.memory_space<vmem>>, vector<16xf32>,
    %broadcast_in_dim3A_119 = arith.constant 0.000000e+00 : f32
    %broadcast_in_dim3A_120 = vector.broadcast %broadcast_in_dim3A_119 : f32 to vector<16xf32>
    %swap3A_121 = arith.constant 192 : index
    %swap3A_122 = tpu.vector_load %arg7[%swap3A_121] {strides = array<i32>} : memref<640xf32, #tpu.memory_space<vmem>>, vector<16xf32>,
    %swap3A_123 = vector.shape_cast %swap3A_122 : vector<16xf32> to vector<16xf32>
    %swap3A_124 = vector.shape_cast %broadcast_in_dim3A_120 : vector<16xf32> to vector<16xf32>
    tpu.vector_store %arg7[%swap3A_121], %swap3A_124 {strides = array<i32>} : memref<640xf32, #tpu.memory_space<vmem>>, vector<16xf32>,
    %broadcast_in_dim3A_125 = arith.constant 0.000000e+00 : f32
    %broadcast_in_dim3A_126 = vector.broadcast %broadcast_in_dim3A_125 : f32 to vector<16xf32>
    %swap3A_127 = arith.constant 208 : index
    %swap3A_128 = tpu.vector_load %arg7[%swap3A_127] {strides = array<i32>} : memref<640xf32, #tpu.memory_space<vmem>>, vector<16xf32>,
    %swap3A_129 = vector.shape_cast %swap3A_128 : vector<16xf32> to vector<16xf32>
    %swap3A_130 = vector.shape_cast %broadcast_in_dim3A_126 : vector<16xf32> to vector<16xf32>
    tpu.vector_store %arg7[%swap3A_127], %swap3A_130 {strides = array<i32>} : memref<640xf32, #tpu.memory_space<vmem>>, vector<16xf32>,
    %broadcast_in_dim3A_131 = arith.constant 0.000000e+00 : f32
    %broadcast_in_dim3A_132 = vector.broadcast %broadcast_in_dim3A_131 : f32 to vector<16xf32>
    %swap3A_133 = arith.constant 224 : index
    %swap3A_134 = tpu.vector_load %arg7[%swap3A_133] {strides = array<i32>} : memref<640xf32, #tpu.memory_space<vmem>>, vector<16xf32>,
    %swap3A_135 = vector.shape_cast %swap3A_134 : vector<16xf32> to vector<16xf32>
    %swap3A_136 = vector.shape_cast %broadcast_in_dim3A_132 : vector<16xf32> to vector<16xf32>
    tpu.vector_store %arg7[%swap3A_133], %swap3A_136 {strides = array<i32>} : memref<640xf32, #tpu.memory_space<vmem>>, vector<16xf32>,
    %broadcast_in_dim3A_137 = arith.constant 0.000000e+00 : f32
    %broadcast_in_dim3A_138 = vector.broadcast %broadcast_in_dim3A_137 : f32 to vector<16xf32>
    %swap3A_139 = arith.constant 240 : index
    %swap3A_140 = tpu.vector_load %arg7[%swap3A_139] {strides = array<i32>} : memref<640xf32, #tpu.memory_space<vmem>>, vector<16xf32>,
    %swap3A_141 = vector.shape_cast %swap3A_140 : vector<16xf32> to vector<16xf32>
    %swap3A_142 = vector.shape_cast %broadcast_in_dim3A_138 : vector<16xf32> to vector<16xf32>
    tpu.vector_store %arg7[%swap3A_139], %swap3A_142 {strides = array<i32>} : memref<640xf32, #tpu.memory_space<vmem>>, vector<16xf32>,
    %broadcast_in_dim3A_143 = arith.constant 0.000000e+00 : f32
    %broadcast_in_dim3A_144 = vector.broadcast %broadcast_in_dim3A_143 : f32 to vector<16xf32>
    %swap3A_145 = arith.constant 256 : index
    %swap3A_146 = tpu.vector_load %arg7[%swap3A_145] {strides = array<i32>} : memref<640xf32, #tpu.memory_space<vmem>>, vector<16xf32>,
    %swap3A_147 = vector.shape_cast %swap3A_146 : vector<16xf32> to vector<16xf32>
    %swap3A_148 = vector.shape_cast %broadcast_in_dim3A_144 : vector<16xf32> to vector<16xf32>
    tpu.vector_store %arg7[%swap3A_145], %swap3A_148 {strides = array<i32>} : memref<640xf32, #tpu.memory_space<vmem>>, vector<16xf32>,
    %broadcast_in_dim3A_149 = arith.constant 0.000000e+00 : f32
    %broadcast_in_dim3A_150 = vector.broadcast %broadcast_in_dim3A_149 : f32 to vector<16xf32>
    %swap3A_151 = arith.constant 272 : index
    %swap3A_152 = tpu.vector_load %arg7[%swap3A_151] {strides = array<i32>} : memref<640xf32, #tpu.memory_space<vmem>>, vector<16xf32>,
    %swap3A_153 = vector.shape_cast %swap3A_152 : vector<16xf32> to vector<16xf32>
    %swap3A_154 = vector.shape_cast %broadcast_in_dim3A_150 : vector<16xf32> to vector<16xf32>
    tpu.vector_store %arg7[%swap3A_151], %swap3A_154 {strides = array<i32>} : memref<640xf32, #tpu.memory_space<vmem>>, vector<16xf32>,
    %broadcast_in_dim3A_155 = arith.constant 0.000000e+00 : f32
    %broadcast_in_dim3A_156 = vector.broadcast %broadcast_in_dim3A_155 : f32 to vector<16xf32>
    %swap3A_157 = arith.constant 288 : index
    %swap3A_158 = tpu.vector_load %arg7[%swap3A_157] {strides = array<i32>} : memref<640xf32, #tpu.memory_space<vmem>>, vector<16xf32>,
    %swap3A_159 = vector.shape_cast %swap3A_158 : vector<16xf32> to vector<16xf32>
    %swap3A_160 = vector.shape_cast %broadcast_in_dim3A_156 : vector<16xf32> to vector<16xf32>
    tpu.vector_store %arg7[%swap3A_157], %swap3A_160 {strides = array<i32>} : memref<640xf32, #tpu.memory_space<vmem>>, vector<16xf32>,
    %broadcast_in_dim3A_161 = arith.constant 0.000000e+00 : f32
    %broadcast_in_dim3A_162 = vector.broadcast %broadcast_in_dim3A_161 : f32 to vector<16xf32>
    %swap3A_163 = arith.constant 304 : index
    %swap3A_164 = tpu.vector_load %arg7[%swap3A_163] {strides = array<i32>} : memref<640xf32, #tpu.memory_space<vmem>>, vector<16xf32>,
    %swap3A_165 = vector.shape_cast %swap3A_164 : vector<16xf32> to vector<16xf32>
    %swap3A_166 = vector.shape_cast %broadcast_in_dim3A_162 : vector<16xf32> to vector<16xf32>
    tpu.vector_store %arg7[%swap3A_163], %swap3A_166 {strides = array<i32>} : memref<640xf32, #tpu.memory_space<vmem>>, vector<16xf32>,
    %broadcast_in_dim3A_167 = arith.constant 0.000000e+00 : f32
    %broadcast_in_dim3A_168 = vector.broadcast %broadcast_in_dim3A_167 : f32 to vector<16xf32>
    %swap3A_169 = arith.constant 320 : index
    %swap3A_170 = tpu.vector_load %arg7[%swap3A_169] {strides = array<i32>} : memref<640xf32, #tpu.memory_space<vmem>>, vector<16xf32>,
    %swap3A_171 = vector.shape_cast %swap3A_170 : vector<16xf32> to vector<16xf32>
    %swap3A_172 = vector.shape_cast %broadcast_in_dim3A_168 : vector<16xf32> to vector<16xf32>
    tpu.vector_store %arg7[%swap3A_169], %swap3A_172 {strides = array<i32>} : memref<640xf32, #tpu.memory_space<vmem>>, vector<16xf32>,
    %broadcast_in_dim3A_173 = arith.constant 0.000000e+00 : f32
    %broadcast_in_dim3A_174 = vector.broadcast %broadcast_in_dim3A_173 : f32 to vector<16xf32>
    %swap3A_175 = arith.constant 336 : index
    %swap3A_176 = tpu.vector_load %arg7[%swap3A_175] {strides = array<i32>} : memref<640xf32, #tpu.memory_space<vmem>>, vector<16xf32>,
    %swap3A_177 = vector.shape_cast %swap3A_176 : vector<16xf32> to vector<16xf32>
    %swap3A_178 = vector.shape_cast %broadcast_in_dim3A_174 : vector<16xf32> to vector<16xf32>
    tpu.vector_store %arg7[%swap3A_175], %swap3A_178 {strides = array<i32>} : memref<640xf32, #tpu.memory_space<vmem>>, vector<16xf32>,
    %broadcast_in_dim3A_179 = arith.constant 0.000000e+00 : f32
    %broadcast_in_dim3A_180 = vector.broadcast %broadcast_in_dim3A_179 : f32 to vector<16xf32>
    %swap3A_181 = arith.constant 352 : index
    %swap3A_182 = tpu.vector_load %arg7[%swap3A_181] {strides = array<i32>} : memref<640xf32, #tpu.memory_space<vmem>>, vector<16xf32>,
    %swap3A_183 = vector.shape_cast %swap3A_182 : vector<16xf32> to vector<16xf32>
    %swap3A_184 = vector.shape_cast %broadcast_in_dim3A_180 : vector<16xf32> to vector<16xf32>
    tpu.vector_store %arg7[%swap3A_181], %swap3A_184 {strides = array<i32>} : memref<640xf32, #tpu.memory_space<vmem>>, vector<16xf32>,
    %broadcast_in_dim3A_185 = arith.constant 0.000000e+00 : f32
    %broadcast_in_dim3A_186 = vector.broadcast %broadcast_in_dim3A_185 : f32 to vector<16xf32>
    %swap3A_187 = arith.constant 368 : index
    %swap3A_188 = tpu.vector_load %arg7[%swap3A_187] {strides = array<i32>} : memref<640xf32, #tpu.memory_space<vmem>>, vector<16xf32>,
    %swap3A_189 = vector.shape_cast %swap3A_188 : vector<16xf32> to vector<16xf32>
    %swap3A_190 = vector.shape_cast %broadcast_in_dim3A_186 : vector<16xf32> to vector<16xf32>
    tpu.vector_store %arg7[%swap3A_187], %swap3A_190 {strides = array<i32>} : memref<640xf32, #tpu.memory_space<vmem>>, vector<16xf32>,
    %broadcast_in_dim3A_191 = arith.constant 0.000000e+00 : f32
    %broadcast_in_dim3A_192 = vector.broadcast %broadcast_in_dim3A_191 : f32 to vector<16xf32>
    %swap3A_193 = arith.constant 384 : index
    %swap3A_194 = tpu.vector_load %arg7[%swap3A_193] {strides = array<i32>} : memref<640xf32, #tpu.memory_space<vmem>>, vector<16xf32>,
    %swap3A_195 = vector.shape_cast %swap3A_194 : vector<16xf32> to vector<16xf32>
    %swap3A_196 = vector.shape_cast %broadcast_in_dim3A_192 : vector<16xf32> to vector<16xf32>
    tpu.vector_store %arg7[%swap3A_193], %swap3A_196 {strides = array<i32>} : memref<640xf32, #tpu.memory_space<vmem>>, vector<16xf32>,
    %broadcast_in_dim3A_197 = arith.constant 0.000000e+00 : f32
    %broadcast_in_dim3A_198 = vector.broadcast %broadcast_in_dim3A_197 : f32 to vector<16xf32>
    %swap3A_199 = arith.constant 400 : index
    %swap3A_200 = tpu.vector_load %arg7[%swap3A_199] {strides = array<i32>} : memref<640xf32, #tpu.memory_space<vmem>>, vector<16xf32>,
    %swap3A_201 = vector.shape_cast %swap3A_200 : vector<16xf32> to vector<16xf32>
    %swap3A_202 = vector.shape_cast %broadcast_in_dim3A_198 : vector<16xf32> to vector<16xf32>
    tpu.vector_store %arg7[%swap3A_199], %swap3A_202 {strides = array<i32>} : memref<640xf32, #tpu.memory_space<vmem>>, vector<16xf32>,
    %broadcast_in_dim3A_203 = arith.constant 0.000000e+00 : f32
    %broadcast_in_dim3A_204 = vector.broadcast %broadcast_in_dim3A_203 : f32 to vector<16xf32>
    %swap3A_205 = arith.constant 416 : index
    %swap3A_206 = tpu.vector_load %arg7[%swap3A_205] {strides = array<i32>} : memref<640xf32, #tpu.memory_space<vmem>>, vector<16xf32>,
    %swap3A_207 = vector.shape_cast %swap3A_206 : vector<16xf32> to vector<16xf32>
    %swap3A_208 = vector.shape_cast %broadcast_in_dim3A_204 : vector<16xf32> to vector<16xf32>
    tpu.vector_store %arg7[%swap3A_205], %swap3A_208 {strides = array<i32>} : memref<640xf32, #tpu.memory_space<vmem>>, vector<16xf32>,
    %broadcast_in_dim3A_209 = arith.constant 0.000000e+00 : f32
    %broadcast_in_dim3A_210 = vector.broadcast %broadcast_in_dim3A_209 : f32 to vector<16xf32>
    %swap3A_211 = arith.constant 432 : index
    %swap3A_212 = tpu.vector_load %arg7[%swap3A_211] {strides = array<i32>} : memref<640xf32, #tpu.memory_space<vmem>>, vector<16xf32>,
    %swap3A_213 = vector.shape_cast %swap3A_212 : vector<16xf32> to vector<16xf32>
    %swap3A_214 = vector.shape_cast %broadcast_in_dim3A_210 : vector<16xf32> to vector<16xf32>
    tpu.vector_store %arg7[%swap3A_211], %swap3A_214 {strides = array<i32>} : memref<640xf32, #tpu.memory_space<vmem>>, vector<16xf32>,
    %broadcast_in_dim3A_215 = arith.constant 0.000000e+00 : f32
    %broadcast_in_dim3A_216 = vector.broadcast %broadcast_in_dim3A_215 : f32 to vector<16xf32>
    %swap3A_217 = arith.constant 448 : index
    %swap3A_218 = tpu.vector_load %arg7[%swap3A_217] {strides = array<i32>} : memref<640xf32, #tpu.memory_space<vmem>>, vector<16xf32>,
    %swap3A_219 = vector.shape_cast %swap3A_218 : vector<16xf32> to vector<16xf32>
    %swap3A_220 = vector.shape_cast %broadcast_in_dim3A_216 : vector<16xf32> to vector<16xf32>
    tpu.vector_store %arg7[%swap3A_217], %swap3A_220 {strides = array<i32>} : memref<640xf32, #tpu.memory_space<vmem>>, vector<16xf32>,
    %broadcast_in_dim3A_221 = arith.constant 0.000000e+00 : f32
    %broadcast_in_dim3A_222 = vector.broadcast %broadcast_in_dim3A_221 : f32 to vector<16xf32>
    %swap3A_223 = arith.constant 464 : index
    %swap3A_224 = tpu.vector_load %arg7[%swap3A_223] {strides = array<i32>} : memref<640xf32, #tpu.memory_space<vmem>>, vector<16xf32>,
    %swap3A_225 = vector.shape_cast %swap3A_224 : vector<16xf32> to vector<16xf32>
    %swap3A_226 = vector.shape_cast %broadcast_in_dim3A_222 : vector<16xf32> to vector<16xf32>
    tpu.vector_store %arg7[%swap3A_223], %swap3A_226 {strides = array<i32>} : memref<640xf32, #tpu.memory_space<vmem>>, vector<16xf32>,
    %broadcast_in_dim3A_227 = arith.constant 0.000000e+00 : f32
    %broadcast_in_dim3A_228 = vector.broadcast %broadcast_in_dim3A_227 : f32 to vector<16xf32>
    %swap3A_229 = arith.constant 480 : index
    %swap3A_230 = tpu.vector_load %arg7[%swap3A_229] {strides = array<i32>} : memref<640xf32, #tpu.memory_space<vmem>>, vector<16xf32>,
    %swap3A_231 = vector.shape_cast %swap3A_230 : vector<16xf32> to vector<16xf32>
    %swap3A_232 = vector.shape_cast %broadcast_in_dim3A_228 : vector<16xf32> to vector<16xf32>
    tpu.vector_store %arg7[%swap3A_229], %swap3A_232 {strides = array<i32>} : memref<640xf32, #tpu.memory_space<vmem>>, vector<16xf32>,
    %broadcast_in_dim3A_233 = arith.constant 0.000000e+00 : f32
    %broadcast_in_dim3A_234 = vector.broadcast %broadcast_in_dim3A_233 : f32 to vector<16xf32>
    %swap3A_235 = arith.constant 496 : index
    %swap3A_236 = tpu.vector_load %arg7[%swap3A_235] {strides = array<i32>} : memref<640xf32, #tpu.memory_space<vmem>>, vector<16xf32>,
    %swap3A_237 = vector.shape_cast %swap3A_236 : vector<16xf32> to vector<16xf32>
    %swap3A_238 = vector.shape_cast %broadcast_in_dim3A_234 : vector<16xf32> to vector<16xf32>
    tpu.vector_store %arg7[%swap3A_235], %swap3A_238 {strides = array<i32>} : memref<640xf32, #tpu.memory_space<vmem>>, vector<16xf32>,
    %broadcast_in_dim3A_239 = arith.constant 0.000000e+00 : f32
    %broadcast_in_dim3A_240 = vector.broadcast %broadcast_in_dim3A_239 : f32 to vector<16xf32>
    %swap3A_241 = arith.constant 512 : index
    %swap3A_242 = tpu.vector_load %arg7[%swap3A_241] {strides = array<i32>} : memref<640xf32, #tpu.memory_space<vmem>>, vector<16xf32>,
    %swap3A_243 = vector.shape_cast %swap3A_242 : vector<16xf32> to vector<16xf32>
    %swap3A_244 = vector.shape_cast %broadcast_in_dim3A_240 : vector<16xf32> to vector<16xf32>
    tpu.vector_store %arg7[%swap3A_241], %swap3A_244 {strides = array<i32>} : memref<640xf32, #tpu.memory_space<vmem>>, vector<16xf32>,
    %broadcast_in_dim3A_245 = arith.constant 0.000000e+00 : f32
    %broadcast_in_dim3A_246 = vector.broadcast %broadcast_in_dim3A_245 : f32 to vector<16xf32>
    %swap3A_247 = arith.constant 528 : index
    %swap3A_248 = tpu.vector_load %arg7[%swap3A_247] {strides = array<i32>} : memref<640xf32, #tpu.memory_space<vmem>>, vector<16xf32>,
    %swap3A_249 = vector.shape_cast %swap3A_248 : vector<16xf32> to vector<16xf32>
    %swap3A_250 = vector.shape_cast %broadcast_in_dim3A_246 : vector<16xf32> to vector<16xf32>
    tpu.vector_store %arg7[%swap3A_247], %swap3A_250 {strides = array<i32>} : memref<640xf32, #tpu.memory_space<vmem>>, vector<16xf32>,
    %broadcast_in_dim3A_251 = arith.constant 0.000000e+00 : f32
    %broadcast_in_dim3A_252 = vector.broadcast %broadcast_in_dim3A_251 : f32 to vector<16xf32>
    %swap3A_253 = arith.constant 544 : index
    %swap3A_254 = tpu.vector_load %arg7[%swap3A_253] {strides = array<i32>} : memref<640xf32, #tpu.memory_space<vmem>>, vector<16xf32>,
    %swap3A_255 = vector.shape_cast %swap3A_254 : vector<16xf32> to vector<16xf32>
    %swap3A_256 = vector.shape_cast %broadcast_in_dim3A_252 : vector<16xf32> to vector<16xf32>
    tpu.vector_store %arg7[%swap3A_253], %swap3A_256 {strides = array<i32>} : memref<640xf32, #tpu.memory_space<vmem>>, vector<16xf32>,
    %broadcast_in_dim3A_257 = arith.constant 0.000000e+00 : f32
    %broadcast_in_dim3A_258 = vector.broadcast %broadcast_in_dim3A_257 : f32 to vector<16xf32>
    %swap3A_259 = arith.constant 560 : index
    %swap3A_260 = tpu.vector_load %arg7[%swap3A_259] {strides = array<i32>} : memref<640xf32, #tpu.memory_space<vmem>>, vector<16xf32>,
    %swap3A_261 = vector.shape_cast %swap3A_260 : vector<16xf32> to vector<16xf32>
    %swap3A_262 = vector.shape_cast %broadcast_in_dim3A_258 : vector<16xf32> to vector<16xf32>
    tpu.vector_store %arg7[%swap3A_259], %swap3A_262 {strides = array<i32>} : memref<640xf32, #tpu.memory_space<vmem>>, vector<16xf32>,
    %broadcast_in_dim3A_263 = arith.constant 0.000000e+00 : f32
    %broadcast_in_dim3A_264 = vector.broadcast %broadcast_in_dim3A_263 : f32 to vector<16xf32>
    %swap3A_265 = arith.constant 576 : index
    %swap3A_266 = tpu.vector_load %arg7[%swap3A_265] {strides = array<i32>} : memref<640xf32, #tpu.memory_space<vmem>>, vector<16xf32>,
    %swap3A_267 = vector.shape_cast %swap3A_266 : vector<16xf32> to vector<16xf32>
    %swap3A_268 = vector.shape_cast %broadcast_in_dim3A_264 : vector<16xf32> to vector<16xf32>
    tpu.vector_store %arg7[%swap3A_265], %swap3A_268 {strides = array<i32>} : memref<640xf32, #tpu.memory_space<vmem>>, vector<16xf32>,
    %broadcast_in_dim3A_269 = arith.constant 0.000000e+00 : f32
    %broadcast_in_dim3A_270 = vector.broadcast %broadcast_in_dim3A_269 : f32 to vector<16xf32>
    %swap3A_271 = arith.constant 592 : index
    %swap3A_272 = tpu.vector_load %arg7[%swap3A_271] {strides = array<i32>} : memref<640xf32, #tpu.memory_space<vmem>>, vector<16xf32>,
    %swap3A_273 = vector.shape_cast %swap3A_272 : vector<16xf32> to vector<16xf32>
    %swap3A_274 = vector.shape_cast %broadcast_in_dim3A_270 : vector<16xf32> to vector<16xf32>
    tpu.vector_store %arg7[%swap3A_271], %swap3A_274 {strides = array<i32>} : memref<640xf32, #tpu.memory_space<vmem>>, vector<16xf32>,
    %broadcast_in_dim3A_275 = arith.constant 0.000000e+00 : f32
    %broadcast_in_dim3A_276 = vector.broadcast %broadcast_in_dim3A_275 : f32 to vector<16xf32>
    %swap3A_277 = arith.constant 608 : index
    %swap3A_278 = tpu.vector_load %arg7[%swap3A_277] {strides = array<i32>} : memref<640xf32, #tpu.memory_space<vmem>>, vector<16xf32>,
    %swap3A_279 = vector.shape_cast %swap3A_278 : vector<16xf32> to vector<16xf32>
    %swap3A_280 = vector.shape_cast %broadcast_in_dim3A_276 : vector<16xf32> to vector<16xf32>
    tpu.vector_store %arg7[%swap3A_277], %swap3A_280 {strides = array<i32>} : memref<640xf32, #tpu.memory_space<vmem>>, vector<16xf32>,
    %broadcast_in_dim3A_281 = arith.constant 0.000000e+00 : f32
    %broadcast_in_dim3A_282 = vector.broadcast %broadcast_in_dim3A_281 : f32 to vector<16xf32>
    %swap3A_283 = arith.constant 624 : index
    %swap3A_284 = tpu.vector_load %arg7[%swap3A_283] {strides = array<i32>} : memref<640xf32, #tpu.memory_space<vmem>>, vector<16xf32>,
    %swap3A_285 = vector.shape_cast %swap3A_284 : vector<16xf32> to vector<16xf32>
    %swap3A_286 = vector.shape_cast %broadcast_in_dim3A_282 : vector<16xf32> to vector<16xf32>
    tpu.vector_store %arg7[%swap3A_283], %swap3A_286 {strides = array<i32>} : memref<640xf32, #tpu.memory_space<vmem>>, vector<16xf32>,
    %mul3A_287 = arith.constant 640 : i32
    %mul3A_288 = arith.muli %arg1, %mul3A_287 : i32
    "tpu.region"() ({
      %run_scoped3A_309 = tpu.sem_alloc : memref<!tpu.dma_semaphore, #tpu.memory_space<semaphore_mem>>
      %dma_start3A = tpu.memref_slice %arg8[%mul3A_288] : memref<10240xf32, #tpu.memory_space<vmem_shared>> -> memref<640xf32, #tpu.memory_space<vmem_shared>>
      %dma_start3A_310 = tpu.memref_slice %arg8[%mul3A_288] : memref<10240xf32, #tpu.memory_space<vmem_shared>> -> memref<640xf32, #tpu.memory_space<vmem_shared>>
      tpu.enqueue_dma source(%arg7 : memref<640xf32, #tpu.memory_space<vmem>>) target(%dma_start3A_310 : memref<640xf32, #tpu.memory_space<vmem_shared>>) target_semaphore(%run_scoped3A_309 : memref<!tpu.dma_semaphore, #tpu.memory_space<semaphore_mem>>)
      %dma_wait3A = tpu.memref_slice %arg8[%mul3A_288] : memref<10240xf32, #tpu.memory_space<vmem_shared>> -> memref<640xf32, #tpu.memory_space<vmem_shared>>
      %dma_wait3A_311 = tpu.memref_slice %arg8[%mul3A_288] : memref<10240xf32, #tpu.memory_space<vmem_shared>> -> memref<640xf32, #tpu.memory_space<vmem_shared>>
      tpu.wait_dma2 semaphore(%run_scoped3A_309 : memref<!tpu.dma_semaphore, #tpu.memory_space<semaphore_mem>>) src(%arg7 : memref<640xf32, #tpu.memory_space<vmem>>) dst(%dma_wait3A_311 : memref<640xf32, #tpu.memory_space<vmem_shared>>)
      tpu.yield
    }) : () -> ()
    %mul3A_289 = arith.constant 78 : i32
    %mul3A_290 = arith.muli %add3A, %mul3A_289 : i32
    %run_scoped3A = arith.constant 1 : i32
    "tpu.region"() ({
      %run_scoped3A_309 = tpu.sem_alloc : memref<!tpu.dma_semaphore, #tpu.memory_space<semaphore_mem>>
      %dma_start3A = arith.constant 0 : i32
      %dma_start3A_310 = arith.constant 0 : i32
      %dma_start3A_311 = tpu.memref_slice %arg2[%run_scoped3A, %mul3A_290, %dma_start3A, %dma_start3A_310] : memref<2x2500x1x128xi32, #tpu.memory_space<hbm>> -> memref<1x78x1x128xi32, #tpu.memory_space<hbm>>
      %dma_start3A_312 = tpu.memref_squeeze %dma_start3A_311 : memref<1x78x1x128xi32, #tpu.memory_space<hbm>> -> memref<78x1x128xi32, #tpu.memory_space<hbm>>
      %dma_start3A_313 = arith.constant 0 : i32
      %dma_start3A_314 = arith.constant 0 : i32
      %dma_start3A_315 = tpu.memref_slice %arg2[%run_scoped3A, %mul3A_290, %dma_start3A_313, %dma_start3A_314] : memref<2x2500x1x128xi32, #tpu.memory_space<hbm>> -> memref<1x78x1x128xi32, #tpu.memory_space<hbm>>
      %dma_start3A_316 = tpu.memref_squeeze %dma_start3A_315 : memref<1x78x1x128xi32, #tpu.memory_space<hbm>> -> memref<78x1x128xi32, #tpu.memory_space<hbm>>
      tpu.enqueue_dma source(%dma_start3A_316 : memref<78x1x128xi32, #tpu.memory_space<hbm>>) target(%arg4 : memref<78x1x128xi32, #tpu.memory_space<vmem>>) target_semaphore(%run_scoped3A_309 : memref<!tpu.dma_semaphore, #tpu.memory_space<semaphore_mem>>)
      %dma_wait3A = arith.constant 0 : i32
      %dma_wait3A_317 = arith.constant 0 : i32
      %dma_wait3A_318 = tpu.memref_slice %arg2[%run_scoped3A, %mul3A_290, %dma_wait3A, %dma_wait3A_317] : memref<2x2500x1x128xi32, #tpu.memory_space<hbm>> -> memref<1x78x1x128xi32, #tpu.memory_space<hbm>>
      %dma_wait3A_319 = tpu.memref_squeeze %dma_wait3A_318 : memref<1x78x1x128xi32, #tpu.memory_space<hbm>> -> memref<78x1x128xi32, #tpu.memory_space<hbm>>
      %dma_wait3A_320 = arith.constant 0 : i32
      %dma_wait3A_321 = arith.constant 0 : i32
      %dma_wait3A_322 = tpu.memref_slice %arg2[%run_scoped3A, %mul3A_290, %dma_wait3A_320, %dma_wait3A_321] : memref<2x2500x1x128xi32, #tpu.memory_space<hbm>> -> memref<1x78x1x128xi32, #tpu.memory_space<hbm>>
      %dma_wait3A_323 = tpu.memref_squeeze %dma_wait3A_322 : memref<1x78x1x128xi32, #tpu.memory_space<hbm>> -> memref<78x1x128xi32, #tpu.memory_space<hbm>>
      tpu.wait_dma2 semaphore(%run_scoped3A_309 : memref<!tpu.dma_semaphore, #tpu.memory_space<semaphore_mem>>) src(%dma_wait3A_323 : memref<78x1x128xi32, #tpu.memory_space<hbm>>) dst(%arg4 : memref<78x1x128xi32, #tpu.memory_space<vmem>>)
      tpu.yield
    }) : () -> ()
    %lt3A = arith.constant 4 : i32
    %lt3A_291 = arith.cmpi slt, %add3A, %lt3A : i32
    %convert_element_type3A = arith.extui %lt3A_291 : i1 to i32
    %cond3A = arith.constant 0 : i32
    %cond3A_292 = arith.cmpi ne, %convert_element_type3A, %cond3A : i32
    scf.if %cond3A_292 {
      %add3A_309 = arith.constant 2496 : i32
      %add3A_310 = arith.addi %add3A_309, %add3A : i32
      %run_scoped3A_311 = arith.constant 1 : i32
      "tpu.region"() ({
        %run_scoped3A_312 = tpu.sem_alloc : memref<!tpu.dma_semaphore, #tpu.memory_space<semaphore_mem>>
        %dma_start3A = arith.constant 0 : i32
        %dma_start3A_313 = arith.constant 0 : i32
        %dma_start3A_314 = tpu.memref_slice %arg2[%run_scoped3A_311, %add3A_310, %dma_start3A, %dma_start3A_313] : memref<2x2500x1x128xi32, #tpu.memory_space<hbm>> -> memref<1x1x1x128xi32, #tpu.memory_space<hbm>>
        %dma_start3A_315 = tpu.memref_squeeze %dma_start3A_314 : memref<1x1x1x128xi32, #tpu.memory_space<hbm>> -> memref<1x128xi32, #tpu.memory_space<hbm>>
        %dma_start3A_316 = arith.constant 0 : i32
        %dma_start3A_317 = arith.constant 0 : i32
        %dma_start3A_318 = tpu.memref_slice %arg2[%run_scoped3A_311, %add3A_310, %dma_start3A_316, %dma_start3A_317] : memref<2x2500x1x128xi32, #tpu.memory_space<hbm>> -> memref<1x1x1x128xi32, #tpu.memory_space<hbm>>
        %dma_start3A_319 = tpu.memref_squeeze %dma_start3A_318 : memref<1x1x1x128xi32, #tpu.memory_space<hbm>> -> memref<1x128xi32, #tpu.memory_space<hbm>>
        tpu.enqueue_dma source(%dma_start3A_319 : memref<1x128xi32, #tpu.memory_space<hbm>>) target(%arg5 : memref<1x128xi32, #tpu.memory_space<vmem>>) target_semaphore(%run_scoped3A_312 : memref<!tpu.dma_semaphore, #tpu.memory_space<semaphore_mem>>)
        %dma_wait3A = arith.constant 0 : i32
        %dma_wait3A_320 = arith.constant 0 : i32
        %dma_wait3A_321 = tpu.memref_slice %arg2[%run_scoped3A_311, %add3A_310, %dma_wait3A, %dma_wait3A_320] : memref<2x2500x1x128xi32, #tpu.memory_space<hbm>> -> memref<1x1x1x128xi32, #tpu.memory_space<hbm>>
        %dma_wait3A_322 = tpu.memref_squeeze %dma_wait3A_321 : memref<1x1x1x128xi32, #tpu.memory_space<hbm>> -> memref<1x128xi32, #tpu.memory_space<hbm>>
        %dma_wait3A_323 = arith.constant 0 : i32
        %dma_wait3A_324 = arith.constant 0 : i32
        %dma_wait3A_325 = tpu.memref_slice %arg2[%run_scoped3A_311, %add3A_310, %dma_wait3A_323, %dma_wait3A_324] : memref<2x2500x1x128xi32, #tpu.memory_space<hbm>> -> memref<1x1x1x128xi32, #tpu.memory_space<hbm>>
        %dma_wait3A_326 = tpu.memref_squeeze %dma_wait3A_325 : memref<1x1x1x128xi32, #tpu.memory_space<hbm>> -> memref<1x128xi32, #tpu.memory_space<hbm>>
        tpu.wait_dma2 semaphore(%run_scoped3A_312 : memref<!tpu.dma_semaphore, #tpu.memory_space<semaphore_mem>>) src(%dma_wait3A_326 : memref<1x128xi32, #tpu.memory_space<hbm>>) dst(%arg5 : memref<1x128xi32, #tpu.memory_space<vmem>>)
        tpu.yield
      }) : () -> ()
    } else {
    }
    %barrier3A = arith.constant 0 : index
    tpu.barrier barrier_id(%barrier3A)
    %scan3A = arith.constant 0 : i32
    %scan3A_293 = arith.constant 0 : i32
    %scan3A_294 = arith.constant 78 : i32
    %scan3A_295 = arith.addi %scan3A_293, %scan3A_294 : i32
    %scan3A_296 = arith.constant 1 : i32
    scf.for %scan3A_309 = %scan3A_293 to %scan3A_295 step %scan3A_296  : i32 {
      %run_scoped3A_310 = arith.constant 0 : i32
      "tpu.region"() ({
        %run_scoped3A_311 = tpu.sem_alloc : memref<!tpu.dma_semaphore, #tpu.memory_space<semaphore_mem>>
        %dma_start3A = arith.constant 0 : i32
        %dma_start3A_312 = tpu.memref_slice %arg4[%scan3A_309, %run_scoped3A_310, %dma_start3A] : memref<78x1x128xi32, #tpu.memory_space<vmem>> -> memref<1x1x128xi32, #tpu.memory_space<vmem>>
        %dma_start3A_313 = tpu.memref_squeeze %dma_start3A_312 : memref<1x1x128xi32, #tpu.memory_space<vmem>> -> memref<128xi32, #tpu.memory_space<vmem>>
        %dma_start3A_314 = arith.constant 0 : i32
        %dma_start3A_315 = tpu.memref_slice %arg8[%dma_start3A_314] : memref<10240xf32, #tpu.memory_space<vmem_shared>> -> memref<10240xf32, #tpu.memory_space<vmem_shared>>
        tpu.enqueue_indirect_dma source(%arg6 : memref<128xf32, #tpu.memory_space<vmem>>) target(%dma_start3A_315 : memref<10240xf32, #tpu.memory_space<vmem_shared>>) offsets(%dma_start3A_313 : memref<128xi32, #tpu.memory_space<vmem>>) semaphore(%run_scoped3A_311 : memref<!tpu.dma_semaphore, #tpu.memory_space<semaphore_mem>>) {add = true}
        %dma_wait3A = arith.constant 0 : i32
        %dma_wait3A_316 = tpu.memref_slice %arg4[%scan3A_309, %run_scoped3A_310, %dma_wait3A] : memref<78x1x128xi32, #tpu.memory_space<vmem>> -> memref<1x1x128xi32, #tpu.memory_space<vmem>>
        %dma_wait3A_317 = tpu.memref_squeeze %dma_wait3A_316 : memref<1x1x128xi32, #tpu.memory_space<vmem>> -> memref<128xi32, #tpu.memory_space<vmem>>
        %dma_wait3A_318 = arith.constant 0 : i32
        %dma_wait3A_319 = tpu.memref_slice %arg8[%dma_wait3A_318] : memref<10240xf32, #tpu.memory_space<vmem_shared>> -> memref<10240xf32, #tpu.memory_space<vmem_shared>>
        tpu.wait_indirect_dma semaphore(%run_scoped3A_311 : memref<!tpu.dma_semaphore, #tpu.memory_space<semaphore_mem>>) src(%arg6 : memref<128xf32, #tpu.memory_space<vmem>>) dst(%dma_wait3A_319 : memref<10240xf32, #tpu.memory_space<vmem_shared>>)
        tpu.yield
      }) : () -> ()
    }
    %scan3A_297 = arith.constant 78 : i32
    %lt3A_298 = arith.constant 4 : i32
    %lt3A_299 = arith.cmpi slt, %add3A, %lt3A_298 : i32
    %convert_element_type3A_300 = arith.extui %lt3A_299 : i1 to i32
    %cond3A_301 = arith.constant 0 : i32
    %cond3A_302 = arith.cmpi ne, %convert_element_type3A_300, %cond3A_301 : i32
    scf.if %cond3A_302 {
      %run_scoped3A_309 = arith.constant 0 : i32
      "tpu.region"() ({
        %run_scoped3A_310 = tpu.sem_alloc : memref<!tpu.dma_semaphore, #tpu.memory_space<semaphore_mem>>
        %dma_start3A = arith.constant 0 : i32
        %dma_start3A_311 = tpu.memref_slice %arg5[%run_scoped3A_309, %dma_start3A] : memref<1x128xi32, #tpu.memory_space<vmem>> -> memref<1x128xi32, #tpu.memory_space<vmem>>
        %dma_start3A_312 = tpu.memref_squeeze %dma_start3A_311 : memref<1x128xi32, #tpu.memory_space<vmem>> -> memref<128xi32, #tpu.memory_space<vmem>>
        %dma_start3A_313 = arith.constant 0 : i32
        %dma_start3A_314 = tpu.memref_slice %arg8[%dma_start3A_313] : memref<10240xf32, #tpu.memory_space<vmem_shared>> -> memref<10240xf32, #tpu.memory_space<vmem_shared>>
        tpu.enqueue_indirect_dma source(%arg6 : memref<128xf32, #tpu.memory_space<vmem>>) target(%dma_start3A_314 : memref<10240xf32, #tpu.memory_space<vmem_shared>>) offsets(%dma_start3A_312 : memref<128xi32, #tpu.memory_space<vmem>>) semaphore(%run_scoped3A_310 : memref<!tpu.dma_semaphore, #tpu.memory_space<semaphore_mem>>) {add = true}
        %dma_wait3A = arith.constant 0 : i32
        %dma_wait3A_315 = tpu.memref_slice %arg5[%run_scoped3A_309, %dma_wait3A] : memref<1x128xi32, #tpu.memory_space<vmem>> -> memref<1x128xi32, #tpu.memory_space<vmem>>
        %dma_wait3A_316 = tpu.memref_squeeze %dma_wait3A_315 : memref<1x128xi32, #tpu.memory_space<vmem>> -> memref<128xi32, #tpu.memory_space<vmem>>
        %dma_wait3A_317 = arith.constant 0 : i32
        %dma_wait3A_318 = tpu.memref_slice %arg8[%dma_wait3A_317] : memref<10240xf32, #tpu.memory_space<vmem_shared>> -> memref<10240xf32, #tpu.memory_space<vmem_shared>>
        tpu.wait_indirect_dma semaphore(%run_scoped3A_310 : memref<!tpu.dma_semaphore, #tpu.memory_space<semaphore_mem>>) src(%arg6 : memref<128xf32, #tpu.memory_space<vmem>>) dst(%dma_wait3A_318 : memref<10240xf32, #tpu.memory_space<vmem_shared>>)
        tpu.yield
      }) : () -> ()
    } else {
    }
    %barrier3A_303 = arith.constant 0 : index
    tpu.barrier barrier_id(%barrier3A_303)
    %mul3A_304 = arith.constant 640 : i32
    %mul3A_305 = arith.muli %arg1, %mul3A_304 : i32
    %mul3A_306 = arith.constant 640 : i32
    %mul3A_307 = arith.muli %arg1, %mul3A_306 : i32
    %run_scoped3A_308 = arith.constant 0 : i32
    "tpu.region"() ({
      %run_scoped3A_309 = tpu.sem_alloc : memref<!tpu.dma_semaphore, #tpu.memory_space<semaphore_mem>>
      %dma_start3A = tpu.memref_slice %arg3[%arg0, %run_scoped3A_308, %mul3A_307] : memref<2x1x10240xf32, #tpu.memory_space<hbm>> -> memref<1x1x640xf32, #tpu.memory_space<hbm>>
      %dma_start3A_310 = tpu.memref_squeeze %dma_start3A : memref<1x1x640xf32, #tpu.memory_space<hbm>> -> memref<640xf32, #tpu.memory_space<hbm>>
      %dma_start3A_311 = tpu.memref_slice %arg8[%mul3A_305] : memref<10240xf32, #tpu.memory_space<vmem_shared>> -> memref<640xf32, #tpu.memory_space<vmem_shared>>
      tpu.enqueue_dma source(%dma_start3A_311 : memref<640xf32, #tpu.memory_space<vmem_shared>>) target(%dma_start3A_310 : memref<640xf32, #tpu.memory_space<hbm>>) target_semaphore(%run_scoped3A_309 : memref<!tpu.dma_semaphore, #tpu.memory_space<semaphore_mem>>)
      %dma_wait3A = tpu.memref_slice %arg3[%arg0, %run_scoped3A_308, %mul3A_307] : memref<2x1x10240xf32, #tpu.memory_space<hbm>> -> memref<1x1x640xf32, #tpu.memory_space<hbm>>
      %dma_wait3A_312 = tpu.memref_squeeze %dma_wait3A : memref<1x1x640xf32, #tpu.memory_space<hbm>> -> memref<640xf32, #tpu.memory_space<hbm>>
      %dma_wait3A_313 = tpu.memref_slice %arg8[%mul3A_305] : memref<10240xf32, #tpu.memory_space<vmem_shared>> -> memref<640xf32, #tpu.memory_space<vmem_shared>>
      tpu.wait_dma2 semaphore(%run_scoped3A_309 : memref<!tpu.dma_semaphore, #tpu.memory_space<semaphore_mem>>) src(%dma_wait3A_313 : memref<640xf32, #tpu.memory_space<vmem_shared>>) dst(%dma_wait3A_312 : memref<640xf32, #tpu.memory_space<hbm>>)
      tpu.yield
    }) : () -> ()
    return
  }
}

module attributes {stable_mosaic.version = 14 : i64} {
  func.func @_inv_body(%arg0: memref<2x1x10240xf32, #tpu.memory_space<vmem>>, %arg1: memref<1x10240xf32, #tpu.memory_space<vmem>>) attributes {dimension_semantics = [], scalar_prefetch = 0 : i64, scratch_operands = 0 : i64, tpu.core_type = #tpu.core_type<tc>} {
    %get3A = arith.constant 0 : index
    %get3A_0 = arith.constant 0 : index
    %get3A_1 = arith.constant 0 : index
    %get3A_2 = vector.load %arg0[%get3A, %get3A_0, %get3A_1] : memref<2x1x10240xf32, #tpu.memory_space<vmem>>, vector<1x1x10240xf32>
    %get3A_3 = vector.shape_cast %get3A_2 : vector<1x1x10240xf32> to vector<1x10240xf32>
    %get3A_4 = arith.constant 1 : index
    %get3A_5 = arith.constant 0 : index
    %get3A_6 = arith.constant 0 : index
    %get3A_7 = vector.load %arg0[%get3A_4, %get3A_5, %get3A_6] : memref<2x1x10240xf32, #tpu.memory_space<vmem>>, vector<1x1x10240xf32>
    %get3A_8 = vector.shape_cast %get3A_7 : vector<1x1x10240xf32> to vector<1x10240xf32>
    %add3A = arith.addf %get3A_3, %get3A_8 : vector<1x10240xf32>
    %max3A = arith.constant 1.000000e+00 : f32
    %max3A_9 = vector.broadcast %max3A : f32 to vector<1x10240xf32>
    %max3A_10 = arith.maximumf %add3A, %max3A_9 : vector<1x10240xf32>
    %rsqrt3A = math.rsqrt %max3A_10 : vector<1x10240xf32>
    %swap3A = arith.constant 0 : index
    %swap3A_11 = arith.constant 0 : index
    %swap3A_12 = vector.load %arg1[%swap3A, %swap3A_11] : memref<1x10240xf32, #tpu.memory_space<vmem>>, vector<1x10240xf32>
    tpu.vector_store %arg1[%swap3A, %swap3A_11], %rsqrt3A {strides = array<i32>} : memref<1x10240xf32, #tpu.memory_space<vmem>>, vector<1x10240xf32>,
    return
  }
}

module attributes {stable_mosaic.version = 14 : i64} {
  func.func @_mm_body(%arg0: i32, %arg1: memref<1000x128xf32, #tpu.memory_space<vmem>>, %arg2: memref<128x128xf32, #tpu.memory_space<vmem>>, %arg3: memref<1000x128xf32, #tpu.memory_space<vmem>>) attributes {dimension_semantics = [#tpu.dimension_semantics<arbitrary>], iteration_bounds = array<i64: 10>, scalar_prefetch = 0 : i64, scratch_operands = 0 : i64, tpu.core_type = #tpu.core_type<tc>, window_params = [{transform_indices = @transform_0, window_bounds = array<i64: 1000, 128>}, {pipeline_mode = #tpu.pipeline_mode<synchronous>, transform_indices = @transform_1, window_bounds = array<i64: 128, 128>}, {transform_indices = @transform_2, window_bounds = array<i64: 1000, 128>}]} {
    %get3A = arith.constant 0 : index
    %get3A_0 = arith.constant 0 : index
    %get3A_1 = vector.load %arg1[%get3A, %get3A_0] : memref<1000x128xf32, #tpu.memory_space<vmem>>, vector<1000x128xf32>
    %get3A_2 = arith.constant 0 : index
    %get3A_3 = arith.constant 0 : index
    %get3A_4 = vector.load %arg2[%get3A_2, %get3A_3] : memref<128x128xf32, #tpu.memory_space<vmem>>, vector<128x128xf32>
    %dot_general3A = arith.constant dense<0.000000e+00> : vector<1000x128xf32>
    %dot_general3A_5 = tpu.matmul %get3A_1, %get3A_4, %dot_general3A {dimension_numbers = #tpu.dot_dimension_numbers<[1], [0], [0], [1], [0, 0, 1, 1], [], []>, transpose_lhs_hint = false} : vector<1000x128xf32>, vector<128x128xf32>, vector<1000x128xf32> -> vector<1000x128xf32>
    %swap3A = arith.constant 0 : index
    %swap3A_6 = arith.constant 0 : index
    %swap3A_7 = vector.load %arg3[%swap3A, %swap3A_6] : memref<1000x128xf32, #tpu.memory_space<vmem>>, vector<1000x128xf32>
    tpu.vector_store %arg3[%swap3A, %swap3A_6], %dot_general3A_5 {strides = array<i32>} : memref<1000x128xf32, #tpu.memory_space<vmem>>, vector<1000x128xf32>,
    return
  }
  func.func @transform_0(%arg0: i32) -> (i32, i32) {
    %c0_i32 = arith.constant 0 : i32
    %c0_i32_0 = arith.constant 0 : i32
    return %arg0, %c0_i32 : i32, i32
  }
  func.func @transform_1(%arg0: i32) -> (i32, i32) {
    %c0_i32 = arith.constant 0 : i32
    %c0_i32_0 = arith.constant 0 : i32
    %c0_i32_1 = arith.constant 0 : i32
    return %c0_i32, %c0_i32_0 : i32, i32
  }
  func.func @transform_2(%arg0: i32) -> (i32, i32) {
    %c0_i32 = arith.constant 0 : i32
    %c0_i32_0 = arith.constant 0 : i32
    return %arg0, %c0_i32 : i32, i32
  }
}

module attributes {stable_mosaic.version = 14 : i64} {
  func.func @_scale_body(%arg0: memref<10000x128xf32, #tpu.memory_space<vmem>>, %arg1: memref<10000x1xf32, #tpu.memory_space<vmem>>, %arg2: memref<10000x128xf32, #tpu.memory_space<vmem>>) attributes {dimension_semantics = [], scalar_prefetch = 0 : i64, scratch_operands = 0 : i64, tpu.core_type = #tpu.core_type<tc>} {
    %get3A = arith.constant 0 : index
    %get3A_0 = arith.constant 0 : index
    %get3A_1 = vector.load %arg0[%get3A, %get3A_0] : memref<10000x128xf32, #tpu.memory_space<vmem>>, vector<10000x128xf32>
    %get3A_2 = arith.constant 0 : index
    %get3A_3 = arith.constant 0 : index
    %get3A_4 = vector.load %arg1[%get3A_2, %get3A_3] : memref<10000x1xf32, #tpu.memory_space<vmem>>, vector<10000x1xf32>
    %mul3A = vector.broadcast %get3A_4 : vector<10000x1xf32> to vector<10000x128xf32>
    %mul3A_5 = arith.mulf %get3A_1, %mul3A : vector<10000x128xf32>
    %swap3A = arith.constant 0 : index
    %swap3A_6 = arith.constant 0 : index
    %swap3A_7 = vector.load %arg2[%swap3A, %swap3A_6] : memref<10000x128xf32, #tpu.memory_space<vmem>>, vector<10000x128xf32>
    tpu.vector_store %arg2[%swap3A, %swap3A_6], %mul3A_5 {strides = array<i32>} : memref<10000x128xf32, #tpu.memory_space<vmem>>, vector<10000x128xf32>,
    return
  }
}

module attributes {stable_mosaic.version = 14 : i64} {
  func.func @_fin_body(%arg0: memref<2x10112x128xf32, #tpu.memory_space<vmem>>, %arg1: memref<10000x1xf32, #tpu.memory_space<vmem>>, %arg2: memref<1x128xf32, #tpu.memory_space<vmem>>, %arg3: memref<10000x128xf32, #tpu.memory_space<vmem>>) attributes {dimension_semantics = [], scalar_prefetch = 0 : i64, scratch_operands = 0 : i64, tpu.core_type = #tpu.core_type<tc>} {
    %get3A = arith.constant 0 : index
    %get3A_0 = arith.constant 0 : index
    %get3A_1 = arith.constant 0 : index
    %get3A_2 = vector.load %arg0[%get3A, %get3A_0, %get3A_1] : memref<2x10112x128xf32, #tpu.memory_space<vmem>>, vector<1x10112x128xf32>
    %get3A_3 = vector.shape_cast %get3A_2 : vector<1x10112x128xf32> to vector<10112x128xf32>
    %get3A_4 = arith.constant 1 : index
    %get3A_5 = arith.constant 0 : index
    %get3A_6 = arith.constant 0 : index
    %get3A_7 = vector.load %arg0[%get3A_4, %get3A_5, %get3A_6] : memref<2x10112x128xf32, #tpu.memory_space<vmem>>, vector<1x10112x128xf32>
    %get3A_8 = vector.shape_cast %get3A_7 : vector<1x10112x128xf32> to vector<10112x128xf32>
    %add3A = arith.addf %get3A_3, %get3A_8 : vector<10112x128xf32>
    %slice3A = vector.extract_strided_slice %add3A {offsets = [0, 0], sizes = [10000, 128], strides = [1, 1]} : vector<10112x128xf32> to vector<10000x128xf32>
    %get3A_9 = arith.constant 0 : index
    %get3A_10 = arith.constant 0 : index
    %get3A_11 = vector.load %arg1[%get3A_9, %get3A_10] : memref<10000x1xf32, #tpu.memory_space<vmem>>, vector<10000x1xf32>
    %mul3A = vector.broadcast %get3A_11 : vector<10000x1xf32> to vector<10000x128xf32>
    %mul3A_12 = arith.mulf %slice3A, %mul3A : vector<10000x128xf32>
    %get3A_13 = arith.constant 0 : index
    %get3A_14 = arith.constant 0 : index
    %get3A_15 = vector.load %arg2[%get3A_13, %get3A_14] : memref<1x128xf32, #tpu.memory_space<vmem>>, vector<1x128xf32>
    %add3A_16 = vector.broadcast %get3A_15 : vector<1x128xf32> to vector<10000x128xf32>
    %add3A_17 = arith.addf %mul3A_12, %add3A_16 : vector<10000x128xf32>
    %swap3A = arith.constant 0 : index
    %swap3A_18 = arith.constant 0 : index
    %swap3A_19 = vector.load %arg3[%swap3A, %swap3A_18] : memref<10000x128xf32, #tpu.memory_space<vmem>>, vector<10000x128xf32>
    tpu.vector_store %arg3[%swap3A, %swap3A_18], %add3A_17 {strides = array<i32>} : memref<10000x128xf32, #tpu.memory_space<vmem>>, vector<10000x128xf32>,
    return
  }
}

</mosaic_0001>

<sc_bundles>
// kernel: kernel.11.cloned.1.call-start
scs
__scs_entry_jumppad:
0x0: {  	(pc) =	sbr.rel $0x88, $3  }
0x1: {  	(tag) =	ssettag $0x0;
	lr =	simm.s32 $0x1  }
0x2: {  	[smem:$0x3F9D] =	sst lr;
	_ =	strace $0xD0000000  }
0x3: {  	_ = 	snop  }
0x4: {  	_ = 	snop  }
0x5: {  	_ = 	snop  }
0x6: {  	_ = 	snop  }
0x7: {  	_ = 	snop  }
__scs_overlays_trampoline_lowered:
0x8: {  	[smem:$0x3FAC] =	sst s0  }
0x9: {  	[smem:$0x3FAD] =	sst s1  }
0xa: {  	[smem:$0x3FAE] =	sst s2  }
0xb: {  	[smem:$0x3FAF] =	sst s3  }
0xc: {  	[smem:$0x3FB0] =	sst s4  }
0xd: {  	[smem:$0x3FB1] =	sst s5  }
0xe: {  	[smem:$0x3FB2] =	sst s6  }
0xf: {  	[smem:$0x3FB3] =	sst s7  }
0x10: {  	[smem:$0x3FB4] =	sst s8  }
0x11: {  	[smem:$0x3FB5] =	sst s9;
	s0 =	simm.s32 @!p0 $0x0  }
0x12: {  	s1 =	sld [smem:$0x3F9B];
	s0 =	simm.s32 @p0 $0x1  }
0x13: {  	[smem:$0x3FB6] =	sst s0;
	s0 =	simm.s32 @!p1 $0x0  }
0x14: {  	s2 =	sld [smem:$0x3F9A];
	s0 =	simm.s32 @p1 $0x1  }
0x15: {  	[smem:$0x3FB7] =	sst s0;
	s0 =	simm.s32 @!p2 $0x0  }
0x16: {  	s3 =	sld [smem:$0x3FDB];
	s0 =	simm.s32 @p2 $0x1  }
0x17: {  	s4 =	simm.s32 $0x1BF5;
	[smem:$0x3FB9] =	sst s0  }
0x18: {  	s0 =	sld [smem:$0x3F9C];
	_ =	swait.ge [sflag:s4], $0x0  }
0x19: {  	s7 =	sld [smem:$0x3F9D]  }
0x1a: {  	s8 =	sadd.s32 $0xFFFFE003, lr  }
0x1b: {  	s9 =	sadd.s32 $0xFFFFFEF7, lr;
	s5 =	simm.s32 $0xFFFFFFFF;
	p2 =	slt.u32 s8, $0xFFFFF086  }
0x1c: {  	p1 =	slt.u32 s9, $0xF7A;
	s5 =	simm.s32 @!p2 $0x0  }
0x1d: {  	s5 =	simm.s32 @p1 $0x1;
	p0 =	seq.s32 s7, s2  }
0x1e: {  	s7 =	smul.u32 @!p0 $0xF7A, s2;
	p2 =	seq.s32 @!p0 s5, $0x0  }
0x1f: {  	s9 =	smul.u32 $0xF7A, s1;
	s8 =	simm.s32 @!p0 $0x1BF5;
	p2 =	por !p2, p0  }
0x20: {  	[sflag:s8] =	ssyncset.s32 @!p0 $0xFFFFF086;
	s6 =	sadd.s32 @!p0 s3, s7;
	s7 =	simm.s32 @!p0 $0x108  }
0x21: {  	s3 =	sadd.s32 s3, s9;
	s6 =	sadd.s32 @!p0 $0x88, s6;
	s7 =	simm.s32 @p2 $0x1082  }
0x22: {  	[simem:s7], [sflag:s8] =	dma.local @!p0 [hbm:s6], $0xF7A  }
0x23: {  	s9 =	sor.u32 $0xD0000000, s2;
	s6 =	simm.s32 $0x108;
	_ =	swait.ge @!p0 [sflag:s8], $0x0  }
0x24: {  	s3 =	sadd.s32 $0x88, s3;
	s6 =	simm.s32 @!p1 $0x1082;
	[sflag:s4] =	ssyncset.s32 $0xFFFFF086  }
0x25: {  	[simem:s6], [sflag:s4] =	dma.local [hbm:s3], $0xF7A  }
0x26: {  	[smem:$0x3F9D] =	sst s1;
	(tag) =	ssettag s2;
	_ =	strace s9  }
0x27: {  	s1 =	sld [smem:$0x3FAD]  }
0x28: {  	s2 =	sld [smem:$0x3FAE]  }
0x29: {  	s4 =	sld [smem:$0x3FB0]  }
0x2a: {  	p0 =	seq.s32 s5, $0x0;
	s5 =	sld [smem:$0x3FB1]  }
0x2b: {  	s6 =	sld [smem:$0x3FB2]  }
0x2c: {  	s7 =	sld [smem:$0x3FB3]  }
0x2d: {  	s3 =	simm.s32 $0x108;
	s8 =	sld [smem:$0x3FB4]  }
0x2e: {  	s3 =	simm.s32 @!p0 $0x1082;
	s9 =	sld [smem:$0x3FB5]  }
0x2f: {  	lr =	sadd.s32 s0, s3;
	s0 =	sld [smem:$0x3FAC]  }
0x30: {  	s3 =	sld [smem:$0x3FAF]  }
0x31: {  	[smem:$0x3FB8] =	sst s10  }
0x32: {  	s10 =	sld [smem:$0x3FB6];
	_ =	sdelay $0x3  }
0x33: {  	p0 =	seq.s32 s10, $0x1;
	s10 =	sld [smem:$0x3FB8];
	_ =	sdelay $0x3  }
0x34: {  	[smem:$0x3FB8] =	sst s10  }
0x35: {  	s10 =	sld [smem:$0x3FB7];
	_ =	sdelay $0x3  }
0x36: {  	p1 =	seq.s32 s10, $0x1;
	s10 =	sld [smem:$0x3FB8];
	_ =	sdelay $0x3  }
0x37: {  	[smem:$0x3FB8] =	sst s10  }
0x38: {  	s10 =	sld [smem:$0x3FB9]  }
0x39: {  	_ = 	snop;
	(pc) =	sbr.ind lr, $3  }
0x3a: {  	_ = 	snop  }
0x3b: {  	_ = 	snop  }
0x3c: {  	p2 =	seq.s32 s10, $0x1;
	s10 =	sld [smem:$0x3FB8]  }
0x3d: {  	_ =	shalt  }
0x3e: {  	_ =	shalt  }
0x3f: {  	_ =	shalt  }
0x40: {  	_ =	shalt  }
0x41: {  	_ =	shalt  }
0x42: {  	_ =	shalt  }
0x43: {  	_ =	shalt  }
0x44: {  	_ =	shalt  }
0x45: {  	_ =	shalt  }
0x46: {  	_ =	shalt  }
0x47: {  	_ =	shalt  }
0x48: {  	_ =	shalt  }
0x49: {  	_ =	shalt  }
0x4a: {  	_ =	shalt  }
0x4b: {  	_ =	shalt  }
0x4c: {  	_ =	shalt  }
0x4d: {  	_ =	shalt  }
0x4e: {  	_ =	shalt  }
0x4f: {  	_ =	shalt  }
0x50: {  	_ =	shalt  }
0x51: {  	_ =	shalt  }
0x52: {  	_ =	shalt  }
0x53: {  	_ =	shalt  }
0x54: {  	_ =	shalt  }
0x55: {  	_ =	shalt  }
0x56: {  	_ =	shalt  }
0x57: {  	_ =	shalt  }
0x58: {  	_ =	shalt  }
0x59: {  	_ =	shalt  }
0x5a: {  	_ =	shalt  }
0x5b: {  	_ =	shalt  }
0x5c: {  	_ =	shalt  }
0x5d: {  	_ =	shalt  }
0x5e: {  	_ =	shalt  }
0x5f: {  	_ =	shalt  }
0x60: {  	_ =	shalt  }
0x61: {  	_ =	shalt  }
0x62: {  	_ =	shalt  }
0x63: {  	_ =	shalt  }
0x64: {  	_ =	shalt  }
0x65: {  	_ =	shalt  }
0x66: {  	_ =	shalt  }
0x67: {  	_ =	shalt  }
0x68: {  	_ =	shalt  }
0x69: {  	_ =	shalt  }
0x6a: {  	_ =	shalt  }
0x6b: {  	_ =	shalt  }
0x6c: {  	_ =	shalt  }
0x6d: {  	_ =	shalt  }
0x6e: {  	_ =	shalt  }
0x6f: {  	_ =	shalt  }
0x70: {  	_ =	shalt  }
0x71: {  	_ =	shalt  }
0x72: {  	_ =	shalt  }
0x73: {  	_ =	shalt  }
0x74: {  	_ =	shalt  }
0x75: {  	_ =	shalt  }
0x76: {  	_ =	shalt  }
0x77: {  	_ =	shalt  }
0x78: {  	_ =	shalt  }
0x79: {  	_ =	shalt  }
0x7a: {  	_ =	shalt  }
0x7b: {  	_ =	shalt  }
0x7c: {  	_ =	shalt  }
0x7d: {  	_ =	shalt  }
0x7e: {  	_ =	shalt  }
0x7f: {  	_ =	shalt  }
0x80: {  	_ =	shalt  }
0x81: {  	_ =	shalt  }
0x82: {  	_ =	shalt  }
0x83: {  	_ =	shalt  }
0x84: {  	_ =	shalt  }
0x85: {  	_ =	shalt  }
0x86: {  	_ =	shalt  }
0x87: {  	_ =	shalt  }
.Lfunc_end0:
.L_simem_size_0:
called_computation.1_lowered:
.L_overlay_start_0:
0x88: {  	s2 =	sld [smem:$0x3FD9]  }
0x89: {  	s3 =	sld [smem:$0x3FFE];
	_ =	sdelay $0x1  }
0x8a: {  	s1 =	srdreg.scid  }
0x8b: {  	s0 =	sand.u32 $0x1, s1  }
0x8c: {  	s17 =	sshll.u32 s0, $0xA;
	s2 =	sadd.s32 s3, s2  }
0x8d: {  	s2 =	sadd.s32 s2, s17  }
0x8e: {  	[smem:$0x3FC4] =	sst s2  }
0x8f: {  	_ = 	snop  }
0x90: {  	s2 =	sld [smem:$0x3FD0];
	(tm) =	ssettm $0x1  }
0x91: {  	s18 =	sld [smem:$0x3FFB];
	_ =	sdelay $0x3  }
0x92: {  	_ =	strace s18  }
0x93: {  	s3 =	sld [smem:$0x3FFC];
	_ =	sdelay $0x3  }
0x94: {  	_ =	strace s3  }
0x95: {  	s3 =	sld [smem:$0x3FFD];
	_ =	sdelay $0x3  }
0x96: {  	_ =	strace s3  }
0x97: {  	_ =	strace $0x8FFFFFFF  }
0x98: {  	s19 =	sld [smem:$0x3FDB];
	_ =	sdelay $0x1  }
0x99: {  	s4 =	simm.s32 $_scs_section_size  }
0x9a: {  	s5 =	simm.s32 $_size__tile_overlayer_lowered;
	s6 =	simm.s32 $_tile_overlayer_lowered  }
0x9b: {  	s22 =	simm.s32 $0x1BFF;
	s21 =	sshll.u32 s6, $0x1;
	s3 =	sadd.s32 s4, s19  }
0x9c: {  	s7 =	simm.s32 $0x0;
	s20 =	sshll.u32 s5, $0x1;
	s5 =	sadd.s32 s21, s3  }
0x9d: {  	[timem:s7], [sflag:s22] =	dma.local [hbm:s5], s20  }
0x9e: {  	_ =	swait.ge [sflag:s22], s20  }
0x9f: {  	s4 =	ssub.s32 $0x0, s20;
	[sflag:s22] =	ssyncset.done $0x0  }
0xa0: {  	[sflag:s22] =	ssyncadd.s32 s4;
	_ =	sdelay $0x1  }
0xa1: {  	s23 =	simm.s32 $0x1B8B  }
0xa2: {  	_ =	swait.ge [sflag:s23], $0x1  }
0xa3: {  	[sflag:s23] =	ssyncset.done $0x0  }
0xa4: {  	s25 =	simm.s32 $0x1B8E;
	s24 =	sld [smem:$0x3FFE];
	[sflag:s23] =	ssyncadd.s32 $0xFFFFFFFF  }
0xa5: {  	s26 =	simm.s32 $execute0_lowered;
	[smem:$0x3FD2] =	sst s25  }
0xa6: {  	s5 =	sshll.u32 s26, $0x1;
	_ =	strace $0x80000049;
	[dreg:$0x1] =	wrdreg $0xFFFFFFFF  }
0xa7: {  	s28 =	simm.s32 $_size_execute0_lowered;
	s3 =	sadd.s32 s3, s5;
	[dreg:$0x0] =	wrdreg $0x0  }
0xa8: {  	s5 =	sshll.u32 s28, $0x1;
	[dreg:$0x2] =	wrdreg s3  }
0xa9: {  	[dreg:$0x3] =	wrdreg s5  }
0xaa: {  	[dreg:$0x4] =	wrdreg $0xC0  }
0xab: {  	_ =	task [dreg:s7], $0x5FFFF  }
0xac: {  	[dreg:$0x1] =	wrdreg $0xFFFFFFFF  }
0xad: {  	[dreg:$0x0] =	wrdreg $0x60  }
0xae: {  	[dreg:$0x2] =	wrdreg s2  }
0xaf: {  	[dreg:$0x3] =	wrdreg s24  }
0xb0: {  	[dreg:$0x4] =	wrdreg $0x88000  }
0xb1: {  	[dreg:$0x5] =	wrdreg $0x9  }
0xb2: {  	_ =	task.clear_ibuf [dreg:s7], $0x6FFFF;
	_ =	strace $0x90000049  }
0xb3: {  	s29 =	simm.s32 $0x9;
	_ =	strace $0x8000004B  }
0xb4: {  	_ =	swait.ge [sflag:s29], $0x1  }
0xb5: {  	[sflag:s29] =	ssyncadd.s32 $0xFFFFFFFF  }
0xb6: {  	_ =	strace $0x9000004B  }
0xb7: {  	_ =	sfence  }
0xb8: {  	s30 =	sld [smem:$0x0];
	_ =	sdelay $0x2  }
0xb9: {  	s31 =	sshll.u32 s1, $0xD;
	s1 =	sshrl.u32 s1, $0x2  }
0xba: {  	s3 =	sand.u32 $0x4000, s31;
	s1 =	sadd.s32 s1, s30  }
0xbb: {  	s0 =	sor.u32 s3, s0;
	s1 =	sshll.u32 s1, $0x11  }
0xbc: {  	s0 =	sor.u32 s1, s0  }
0xbd: {  	s0 =	sadd.s32 $0x8F2B, s0  }
0xbe: {  	[sflag:s0] =	ssyncadd.remote.s32 $0x1  }
0xbf: {  	_ =	sfence.sel $0xFFFF  }
0xc0: {  	[dreg:$0x0] =	wrdreg $0xFFFFFFFF;
	(pc) =	sbr.abs _section_cstart, $3  }
0xc1: {  	[dreg:$0x1] =	wrdreg $0xFFFFFFFF  }
0xc2: {  	_ =	task.clear_ibuf [dreg:s7], $0x2FFFF;
	_ =	strace $0x9FFFFFFF  }
0xc3: {  	(tm) =	ssettm $0x7FFFFFFF  }
tec
execute0_lowered:
.L_overlay_start_1:
0x0: {  	(tag) =	ssettag $0x1  }
0x1: {  	s0 =	rddreg [dreg:$0x0]  }
0x2: {  	s1 =	rddreg [dreg:$0x1];
	s2 =	srdreg.scid  }
0x3: {  	s3 =	rddreg [dreg:$0x2];
	s9 =	stileid.u32;
	s4 =	simm.s32 $0x0  }
0x4: {  	s2 =	sand.u32 $0x1, s2;
	s6 =	smul.u32 $0x13C00, s9;
	[smem:$0x7FF] =	sst s4  }
0x5: {  	s10 =	sadd.s32 $0x2600, s1;
	s7 =	smul.u32 $0x4F000, s9;
	s21 =	sshll.u32 s9, $0x4  }
0x6: {  	s23 =	sshll.u32 s9, $0x7;
	s5 =	smul.u32 $0x13C000, s2;
	_ =	strace $0x8000004A  }
0x7: {  	s18 =	ssub.s32 $0x2, s2;
	s8 =	sshll.u32 s2, $0x4;
	s22 =	sadd.s32 s21, s10  }
0x8: {  	s2 =	sshll.u32 s2, $0xB;
	[dreg:$0x4] =	wrdreg s10;
	s7 =	sshrl.u32 s7, $0x2  }
0x9: {  	s5 =	sadd.s32 s6, s5;
	s6 =	sor.u32 s9, s8;
	s8 =	sadd.s32 $0x13800, s22  }
0xa: {  	s17 =	sadd.s32 s7, s3;
	s7 =	sadd.s32 $0x27080, s22;
	[dreg:$0x8] =	wrdreg s8  }
0xb: {  	s19 =	sshrl.u32 s18, $0x1;
	s5 =	sshrl.u32 s5, $0x3;
	[dreg:$0x9] =	wrdreg s7  }
0xc: {  	s20 =	sshll.u32 s6, $0x4;
	s11 =	sadd.s32 $0x2000, s17;
	[dreg:$0x5] =	wrdreg s17  }
0xd: {  	p0 =	sgt.u32 s6, $0x7;
	s6 =	sadd.s32 $0xA000, s17;
	[dreg:$0x6] =	wrdreg s11  }
0xe: {  	s1 =	sadd.s32 s5, s1;
	s11 =	sadd.s32 s10, s20;
	[dreg:$0x1c] =	wrdreg s6  }
0xf: {  	s5 =	ssub.s32 s18, s19;
	s1 =	sadd.s32 $0x29800, s1;
	[dreg:$0x7] =	wrdreg s11  }
0x10: {  	s24 =	smax.u32 s5, $0x1;
	[dreg:$0xa] =	wrdreg s1;
	s1 =	sor.u32 s23, s2  }
0x11: {  	[dreg:$0xb] =	wrdreg s24;
	s25 =	sor.u32 $0xB000, s1  }
0x12: {  	s26 =	sadd.s32 $0xA7400, s1;
	s31 =	sor.u32 $0xA000, s1;
	s8 =	sadd.s32 $0xA6400, s1  }
0x13: {  	s9 =	sor.u32 $0x9000, s1;
	s12 =	sadd.s32 $0xA5400, s1;
	s15 =	sor.u32 $0x8000, s1  }
0x14: {  	s16 =	sadd.s32 $0xA4400, s1;
	s18 =	sadd.s32 $0xA3400, s1;
	s19 =	sadd.s32 $0xA2400, s1  }
0x15: {  	s23 =	sadd.s32 $0xA1400, s1;
	s24 =	sadd.s32 $0xA0400, s1;
	s1 =	sshrl.u32 s1, $0x3  }
0x16: {  	[dreg:$0x12] =	wrdreg s15;
	s1 =	sadd.s32 s1, s10  }
0x17: {  	s7 =	sshrl.u32 s31, $0x3;
	s31 =	sadd.s32 $0x4000, s17;
	[dreg:$0x17] =	wrdreg s1  }
0x18: {  	s14 =	sshrl.u32 s12, $0x3;
	s12 =	sadd.s32 $0x13880, s11;
	[dreg:$0x19] =	wrdreg s31  }
0x19: {  	s2 =	sshrl.u32 s25, $0x3;
	s15 =	sadd.s32 $0x400, s11;
	[smem:$0x7EF] =	sst s12  }
0x1a: {  	s20 =	sshrl.u32 s18, $0x3;
	s18 =	sadd.s32 $0x600, s11;
	[smem:$0x7F2] =	sst s15  }
0x1b: {  	s21 =	sshrl.u32 s19, $0x3;
	s19 =	sadd.s32 $0x13E80, s11;
	[smem:$0x7F4] =	sst s18  }
0x1c: {  	s25 =	sshrl.u32 s24, $0x3;
	s24 =	sadd.s32 $0x13400, s11;
	[smem:$0x7F5] =	sst s19  }
0x1d: {  	s5 =	sshrl.u32 s26, $0x3;
	s2 =	sadd.s32 s2, s10;
	[smem:$0x7FA] =	sst s24  }
0x1e: {  	s5 =	sadd.s32 s5, s10;
	[dreg:$0xc] =	wrdreg s2  }
0x1f: {  	s22 =	sadd.s32 s21, s10;
	[dreg:$0xd] =	wrdreg s5  }
0x20: {  	s26 =	sadd.s32 s25, s10;
	[dreg:$0x15] =	wrdreg s22  }
0x21: {  	s21 =	sadd.s32 $0x26880, s11;
	[dreg:$0x18] =	wrdreg s26  }
0x22: {  	s25 =	sadd.s32 $0x26C80, s11;
	[smem:$0x7F7] =	sst s21  }
0x23: {  	s31 =	sadd.s32 $0x26E80, s11;
	[smem:$0x7FB] =	sst s25  }
0x24: {  	s29 =	simm.s32 $0x7;
	s2 =	sadd.s32 s7, s10;
	[smem:$0x7FD] =	sst s31  }
0x25: {  	s30 =	simm.s32 $0x8;
	s7 =	sadd.s32 $0xC000, s17;
	[dreg:$0xe] =	wrdreg s2  }
0x26: {  	s5 =	sshrl.u32 s9, $0x3;
	s9 =	sadd.s32 $0x10000, s17;
	[dreg:$0x1d] =	wrdreg s7  }
0x27: {  	s28 =	simm.s32 $0x600;
	s22 =	sadd.s32 $0x13200, s11;
	[dreg:$0x1f] =	wrdreg s9  }
0x28: {  	s18 =	simm.s32 $0x11;
	s26 =	sadd.s32 $0x13600, s11;
	[smem:$0x7F8] =	sst s22  }
0x29: {  	s24 =	simm.s32 $0x380;
	s13 =	sadd.s32 s5, s10;
	[smem:$0x7FC] =	sst s26  }
0x2a: {  	s19 =	simm.s32 $0x680;
	s5 =	sadd.s32 $0x8000, s17;
	[dreg:$0x10] =	wrdreg s13  }
0x2b: {  	s2 =	sshrl.u32 s8, $0x3;
	s8 =	sadd.s32 $0xE000, s17;
	[dreg:$0x1b] =	wrdreg s5  }
0x2c: {  	s25 =	simm.s32 $0xE;
	s2 =	sadd.s32 s2, s10;
	[dreg:$0x1e] =	wrdreg s8  }
0x2d: {  	s21 =	simm.s32 $0xA;
	s13 =	sadd.s32 $0x200, s11;
	[dreg:$0xf] =	wrdreg s2  }
0x2e: {  	s7 =	simm.s32 $0x40;
	s2 =	sadd.s32 s14, s10;
	[smem:$0x7F0] =	sst s13  }
0x2f: {  	s22 =	simm.s32 $0xC;
	s14 =	sadd.s32 $0x13A80, s11;
	[dreg:$0x11] =	wrdreg s2  }
0x30: {  	s2 =	sshrl.u32 s16, $0x3;
	[smem:$0x7F1] =	sst s14;
	s16 =	sadd.s32 $0x13C80, s11  }
0x31: {  	s5 =	simm.s32 $0x800;
	s2 =	sadd.s32 s2, s10;
	[smem:$0x7F3] =	sst s16  }
0x32: {  	s14 =	simm.s32 $0x4;
	[dreg:$0x13] =	wrdreg s2;
	s2 =	sadd.s32 s20, s10  }
0x33: {  	s20 =	sadd.s32 $0x13000, s11;
	[dreg:$0x14] =	wrdreg s2;
	s2 =	sshrl.u32 s23, $0x3  }
.Ltmp0:
0x34: {  	[smem:$0x7F6] =	sst s20;
	s23 =	sadd.s32 $0x26A80, s11;
	(pc) =	sbr.rel .LBB2_1-.Ltmp0, $4  }
0x35: {  	s16 =	simm.s32 $0x700;
	s2 =	sadd.s32 s2, s10;
	[smem:$0x7F9] =	sst s23  }
0x36: {  	s20 =	simm.s32 $0xD;
	s10 =	sadd.s32 $0x12000, s17;
	[dreg:$0x16] =	wrdreg s2  }
0x37: {  	s23 =	simm.s32 $0x280;
	s2 =	sadd.s32 $0x6000, s17;
	[smem:$0x7EE] =	sst s10  }
0x38: {  	v0 =	vimm.f32 $0.0e+00;
	s10 =	simm.s32 $0x2800;
	[dreg:$0x1a] =	wrdreg s2;
	s2 =	simm.s32 $0x0  }
.LBB2_6:
0x39: {  	_ =	swait.ge [sflag:s22], $0x2000  }
0x3a: {  	[sflag:s22] =	ssyncset.done $0x0  }
0x3b: {  	s1 =	simm.s32 $0x780;
	s11 =	sld [smem:$0x7F6];
	[sflag:s22] =	ssyncadd.s32 $0xFFFFE000  }
0x3c: {  	[spmem:s3] =	stream.indirect.scatter.add.f32 [tilespmem:s2], [sflag:$0x10], $0x80, s1, s7, $0xb8;
	[tilespmem:$0x1C400] =	vst v63  }
0x3d: {  	s13 =	sld [smem:$0x7F7]  }
0x3e: {  	[tilespmem:s4], [sflag:$0x1] =	stream.linear.gather [hbm4b:s11+s4], $0x80, $0x38;
	[tilespmem:$0x1C400] =	vst v63  }
0x3f: {  	s31 =	simm.s32 $0x80;
	s15 =	sld [smem:$0x7F8]  }
0x40: {  	[tilespmem:s31], [sflag:$0x1] =	stream.linear.gather [hbm4b:s13+s4], $0x80, $0x38;
	[tilespmem:$0x1C400] =	vst v63  }
0x41: {  	s17 =	sld [smem:$0x7F9];
	s13 =	simm.s32 $0x100  }
0x42: {  	[tilespmem:s13], [sflag:$0x2] =	stream.linear.gather [hbm4b:s15+s4], $0x80, $0x38;
	[tilespmem:$0x1C400] =	vst v63  }
0x43: {  	s18 =	sld [smem:$0x7FA];
	s11 =	simm.s32 $0x180  }
0x44: {  	[tilespmem:s11], [sflag:$0x2] =	stream.linear.gather [hbm4b:s17+s4], $0x80, $0x38;
	[tilespmem:$0x1C400] =	vst v63  }
0x45: {  	s26 =	sld [smem:$0x7FB]  }
0x46: {  	[tilespmem:s23], [sflag:$0x3] =	stream.linear.gather [hbm4b:s18+s4], $0x80, $0x38;
	[tilespmem:$0x1C400] =	vst v63  }
0x47: {  	s6 =	sld [smem:$0x7FC]  }
0x48: {  	[tilespmem:s24], [sflag:$0x3] =	stream.linear.gather [hbm4b:s26+s4], $0x80, $0x38;
	[tilespmem:$0x1C400] =	vst v63  }
0x49: {  	s9 =	sld [smem:$0x7FD]  }
0x4a: {  	[tilespmem:s12], [sflag:$0x4] =	stream.linear.gather [hbm4b:s6+s4], $0x80, $0x38;
	[tilespmem:$0x1C400] =	vst v63  }
0x4b: {  	s15 =	simm.s32 $0x1  }
0x4c: {  	[tilespmem:s5], [sflag:$0x4] =	stream.linear.gather [hbm4b:s9+s4], $0x80, $0x38;
	[tilespmem:$0x1C400] =	vst v63  }
0x4d: {  	_ =	swait.ge [sflag:s15], $0x80  }
0x4e: {  	[sflag:s15] =	ssyncset.done $0x0  }
0x4f: {  	[sflag:s15] =	ssyncadd.s32 $0xFFFFFF80  }
0x50: {  	_ =	swait.ge [sflag:s15], $0x80  }
0x51: {  	[sflag:s15] =	ssyncset.done $0x0  }
0x52: {  	[sflag:s15] =	ssyncadd.s32 $0xFFFFFF80  }
0x53: {  	_ =	swait.ge [sflag:s20], $0x2000  }
0x54: {  	[sflag:s20] =	ssyncset.done $0x0  }
0x55: {  	s17 =	simm.s32 $0x2;
	[sflag:s20] =	ssyncadd.s32 $0xFFFFE000  }
0x56: {  	[tilespmem:s8], [sflag:$0x9] =	stream.indirect.gather [hbm4b:s0+s7], $0x80, s4, s7, $0xb8;
	[tilespmem:$0x1C400] =	vst v63  }
0x57: {  	_ =	swait.ge [sflag:s17], $0x80  }
0x58: {  	[sflag:s17] =	ssyncset.done $0x0  }
0x59: {  	[sflag:s17] =	ssyncadd.s32 $0xFFFFFF80  }
0x5a: {  	_ =	swait.ge [sflag:s17], $0x80  }
0x5b: {  	[sflag:s17] =	ssyncset.done $0x0  }
0x5c: {  	[sflag:s17] =	ssyncadd.s32 $0xFFFFFF80  }
0x5d: {  	_ =	swait.ge [sflag:s25], $0x2000  }
0x5e: {  	[sflag:s25] =	ssyncset.done $0x0  }
0x5f: {  	s18 =	simm.s32 $0x3;
	[sflag:s25] =	ssyncadd.s32 $0xFFFFE000  }
0x60: {  	[tilespmem:s10], [sflag:$0xA] =	stream.indirect.gather [hbm4b:s0+s7], $0x80, s13, s7, $0xb8;
	[tilespmem:$0x1C400] =	vst v63  }
0x61: {  	_ =	swait.ge [sflag:s18], $0x80  }
0x62: {  	[sflag:s18] =	ssyncset.done $0x0  }
0x63: {  	[sflag:s18] =	ssyncadd.s32 $0xFFFFFF80  }
0x64: {  	_ =	swait.ge [sflag:s18], $0x80  }
0x65: {  	[sflag:s18] =	ssyncset.done $0x0  }
0x66: {  	s6 =	simm.s32 $0xF;
	[sflag:s18] =	ssyncadd.s32 $0xFFFFFF80  }
0x67: {  	_ =	swait.ge [sflag:s6], $0x2000  }
0x68: {  	[sflag:s6] =	ssyncset.done $0x0  }
0x69: {  	s15 =	simm.s32 $0x4800;
	[sflag:s6] =	ssyncadd.s32 $0xFFFFE000  }
0x6a: {  	[tilespmem:s15], [sflag:$0xB] =	stream.indirect.gather [hbm4b:s0+s7], $0x80, s23, s7, $0xb8;
	[tilespmem:$0x1C400] =	vst v63  }
0x6b: {  	_ =	swait.ge [sflag:s14], $0x80  }
0x6c: {  	[sflag:s14] =	ssyncset.done $0x0  }
0x6d: {  	[sflag:s14] =	ssyncadd.s32 $0xFFFFFF80  }
0x6e: {  	_ =	swait.ge [sflag:s14], $0x80  }
0x6f: {  	[sflag:s14] =	ssyncset.done $0x0  }
0x70: {  	s9 =	simm.s32 $0x10;
	[sflag:s14] =	ssyncadd.s32 $0xFFFFFF80  }
0x71: {  	_ =	swait.ge [sflag:s9], $0x2000  }
0x72: {  	[sflag:s9] =	ssyncset.done $0x0  }
0x73: {  	[sflag:s9] =	ssyncadd.s32 $0xFFFFE000  }
0x74: {  	[tilespmem:s2], [sflag:$0xC] =	stream.indirect.gather [hbm4b:s0+s7], $0x80, s12, s7, $0xb8;
	[tilespmem:$0x1C400] =	vst v63  }
0x75: {  	s1 =	simm.s32 @!p0 $0x0;
	s13 =	simm.s32 @!p0 $0x400;
	s17 =	rddreg [dreg:$0x8]  }
0x76: {  	[tilespmem:s13], [sflag:$0x5] =	stream.linear.gather @!p0 [hbm4b:s17+s1], $0x80, $0x38;
	[tilespmem:$0x1C400] =	vst v63  }
0x77: {  	s26 =	simm.s32 $0x9;
	s18 =	rddreg [dreg:$0x9];
	s17 =	simm.s32 @!p0 $0x480  }
0x78: {  	[tilespmem:s17], [sflag:$0x5] =	stream.linear.gather @!p0 [hbm4b:s18+s1], $0x80, $0x38;
	[tilespmem:$0x1C400] =	vst v63  }
0x79: {  	_ =	swait.ge [sflag:s26], $0x2000  }
0x7a: {  	[sflag:s26] =	ssyncset.done $0x0  }
0x7b: {  	[sflag:s26] =	ssyncadd.s32 $0xFFFFE000  }
0x7c: {  	[spmem:s3] =	stream.indirect.scatter.add.f32 [tilespmem:s8], [sflag:$0xD], $0x80, s31, s7, $0xb8;
	[tilespmem:$0x1C400] =	vst v63  }
0x7d: {  	s8 =	simm.s32 $0xA  }
0x7e: {  	_ =	swait.ge [sflag:s8], $0x2000  }
0x7f: {  	[sflag:s8] =	ssyncset.done $0x0  }
0x80: {  	s12 =	simm.s32 $0xB;
	[sflag:s8] =	ssyncadd.s32 $0xFFFFE000  }
0x81: {  	[spmem:s3] =	stream.indirect.scatter.add.f32 [tilespmem:s10], [sflag:$0xE], $0x80, s11, s7, $0xb8;
	[tilespmem:$0x1C400] =	vst v63  }
0x82: {  	_ =	swait.ge [sflag:s12], $0x2000  }
0x83: {  	[sflag:s12] =	ssyncset.done $0x0  }
0x84: {  	[sflag:s12] =	ssyncadd.s32 $0xFFFFE000  }
0x85: {  	[spmem:s3] =	stream.indirect.scatter.add.f32 [tilespmem:s15], [sflag:$0xF], $0x80, s24, s7, $0xb8;
	[tilespmem:$0x1C400] =	vst v63  }
0x86: {  	_ =	swait.ge [sflag:s22], $0x2000  }
0x87: {  	[sflag:s22] =	ssyncset.done $0x0  }
0x88: {  	s1 =	simm.s32 @!p0 $0x5;
	[sflag:s22] =	ssyncadd.s32 $0xFFFFE000  }
0x89: {  	[spmem:s3] =	stream.indirect.scatter.add.f32 [tilespmem:s2], [sflag:$0x10], $0x80, s5, s7, $0xb8;
	[tilespmem:$0x1C400] =	vst v63  }
0x8a: {  	_ =	swait.ge @!p0 [sflag:s1], $0x80  }
0x8b: {  	[sflag:s1] =	ssyncset.done @!p0 $0x0  }
0x8c: {  	[sflag:s1] =	ssyncadd.s32 @!p0 $0xFFFFFF80  }
0x8d: {  	_ =	swait.ge @!p0 [sflag:s1], $0x80  }
0x8e: {  	[sflag:s1] =	ssyncset.done @!p0 $0x0  }
0x8f: {  	[sflag:s1] =	ssyncadd.s32 @!p0 $0xFFFFFF80;
	s1 =	simm.s32 @!p0 $0xD  }
0x90: {  	_ =	swait.ge @!p0 [sflag:s1], $0x2000  }
0x91: {  	[sflag:s1] =	ssyncset.done @!p0 $0x0  }
0x92: {  	s18 =	simm.s32 @!p0 $0x800;
	[sflag:s1] =	ssyncadd.s32 @!p0 $0xFFFFE000;
	s1 =	simm.s32 @!p0 $0x40  }
0x93: {  	[tilespmem:s18], [sflag:$0x9] =	stream.indirect.gather @!p0 [hbm4b:s0+s1], $0x80, s13, s1, $0xb8;
	[tilespmem:$0x1C400] =	vst v63  }
0x94: {  	s13 =	simm.s32 @!p0 $0x9  }
0x95: {  	_ =	swait.ge @!p0 [sflag:s13], $0x2000  }
0x96: {  	[sflag:s13] =	ssyncset.done @!p0 $0x0  }
0x97: {  	[sflag:s13] =	ssyncadd.s32 @!p0 $0xFFFFE000  }
0x98: {  	[spmem:s3] =	stream.indirect.scatter.add.f32 @!p0 [tilespmem:s18], [sflag:$0xD], $0x80, s17, s1, $0xb8;
	[tilespmem:$0x1C400] =	vst v63  }
0x99: {  	_ =	swait.ge [sflag:s20], $0x2000  }
0x9a: {  	[sflag:s20] =	ssyncset.done $0x0  }
0x9b: {  	[sflag:s20] =	ssyncadd.s32 $0xFFFFE000  }
0x9c: {  	_ =	swait.ge [sflag:s25], $0x2000  }
0x9d: {  	[sflag:s25] =	ssyncset.done $0x0  }
0x9e: {  	[sflag:s25] =	ssyncadd.s32 $0xFFFFE000  }
0x9f: {  	_ =	swait.ge [sflag:s6], $0x2000  }
0xa0: {  	[sflag:s6] =	ssyncset.done $0x0  }
0xa1: {  	[sflag:s6] =	ssyncadd.s32 $0xFFFFE000  }
0xa2: {  	_ =	swait.ge [sflag:s9], $0x2000  }
0xa3: {  	[sflag:s9] =	ssyncset.done $0x0  }
0xa4: {  	[sflag:s9] =	ssyncadd.s32 $0xFFFFE000  }
0xa5: {  	s18 =	stileid.u32;
	[bflag:$0x0] =	sbarrier.arrive $0xFFFF  }
0xa6: {  	s1 =	sshll.u32 s18, $0x6;
	s18 =	simm.s32 $0x11;
	s17 =	rddreg [dreg:$0x5]  }
0xa7: {  	s1 =	sor.u32 $0x1C11, s1;
	s24 =	rddreg [dreg:$0xa];
	s23 =	sshrl.u32 s17, $0x3  }
0xa8: {  	[hbm:s24], [sflag:s1] =	dma.local [spmem:s23], $0x2780  }
0xa9: {  	_ =	swait.ge [sflag:s18], $0x2780  }
0xaa: {  	s26 =	sld [smem:$0x7ED];
	_ =	sdelay $0x2  }
0xab: {  	s31 =	rddreg [dreg:$0xb];
	s2 =	sadd.s32 $0x1, s26  }
0xac: {  	p1 =	sne.s32 s2, s31  }
.Ltmp1:
0xad: {  	_ = 	snop;
	(pc) =	sbr.rel @!p1 .LBB2_7-.Ltmp1, $3  }
0xae: {  	_ =	sdelay $0x1  }
0xaf: {  	s5 =	simm.s32 $0x800;
	[sflag:s18] =	ssyncset.done $0x0  }
0xb0: {  	s23 =	simm.s32 $0x280;
	s24 =	simm.s32 $0x380;
	[sflag:s18] =	ssyncadd.s32 $0xFFFFD880  }
.LBB2_1:
0xb1: {  	[smem:$0x7ED] =	sst s2;
	s13 =	simm.s32 $0x0;
	s31 =	simm.s32 $0x200  }
.LBB2_2:
0xb2: {  	p1 =	sne.s32 s31, $0x7E00;
	[tilespmem:s13+$0x870] =	vst v0  }
0xb3: {  	[tilespmem:s13+$0x800] =	vst v0  }
0xb4: {  	[tilespmem:s13+$0x810] =	vst v0  }
.Ltmp2:
0xb5: {  	[tilespmem:s13+$0x820] =	vst v0;
	(pc) =	sbr.rel @p1 .LBB2_2-.Ltmp2, $4  }
0xb6: {  	[tilespmem:s13+$0x830] =	vst v0  }
0xb7: {  	[tilespmem:s13+$0x840] =	vst v0  }
0xb8: {  	[tilespmem:s13+$0x850] =	vst v0  }
0xb9: {  	[tilespmem:s13+$0x860] =	vst v0;
	s13 =	sshra.s32 s31, $0x2;
	s31 =	sadd.s32 $0x200, s31  }
0xba: {  	[tilespmem:s13+$0x870] =	vst v0  }
0xbb: {  	[tilespmem:s13+$0x800] =	vst v0  }
0xbc: {  	[tilespmem:s13+$0x810] =	vst v0  }
0xbd: {  	[tilespmem:s13+$0x820] =	vst v0  }
0xbe: {  	[tilespmem:s13+$0x830] =	vst v0  }
0xbf: {  	[tilespmem:s13+$0x840] =	vst v0  }
0xc0: {  	[tilespmem:s13+$0x850] =	vst v0  }
0xc1: {  	[tilespmem:s13+$0x860] =	vst v0  }
0xc2: {  	[spmem:s17] =	stream.linear.scatter [tilespmem:s5], [sflag:$0x11], $0x2000, $0x38;
	[tilespmem:$0x1C400] =	vst v63  }
0xc3: {  	_ =	swait.ge [sflag:s18], $0x2000  }
0xc4: {  	[sflag:s18] =	ssyncset.done $0x0  }
0xc5: {  	s1 =	rddreg [dreg:$0x6];
	[sflag:s18] =	ssyncadd.s32 $0xFFFFE000  }
0xc6: {  	[spmem:s1] =	stream.linear.scatter [tilespmem:s5], [sflag:$0x11], $0x2000, $0x38;
	[tilespmem:$0x1C400] =	vst v63  }
0xc7: {  	_ =	swait.ge [sflag:s18], $0x2000  }
0xc8: {  	[sflag:s18] =	ssyncset.done $0x0  }
0xc9: {  	s13 =	rddreg [dreg:$0x19];
	[sflag:s18] =	ssyncadd.s32 $0xFFFFE000  }
0xca: {  	[spmem:s13] =	stream.linear.scatter [tilespmem:s5], [sflag:$0x11], $0x2000, $0x38;
	[tilespmem:$0x1C400] =	vst v63  }
0xcb: {  	_ =	swait.ge [sflag:s18], $0x2000  }
0xcc: {  	[sflag:s18] =	ssyncset.done $0x0  }
0xcd: {  	s15 =	rddreg [dreg:$0x1a];
	[sflag:s18] =	ssyncadd.s32 $0xFFFFE000  }
0xce: {  	[spmem:s15] =	stream.linear.scatter [tilespmem:s5], [sflag:$0x11], $0x2000, $0x38;
	[tilespmem:$0x1C400] =	vst v63  }
0xcf: {  	_ =	swait.ge [sflag:s18], $0x2000  }
0xd0: {  	[sflag:s18] =	ssyncset.done $0x0  }
0xd1: {  	s17 =	rddreg [dreg:$0x1b];
	[sflag:s18] =	ssyncadd.s32 $0xFFFFE000  }
0xd2: {  	[spmem:s17] =	stream.linear.scatter [tilespmem:s5], [sflag:$0x11], $0x2000, $0x38;
	[tilespmem:$0x1C400] =	vst v63  }
0xd3: {  	_ =	swait.ge [sflag:s18], $0x2000  }
0xd4: {  	[sflag:s18] =	ssyncset.done $0x0  }
0xd5: {  	s26 =	rddreg [dreg:$0x1c];
	[sflag:s18] =	ssyncadd.s32 $0xFFFFE000  }
0xd6: {  	[spmem:s26] =	stream.linear.scatter [tilespmem:s5], [sflag:$0x11], $0x2000, $0x38;
	[tilespmem:$0x1C400] =	vst v63  }
0xd7: {  	_ =	swait.ge [sflag:s18], $0x2000  }
0xd8: {  	[sflag:s18] =	ssyncset.done $0x0  }
0xd9: {  	s2 =	rddreg [dreg:$0x1d];
	[sflag:s18] =	ssyncadd.s32 $0xFFFFE000  }
0xda: {  	[spmem:s2] =	stream.linear.scatter [tilespmem:s5], [sflag:$0x11], $0x2000, $0x38;
	[tilespmem:$0x1C400] =	vst v63  }
0xdb: {  	_ =	swait.ge [sflag:s18], $0x2000  }
0xdc: {  	[sflag:s18] =	ssyncset.done $0x0  }
0xdd: {  	s6 =	rddreg [dreg:$0x1e];
	[sflag:s18] =	ssyncadd.s32 $0xFFFFE000  }
0xde: {  	[spmem:s6] =	stream.linear.scatter [tilespmem:s5], [sflag:$0x11], $0x2000, $0x38;
	[tilespmem:$0x1C400] =	vst v63  }
0xdf: {  	_ =	swait.ge [sflag:s18], $0x2000  }
0xe0: {  	[sflag:s18] =	ssyncset.done $0x0  }
0xe1: {  	s8 =	rddreg [dreg:$0x1f];
	[sflag:s18] =	ssyncadd.s32 $0xFFFFE000  }
0xe2: {  	[spmem:s8] =	stream.linear.scatter [tilespmem:s5], [sflag:$0x11], $0x2000, $0x38;
	[tilespmem:$0x1C400] =	vst v63  }
0xe3: {  	_ =	swait.ge [sflag:s18], $0x2000  }
0xe4: {  	s9 =	sld [smem:$0x7EE]  }
0xe5: {  	[sflag:s18] =	ssyncset.done $0x0  }
0xe6: {  	[sflag:s18] =	ssyncadd.s32 $0xFFFFE000  }
0xe7: {  	[spmem:s9] =	stream.linear.scatter [tilespmem:s5], [sflag:$0x11], $0x1C00, $0x38;
	[tilespmem:$0x1C400] =	vst v63  }
0xe8: {  	_ =	swait.ge [sflag:s18], $0x1C00  }
0xe9: {  	[sflag:s18] =	ssyncset.done $0x0;
	s11 =	rddreg [dreg:$0x7]  }
0xea: {  	s13 =	simm.s32 $0x0;
	s12 =	sld [smem:$0x7EF];
	[sflag:s18] =	ssyncadd.s32 $0xFFFFE400  }
0xeb: {  	[tilespmem:s13], [sflag:$0x1] =	stream.linear.gather [hbm4b:s11+s13], $0x80, $0x38;
	[tilespmem:$0x1C400] =	vst v63  }
0xec: {  	s15 =	simm.s32 $0x80;
	s18 =	sld [smem:$0x7F0]  }
0xed: {  	[tilespmem:s15], [sflag:$0x1] =	stream.linear.gather [hbm4b:s12+s13], $0x80, $0x38;
	[tilespmem:$0x1C400] =	vst v63  }
0xee: {  	s17 =	simm.s32 $0x100;
	s26 =	sld [smem:$0x7F1]  }
0xef: {  	[tilespmem:s17], [sflag:$0x2] =	stream.linear.gather [hbm4b:s18+s13], $0x80, $0x38;
	[tilespmem:$0x1C400] =	vst v63  }
0xf0: {  	s2 =	simm.s32 $0x180;
	s6 =	sld [smem:$0x7F2]  }
0xf1: {  	[tilespmem:s2], [sflag:$0x2] =	stream.linear.gather [hbm4b:s26+s13], $0x80, $0x38;
	[tilespmem:$0x1C400] =	vst v63  }
0xf2: {  	s8 =	sld [smem:$0x7F3];
	s18 =	simm.s32 $0x200  }
0xf3: {  	[tilespmem:s18], [sflag:$0x3] =	stream.linear.gather [hbm4b:s6+s13], $0x80, $0x38;
	[tilespmem:$0x1C400] =	vst v63  }
0xf4: {  	s9 =	sld [smem:$0x7F4]  }
0xf5: {  	[tilespmem:s23], [sflag:$0x3] =	stream.linear.gather [hbm4b:s8+s13], $0x80, $0x38;
	[tilespmem:$0x1C400] =	vst v63  }
0xf6: {  	s11 =	sld [smem:$0x7F5];
	s12 =	simm.s32 $0x300  }
0xf7: {  	[tilespmem:s12], [sflag:$0x4] =	stream.linear.gather [hbm4b:s9+s13], $0x80, $0x38;
	[tilespmem:$0x1C400] =	vst v63  }
0xf8: {  	s15 =	simm.s32 $0x1  }
0xf9: {  	[tilespmem:s24], [sflag:$0x4] =	stream.linear.gather [hbm4b:s11+s13], $0x80, $0x38;
	[tilespmem:$0x1C400] =	vst v63  }
0xfa: {  	_ =	swait.ge [sflag:s15], $0x80  }
0xfb: {  	[sflag:s15] =	ssyncset.done $0x0  }
0xfc: {  	[sflag:s15] =	ssyncadd.s32 $0xFFFFFF80  }
0xfd: {  	_ =	swait.ge [sflag:s15], $0x80  }
0xfe: {  	[sflag:s15] =	ssyncset.done $0x0  }
0xff: {  	s26 =	simm.s32 $0x2;
	[sflag:s15] =	ssyncadd.s32 $0xFFFFFF80  }
0x100: {  	[tilespmem:s5], [sflag:$0x9] =	stream.indirect.gather [hbm4b:s0+s7], $0x80, s13, s7, $0xb8;
	[tilespmem:$0x1C400] =	vst v63  }
0x101: {  	_ =	swait.ge [sflag:s26], $0x80  }
0x102: {  	[sflag:s26] =	ssyncset.done $0x0  }
0x103: {  	[sflag:s26] =	ssyncadd.s32 $0xFFFFFF80  }
0x104: {  	_ =	swait.ge [sflag:s26], $0x80  }
0x105: {  	[sflag:s26] =	ssyncset.done $0x0  }
0x106: {  	[sflag:s26] =	ssyncadd.s32 $0xFFFFFF80  }
0x107: {  	[tilespmem:s10], [sflag:$0xA] =	stream.indirect.gather [hbm4b:s0+s7], $0x80, s17, s7, $0xb8;
	[tilespmem:$0x1C400] =	vst v63  }
0x108: {  	[bflag:$0x0] =	sbarrier.arrive $0xFFFF  }
0x109: {  	s9 =	simm.s32 $0x6800;
	s26 =	simm.s32 $0x2800;
	s31 =	rddreg [dreg:$0x12]  }
.LBB2_4:
0x10a: {  	s2 =	simm.s32 $0x9  }
0x10b: {  	_ =	swait.ge [sflag:s2], $0x2000  }
0x10c: {  	[sflag:s2] =	ssyncset.done $0x0  }
0x10d: {  	s1 =	simm.s32 $0x80;
	s11 =	rddreg [dreg:$0x17];
	[sflag:s2] =	ssyncadd.s32 $0xFFFFE000  }
0x10e: {  	[spmem:s3] =	stream.indirect.scatter.add.f32 [tilespmem:s5], [sflag:$0xD], $0x80, s1, s7, $0xb8;
	[tilespmem:$0x1C400] =	vst v63  }
0x10f: {  	s1 =	sadd.s32 s13, s11  }
0x110: {  	s15 =	rddreg [dreg:$0x18];
	s5 =	simm.s32 $0x400;
	s17 =	sadd.s32 $0x800, s1  }
0x111: {  	[tilespmem:s5], [sflag:$0x5] =	stream.linear.gather [hbm4b:s17+s4], $0x80, $0x38;
	[tilespmem:$0x1C400] =	vst v63  }
0x112: {  	s10 =	simm.s32 $0x480;
	p1 =	seq.s32 s13, $0x0;
	s17 =	sadd.s32 s13, s15  }
0x113: {  	[tilespmem:s10], [sflag:$0x5] =	stream.linear.gather [hbm4b:s17+s4], $0x80, $0x38;
	[tilespmem:$0x1C400] =	vst v63  }
0x114: {  	s17 =	simm.s32 @!p1 $0xF  }
0x115: {  	_ =	swait.ge @!p1 [sflag:s17], $0x2000  }
0x116: {  	[sflag:s17] =	ssyncset.done @!p1 $0x0  }
0x117: {  	s8 =	simm.s32 $0x3;
	[sflag:s17] =	ssyncadd.s32 @!p1 $0xFFFFE000  }
0x118: {  	_ =	swait.ge [sflag:s8], $0x80  }
0x119: {  	[sflag:s8] =	ssyncset.done $0x0  }
0x11a: {  	[sflag:s8] =	ssyncadd.s32 $0xFFFFFF80  }
0x11b: {  	_ =	swait.ge [sflag:s8], $0x80  }
0x11c: {  	[sflag:s8] =	ssyncset.done $0x0  }
0x11d: {  	s15 =	simm.s32 $0x4800;
	[sflag:s8] =	ssyncadd.s32 $0xFFFFFF80  }
0x11e: {  	[tilespmem:s15], [sflag:$0xB] =	stream.indirect.gather [hbm4b:s0+s7], $0x80, s18, s7, $0xb8;
	[tilespmem:$0x1C400] =	vst v63  }
0x11f: {  	_ =	swait.ge [sflag:s21], $0x2000  }
0x120: {  	[sflag:s21] =	ssyncset.done $0x0  }
0x121: {  	s6 =	simm.s32 $0x180;
	[sflag:s21] =	ssyncadd.s32 $0xFFFFE000  }
0x122: {  	[spmem:s3] =	stream.indirect.scatter.add.f32 [tilespmem:s26], [sflag:$0xE], $0x80, s6, s7, $0xb8;
	[tilespmem:$0x1C400] =	vst v63  }
0x123: {  	s8 =	sadd.s32 $0xA00, s1;
	s18 =	simm.s32 $0x500;
	s11 =	rddreg [dreg:$0x16]  }
0x124: {  	[tilespmem:s18], [sflag:$0x6] =	stream.linear.gather [hbm4b:s8+s4], $0x80, $0x38;
	[tilespmem:$0x1C400] =	vst v63  }
0x125: {  	s17 =	sadd.s32 s13, s11;
	s11 =	simm.s32 $0x580  }
0x126: {  	[tilespmem:s11], [sflag:$0x6] =	stream.linear.gather [hbm4b:s17+s4], $0x80, $0x38;
	[tilespmem:$0x1C400] =	vst v63  }
0x127: {  	s17 =	simm.s32 @!p1 $0x10  }
0x128: {  	_ =	swait.ge @!p1 [sflag:s17], $0x2000  }
0x129: {  	[sflag:s17] =	ssyncset.done @!p1 $0x0  }
0x12a: {  	[sflag:s17] =	ssyncadd.s32 @!p1 $0xFFFFE000  }
0x12b: {  	_ =	swait.ge [sflag:s14], $0x80  }
0x12c: {  	[sflag:s14] =	ssyncset.done $0x0  }
0x12d: {  	[sflag:s14] =	ssyncadd.s32 $0xFFFFFF80  }
0x12e: {  	_ =	swait.ge [sflag:s14], $0x80  }
0x12f: {  	[sflag:s14] =	ssyncset.done $0x0  }
0x130: {  	s6 =	simm.s32 $0xB;
	[sflag:s14] =	ssyncadd.s32 $0xFFFFFF80  }
0x131: {  	[tilespmem:s9], [sflag:$0xC] =	stream.indirect.gather [hbm4b:s0+s7], $0x80, s12, s7, $0xb8;
	[tilespmem:$0x1C400] =	vst v63  }
0x132: {  	_ =	swait.ge [sflag:s6], $0x2000  }
0x133: {  	[sflag:s6] =	ssyncset.done $0x0  }
0x134: {  	[sflag:s6] =	ssyncadd.s32 $0xFFFFE000  }
0x135: {  	[spmem:s3] =	stream.indirect.scatter.add.f32 [tilespmem:s15], [sflag:$0xF], $0x80, s23, s7, $0xb8;
	[tilespmem:$0x1C400] =	vst v63  }
0x136: {  	s12 =	rddreg [dreg:$0x15];
	s23 =	sadd.s32 $0xC00, s1  }
0x137: {  	[tilespmem:s28], [sflag:$0x7] =	stream.linear.gather [hbm4b:s23+s4], $0x80, $0x38;
	[tilespmem:$0x1C400] =	vst v63  }
0x138: {  	s17 =	sadd.s32 s13, s12  }
0x139: {  	[tilespmem:s19], [sflag:$0x7] =	stream.linear.gather [hbm4b:s17+s4], $0x80, $0x38;
	[tilespmem:$0x1C400] =	vst v63  }
0x13a: {  	_ =	swait.ge [sflag:s20], $0x2000  }
0x13b: {  	[sflag:s20] =	ssyncset.done $0x0  }
0x13c: {  	s23 =	simm.s32 $0x5;
	[sflag:s20] =	ssyncadd.s32 $0xFFFFE000  }
0x13d: {  	_ =	swait.ge [sflag:s23], $0x80  }
0x13e: {  	[sflag:s23] =	ssyncset.done $0x0  }
0x13f: {  	[sflag:s23] =	ssyncadd.s32 $0xFFFFFF80  }
0x140: {  	_ =	swait.ge [sflag:s23], $0x80  }
0x141: {  	[sflag:s23] =	ssyncset.done $0x0  }
0x142: {  	s8 =	simm.s32 $0x800;
	[sflag:s23] =	ssyncadd.s32 $0xFFFFFF80  }
0x143: {  	[tilespmem:s8], [sflag:$0x9] =	stream.indirect.gather [hbm4b:s0+s7], $0x80, s5, s7, $0xb8;
	[tilespmem:$0x1C400] =	vst v63  }
0x144: {  	_ =	swait.ge [sflag:s22], $0x2000  }
0x145: {  	[sflag:s22] =	ssyncset.done $0x0  }
0x146: {  	[sflag:s22] =	ssyncadd.s32 $0xFFFFE000  }
0x147: {  	[spmem:s3] =	stream.indirect.scatter.add.f32 [tilespmem:s9], [sflag:$0x10], $0x80, s24, s7, $0xb8;
	[tilespmem:$0x1C400] =	vst v63  }
0x148: {  	s1 =	sadd.s32 $0xE00, s1;
	s5 =	rddreg [dreg:$0x14]  }
0x149: {  	[tilespmem:s16], [sflag:$0x8] =	stream.linear.gather [hbm4b:s1+s4], $0x80, $0x38;
	[tilespmem:$0x1C400] =	vst v63  }
0x14a: {  	s12 =	simm.s32 $0x780;
	s1 =	sadd.s32 s13, s5  }
0x14b: {  	[tilespmem:s12], [sflag:$0x8] =	stream.linear.gather [hbm4b:s1+s4], $0x80, $0x38;
	[tilespmem:$0x1C400] =	vst v63  }
0x14c: {  	_ =	swait.ge [sflag:s25], $0x2000  }
0x14d: {  	[sflag:s25] =	ssyncset.done $0x0  }
0x14e: {  	s17 =	simm.s32 $0x6;
	[sflag:s25] =	ssyncadd.s32 $0xFFFFE000  }
0x14f: {  	_ =	swait.ge [sflag:s17], $0x80  }
0x150: {  	[sflag:s17] =	ssyncset.done $0x0  }
0x151: {  	[sflag:s17] =	ssyncadd.s32 $0xFFFFFF80  }
0x152: {  	_ =	swait.ge [sflag:s17], $0x80  }
0x153: {  	[sflag:s17] =	ssyncset.done $0x0  }
0x154: {  	[sflag:s17] =	ssyncadd.s32 $0xFFFFFF80  }
0x155: {  	[tilespmem:s26], [sflag:$0xA] =	stream.indirect.gather [hbm4b:s0+s7], $0x80, s18, s7, $0xb8;
	[tilespmem:$0x1C400] =	vst v63  }
0x156: {  	_ =	swait.ge [sflag:s2], $0x2000  }
0x157: {  	p1 =	seq.s32 s13, $0x12000;
	[sflag:s2] =	ssyncset.done $0x0  }
0x158: {  	s1 =	sshrl.u32 @!p1 s31, $0x3;
	s17 =	rddreg [dreg:$0x4];
	[sflag:s2] =	ssyncadd.s32 $0xFFFFE000  }
0x159: {  	[spmem:s3] =	stream.indirect.scatter.add.f32 [tilespmem:s8], [sflag:$0xD], $0x80, s10, s7, $0xb8;
	[tilespmem:$0x1C400] =	vst v63  }
0x15a: {  	s1 =	sadd.s32 @!p1 s17, s1;
	s17 =	simm.s32 @!p1 $0x0  }
0x15b: {  	[tilespmem:s17], [sflag:$0x1] =	stream.linear.gather @!p1 [hbm4b:s1+s17], $0x80, $0x38;
	[tilespmem:$0x1C400] =	vst v63  }
0x15c: {  	s1 =	rddreg [dreg:$0x13]  }
0x15d: {  	s18 =	simm.s32 @!p1 $0x80;
	s1 =	sadd.s32 @!p1 s13, s1  }
0x15e: {  	[tilespmem:s18], [sflag:$0x1] =	stream.linear.gather @!p1 [hbm4b:s1+s17], $0x80, $0x38;
	[tilespmem:$0x1C400] =	vst v63  }
0x15f: {  	s18 =	simm.s32 $0xF  }
0x160: {  	_ =	swait.ge [sflag:s18], $0x2000  }
0x161: {  	[sflag:s18] =	ssyncset.done $0x0  }
0x162: {  	[sflag:s18] =	ssyncadd.s32 $0xFFFFE000  }
0x163: {  	_ =	swait.ge [sflag:s29], $0x80  }
0x164: {  	[sflag:s29] =	ssyncset.done $0x0  }
0x165: {  	[sflag:s29] =	ssyncadd.s32 $0xFFFFFF80  }
0x166: {  	_ =	swait.ge [sflag:s29], $0x80  }
0x167: {  	[sflag:s29] =	ssyncset.done $0x0  }
0x168: {  	[sflag:s29] =	ssyncadd.s32 $0xFFFFFF80  }
0x169: {  	[tilespmem:s15], [sflag:$0xB] =	stream.indirect.gather [hbm4b:s0+s7], $0x80, s28, s7, $0xb8;
	[tilespmem:$0x1C400] =	vst v63  }
0x16a: {  	_ =	swait.ge [sflag:s21], $0x2000  }
0x16b: {  	[sflag:s21] =	ssyncset.done $0x0  }
0x16c: {  	s1 =	rddreg [dreg:$0x10];
	[sflag:s21] =	ssyncadd.s32 $0xFFFFE000  }
0x16d: {  	[spmem:s3] =	stream.indirect.scatter.add.f32 [tilespmem:s26], [sflag:$0xE], $0x80, s11, s7, $0xb8;
	[tilespmem:$0x1C400] =	vst v63  }
0x16e: {  	s18 =	simm.s32 @!p1 $0x100;
	s1 =	sadd.s32 @!p1 s13, s1  }
0x16f: {  	[tilespmem:s18], [sflag:$0x2] =	stream.linear.gather @!p1 [hbm4b:s1+s17], $0x80, $0x38;
	[tilespmem:$0x1C400] =	vst v63  }
0x170: {  	s1 =	rddreg [dreg:$0x11]  }
0x171: {  	s26 =	simm.s32 $0x10;
	s18 =	simm.s32 @!p1 $0x180;
	s1 =	sadd.s32 @!p1 s13, s1  }
0x172: {  	[tilespmem:s18], [sflag:$0x2] =	stream.linear.gather @!p1 [hbm4b:s1+s17], $0x80, $0x38;
	[tilespmem:$0x1C400] =	vst v63  }
0x173: {  	_ =	swait.ge [sflag:s26], $0x2000  }
0x174: {  	[sflag:s26] =	ssyncset.done $0x0  }
0x175: {  	[sflag:s26] =	ssyncadd.s32 $0xFFFFE000  }
0x176: {  	_ =	swait.ge [sflag:s30], $0x80  }
0x177: {  	[sflag:s30] =	ssyncset.done $0x0  }
0x178: {  	[sflag:s30] =	ssyncadd.s32 $0xFFFFFF80  }
0x179: {  	_ =	swait.ge [sflag:s30], $0x80  }
0x17a: {  	[sflag:s30] =	ssyncset.done $0x0  }
0x17b: {  	[sflag:s30] =	ssyncadd.s32 $0xFFFFFF80  }
0x17c: {  	[tilespmem:s9], [sflag:$0xC] =	stream.indirect.gather [hbm4b:s0+s7], $0x80, s16, s7, $0xb8;
	[tilespmem:$0x1C400] =	vst v63  }
.Ltmp3:
0x17d: {  	_ = 	snop;
	(pc) =	sbr.rel @p1 .LBB2_6-.Ltmp3, $4  }
0x17e: {  	s23 =	simm.s32 $0x200;
	s24 =	simm.s32 $0x280;
	_ =	swait.ge [sflag:s6], $0x2000  }
0x17f: {  	s5 =	simm.s32 $0x380;
	s12 =	simm.s32 $0x300;
	[sflag:s6] =	ssyncset.done $0x0  }
0x180: {  	s2 =	simm.s32 $0x6800;
	s10 =	simm.s32 $0x2800;
	[sflag:s6] =	ssyncadd.s32 $0xFFFFE000  }
0x181: {  	[spmem:s3] =	stream.indirect.scatter.add.f32 [tilespmem:s15], [sflag:$0xF], $0x80, s19, s7, $0xb8;
	[tilespmem:$0x1C400] =	vst v63  }
0x182: {  	s1 =	rddreg [dreg:$0xe]  }
0x183: {  	s11 =	rddreg [dreg:$0xf];
	s1 =	sadd.s32 s13, s1  }
0x184: {  	[tilespmem:s23], [sflag:$0x3] =	stream.linear.gather [hbm4b:s1+s4], $0x80, $0x38;
	[tilespmem:$0x1C400] =	vst v63  }
0x185: {  	s1 =	sadd.s32 s13, s11  }
0x186: {  	[tilespmem:s24], [sflag:$0x3] =	stream.linear.gather [hbm4b:s1+s4], $0x80, $0x38;
	[tilespmem:$0x1C400] =	vst v63  }
0x187: {  	_ =	swait.ge [sflag:s20], $0x2000  }
0x188: {  	[sflag:s20] =	ssyncset.done $0x0  }
0x189: {  	s15 =	simm.s32 $0x1;
	[sflag:s20] =	ssyncadd.s32 $0xFFFFE000  }
0x18a: {  	_ =	swait.ge [sflag:s15], $0x80  }
0x18b: {  	[sflag:s15] =	ssyncset.done $0x0  }
0x18c: {  	[sflag:s15] =	ssyncadd.s32 $0xFFFFFF80  }
0x18d: {  	_ =	swait.ge [sflag:s15], $0x80  }
0x18e: {  	[sflag:s15] =	ssyncset.done $0x0  }
0x18f: {  	[sflag:s15] =	ssyncadd.s32 $0xFFFFFF80  }
0x190: {  	[tilespmem:s8], [sflag:$0x9] =	stream.indirect.gather [hbm4b:s0+s7], $0x80, s4, s7, $0xb8;
	[tilespmem:$0x1C400] =	vst v63  }
0x191: {  	_ =	swait.ge [sflag:s22], $0x2000  }
0x192: {  	[sflag:s22] =	ssyncset.done $0x0  }
0x193: {  	s17 =	simm.s32 $0x780;
	s18 =	rddreg [dreg:$0xc];
	[sflag:s22] =	ssyncadd.s32 $0xFFFFE000  }
0x194: {  	[spmem:s3] =	stream.indirect.scatter.add.f32 [tilespmem:s2], [sflag:$0x10], $0x80, s17, s7, $0xb8;
	[tilespmem:$0x1C400] =	vst v63  }
0x195: {  	s23 =	rddreg [dreg:$0xd];
	s1 =	sadd.s32 s13, s18  }
0x196: {  	[tilespmem:s12], [sflag:$0x4] =	stream.linear.gather [hbm4b:s1+s4], $0x80, $0x38;
	[tilespmem:$0x1C400] =	vst v63  }
0x197: {  	s1 =	sadd.s32 s13, s23  }
0x198: {  	[tilespmem:s5], [sflag:$0x4] =	stream.linear.gather [hbm4b:s1+s4], $0x80, $0x38;
	[tilespmem:$0x1C400] =	vst v63  }
0x199: {  	_ =	swait.ge [sflag:s25], $0x2000  }
0x19a: {  	[sflag:s25] =	ssyncset.done $0x0  }
0x19b: {  	s24 =	simm.s32 $0x2;
	[sflag:s25] =	ssyncadd.s32 $0xFFFFE000  }
0x19c: {  	_ =	swait.ge [sflag:s24], $0x80  }
0x19d: {  	[sflag:s24] =	ssyncset.done $0x0  }
0x19e: {  	s26 =	simm.s32 $0x100;
	s31 =	sadd.s32 $0x8000, s31;
	[sflag:s24] =	ssyncadd.s32 $0xFFFFFF80  }
.Ltmp4:
0x19f: {  	s9 =	simm.s32 $0x6800;
	_ =	swait.ge [sflag:s24], $0x80;
	(pc) =	sbr.rel .LBB2_4-.Ltmp4, $4  }
0x1a0: {  	s18 =	simm.s32 $0x200;
	s13 =	sadd.s32 $0x1000, s13;
	[sflag:s24] =	ssyncset.done $0x0  }
0x1a1: {  	s23 =	simm.s32 $0x280;
	s12 =	simm.s32 $0x300;
	[sflag:s24] =	ssyncadd.s32 $0xFFFFFF80  }
0x1a2: {  	[tilespmem:s10], [sflag:$0xA] =	stream.indirect.gather [hbm4b:s0+s7], $0x80, s26, s7, $0xb8;
	[tilespmem:$0x1C400] =	vst v63  }
0x1a3: {  	s5 =	simm.s32 $0x800;
	s24 =	simm.s32 $0x380;
	s26 =	simm.s32 $0x2800  }
.LBB2_7:
0x1a4: {  	_ =	sfence.sel $0x180000  }
0x1a5: {  	[bflag:$0x0] =	sbarrier.arrive $0xFFFF  }
0x1a6: {  	_ =	strace $0x9000004A  }
0x1a7: {  	s0 =	stileid.u32;
	[bflag:$0x2] =	sbarrier.arrive $0xFFFF  }
0x1a8: {  	p0 =	sne.s32 s0, $0x0;
	s0 =	rddreg [dreg:$0x3]  }
0x1a9: {  	s0 =	sadd.s32 @!p0 $0x100000, s0  }
0x1aa: {  	[sflag:s0] =	ssyncadd.tile.s32 @!p0 $0x1;
	_ =	shalt  }
.Lfunc_end2:
_tile_overlayer_lowered:
.L_overlay_start_2:
0x1ab: {  	(tag) =	ssettag $0x2  }
0x1ac: {  	s0 =	rddreg [dreg:$0x0];
	s2 =	stileid.u32  }
0x1ad: {  	s1 =	rddreg [dreg:$0x1];
	p0 =	sne.s32 s2, $0x0  }
0x1ae: {  	s3 =	rddreg [dreg:$0x2];
	[bflag:$0x3] =	sbarrier.arrive $0xFFFF;
	s2 =	simm.s32 @!p0 $0x1C11  }
0x1af: {  	[timem:s3], [sflag:s2] =	dma.local @!p0 [hbm:s0], s1  }
0x1b0: {  	s0 =	simm.s32 @!p0 $0x11  }
0x1b1: {  	_ =	swait.ge @!p0 [sflag:s0], s1  }
0x1b2: {  	s1 =	ssub.s32 @!p0 $0x0, s1;
	[sflag:s0] =	ssyncset.done @!p0 $0x0  }
0x1b3: {  	[sflag:s0] =	ssyncadd.s32 @!p0 s1  }
0x1b4: {  	[bflag:$0x3] =	sbarrier.arrive $0xFFFF  }
0x1b5: {  	_ =	shalt  }

// kernel: kernel.8.cloned.1.call-start
scs
__scs_entry_jumppad:
0x0: {  	(pc) =	sbr.rel $0x88, $3  }
0x1: {  	(tag) =	ssettag $0x0;
	lr =	simm.s32 $0x1  }
0x2: {  	[smem:$0x3F9D] =	sst lr;
	_ =	strace $0xD0000000  }
0x3: {  	_ = 	snop  }
0x4: {  	_ = 	snop  }
0x5: {  	_ = 	snop  }
0x6: {  	_ = 	snop  }
0x7: {  	_ = 	snop  }
__scs_overlays_trampoline_lowered:
0x8: {  	[smem:$0x3FAC] =	sst s0  }
0x9: {  	[smem:$0x3FAD] =	sst s1  }
0xa: {  	[smem:$0x3FAE] =	sst s2  }
0xb: {  	[smem:$0x3FAF] =	sst s3  }
0xc: {  	[smem:$0x3FB0] =	sst s4  }
0xd: {  	[smem:$0x3FB1] =	sst s5  }
0xe: {  	[smem:$0x3FB2] =	sst s6  }
0xf: {  	[smem:$0x3FB3] =	sst s7  }
0x10: {  	[smem:$0x3FB4] =	sst s8  }
0x11: {  	[smem:$0x3FB5] =	sst s9;
	s0 =	simm.s32 @!p0 $0x0  }
0x12: {  	s1 =	sld [smem:$0x3F9B];
	s0 =	simm.s32 @p0 $0x1  }
0x13: {  	[smem:$0x3FB6] =	sst s0;
	s0 =	simm.s32 @!p1 $0x0  }
0x14: {  	s2 =	sld [smem:$0x3F9A];
	s0 =	simm.s32 @p1 $0x1  }
0x15: {  	[smem:$0x3FB7] =	sst s0;
	s0 =	simm.s32 @!p2 $0x0  }
0x16: {  	s3 =	sld [smem:$0x3FDB];
	s0 =	simm.s32 @p2 $0x1  }
0x17: {  	s4 =	simm.s32 $0x1BF5;
	[smem:$0x3FB9] =	sst s0  }
0x18: {  	s0 =	sld [smem:$0x3F9C];
	_ =	swait.ge [sflag:s4], $0x0  }
0x19: {  	s7 =	sld [smem:$0x3F9D]  }
0x1a: {  	s8 =	sadd.s32 $0xFFFFE003, lr  }
0x1b: {  	s9 =	sadd.s32 $0xFFFFFEF7, lr;
	s5 =	simm.s32 $0xFFFFFFFF;
	p2 =	slt.u32 s8, $0xFFFFF086  }
0x1c: {  	p1 =	slt.u32 s9, $0xF7A;
	s5 =	simm.s32 @!p2 $0x0  }
0x1d: {  	s5 =	simm.s32 @p1 $0x1;
	p0 =	seq.s32 s7, s2  }
0x1e: {  	s7 =	smul.u32 @!p0 $0xF7A, s2;
	p2 =	seq.s32 @!p0 s5, $0x0  }
0x1f: {  	s9 =	smul.u32 $0xF7A, s1;
	s8 =	simm.s32 @!p0 $0x1BF5;
	p2 =	por !p2, p0  }
0x20: {  	[sflag:s8] =	ssyncset.s32 @!p0 $0xFFFFF086;
	s6 =	sadd.s32 @!p0 s3, s7;
	s7 =	simm.s32 @!p0 $0x108  }
0x21: {  	s3 =	sadd.s32 s3, s9;
	s6 =	sadd.s32 @!p0 $0x88, s6;
	s7 =	simm.s32 @p2 $0x1082  }
0x22: {  	[simem:s7], [sflag:s8] =	dma.local @!p0 [hbm:s6], $0xF7A  }
0x23: {  	s9 =	sor.u32 $0xD0000000, s2;
	s6 =	simm.s32 $0x108;
	_ =	swait.ge @!p0 [sflag:s8], $0x0  }
0x24: {  	s3 =	sadd.s32 $0x88, s3;
	s6 =	simm.s32 @!p1 $0x1082;
	[sflag:s4] =	ssyncset.s32 $0xFFFFF086  }
0x25: {  	[simem:s6], [sflag:s4] =	dma.local [hbm:s3], $0xF7A  }
0x26: {  	[smem:$0x3F9D] =	sst s1;
	(tag) =	ssettag s2;
	_ =	strace s9  }
0x27: {  	s1 =	sld [smem:$0x3FAD]  }
0x28: {  	s2 =	sld [smem:$0x3FAE]  }
0x29: {  	s4 =	sld [smem:$0x3FB0]  }
0x2a: {  	p0 =	seq.s32 s5, $0x0;
	s5 =	sld [smem:$0x3FB1]  }
0x2b: {  	s6 =	sld [smem:$0x3FB2]  }
0x2c: {  	s7 =	sld [smem:$0x3FB3]  }
0x2d: {  	s3 =	simm.s32 $0x108;
	s8 =	sld [smem:$0x3FB4]  }
0x2e: {  	s3 =	simm.s32 @!p0 $0x1082;
	s9 =	sld [smem:$0x3FB5]  }
0x2f: {  	lr =	sadd.s32 s0, s3;
	s0 =	sld [smem:$0x3FAC]  }
0x30: {  	s3 =	sld [smem:$0x3FAF]  }
0x31: {  	[smem:$0x3FB8] =	sst s10  }
0x32: {  	s10 =	sld [smem:$0x3FB6];
	_ =	sdelay $0x3  }
0x33: {  	p0 =	seq.s32 s10, $0x1;
	s10 =	sld [smem:$0x3FB8];
	_ =	sdelay $0x3  }
0x34: {  	[smem:$0x3FB8] =	sst s10  }
0x35: {  	s10 =	sld [smem:$0x3FB7];
	_ =	sdelay $0x3  }
0x36: {  	p1 =	seq.s32 s10, $0x1;
	s10 =	sld [smem:$0x3FB8];
	_ =	sdelay $0x3  }
0x37: {  	[smem:$0x3FB8] =	sst s10  }
0x38: {  	s10 =	sld [smem:$0x3FB9]  }
0x39: {  	_ = 	snop;
	(pc) =	sbr.ind lr, $3  }
0x3a: {  	_ = 	snop  }
0x3b: {  	_ = 	snop  }
0x3c: {  	p2 =	seq.s32 s10, $0x1;
	s10 =	sld [smem:$0x3FB8]  }
0x3d: {  	_ =	shalt  }
0x3e: {  	_ =	shalt  }
0x3f: {  	_ =	shalt  }
0x40: {  	_ =	shalt  }
0x41: {  	_ =	shalt  }
0x42: {  	_ =	shalt  }
0x43: {  	_ =	shalt  }
0x44: {  	_ =	shalt  }
0x45: {  	_ =	shalt  }
0x46: {  	_ =	shalt  }
0x47: {  	_ =	shalt  }
0x48: {  	_ =	shalt  }
0x49: {  	_ =	shalt  }
0x4a: {  	_ =	shalt  }
0x4b: {  	_ =	shalt  }
0x4c: {  	_ =	shalt  }
0x4d: {  	_ =	shalt  }
0x4e: {  	_ =	shalt  }
0x4f: {  	_ =	shalt  }
0x50: {  	_ =	shalt  }
0x51: {  	_ =	shalt  }
0x52: {  	_ =	shalt  }
0x53: {  	_ =	shalt  }
0x54: {  	_ =	shalt  }
0x55: {  	_ =	shalt  }
0x56: {  	_ =	shalt  }
0x57: {  	_ =	shalt  }
0x58: {  	_ =	shalt  }
0x59: {  	_ =	shalt  }
0x5a: {  	_ =	shalt  }
0x5b: {  	_ =	shalt  }
0x5c: {  	_ =	shalt  }
0x5d: {  	_ =	shalt  }
0x5e: {  	_ =	shalt  }
0x5f: {  	_ =	shalt  }
0x60: {  	_ =	shalt  }
0x61: {  	_ =	shalt  }
0x62: {  	_ =	shalt  }
0x63: {  	_ =	shalt  }
0x64: {  	_ =	shalt  }
0x65: {  	_ =	shalt  }
0x66: {  	_ =	shalt  }
0x67: {  	_ =	shalt  }
0x68: {  	_ =	shalt  }
0x69: {  	_ =	shalt  }
0x6a: {  	_ =	shalt  }
0x6b: {  	_ =	shalt  }
0x6c: {  	_ =	shalt  }
0x6d: {  	_ =	shalt  }
0x6e: {  	_ =	shalt  }
0x6f: {  	_ =	shalt  }
0x70: {  	_ =	shalt  }
0x71: {  	_ =	shalt  }
0x72: {  	_ =	shalt  }
0x73: {  	_ =	shalt  }
0x74: {  	_ =	shalt  }
0x75: {  	_ =	shalt  }
0x76: {  	_ =	shalt  }
0x77: {  	_ =	shalt  }
0x78: {  	_ =	shalt  }
0x79: {  	_ =	shalt  }
0x7a: {  	_ =	shalt  }
0x7b: {  	_ =	shalt  }
0x7c: {  	_ =	shalt  }
0x7d: {  	_ =	shalt  }
0x7e: {  	_ =	shalt  }
0x7f: {  	_ =	shalt  }
0x80: {  	_ =	shalt  }
0x81: {  	_ =	shalt  }
0x82: {  	_ =	shalt  }
0x83: {  	_ =	shalt  }
0x84: {  	_ =	shalt  }
0x85: {  	_ =	shalt  }
0x86: {  	_ =	shalt  }
0x87: {  	_ =	shalt  }
.Lfunc_end0:
.L_simem_size_0:
called_computation_lowered:
.L_overlay_start_0:
0x88: {  	s2 =	sld [smem:$0x3FD9]  }
0x89: {  	s3 =	sld [smem:$0x3FFE];
	_ =	sdelay $0x1  }
0x8a: {  	s1 =	srdreg.scid  }
0x8b: {  	s0 =	sand.u32 $0x1, s1  }
0x8c: {  	s17 =	sshll.u32 s0, $0xA;
	s2 =	sadd.s32 s3, s2  }
0x8d: {  	s2 =	sadd.s32 s2, s17  }
0x8e: {  	[smem:$0x3FC4] =	sst s2  }
0x8f: {  	_ = 	snop  }
0x90: {  	s2 =	sld [smem:$0x3FD0];
	(tm) =	ssettm $0x1  }
0x91: {  	s18 =	sld [smem:$0x3FFB];
	_ =	sdelay $0x3  }
0x92: {  	_ =	strace s18  }
0x93: {  	s3 =	sld [smem:$0x3FFC];
	_ =	sdelay $0x3  }
0x94: {  	_ =	strace s3  }
0x95: {  	s3 =	sld [smem:$0x3FFD];
	_ =	sdelay $0x3  }
0x96: {  	_ =	strace s3  }
0x97: {  	_ =	strace $0x8FFFFFFF  }
0x98: {  	s19 =	sld [smem:$0x3FDB];
	_ =	sdelay $0x1  }
0x99: {  	s4 =	simm.s32 $_scs_section_size  }
0x9a: {  	s5 =	simm.s32 $_size__tile_overlayer_lowered;
	s6 =	simm.s32 $_tile_overlayer_lowered  }
0x9b: {  	s22 =	simm.s32 $0x1BFF;
	s21 =	sshll.u32 s6, $0x1;
	s3 =	sadd.s32 s4, s19  }
0x9c: {  	s7 =	simm.s32 $0x0;
	s20 =	sshll.u32 s5, $0x1;
	s5 =	sadd.s32 s21, s3  }
0x9d: {  	[timem:s7], [sflag:s22] =	dma.local [hbm:s5], s20  }
0x9e: {  	_ =	swait.ge [sflag:s22], s20  }
0x9f: {  	s4 =	ssub.s32 $0x0, s20;
	[sflag:s22] =	ssyncset.done $0x0  }
0xa0: {  	[sflag:s22] =	ssyncadd.s32 s4;
	_ =	sdelay $0x1  }
0xa1: {  	s23 =	simm.s32 $0x1B8B  }
0xa2: {  	_ =	swait.ge [sflag:s23], $0x1  }
0xa3: {  	[sflag:s23] =	ssyncset.done $0x0  }
0xa4: {  	s25 =	simm.s32 $0x1B8E;
	s24 =	sld [smem:$0x3FFE];
	[sflag:s23] =	ssyncadd.s32 $0xFFFFFFFF  }
0xa5: {  	s26 =	simm.s32 $execute0_lowered;
	[smem:$0x3FD2] =	sst s25  }
0xa6: {  	s5 =	sshll.u32 s26, $0x1;
	_ =	strace $0x80000046;
	[dreg:$0x1] =	wrdreg $0xFFFFFFFF  }
0xa7: {  	s28 =	simm.s32 $_size_execute0_lowered;
	s3 =	sadd.s32 s3, s5;
	[dreg:$0x0] =	wrdreg $0x0  }
0xa8: {  	s5 =	sshll.u32 s28, $0x1;
	[dreg:$0x2] =	wrdreg s3  }
0xa9: {  	[dreg:$0x3] =	wrdreg s5  }
0xaa: {  	[dreg:$0x4] =	wrdreg $0xC0  }
0xab: {  	_ =	task [dreg:s7], $0x5FFFF  }
0xac: {  	[dreg:$0x1] =	wrdreg $0xFFFFFFFF  }
0xad: {  	[dreg:$0x0] =	wrdreg $0x60  }
0xae: {  	[dreg:$0x2] =	wrdreg s2  }
0xaf: {  	[dreg:$0x3] =	wrdreg s24  }
0xb0: {  	[dreg:$0x4] =	wrdreg $0x2A800  }
0xb1: {  	[dreg:$0x5] =	wrdreg $0x9  }
0xb2: {  	_ =	task.clear_ibuf [dreg:s7], $0x6FFFF;
	_ =	strace $0x90000046  }
0xb3: {  	s29 =	simm.s32 $0x9;
	_ =	strace $0x80000048  }
0xb4: {  	_ =	swait.ge [sflag:s29], $0x1  }
0xb5: {  	[sflag:s29] =	ssyncadd.s32 $0xFFFFFFFF  }
0xb6: {  	_ =	strace $0x90000048  }
0xb7: {  	_ =	sfence  }
0xb8: {  	s30 =	sld [smem:$0x0];
	_ =	sdelay $0x2  }
0xb9: {  	s31 =	sshll.u32 s1, $0xD;
	s1 =	sshrl.u32 s1, $0x2  }
0xba: {  	s3 =	sand.u32 $0x4000, s31;
	s1 =	sadd.s32 s1, s30  }
0xbb: {  	s0 =	sor.u32 s3, s0;
	s1 =	sshll.u32 s1, $0x11  }
0xbc: {  	s0 =	sor.u32 s1, s0  }
0xbd: {  	s0 =	sadd.s32 $0x8F2B, s0  }
0xbe: {  	[sflag:s0] =	ssyncadd.remote.s32 $0x1  }
0xbf: {  	_ =	sfence.sel $0xFFFF  }
0xc0: {  	[dreg:$0x0] =	wrdreg $0xFFFFFFFF;
	(pc) =	sbr.abs _section_cstart, $3  }
0xc1: {  	[dreg:$0x1] =	wrdreg $0xFFFFFFFF  }
0xc2: {  	_ =	task.clear_ibuf [dreg:s7], $0x2FFFF;
	_ =	strace $0x9FFFFFFF  }
0xc3: {  	(tm) =	ssettm $0x7FFFFFFF  }
tec
execute0_lowered:
.L_overlay_start_1:
0x0: {  	(tag) =	ssettag $0x1  }
0x1: {  	s6 =	rddreg [dreg:$0x0]  }
0x2: {  	s1 =	srdreg.scid;
	s4 =	rddreg [dreg:$0x1]  }
0x3: {  	s0 =	stileid.u32;
	s2 =	rddreg [dreg:$0x2];
	s3 =	simm.s32 $0x0  }
0x4: {  	s12 =	simm.s32 $0x2780;
	s5 =	sand.u32 $0x1, s1;
	s1 =	rddreg [dreg:$0x3]  }
0x5: {  	s15 =	simm.s32 $0x0;
	s7 =	smul.u32 $0x280, s0;
	[smem:$0x7FF] =	sst s3  }
0x6: {  	s31 =	sshll.u32 s0, $0x4;
	s13 =	sshll.u32 s0, $0x6;
	s8 =	smul.u32 $0x2800, s5  }
0x7: {  	s9 =	sshll.u32 s5, $0x4;
	_ =	strace $0x80000047;
	s5 =	ssub.s32 $0x2, s5  }
0x8: {  	s13 =	sor.u32 $0x1C01, s13;
	s9 =	sor.u32 s0, s9;
	s29 =	sshrl.u32 s5, $0x1  }
0x9: {  	s8 =	sadd.s32 s7, s8;
	s10 =	smul.u32 $0x2700, s9;
	s11 =	ssub.s32 s5, s29  }
0xa: {  	p0 =	sgt.u32 s9, $0x3;
	s9 =	simm.s32 $0x2800;
	s8 =	sshrl.u32 s8, $0x3  }
0xb: {  	s8 =	sadd.s32 s8, s4;
	s10 =	sshrl.u32 s10, $0x3;
	s4 =	sadd.s32 s7, s2  }
0xc: {  	s30 =	sadd.s32 s6, s10;
	s6 =	sadd.s32 s31, s6;
	s7 =	sadd.s32 $0x1C00, s8  }
0xd: {  	s8 =	smax.u32 s11, $0x1;
	s10 =	simm.s32 $0x1;
	s11 =	simm.s32 $0x80  }
0xe: {  	v0 =	vimm.f32 $1.000000000e+00;
	v1 =	vimm.f32 $0.0e+00;
	s14 =	sshrl.u32 s4, $0x3;
	s5 =	sadd.s32 $0x9C40, s30;
	s6 =	sadd.s32 $0x13840, s6  }
.LBB2_1:
0xf: {  	[tilespmem:$0x2780] =	vst v0  }
0x10: {  	[tilespmem:$0x2790] =	vst v0  }
0x11: {  	[tilespmem:$0x27A0] =	vst v0  }
0x12: {  	[tilespmem:$0x27B0] =	vst v0  }
0x13: {  	[tilespmem:$0x27C0] =	vst v0  }
0x14: {  	[tilespmem:$0x27D0] =	vst v0  }
0x15: {  	[tilespmem:$0x27E0] =	vst v0  }
0x16: {  	[tilespmem:$0x27F0] =	vst v0  }
0x17: {  	[tilespmem:$0x2800] =	vst v1  }
0x18: {  	[tilespmem:$0x2810] =	vst v1  }
0x19: {  	[tilespmem:$0x2820] =	vst v1  }
0x1a: {  	[tilespmem:$0x2830] =	vst v1  }
0x1b: {  	[tilespmem:$0x2840] =	vst v1  }
0x1c: {  	[tilespmem:$0x2850] =	vst v1  }
0x1d: {  	[tilespmem:$0x2860] =	vst v1  }
0x1e: {  	[tilespmem:$0x2870] =	vst v1  }
0x1f: {  	[tilespmem:$0x2880] =	vst v1  }
0x20: {  	[tilespmem:$0x2890] =	vst v1  }
0x21: {  	[tilespmem:$0x28A0] =	vst v1  }
0x22: {  	[tilespmem:$0x28B0] =	vst v1  }
0x23: {  	[tilespmem:$0x28C0] =	vst v1  }
0x24: {  	[tilespmem:$0x28D0] =	vst v1  }
0x25: {  	[tilespmem:$0x28E0] =	vst v1  }
0x26: {  	[tilespmem:$0x28F0] =	vst v1  }
0x27: {  	[tilespmem:$0x2900] =	vst v1  }
0x28: {  	[tilespmem:$0x2910] =	vst v1  }
0x29: {  	[tilespmem:$0x2920] =	vst v1  }
0x2a: {  	[tilespmem:$0x2930] =	vst v1  }
0x2b: {  	[tilespmem:$0x2940] =	vst v1  }
0x2c: {  	[tilespmem:$0x2950] =	vst v1  }
0x2d: {  	[tilespmem:$0x2960] =	vst v1  }
0x2e: {  	[tilespmem:$0x2970] =	vst v1  }
0x2f: {  	[tilespmem:$0x2980] =	vst v1  }
0x30: {  	[tilespmem:$0x2990] =	vst v1  }
0x31: {  	[tilespmem:$0x29A0] =	vst v1  }
0x32: {  	[tilespmem:$0x29B0] =	vst v1  }
0x33: {  	[tilespmem:$0x29C0] =	vst v1  }
0x34: {  	[tilespmem:$0x29D0] =	vst v1  }
0x35: {  	[tilespmem:$0x29E0] =	vst v1  }
0x36: {  	[tilespmem:$0x29F0] =	vst v1  }
0x37: {  	[tilespmem:$0x2A00] =	vst v1  }
0x38: {  	[tilespmem:$0x2A10] =	vst v1  }
0x39: {  	[tilespmem:$0x2A20] =	vst v1  }
0x3a: {  	[tilespmem:$0x2A30] =	vst v1  }
0x3b: {  	[tilespmem:$0x2A40] =	vst v1  }
0x3c: {  	[tilespmem:$0x2A50] =	vst v1  }
0x3d: {  	[tilespmem:$0x2A60] =	vst v1  }
0x3e: {  	[tilespmem:$0x2A70] =	vst v1  }
0x3f: {  	[spmem:s4] =	stream.linear.scatter [tilespmem:s9], [sflag:$0x1], $0x280, $0x38;
	[tilespmem:$0x2D00] =	vst v63  }
0x40: {  	_ =	swait.ge [sflag:s10], $0x280  }
0x41: {  	[sflag:s10] =	ssyncset.done $0x0  }
0x42: {  	[sflag:s10] =	ssyncadd.s32 $0xFFFFFD80  }
0x43: {  	[tilespmem:s3], [sflag:$0x1] =	stream.linear.gather [hbm4b:s5+s3], $0x2700, $0x38;
	[tilespmem:$0x2D00] =	vst v63  }
0x44: {  	_ =	swait.ge [sflag:s10], $0x2700  }
0x45: {  	[sflag:s10] =	ssyncset.done $0x0  }
0x46: {  	s16 =	simm.s32 @!p0 $0x0;
	s17 =	simm.s32 @!p0 $0x2700;
	[sflag:s10] =	ssyncadd.s32 $0xFFFFD900  }
0x47: {  	[tilespmem:s17], [sflag:$0x1] =	stream.linear.gather @!p0 [hbm4b:s6+s16], $0x80, $0x38;
	[tilespmem:$0x2D00] =	vst v63  }
0x48: {  	s16 =	simm.s32 @!p0 $0x1  }
0x49: {  	_ =	swait.ge @!p0 [sflag:s16], $0x80  }
0x4a: {  	[sflag:s16] =	ssyncset.done @!p0 $0x0  }
0x4b: {  	[sflag:s16] =	ssyncadd.s32 @!p0 $0xFFFFFF80  }
0x4c: {  	s31 =	simm.s32 $0x0;
	[bflag:$0x0] =	sbarrier.arrive $0xFFFF  }
0x4d: {  	[spmem:s2] =	stream.indirect.scatter.add.f32 [tilespmem:s12], [sflag:$0x1], $0x1, s31, s11, $0xb8;
	[tilespmem:$0x2D00] =	vst v63  }
0x4e: {  	_ =	swait.ge [sflag:s10], $0x80  }
0x4f: {  	s16 =	simm.s32 $0x200;
	[sflag:s10] =	ssyncset.done $0x0  }
.LBB2_2:
0x50: {  	s17 =	sshra.s32 s16, $0x2;
	[sflag:s10] =	ssyncadd.s32 $0xFFFFFF80;
	p1 =	sne.s32 s16, $0x9A00  }
0x51: {  	[spmem:s2] =	stream.indirect.scatter.add.f32 [tilespmem:s12], [sflag:$0x1], $0x1, s17, s11, $0xb8;
	[tilespmem:$0x2D00] =	vst v63  }
.Ltmp0:
0x52: {  	_ = 	snop;
	(pc) =	sbr.rel @p1 .LBB2_2-.Ltmp0, $4  }
0x53: {  	_ = 	snop  }
0x54: {  	s16 =	sadd.s32 $0x200, s16  }
0x55: {  	_ =	swait.ge [sflag:s10], $0x80  }
0x56: {  	[sflag:s10] =	ssyncset.done $0x0  }
0x57: {  	[sflag:s10] =	ssyncadd.s32 $0xFFFFFF80  }
0x58: {  	s16 =	simm.s32 @!p0 $0x80;
	s17 =	simm.s32 @!p0 $0x2700;
	s18 =	simm.s32 @!p0 $0x2780  }
0x59: {  	[spmem:s2] =	stream.indirect.scatter.add.f32 @!p0 [tilespmem:s18], [sflag:$0x1], $0x1, s17, s16, $0xb8;
	[tilespmem:$0x2D00] =	vst v63  }
0x5a: {  	s16 =	simm.s32 @!p0 $0x1  }
0x5b: {  	_ =	swait.ge @!p0 [sflag:s16], $0x80  }
0x5c: {  	s15 =	sadd.s32 $0x1, s15;
	[sflag:s16] =	ssyncset.done @!p0 $0x0  }
0x5d: {  	p1 =	sne.s32 s15, s8;
	[sflag:s16] =	ssyncadd.s32 @!p0 $0xFFFFFF80  }
.Ltmp1:
0x5e: {  	[bflag:$0x0] =	sbarrier.arrive $0xFFFF;
	(pc) =	sbr.rel @p1 .LBB2_1-.Ltmp1, $4  }
0x5f: {  	[hbm:s7], [sflag:s13] =	dma.local [spmem:s14], $0x50  }
0x60: {  	_ =	swait.ge [sflag:s10], $0x50  }
0x61: {  	[sflag:s10] =	ssyncset.done $0x0  }
0x62: {  	[sflag:s10] =	ssyncadd.s32 $0xFFFFFFB0  }
0x63: {  	_ =	sfence.sel $0x180000  }
0x64: {  	[bflag:$0x0] =	sbarrier.arrive $0xFFFF  }
0x65: {  	p0 =	sne.s32 s0, $0x0;
	_ =	strace $0x90000047  }
0x66: {  	s0 =	sadd.s32 @!p0 $0x100000, s1;
	[bflag:$0x2] =	sbarrier.arrive $0xFFFF  }
0x67: {  	[sflag:s0] =	ssyncadd.tile.s32 @!p0 $0x1;
	_ =	shalt  }
.Lfunc_end2:
_tile_overlayer_lowered:
.L_overlay_start_2:
0x68: {  	(tag) =	ssettag $0x2  }
0x69: {  	s0 =	rddreg [dreg:$0x0];
	s2 =	stileid.u32  }
0x6a: {  	s1 =	rddreg [dreg:$0x1];
	p0 =	sne.s32 s2, $0x0  }
0x6b: {  	s3 =	rddreg [dreg:$0x2];
	[bflag:$0x3] =	sbarrier.arrive $0xFFFF;
	s2 =	simm.s32 @!p0 $0x1C01  }
0x6c: {  	[timem:s3], [sflag:s2] =	dma.local @!p0 [hbm:s0], s1  }
0x6d: {  	s0 =	simm.s32 @!p0 $0x1  }
0x6e: {  	_ =	swait.ge @!p0 [sflag:s0], s1  }
0x6f: {  	s1 =	ssub.s32 @!p0 $0x0, s1;
	[sflag:s0] =	ssyncset.done @!p0 $0x0  }
0x70: {  	[sflag:s0] =	ssyncadd.s32 @!p0 s1  }
0x71: {  	[bflag:$0x3] =	sbarrier.arrive $0xFFFF  }
0x72: {  	_ =	shalt  }

</sc_bundles>
